<compile_context>
chip_gen: v7x
topology: tpu7x:2x2x1
jax: 0.10.2.dev20260603
libtpu: 0.0.44.dev20260713+nightly
codegen_flags: <defaults>
</compile_context>

<pallas_src>
import functools

import jax
import jax.numpy as jnp
from jax import lax
from jax.experimental import pallas as pl
from jax.experimental.pallas import tpu as pltpu
from jax.experimental.pallas import tpu_sc as plsc

NC = 2
NS = 16
L = 16
NW = NC * NS

BATCH = 16384
D = 128
BPW = BATCH // NW
C = 128
NCHUNK = BPW // C
SEG = D // L
GROUPS = C // L


def _mf_body(uidx_hbm, iidx_hbm, uemb_hbm, iemb_hbm, ub_hbm, ib_hbm, gb_hbm,
             out_hbm,
             uidx_v, iidx_v, u_buf, i_buf, ub_buf, ib_buf, out_v, tp_v, gb_v,
             zidx_v, sem0, sem1, semb):
  wid = lax.axis_index("s") * NC + lax.axis_index("c")
  base = wid * BPW

  pltpu.sync_copy(uidx_hbm.at[pl.ds(base, BPW)], uidx_v)
  pltpu.sync_copy(iidx_hbm.at[pl.ds(base, BPW)], iidx_v)

  sems = (sem0, sem1)

  def emb_copies(j, slot):
    uix = uidx_v.at[pl.ds(j * C, C)]
    iix = iidx_v.at[pl.ds(j * C, C)]
    return (
        pltpu.make_async_copy(uemb_hbm.at[uix], u_buf.at[slot], sems[slot]),
        pltpu.make_async_copy(iemb_hbm.at[iix], i_buf.at[slot], sems[slot]),
    )

  for slot in range(2):
    for c in emb_copies(slot, slot):
      c.start()
  zidx_v[...] = jnp.zeros((L,), jnp.int32)
  gb_handle = pltpu.async_copy(gb_hbm.at[zidx_v], gb_v, semb)
  bias_handles = []
  for j in range(NCHUNK):
    uix = uidx_v.at[pl.ds(j * C, C)]
    iix = iidx_v.at[pl.ds(j * C, C)]
    bias_handles.append(
        pltpu.async_copy(ub_hbm.at[uix], ub_buf.at[j], semb))
    bias_handles.append(
        pltpu.async_copy(ib_hbm.at[iix], ib_buf.at[j], semb))
  gb_handle.wait()
  for h in bias_handles:
    h.wait()

  kidx = lax.iota(jnp.int32, L) * L
  gbias = gb_v[pl.ds(0, L)]

  def outer_body(it, _):
    for slot in range(2):
      j = it * 2 + slot
      for c in emb_copies(slot, slot):
        c.wait()

      def group_body(g, _, slot=slot, j=j):
        rowbase = g * L
        for r in range(L):
          row = rowbase + r
          acc = (u_buf[slot, row, pl.ds(0, L)] *
                 i_buf[slot, row, pl.ds(0, L)])
          for s in range(1, SEG):
            acc = acc + (u_buf[slot, row, pl.ds(s * L, L)] *
                         i_buf[slot, row, pl.ds(s * L, L)])
          plsc.store_scatter(tp_v, [kidx + r], acc)
        red = tp_v[pl.ds(0, L)]
        for k in range(1, L):
          red = red + tp_v[pl.ds(k * L, L)]
        ubv = ub_buf[j, pl.ds(rowbase, L)]
        ibv = ib_buf[j, pl.ds(rowbase, L)]
        out_v[pl.ds(j * C + rowbase, L)] = red + ubv + ibv + gbias
        return 0

      lax.fori_loop(0, GROUPS, group_body, 0)

      @pl.when(it == 0)
      def _fire_next(slot=slot):
        for c in emb_copies(slot + 2, slot):
          c.start()
    return 0

  lax.fori_loop(0, NCHUNK // 2, outer_body, 0)

  pltpu.sync_copy(out_v, out_hbm.at[pl.ds(base, BPW)])


@jax.jit
def kernel(user, item, user_embedding, item_embedding, user_bias, item_bias,
           global_bias):
  ub = user_bias.reshape(-1)
  ib = item_bias.reshape(-1)

  mesh = plsc.VectorSubcoreMesh(core_axis_name="c", subcore_axis_name="s",
                                num_cores=NC, num_subcores=NS)
  run = pl.kernel(
      _mf_body,
      out_type=jax.ShapeDtypeStruct((BATCH,), jnp.float32),
      mesh=mesh,
      compiler_params=pltpu.CompilerParams(needs_layout_passes=False),
      scratch_types=[
          pltpu.VMEM((BPW,), jnp.int32),
          pltpu.VMEM((BPW,), jnp.int32),
          pltpu.VMEM((2, C, D), jnp.float32),
          pltpu.VMEM((2, C, D), jnp.float32),
          pltpu.VMEM((NCHUNK, C), jnp.float32),
          pltpu.VMEM((NCHUNK, C), jnp.float32),
          pltpu.VMEM((BPW,), jnp.float32),
          pltpu.VMEM((L * L,), jnp.float32),
          pltpu.VMEM((L,), jnp.float32),
          pltpu.VMEM((L,), jnp.int32),
          pltpu.SemaphoreType.DMA,
          pltpu.SemaphoreType.DMA,
          pltpu.SemaphoreType.DMA,
      ],
  )
  return run(user, item, user_embedding, item_embedding, ub, ib, global_bias)

# --- scband reference (transcript-rebuilt; emitter-appended) ---
"""Pipeline reference for scband-mf-21440476742049 (READ-ONLY COPY).

The authoritative reference and input builder live on the scoring server;
editing this copy changes nothing except your own understanding.
"""

import jax, jax.numpy as jnp
import numpy as np

N_USERS = 100000
N_ITEMS = 100000
EMB = 128
BATCH = 16384

def setup_inputs(seed: int = 0) -> dict:
    key = jax.random.key(seed)
    k1, k2, k3, k4 = jax.random.split(key, 4)
    user = jax.random.randint(k1, (BATCH,), 0, N_USERS, dtype=jnp.int64 if jax.config.jax_enable_x64 else jnp.int32).astype(jnp.int32)
    item = jax.random.randint(k2, (BATCH,), 0, N_ITEMS, dtype=jnp.int32)
    # xavier_uniform init: bound = sqrt(6/(fan_in+fan_out))
    bu = float(np.sqrt(6.0 / (N_USERS + EMB)))
    bi = float(np.sqrt(6.0 / (N_ITEMS + EMB)))
    user_embedding = jax.random.uniform(k3, (N_USERS, EMB), minval=-bu, maxval=bu, dtype=jnp.float32)
    item_embedding = jax.random.uniform(k4, (N_ITEMS, EMB), minval=-bi, maxval=bi, dtype=jnp.float32)
    user_bias = jnp.zeros((N_USERS, 1), dtype=jnp.float32)
    item_bias = jnp.zeros((N_ITEMS, 1), dtype=jnp.float32)
    global_bias = jnp.zeros((1,), dtype=jnp.float32)
    return {
        "user": user,
        "item": item,
        "user_embedding": user_embedding,
        "item_embedding": item_embedding,
        "user_bias": user_bias,
        "item_bias": item_bias,
        "global_bias": global_bias,
    }

def reference(user, item, user_embedding, item_embedding, user_bias, item_bias, global_bias):
    user_embed = jnp.take(user_embedding, user, axis=0)            # (B, D)
    item_embed = jnp.take(item_embedding, item, axis=0)            # (B, D)
    dot = jnp.sum(user_embed * item_embed, axis=1, keepdims=True)  # (B, 1)
    ub = jnp.take(user_bias, user, axis=0)                         # (B, 1)
    ib = jnp.take(item_bias, item, axis=0)                         # (B, 1)
    out = dot + ub + ib + global_bias                              # (B, 1)
    return jnp.squeeze(out, axis=-1)                               # (B,)

if __name__ == "__main__":
    import jax
    _d = setup_inputs()
    print(jax.jit(kernel)(*tuple(_d.values())))

</pallas_src>

<mosaic_0001>
#map = affine_map<(d0, d1) -> (0)>
#map1 = affine_map<(d0, d1) -> (0, 0)>
module attributes {stable_mosaic.version = 14 : i64} {
  func.func @_mf_body(%arg0: i32, %arg1: i32, %arg2: memref<16384xi32, #tpu.memory_space<hbm>>, %arg3: memref<16384xi32, #tpu.memory_space<hbm>>, %arg4: memref<100000x128xf32, #tpu.memory_space<hbm>>, %arg5: memref<100000x128xf32, #tpu.memory_space<hbm>>, %arg6: memref<100000xf32, #tpu.memory_space<hbm>>, %arg7: memref<100000xf32, #tpu.memory_space<hbm>>, %arg8: memref<1xf32, #tpu.memory_space<hbm>>, %arg9: memref<16384xf32, #tpu.memory_space<hbm>>, %arg10: memref<512xi32, #tpu.memory_space<vmem>>, %arg11: memref<512xi32, #tpu.memory_space<vmem>>, %arg12: memref<2x128x128xf32, #tpu.memory_space<vmem>>, %arg13: memref<2x128x128xf32, #tpu.memory_space<vmem>>, %arg14: memref<4x128xf32, #tpu.memory_space<vmem>>, %arg15: memref<4x128xf32, #tpu.memory_space<vmem>>, %arg16: memref<512xf32, #tpu.memory_space<vmem>>, %arg17: memref<256xf32, #tpu.memory_space<vmem>>, %arg18: memref<16xf32, #tpu.memory_space<vmem>>, %arg19: memref<16xi32, #tpu.memory_space<vmem>>, %arg20: memref<!tpu.dma_semaphore, #tpu.memory_space<semaphore_mem>>, %arg21: memref<!tpu.dma_semaphore, #tpu.memory_space<semaphore_mem>>, %arg22: memref<!tpu.dma_semaphore, #tpu.memory_space<semaphore_mem>>) attributes {dimension_semantics = [#tpu.dimension_semantics<core_parallel>, #tpu.dimension_semantics<subcore_parallel>], iteration_bounds = array<i64: 2, 16>, scalar_prefetch = 0 : i64, scratch_operands = 13 : i64, tpu.core_type = #tpu.core_type<sc_vector_subcore>, window_params = [{transform_indices = #map}, {transform_indices = #map}, {transform_indices = #map1}, {transform_indices = #map1}, {transform_indices = #map}, {transform_indices = #map}, {transform_indices = #map}, {transform_indices = #map}]} {
    %mul3A = arith.constant 2 : i32
    %mul3A_0 = arith.muli %arg1, %mul3A : i32
    %add3A = arith.addi %mul3A_0, %arg0 : i32
    %mul3A_1 = arith.constant 512 : i32
    %mul3A_2 = arith.muli %add3A, %mul3A_1 : i32
    "tpu.region"() ({
      %run_scoped3A = tpu.sem_alloc : memref<!tpu.dma_semaphore, #tpu.memory_space<semaphore_mem>>
      %dma_start3A_185 = tpu.memref_slice %arg2[%mul3A_2] : memref<16384xi32, #tpu.memory_space<hbm>> -> memref<512xi32, #tpu.memory_space<hbm>>
      %dma_start3A_186 = tpu.memref_slice %arg2[%mul3A_2] : memref<16384xi32, #tpu.memory_space<hbm>> -> memref<512xi32, #tpu.memory_space<hbm>>
      tpu.enqueue_dma source(%dma_start3A_186 : memref<512xi32, #tpu.memory_space<hbm>>) target(%arg10 : memref<512xi32, #tpu.memory_space<vmem>>) target_semaphore(%run_scoped3A : memref<!tpu.dma_semaphore, #tpu.memory_space<semaphore_mem>>)
      %dma_wait3A_187 = tpu.memref_slice %arg2[%mul3A_2] : memref<16384xi32, #tpu.memory_space<hbm>> -> memref<512xi32, #tpu.memory_space<hbm>>
      %dma_wait3A_188 = tpu.memref_slice %arg2[%mul3A_2] : memref<16384xi32, #tpu.memory_space<hbm>> -> memref<512xi32, #tpu.memory_space<hbm>>
      tpu.wait_dma2 semaphore(%run_scoped3A : memref<!tpu.dma_semaphore, #tpu.memory_space<semaphore_mem>>) src(%dma_wait3A_188 : memref<512xi32, #tpu.memory_space<hbm>>) dst(%arg10 : memref<512xi32, #tpu.memory_space<vmem>>)
      tpu.yield
    }) : () -> ()
    "tpu.region"() ({
      %run_scoped3A = tpu.sem_alloc : memref<!tpu.dma_semaphore, #tpu.memory_space<semaphore_mem>>
      %dma_start3A_185 = tpu.memref_slice %arg3[%mul3A_2] : memref<16384xi32, #tpu.memory_space<hbm>> -> memref<512xi32, #tpu.memory_space<hbm>>
      %dma_start3A_186 = tpu.memref_slice %arg3[%mul3A_2] : memref<16384xi32, #tpu.memory_space<hbm>> -> memref<512xi32, #tpu.memory_space<hbm>>
      tpu.enqueue_dma source(%dma_start3A_186 : memref<512xi32, #tpu.memory_space<hbm>>) target(%arg11 : memref<512xi32, #tpu.memory_space<vmem>>) target_semaphore(%run_scoped3A : memref<!tpu.dma_semaphore, #tpu.memory_space<semaphore_mem>>)
      %dma_wait3A_187 = tpu.memref_slice %arg3[%mul3A_2] : memref<16384xi32, #tpu.memory_space<hbm>> -> memref<512xi32, #tpu.memory_space<hbm>>
      %dma_wait3A_188 = tpu.memref_slice %arg3[%mul3A_2] : memref<16384xi32, #tpu.memory_space<hbm>> -> memref<512xi32, #tpu.memory_space<hbm>>
      tpu.wait_dma2 semaphore(%run_scoped3A : memref<!tpu.dma_semaphore, #tpu.memory_space<semaphore_mem>>) src(%dma_wait3A_188 : memref<512xi32, #tpu.memory_space<hbm>>) dst(%arg11 : memref<512xi32, #tpu.memory_space<vmem>>)
      tpu.yield
    }) : () -> ()
    %dma_start3A = arith.constant 0 : i32
    %dma_start3A_3 = arith.constant 0 : i32
    %dma_start3A_4 = arith.constant 0 : i32
    %dma_start3A_5 = tpu.memref_slice %arg12[%dma_start3A, %dma_start3A_3, %dma_start3A_4] : memref<2x128x128xf32, #tpu.memory_space<vmem>> -> memref<1x128x128xf32, #tpu.memory_space<vmem>>
    %dma_start3A_6 = tpu.memref_squeeze %dma_start3A_5 : memref<1x128x128xf32, #tpu.memory_space<vmem>> -> memref<128x128xf32, #tpu.memory_space<vmem>>
    %dma_start3A_7 = arith.constant 0 : i32
    %dma_start3A_8 = tpu.memref_slice %arg10[%dma_start3A_7] : memref<512xi32, #tpu.memory_space<vmem>> -> memref<128xi32, #tpu.memory_space<vmem>>
    %dma_start3A_9 = arith.constant 0 : i32
    %dma_start3A_10 = arith.constant 0 : i32
    %dma_start3A_11 = tpu.memref_slice %arg4[%dma_start3A_9, %dma_start3A_10] : memref<100000x128xf32, #tpu.memory_space<hbm>> -> memref<100000x128xf32, #tpu.memory_space<hbm>>
    tpu.enqueue_indirect_dma source(%dma_start3A_11 : memref<100000x128xf32, #tpu.memory_space<hbm>>) target(%dma_start3A_6 : memref<128x128xf32, #tpu.memory_space<vmem>>) offsets(%dma_start3A_8 : memref<128xi32, #tpu.memory_space<vmem>>) semaphore(%arg20 : memref<!tpu.dma_semaphore, #tpu.memory_space<semaphore_mem>>)
    %dma_start3A_12 = arith.constant 0 : i32
    %dma_start3A_13 = arith.constant 0 : i32
    %dma_start3A_14 = arith.constant 0 : i32
    %dma_start3A_15 = tpu.memref_slice %arg13[%dma_start3A_12, %dma_start3A_13, %dma_start3A_14] : memref<2x128x128xf32, #tpu.memory_space<vmem>> -> memref<1x128x128xf32, #tpu.memory_space<vmem>>
    %dma_start3A_16 = tpu.memref_squeeze %dma_start3A_15 : memref<1x128x128xf32, #tpu.memory_space<vmem>> -> memref<128x128xf32, #tpu.memory_space<vmem>>
    %dma_start3A_17 = arith.constant 0 : i32
    %dma_start3A_18 = tpu.memref_slice %arg11[%dma_start3A_17] : memref<512xi32, #tpu.memory_space<vmem>> -> memref<128xi32, #tpu.memory_space<vmem>>
    %dma_start3A_19 = arith.constant 0 : i32
    %dma_start3A_20 = arith.constant 0 : i32
    %dma_start3A_21 = tpu.memref_slice %arg5[%dma_start3A_19, %dma_start3A_20] : memref<100000x128xf32, #tpu.memory_space<hbm>> -> memref<100000x128xf32, #tpu.memory_space<hbm>>
    tpu.enqueue_indirect_dma source(%dma_start3A_21 : memref<100000x128xf32, #tpu.memory_space<hbm>>) target(%dma_start3A_16 : memref<128x128xf32, #tpu.memory_space<vmem>>) offsets(%dma_start3A_18 : memref<128xi32, #tpu.memory_space<vmem>>) semaphore(%arg20 : memref<!tpu.dma_semaphore, #tpu.memory_space<semaphore_mem>>)
    %dma_start3A_22 = arith.constant 1 : i32
    %dma_start3A_23 = arith.constant 0 : i32
    %dma_start3A_24 = arith.constant 0 : i32
    %dma_start3A_25 = tpu.memref_slice %arg12[%dma_start3A_22, %dma_start3A_23, %dma_start3A_24] : memref<2x128x128xf32, #tpu.memory_space<vmem>> -> memref<1x128x128xf32, #tpu.memory_space<vmem>>
    %dma_start3A_26 = tpu.memref_squeeze %dma_start3A_25 : memref<1x128x128xf32, #tpu.memory_space<vmem>> -> memref<128x128xf32, #tpu.memory_space<vmem>>
    %dma_start3A_27 = arith.constant 128 : i32
    %dma_start3A_28 = tpu.memref_slice %arg10[%dma_start3A_27] : memref<512xi32, #tpu.memory_space<vmem>> -> memref<128xi32, #tpu.memory_space<vmem>>
    %dma_start3A_29 = arith.constant 0 : i32
    %dma_start3A_30 = arith.constant 0 : i32
    %dma_start3A_31 = tpu.memref_slice %arg4[%dma_start3A_29, %dma_start3A_30] : memref<100000x128xf32, #tpu.memory_space<hbm>> -> memref<100000x128xf32, #tpu.memory_space<hbm>>
    tpu.enqueue_indirect_dma source(%dma_start3A_31 : memref<100000x128xf32, #tpu.memory_space<hbm>>) target(%dma_start3A_26 : memref<128x128xf32, #tpu.memory_space<vmem>>) offsets(%dma_start3A_28 : memref<128xi32, #tpu.memory_space<vmem>>) semaphore(%arg21 : memref<!tpu.dma_semaphore, #tpu.memory_space<semaphore_mem>>)
    %dma_start3A_32 = arith.constant 1 : i32
    %dma_start3A_33 = arith.constant 0 : i32
    %dma_start3A_34 = arith.constant 0 : i32
    %dma_start3A_35 = tpu.memref_slice %arg13[%dma_start3A_32, %dma_start3A_33, %dma_start3A_34] : memref<2x128x128xf32, #tpu.memory_space<vmem>> -> memref<1x128x128xf32, #tpu.memory_space<vmem>>
    %dma_start3A_36 = tpu.memref_squeeze %dma_start3A_35 : memref<1x128x128xf32, #tpu.memory_space<vmem>> -> memref<128x128xf32, #tpu.memory_space<vmem>>
    %dma_start3A_37 = arith.constant 128 : i32
    %dma_start3A_38 = tpu.memref_slice %arg11[%dma_start3A_37] : memref<512xi32, #tpu.memory_space<vmem>> -> memref<128xi32, #tpu.memory_space<vmem>>
    %dma_start3A_39 = arith.constant 0 : i32
    %dma_start3A_40 = arith.constant 0 : i32
    %dma_start3A_41 = tpu.memref_slice %arg5[%dma_start3A_39, %dma_start3A_40] : memref<100000x128xf32, #tpu.memory_space<hbm>> -> memref<100000x128xf32, #tpu.memory_space<hbm>>
    tpu.enqueue_indirect_dma source(%dma_start3A_41 : memref<100000x128xf32, #tpu.memory_space<hbm>>) target(%dma_start3A_36 : memref<128x128xf32, #tpu.memory_space<vmem>>) offsets(%dma_start3A_38 : memref<128xi32, #tpu.memory_space<vmem>>) semaphore(%arg21 : memref<!tpu.dma_semaphore, #tpu.memory_space<semaphore_mem>>)
    %broadcast_in_dim3A = arith.constant 0 : i32
    %broadcast_in_dim3A_42 = vector.broadcast %broadcast_in_dim3A : i32 to vector<16xi32>
    %swap3A = arith.constant 0 : index
    %swap3A_43 = tpu.vector_load %arg19[%swap3A] {strides = array<i32>} : memref<16xi32, #tpu.memory_space<vmem>>, vector<16xi32>,
    tpu.vector_store %arg19[%swap3A], %broadcast_in_dim3A_42 {strides = array<i32>} : memref<16xi32, #tpu.memory_space<vmem>>, vector<16xi32>,
    %dma_start3A_44 = arith.constant 0 : i32
    %dma_start3A_45 = tpu.memref_slice %arg8[%dma_start3A_44] : memref<1xf32, #tpu.memory_space<hbm>> -> memref<1xf32, #tpu.memory_space<hbm>>
    tpu.enqueue_indirect_dma source(%dma_start3A_45 : memref<1xf32, #tpu.memory_space<hbm>>) target(%arg18 : memref<16xf32, #tpu.memory_space<vmem>>) offsets(%arg19 : memref<16xi32, #tpu.memory_space<vmem>>) semaphore(%arg22 : memref<!tpu.dma_semaphore, #tpu.memory_space<semaphore_mem>>)
    %dma_start3A_46 = arith.constant 0 : i32
    %dma_start3A_47 = arith.constant 0 : i32
    %dma_start3A_48 = tpu.memref_slice %arg14[%dma_start3A_46, %dma_start3A_47] : memref<4x128xf32, #tpu.memory_space<vmem>> -> memref<1x128xf32, #tpu.memory_space<vmem>>
    %dma_start3A_49 = tpu.memref_squeeze %dma_start3A_48 : memref<1x128xf32, #tpu.memory_space<vmem>> -> memref<128xf32, #tpu.memory_space<vmem>>
    %dma_start3A_50 = arith.constant 0 : i32
    %dma_start3A_51 = tpu.memref_slice %arg10[%dma_start3A_50] : memref<512xi32, #tpu.memory_space<vmem>> -> memref<128xi32, #tpu.memory_space<vmem>>
    %dma_start3A_52 = arith.constant 0 : i32
    %dma_start3A_53 = tpu.memref_slice %arg6[%dma_start3A_52] : memref<100000xf32, #tpu.memory_space<hbm>> -> memref<100000xf32, #tpu.memory_space<hbm>>
    tpu.enqueue_indirect_dma source(%dma_start3A_53 : memref<100000xf32, #tpu.memory_space<hbm>>) target(%dma_start3A_49 : memref<128xf32, #tpu.memory_space<vmem>>) offsets(%dma_start3A_51 : memref<128xi32, #tpu.memory_space<vmem>>) semaphore(%arg22 : memref<!tpu.dma_semaphore, #tpu.memory_space<semaphore_mem>>)
    %dma_start3A_54 = arith.constant 0 : i32
    %dma_start3A_55 = arith.constant 0 : i32
    %dma_start3A_56 = tpu.memref_slice %arg15[%dma_start3A_54, %dma_start3A_55] : memref<4x128xf32, #tpu.memory_space<vmem>> -> memref<1x128xf32, #tpu.memory_space<vmem>>
    %dma_start3A_57 = tpu.memref_squeeze %dma_start3A_56 : memref<1x128xf32, #tpu.memory_space<vmem>> -> memref<128xf32, #tpu.memory_space<vmem>>
    %dma_start3A_58 = arith.constant 0 : i32
    %dma_start3A_59 = tpu.memref_slice %arg11[%dma_start3A_58] : memref<512xi32, #tpu.memory_space<vmem>> -> memref<128xi32, #tpu.memory_space<vmem>>
    %dma_start3A_60 = arith.constant 0 : i32
    %dma_start3A_61 = tpu.memref_slice %arg7[%dma_start3A_60] : memref<100000xf32, #tpu.memory_space<hbm>> -> memref<100000xf32, #tpu.memory_space<hbm>>
    tpu.enqueue_indirect_dma source(%dma_start3A_61 : memref<100000xf32, #tpu.memory_space<hbm>>) target(%dma_start3A_57 : memref<128xf32, #tpu.memory_space<vmem>>) offsets(%dma_start3A_59 : memref<128xi32, #tpu.memory_space<vmem>>) semaphore(%arg22 : memref<!tpu.dma_semaphore, #tpu.memory_space<semaphore_mem>>)
    %dma_start3A_62 = arith.constant 1 : i32
    %dma_start3A_63 = arith.constant 0 : i32
    %dma_start3A_64 = tpu.memref_slice %arg14[%dma_start3A_62, %dma_start3A_63] : memref<4x128xf32, #tpu.memory_space<vmem>> -> memref<1x128xf32, #tpu.memory_space<vmem>>
    %dma_start3A_65 = tpu.memref_squeeze %dma_start3A_64 : memref<1x128xf32, #tpu.memory_space<vmem>> -> memref<128xf32, #tpu.memory_space<vmem>>
    %dma_start3A_66 = arith.constant 128 : i32
    %dma_start3A_67 = tpu.memref_slice %arg10[%dma_start3A_66] : memref<512xi32, #tpu.memory_space<vmem>> -> memref<128xi32, #tpu.memory_space<vmem>>
    %dma_start3A_68 = arith.constant 0 : i32
    %dma_start3A_69 = tpu.memref_slice %arg6[%dma_start3A_68] : memref<100000xf32, #tpu.memory_space<hbm>> -> memref<100000xf32, #tpu.memory_space<hbm>>
    tpu.enqueue_indirect_dma source(%dma_start3A_69 : memref<100000xf32, #tpu.memory_space<hbm>>) target(%dma_start3A_65 : memref<128xf32, #tpu.memory_space<vmem>>) offsets(%dma_start3A_67 : memref<128xi32, #tpu.memory_space<vmem>>) semaphore(%arg22 : memref<!tpu.dma_semaphore, #tpu.memory_space<semaphore_mem>>)
    %dma_start3A_70 = arith.constant 1 : i32
    %dma_start3A_71 = arith.constant 0 : i32
    %dma_start3A_72 = tpu.memref_slice %arg15[%dma_start3A_70, %dma_start3A_71] : memref<4x128xf32, #tpu.memory_space<vmem>> -> memref<1x128xf32, #tpu.memory_space<vmem>>
    %dma_start3A_73 = tpu.memref_squeeze %dma_start3A_72 : memref<1x128xf32, #tpu.memory_space<vmem>> -> memref<128xf32, #tpu.memory_space<vmem>>
    %dma_start3A_74 = arith.constant 128 : i32
    %dma_start3A_75 = tpu.memref_slice %arg11[%dma_start3A_74] : memref<512xi32, #tpu.memory_space<vmem>> -> memref<128xi32, #tpu.memory_space<vmem>>
    %dma_start3A_76 = arith.constant 0 : i32
    %dma_start3A_77 = tpu.memref_slice %arg7[%dma_start3A_76] : memref<100000xf32, #tpu.memory_space<hbm>> -> memref<100000xf32, #tpu.memory_space<hbm>>
    tpu.enqueue_indirect_dma source(%dma_start3A_77 : memref<100000xf32, #tpu.memory_space<hbm>>) target(%dma_start3A_73 : memref<128xf32, #tpu.memory_space<vmem>>) offsets(%dma_start3A_75 : memref<128xi32, #tpu.memory_space<vmem>>) semaphore(%arg22 : memref<!tpu.dma_semaphore, #tpu.memory_space<semaphore_mem>>)
    %dma_start3A_78 = arith.constant 2 : i32
    %dma_start3A_79 = arith.constant 0 : i32
    %dma_start3A_80 = tpu.memref_slice %arg14[%dma_start3A_78, %dma_start3A_79] : memref<4x128xf32, #tpu.memory_space<vmem>> -> memref<1x128xf32, #tpu.memory_space<vmem>>
    %dma_start3A_81 = tpu.memref_squeeze %dma_start3A_80 : memref<1x128xf32, #tpu.memory_space<vmem>> -> memref<128xf32, #tpu.memory_space<vmem>>
    %dma_start3A_82 = arith.constant 256 : i32
    %dma_start3A_83 = tpu.memref_slice %arg10[%dma_start3A_82] : memref<512xi32, #tpu.memory_space<vmem>> -> memref<128xi32, #tpu.memory_space<vmem>>
    %dma_start3A_84 = arith.constant 0 : i32
    %dma_start3A_85 = tpu.memref_slice %arg6[%dma_start3A_84] : memref<100000xf32, #tpu.memory_space<hbm>> -> memref<100000xf32, #tpu.memory_space<hbm>>
    tpu.enqueue_indirect_dma source(%dma_start3A_85 : memref<100000xf32, #tpu.memory_space<hbm>>) target(%dma_start3A_81 : memref<128xf32, #tpu.memory_space<vmem>>) offsets(%dma_start3A_83 : memref<128xi32, #tpu.memory_space<vmem>>) semaphore(%arg22 : memref<!tpu.dma_semaphore, #tpu.memory_space<semaphore_mem>>)
    %dma_start3A_86 = arith.constant 2 : i32
    %dma_start3A_87 = arith.constant 0 : i32
    %dma_start3A_88 = tpu.memref_slice %arg15[%dma_start3A_86, %dma_start3A_87] : memref<4x128xf32, #tpu.memory_space<vmem>> -> memref<1x128xf32, #tpu.memory_space<vmem>>
    %dma_start3A_89 = tpu.memref_squeeze %dma_start3A_88 : memref<1x128xf32, #tpu.memory_space<vmem>> -> memref<128xf32, #tpu.memory_space<vmem>>
    %dma_start3A_90 = arith.constant 256 : i32
    %dma_start3A_91 = tpu.memref_slice %arg11[%dma_start3A_90] : memref<512xi32, #tpu.memory_space<vmem>> -> memref<128xi32, #tpu.memory_space<vmem>>
    %dma_start3A_92 = arith.constant 0 : i32
    %dma_start3A_93 = tpu.memref_slice %arg7[%dma_start3A_92] : memref<100000xf32, #tpu.memory_space<hbm>> -> memref<100000xf32, #tpu.memory_space<hbm>>
    tpu.enqueue_indirect_dma source(%dma_start3A_93 : memref<100000xf32, #tpu.memory_space<hbm>>) target(%dma_start3A_89 : memref<128xf32, #tpu.memory_space<vmem>>) offsets(%dma_start3A_91 : memref<128xi32, #tpu.memory_space<vmem>>) semaphore(%arg22 : memref<!tpu.dma_semaphore, #tpu.memory_space<semaphore_mem>>)
    %dma_start3A_94 = arith.constant 3 : i32
    %dma_start3A_95 = arith.constant 0 : i32
    %dma_start3A_96 = tpu.memref_slice %arg14[%dma_start3A_94, %dma_start3A_95] : memref<4x128xf32, #tpu.memory_space<vmem>> -> memref<1x128xf32, #tpu.memory_space<vmem>>
    %dma_start3A_97 = tpu.memref_squeeze %dma_start3A_96 : memref<1x128xf32, #tpu.memory_space<vmem>> -> memref<128xf32, #tpu.memory_space<vmem>>
    %dma_start3A_98 = arith.constant 384 : i32
    %dma_start3A_99 = tpu.memref_slice %arg10[%dma_start3A_98] : memref<512xi32, #tpu.memory_space<vmem>> -> memref<128xi32, #tpu.memory_space<vmem>>
    %dma_start3A_100 = arith.constant 0 : i32
    %dma_start3A_101 = tpu.memref_slice %arg6[%dma_start3A_100] : memref<100000xf32, #tpu.memory_space<hbm>> -> memref<100000xf32, #tpu.memory_space<hbm>>
    tpu.enqueue_indirect_dma source(%dma_start3A_101 : memref<100000xf32, #tpu.memory_space<hbm>>) target(%dma_start3A_97 : memref<128xf32, #tpu.memory_space<vmem>>) offsets(%dma_start3A_99 : memref<128xi32, #tpu.memory_space<vmem>>) semaphore(%arg22 : memref<!tpu.dma_semaphore, #tpu.memory_space<semaphore_mem>>)
    %dma_start3A_102 = arith.constant 3 : i32
    %dma_start3A_103 = arith.constant 0 : i32
    %dma_start3A_104 = tpu.memref_slice %arg15[%dma_start3A_102, %dma_start3A_103] : memref<4x128xf32, #tpu.memory_space<vmem>> -> memref<1x128xf32, #tpu.memory_space<vmem>>
    %dma_start3A_105 = tpu.memref_squeeze %dma_start3A_104 : memref<1x128xf32, #tpu.memory_space<vmem>> -> memref<128xf32, #tpu.memory_space<vmem>>
    %dma_start3A_106 = arith.constant 384 : i32
    %dma_start3A_107 = tpu.memref_slice %arg11[%dma_start3A_106] : memref<512xi32, #tpu.memory_space<vmem>> -> memref<128xi32, #tpu.memory_space<vmem>>
    %dma_start3A_108 = arith.constant 0 : i32
    %dma_start3A_109 = tpu.memref_slice %arg7[%dma_start3A_108] : memref<100000xf32, #tpu.memory_space<hbm>> -> memref<100000xf32, #tpu.memory_space<hbm>>
    tpu.enqueue_indirect_dma source(%dma_start3A_109 : memref<100000xf32, #tpu.memory_space<hbm>>) target(%dma_start3A_105 : memref<128xf32, #tpu.memory_space<vmem>>) offsets(%dma_start3A_107 : memref<128xi32, #tpu.memory_space<vmem>>) semaphore(%arg22 : memref<!tpu.dma_semaphore, #tpu.memory_space<semaphore_mem>>)
    %dma_wait3A = arith.constant 0 : i32
    %dma_wait3A_110 = tpu.memref_slice %arg8[%dma_wait3A] : memref<1xf32, #tpu.memory_space<hbm>> -> memref<1xf32, #tpu.memory_space<hbm>>
    tpu.wait_indirect_dma semaphore(%arg22 : memref<!tpu.dma_semaphore, #tpu.memory_space<semaphore_mem>>) src(%dma_wait3A_110 : memref<1xf32, #tpu.memory_space<hbm>>) dst(%arg18 : memref<16xf32, #tpu.memory_space<vmem>>)
    %dma_wait3A_111 = arith.constant 0 : i32
    %dma_wait3A_112 = arith.constant 0 : i32
    %dma_wait3A_113 = tpu.memref_slice %arg14[%dma_wait3A_111, %dma_wait3A_112] : memref<4x128xf32, #tpu.memory_space<vmem>> -> memref<1x128xf32, #tpu.memory_space<vmem>>
    %dma_wait3A_114 = tpu.memref_squeeze %dma_wait3A_113 : memref<1x128xf32, #tpu.memory_space<vmem>> -> memref<128xf32, #tpu.memory_space<vmem>>
    %dma_wait3A_115 = arith.constant 0 : i32
    %dma_wait3A_116 = tpu.memref_slice %arg10[%dma_wait3A_115] : memref<512xi32, #tpu.memory_space<vmem>> -> memref<128xi32, #tpu.memory_space<vmem>>
    %dma_wait3A_117 = arith.constant 0 : i32
    %dma_wait3A_118 = tpu.memref_slice %arg6[%dma_wait3A_117] : memref<100000xf32, #tpu.memory_space<hbm>> -> memref<100000xf32, #tpu.memory_space<hbm>>
    tpu.wait_indirect_dma semaphore(%arg22 : memref<!tpu.dma_semaphore, #tpu.memory_space<semaphore_mem>>) src(%dma_wait3A_118 : memref<100000xf32, #tpu.memory_space<hbm>>) dst(%dma_wait3A_114 : memref<128xf32, #tpu.memory_space<vmem>>)
    %dma_wait3A_119 = arith.constant 0 : i32
    %dma_wait3A_120 = arith.constant 0 : i32
    %dma_wait3A_121 = tpu.memref_slice %arg15[%dma_wait3A_119, %dma_wait3A_120] : memref<4x128xf32, #tpu.memory_space<vmem>> -> memref<1x128xf32, #tpu.memory_space<vmem>>
    %dma_wait3A_122 = tpu.memref_squeeze %dma_wait3A_121 : memref<1x128xf32, #tpu.memory_space<vmem>> -> memref<128xf32, #tpu.memory_space<vmem>>
    %dma_wait3A_123 = arith.constant 0 : i32
    %dma_wait3A_124 = tpu.memref_slice %arg11[%dma_wait3A_123] : memref<512xi32, #tpu.memory_space<vmem>> -> memref<128xi32, #tpu.memory_space<vmem>>
    %dma_wait3A_125 = arith.constant 0 : i32
    %dma_wait3A_126 = tpu.memref_slice %arg7[%dma_wait3A_125] : memref<100000xf32, #tpu.memory_space<hbm>> -> memref<100000xf32, #tpu.memory_space<hbm>>
    tpu.wait_indirect_dma semaphore(%arg22 : memref<!tpu.dma_semaphore, #tpu.memory_space<semaphore_mem>>) src(%dma_wait3A_126 : memref<100000xf32, #tpu.memory_space<hbm>>) dst(%dma_wait3A_122 : memref<128xf32, #tpu.memory_space<vmem>>)
    %dma_wait3A_127 = arith.constant 1 : i32
    %dma_wait3A_128 = arith.constant 0 : i32
    %dma_wait3A_129 = tpu.memref_slice %arg14[%dma_wait3A_127, %dma_wait3A_128] : memref<4x128xf32, #tpu.memory_space<vmem>> -> memref<1x128xf32, #tpu.memory_space<vmem>>
    %dma_wait3A_130 = tpu.memref_squeeze %dma_wait3A_129 : memref<1x128xf32, #tpu.memory_space<vmem>> -> memref<128xf32, #tpu.memory_space<vmem>>
    %dma_wait3A_131 = arith.constant 128 : i32
    %dma_wait3A_132 = tpu.memref_slice %arg10[%dma_wait3A_131] : memref<512xi32, #tpu.memory_space<vmem>> -> memref<128xi32, #tpu.memory_space<vmem>>
    %dma_wait3A_133 = arith.constant 0 : i32
    %dma_wait3A_134 = tpu.memref_slice %arg6[%dma_wait3A_133] : memref<100000xf32, #tpu.memory_space<hbm>> -> memref<100000xf32, #tpu.memory_space<hbm>>
    tpu.wait_indirect_dma semaphore(%arg22 : memref<!tpu.dma_semaphore, #tpu.memory_space<semaphore_mem>>) src(%dma_wait3A_134 : memref<100000xf32, #tpu.memory_space<hbm>>) dst(%dma_wait3A_130 : memref<128xf32, #tpu.memory_space<vmem>>)
    %dma_wait3A_135 = arith.constant 1 : i32
    %dma_wait3A_136 = arith.constant 0 : i32
    %dma_wait3A_137 = tpu.memref_slice %arg15[%dma_wait3A_135, %dma_wait3A_136] : memref<4x128xf32, #tpu.memory_space<vmem>> -> memref<1x128xf32, #tpu.memory_space<vmem>>
    %dma_wait3A_138 = tpu.memref_squeeze %dma_wait3A_137 : memref<1x128xf32, #tpu.memory_space<vmem>> -> memref<128xf32, #tpu.memory_space<vmem>>
    %dma_wait3A_139 = arith.constant 128 : i32
    %dma_wait3A_140 = tpu.memref_slice %arg11[%dma_wait3A_139] : memref<512xi32, #tpu.memory_space<vmem>> -> memref<128xi32, #tpu.memory_space<vmem>>
    %dma_wait3A_141 = arith.constant 0 : i32
    %dma_wait3A_142 = tpu.memref_slice %arg7[%dma_wait3A_141] : memref<100000xf32, #tpu.memory_space<hbm>> -> memref<100000xf32, #tpu.memory_space<hbm>>
    tpu.wait_indirect_dma semaphore(%arg22 : memref<!tpu.dma_semaphore, #tpu.memory_space<semaphore_mem>>) src(%dma_wait3A_142 : memref<100000xf32, #tpu.memory_space<hbm>>) dst(%dma_wait3A_138 : memref<128xf32, #tpu.memory_space<vmem>>)
    %dma_wait3A_143 = arith.constant 2 : i32
    %dma_wait3A_144 = arith.constant 0 : i32
    %dma_wait3A_145 = tpu.memref_slice %arg14[%dma_wait3A_143, %dma_wait3A_144] : memref<4x128xf32, #tpu.memory_space<vmem>> -> memref<1x128xf32, #tpu.memory_space<vmem>>
    %dma_wait3A_146 = tpu.memref_squeeze %dma_wait3A_145 : memref<1x128xf32, #tpu.memory_space<vmem>> -> memref<128xf32, #tpu.memory_space<vmem>>
    %dma_wait3A_147 = arith.constant 256 : i32
    %dma_wait3A_148 = tpu.memref_slice %arg10[%dma_wait3A_147] : memref<512xi32, #tpu.memory_space<vmem>> -> memref<128xi32, #tpu.memory_space<vmem>>
    %dma_wait3A_149 = arith.constant 0 : i32
    %dma_wait3A_150 = tpu.memref_slice %arg6[%dma_wait3A_149] : memref<100000xf32, #tpu.memory_space<hbm>> -> memref<100000xf32, #tpu.memory_space<hbm>>
    tpu.wait_indirect_dma semaphore(%arg22 : memref<!tpu.dma_semaphore, #tpu.memory_space<semaphore_mem>>) src(%dma_wait3A_150 : memref<100000xf32, #tpu.memory_space<hbm>>) dst(%dma_wait3A_146 : memref<128xf32, #tpu.memory_space<vmem>>)
    %dma_wait3A_151 = arith.constant 2 : i32
    %dma_wait3A_152 = arith.constant 0 : i32
    %dma_wait3A_153 = tpu.memref_slice %arg15[%dma_wait3A_151, %dma_wait3A_152] : memref<4x128xf32, #tpu.memory_space<vmem>> -> memref<1x128xf32, #tpu.memory_space<vmem>>
    %dma_wait3A_154 = tpu.memref_squeeze %dma_wait3A_153 : memref<1x128xf32, #tpu.memory_space<vmem>> -> memref<128xf32, #tpu.memory_space<vmem>>
    %dma_wait3A_155 = arith.constant 256 : i32
    %dma_wait3A_156 = tpu.memref_slice %arg11[%dma_wait3A_155] : memref<512xi32, #tpu.memory_space<vmem>> -> memref<128xi32, #tpu.memory_space<vmem>>
    %dma_wait3A_157 = arith.constant 0 : i32
    %dma_wait3A_158 = tpu.memref_slice %arg7[%dma_wait3A_157] : memref<100000xf32, #tpu.memory_space<hbm>> -> memref<100000xf32, #tpu.memory_space<hbm>>
    tpu.wait_indirect_dma semaphore(%arg22 : memref<!tpu.dma_semaphore, #tpu.memory_space<semaphore_mem>>) src(%dma_wait3A_158 : memref<100000xf32, #tpu.memory_space<hbm>>) dst(%dma_wait3A_154 : memref<128xf32, #tpu.memory_space<vmem>>)
    %dma_wait3A_159 = arith.constant 3 : i32
    %dma_wait3A_160 = arith.constant 0 : i32
    %dma_wait3A_161 = tpu.memref_slice %arg14[%dma_wait3A_159, %dma_wait3A_160] : memref<4x128xf32, #tpu.memory_space<vmem>> -> memref<1x128xf32, #tpu.memory_space<vmem>>
    %dma_wait3A_162 = tpu.memref_squeeze %dma_wait3A_161 : memref<1x128xf32, #tpu.memory_space<vmem>> -> memref<128xf32, #tpu.memory_space<vmem>>
    %dma_wait3A_163 = arith.constant 384 : i32
    %dma_wait3A_164 = tpu.memref_slice %arg10[%dma_wait3A_163] : memref<512xi32, #tpu.memory_space<vmem>> -> memref<128xi32, #tpu.memory_space<vmem>>
    %dma_wait3A_165 = arith.constant 0 : i32
    %dma_wait3A_166 = tpu.memref_slice %arg6[%dma_wait3A_165] : memref<100000xf32, #tpu.memory_space<hbm>> -> memref<100000xf32, #tpu.memory_space<hbm>>
    tpu.wait_indirect_dma semaphore(%arg22 : memref<!tpu.dma_semaphore, #tpu.memory_space<semaphore_mem>>) src(%dma_wait3A_166 : memref<100000xf32, #tpu.memory_space<hbm>>) dst(%dma_wait3A_162 : memref<128xf32, #tpu.memory_space<vmem>>)
    %dma_wait3A_167 = arith.constant 3 : i32
    %dma_wait3A_168 = arith.constant 0 : i32
    %dma_wait3A_169 = tpu.memref_slice %arg15[%dma_wait3A_167, %dma_wait3A_168] : memref<4x128xf32, #tpu.memory_space<vmem>> -> memref<1x128xf32, #tpu.memory_space<vmem>>
    %dma_wait3A_170 = tpu.memref_squeeze %dma_wait3A_169 : memref<1x128xf32, #tpu.memory_space<vmem>> -> memref<128xf32, #tpu.memory_space<vmem>>
    %dma_wait3A_171 = arith.constant 384 : i32
    %dma_wait3A_172 = tpu.memref_slice %arg11[%dma_wait3A_171] : memref<512xi32, #tpu.memory_space<vmem>> -> memref<128xi32, #tpu.memory_space<vmem>>
    %dma_wait3A_173 = arith.constant 0 : i32
    %dma_wait3A_174 = tpu.memref_slice %arg7[%dma_wait3A_173] : memref<100000xf32, #tpu.memory_space<hbm>> -> memref<100000xf32, #tpu.memory_space<hbm>>
    tpu.wait_indirect_dma semaphore(%arg22 : memref<!tpu.dma_semaphore, #tpu.memory_space<semaphore_mem>>) src(%dma_wait3A_174 : memref<100000xf32, #tpu.memory_space<hbm>>) dst(%dma_wait3A_170 : memref<128xf32, #tpu.memory_space<vmem>>)
    %iota3A = tpu.iota {dimensions = array<i32: 0>} : vector<16xi32>
    %mul3A_175 = arith.constant 16 : i32
    %mul3A_176 = vector.broadcast %mul3A_175 : i32 to vector<16xi32>
    %mul3A_177 = arith.muli %iota3A, %mul3A_176 : vector<16xi32>
    %get3A = arith.constant 0 : index
    %get3A_178 = tpu.vector_load %arg18[%get3A] {strides = array<i32>} : memref<16xf32, #tpu.memory_space<vmem>>, vector<16xf32>,
    %scan3A = arith.constant 0 : i32
    %scan3A_179 = arith.constant 0 : i32
    %scan3A_180 = arith.constant 2 : i32
    %scan3A_181 = arith.addi %scan3A_179, %scan3A_180 : i32
    %scan3A_182 = arith.constant 1 : i32
    %scan3A_183 = scf.for %scan3A_185 = %scan3A_179 to %scan3A_181 step %scan3A_182 iter_args(%scan3A_186 = %scan3A) -> (i32)  : i32 {
      %mul3A_187 = arith.constant 2 : i32
      %mul3A_188 = arith.muli %scan3A_185, %mul3A_187 : i32
      %add3A_189 = arith.constant 0 : i32
      %add3A_190 = arith.addi %mul3A_188, %add3A_189 : i32
      %dma_wait3A_191 = arith.constant 0 : i32
      %dma_wait3A_192 = arith.constant 0 : i32
      %dma_wait3A_193 = arith.constant 0 : i32
      %dma_wait3A_194 = tpu.memref_slice %arg12[%dma_wait3A_191, %dma_wait3A_192, %dma_wait3A_193] : memref<2x128x128xf32, #tpu.memory_space<vmem>> -> memref<1x128x128xf32, #tpu.memory_space<vmem>>
      %dma_wait3A_195 = tpu.memref_squeeze %dma_wait3A_194 : memref<1x128x128xf32, #tpu.memory_space<vmem>> -> memref<128x128xf32, #tpu.memory_space<vmem>>
      %dma_wait3A_196 = arith.constant 0 : i32
      %dma_wait3A_197 = tpu.memref_slice %arg10[%dma_wait3A_196] : memref<512xi32, #tpu.memory_space<vmem>> -> memref<128xi32, #tpu.memory_space<vmem>>
      %dma_wait3A_198 = arith.constant 0 : i32
      %dma_wait3A_199 = arith.constant 0 : i32
      %dma_wait3A_200 = tpu.memref_slice %arg4[%dma_wait3A_198, %dma_wait3A_199] : memref<100000x128xf32, #tpu.memory_space<hbm>> -> memref<100000x128xf32, #tpu.memory_space<hbm>>
      tpu.wait_indirect_dma semaphore(%arg20 : memref<!tpu.dma_semaphore, #tpu.memory_space<semaphore_mem>>) src(%dma_wait3A_200 : memref<100000x128xf32, #tpu.memory_space<hbm>>) dst(%dma_wait3A_195 : memref<128x128xf32, #tpu.memory_space<vmem>>)
      %dma_wait3A_201 = arith.constant 0 : i32
      %dma_wait3A_202 = arith.constant 0 : i32
      %dma_wait3A_203 = arith.constant 0 : i32
      %dma_wait3A_204 = tpu.memref_slice %arg13[%dma_wait3A_201, %dma_wait3A_202, %dma_wait3A_203] : memref<2x128x128xf32, #tpu.memory_space<vmem>> -> memref<1x128x128xf32, #tpu.memory_space<vmem>>
      %dma_wait3A_205 = tpu.memref_squeeze %dma_wait3A_204 : memref<1x128x128xf32, #tpu.memory_space<vmem>> -> memref<128x128xf32, #tpu.memory_space<vmem>>
      %dma_wait3A_206 = arith.constant 0 : i32
      %dma_wait3A_207 = tpu.memref_slice %arg11[%dma_wait3A_206] : memref<512xi32, #tpu.memory_space<vmem>> -> memref<128xi32, #tpu.memory_space<vmem>>
      %dma_wait3A_208 = arith.constant 0 : i32
      %dma_wait3A_209 = arith.constant 0 : i32
      %dma_wait3A_210 = tpu.memref_slice %arg5[%dma_wait3A_208, %dma_wait3A_209] : memref<100000x128xf32, #tpu.memory_space<hbm>> -> memref<100000x128xf32, #tpu.memory_space<hbm>>
      tpu.wait_indirect_dma semaphore(%arg20 : memref<!tpu.dma_semaphore, #tpu.memory_space<semaphore_mem>>) src(%dma_wait3A_210 : memref<100000x128xf32, #tpu.memory_space<hbm>>) dst(%dma_wait3A_205 : memref<128x128xf32, #tpu.memory_space<vmem>>)
      %scan3A_211 = arith.constant 0 : i32
      %scan3A_212 = arith.constant 0 : i32
      %scan3A_213 = arith.constant 8 : i32
      %scan3A_214 = arith.addi %scan3A_212, %scan3A_213 : i32
      %scan3A_215 = arith.constant 1 : i32
      %scan3A_216 = scf.for %scan3A_257 = %scan3A_212 to %scan3A_214 step %scan3A_215 iter_args(%scan3A_258 = %scan3A_211) -> (i32)  : i32 {
        %mul3A_259 = arith.constant 16 : i32
        %mul3A_260 = arith.muli %scan3A_257, %mul3A_259 : i32
        %add3A_261 = arith.constant 0 : i32
        %add3A_262 = arith.addi %mul3A_260, %add3A_261 : i32
        %get3A_263 = arith.constant 0 : i32
        %get3A_264 = arith.index_cast %get3A_263 : i32 to index
        %get3A_265 = arith.index_cast %add3A_262 : i32 to index
        %get3A_266 = arith.constant 0 : index
        %get3A_267 = tpu.vector_load %arg12[%get3A_264, %get3A_265, %get3A_266] {strides = array<i32>} : memref<2x128x128xf32, #tpu.memory_space<vmem>>, vector<16xf32>,
        %get3A_268 = arith.constant 0 : i32
        %get3A_269 = arith.index_cast %get3A_268 : i32 to index
        %get3A_270 = arith.index_cast %add3A_262 : i32 to index
        %get3A_271 = arith.constant 0 : index
        %get3A_272 = tpu.vector_load %arg13[%get3A_269, %get3A_270, %get3A_271] {strides = array<i32>} : memref<2x128x128xf32, #tpu.memory_space<vmem>>, vector<16xf32>,
        %mul3A_273 = arith.mulf %get3A_267, %get3A_272 : vector<16xf32>
        %get3A_274 = arith.constant 0 : i32
        %get3A_275 = arith.index_cast %get3A_274 : i32 to index
        %get3A_276 = arith.index_cast %add3A_262 : i32 to index
        %get3A_277 = arith.constant 16 : index
        %get3A_278 = tpu.vector_load %arg12[%get3A_275, %get3A_276, %get3A_277] {strides = array<i32>} : memref<2x128x128xf32, #tpu.memory_space<vmem>>, vector<16xf32>,
        %get3A_279 = arith.constant 0 : i32
        %get3A_280 = arith.index_cast %get3A_279 : i32 to index
        %get3A_281 = arith.index_cast %add3A_262 : i32 to index
        %get3A_282 = arith.constant 16 : index
        %get3A_283 = tpu.vector_load %arg13[%get3A_280, %get3A_281, %get3A_282] {strides = array<i32>} : memref<2x128x128xf32, #tpu.memory_space<vmem>>, vector<16xf32>,
        %mul3A_284 = arith.mulf %get3A_278, %get3A_283 : vector<16xf32>
        %add3A_285 = arith.addf %mul3A_273, %mul3A_284 : vector<16xf32>
        %get3A_286 = arith.constant 0 : i32
        %get3A_287 = arith.index_cast %get3A_286 : i32 to index
        %get3A_288 = arith.index_cast %add3A_262 : i32 to index
        %get3A_289 = arith.constant 32 : index
        %get3A_290 = tpu.vector_load %arg12[%get3A_287, %get3A_288, %get3A_289] {strides = array<i32>} : memref<2x128x128xf32, #tpu.memory_space<vmem>>, vector<16xf32>,
        %get3A_291 = arith.constant 0 : i32
        %get3A_292 = arith.index_cast %get3A_291 : i32 to index
        %get3A_293 = arith.index_cast %add3A_262 : i32 to index
        %get3A_294 = arith.constant 32 : index
        %get3A_295 = tpu.vector_load %arg13[%get3A_292, %get3A_293, %get3A_294] {strides = array<i32>} : memref<2x128x128xf32, #tpu.memory_space<vmem>>, vector<16xf32>,
        %mul3A_296 = arith.mulf %get3A_290, %get3A_295 : vector<16xf32>
        %add3A_297 = arith.addf %add3A_285, %mul3A_296 : vector<16xf32>
        %get3A_298 = arith.constant 0 : i32
        %get3A_299 = arith.index_cast %get3A_298 : i32 to index
        %get3A_300 = arith.index_cast %add3A_262 : i32 to index
        %get3A_301 = arith.constant 48 : index
        %get3A_302 = tpu.vector_load %arg12[%get3A_299, %get3A_300, %get3A_301] {strides = array<i32>} : memref<2x128x128xf32, #tpu.memory_space<vmem>>, vector<16xf32>,
        %get3A_303 = arith.constant 0 : i32
        %get3A_304 = arith.index_cast %get3A_303 : i32 to index
        %get3A_305 = arith.index_cast %add3A_262 : i32 to index
        %get3A_306 = arith.constant 48 : index
        %get3A_307 = tpu.vector_load %arg13[%get3A_304, %get3A_305, %get3A_306] {strides = array<i32>} : memref<2x128x128xf32, #tpu.memory_space<vmem>>, vector<16xf32>,
        %mul3A_308 = arith.mulf %get3A_302, %get3A_307 : vector<16xf32>
        %add3A_309 = arith.addf %add3A_297, %mul3A_308 : vector<16xf32>
        %get3A_310 = arith.constant 0 : i32
        %get3A_311 = arith.index_cast %get3A_310 : i32 to index
        %get3A_312 = arith.index_cast %add3A_262 : i32 to index
        %get3A_313 = arith.constant 64 : index
        %get3A_314 = tpu.vector_load %arg12[%get3A_311, %get3A_312, %get3A_313] {strides = array<i32>} : memref<2x128x128xf32, #tpu.memory_space<vmem>>, vector<16xf32>,
        %get3A_315 = arith.constant 0 : i32
        %get3A_316 = arith.index_cast %get3A_315 : i32 to index
        %get3A_317 = arith.index_cast %add3A_262 : i32 to index
        %get3A_318 = arith.constant 64 : index
        %get3A_319 = tpu.vector_load %arg13[%get3A_316, %get3A_317, %get3A_318] {strides = array<i32>} : memref<2x128x128xf32, #tpu.memory_space<vmem>>, vector<16xf32>,
        %mul3A_320 = arith.mulf %get3A_314, %get3A_319 : vector<16xf32>
        %add3A_321 = arith.addf %add3A_309, %mul3A_320 : vector<16xf32>
        %get3A_322 = arith.constant 0 : i32
        %get3A_323 = arith.index_cast %get3A_322 : i32 to index
        %get3A_324 = arith.index_cast %add3A_262 : i32 to index
        %get3A_325 = arith.constant 80 : index
        %get3A_326 = tpu.vector_load %arg12[%get3A_323, %get3A_324, %get3A_325] {strides = array<i32>} : memref<2x128x128xf32, #tpu.memory_space<vmem>>, vector<16xf32>,
        %get3A_327 = arith.constant 0 : i32
        %get3A_328 = arith.index_cast %get3A_327 : i32 to index
        %get3A_329 = arith.index_cast %add3A_262 : i32 to index
        %get3A_330 = arith.constant 80 : index
        %get3A_331 = tpu.vector_load %arg13[%get3A_328, %get3A_329, %get3A_330] {strides = array<i32>} : memref<2x128x128xf32, #tpu.memory_space<vmem>>, vector<16xf32>,
        %mul3A_332 = arith.mulf %get3A_326, %get3A_331 : vector<16xf32>
        %add3A_333 = arith.addf %add3A_321, %mul3A_332 : vector<16xf32>
        %get3A_334 = arith.constant 0 : i32
        %get3A_335 = arith.index_cast %get3A_334 : i32 to index
        %get3A_336 = arith.index_cast %add3A_262 : i32 to index
        %get3A_337 = arith.constant 96 : index
        %get3A_338 = tpu.vector_load %arg12[%get3A_335, %get3A_336, %get3A_337] {strides = array<i32>} : memref<2x128x128xf32, #tpu.memory_space<vmem>>, vector<16xf32>,
        %get3A_339 = arith.constant 0 : i32
        %get3A_340 = arith.index_cast %get3A_339 : i32 to index
        %get3A_341 = arith.index_cast %add3A_262 : i32 to index
        %get3A_342 = arith.constant 96 : index
        %get3A_343 = tpu.vector_load %arg13[%get3A_340, %get3A_341, %get3A_342] {strides = array<i32>} : memref<2x128x128xf32, #tpu.memory_space<vmem>>, vector<16xf32>,
        %mul3A_344 = arith.mulf %get3A_338, %get3A_343 : vector<16xf32>
        %add3A_345 = arith.addf %add3A_333, %mul3A_344 : vector<16xf32>
        %get3A_346 = arith.constant 0 : i32
        %get3A_347 = arith.index_cast %get3A_346 : i32 to index
        %get3A_348 = arith.index_cast %add3A_262 : i32 to index
        %get3A_349 = arith.constant 112 : index
        %get3A_350 = tpu.vector_load %arg12[%get3A_347, %get3A_348, %get3A_349] {strides = array<i32>} : memref<2x128x128xf32, #tpu.memory_space<vmem>>, vector<16xf32>,
        %get3A_351 = arith.constant 0 : i32
        %get3A_352 = arith.index_cast %get3A_351 : i32 to index
        %get3A_353 = arith.index_cast %add3A_262 : i32 to index
        %get3A_354 = arith.constant 112 : index
        %get3A_355 = tpu.vector_load %arg13[%get3A_352, %get3A_353, %get3A_354] {strides = array<i32>} : memref<2x128x128xf32, #tpu.memory_space<vmem>>, vector<16xf32>,
        %mul3A_356 = arith.mulf %get3A_350, %get3A_355 : vector<16xf32>
        %add3A_357 = arith.addf %add3A_345, %mul3A_356 : vector<16xf32>
        %add3A_358 = arith.constant 0 : i32
        %add3A_359 = vector.broadcast %add3A_358 : i32 to vector<16xi32>
        %add3A_360 = arith.addi %mul3A_177, %add3A_359 : vector<16xi32>
        tpu.vector_store_idx %arg17[%add3A_360], %add3A_357 : memref<256xf32, #tpu.memory_space<vmem>>[vector<16xi32>], vector<16xf32>,
        %add3A_361 = arith.constant 1 : i32
        %add3A_362 = arith.addi %mul3A_260, %add3A_361 : i32
        %get3A_363 = arith.constant 0 : i32
        %get3A_364 = arith.index_cast %get3A_363 : i32 to index
        %get3A_365 = arith.index_cast %add3A_362 : i32 to index
        %get3A_366 = arith.constant 0 : index
        %get3A_367 = tpu.vector_load %arg12[%get3A_364, %get3A_365, %get3A_366] {strides = array<i32>} : memref<2x128x128xf32, #tpu.memory_space<vmem>>, vector<16xf32>,
        %get3A_368 = arith.constant 0 : i32
        %get3A_369 = arith.index_cast %get3A_368 : i32 to index
        %get3A_370 = arith.index_cast %add3A_362 : i32 to index
        %get3A_371 = arith.constant 0 : index
        %get3A_372 = tpu.vector_load %arg13[%get3A_369, %get3A_370, %get3A_371] {strides = array<i32>} : memref<2x128x128xf32, #tpu.memory_space<vmem>>, vector<16xf32>,
        %mul3A_373 = arith.mulf %get3A_367, %get3A_372 : vector<16xf32>
        %get3A_374 = arith.constant 0 : i32
        %get3A_375 = arith.index_cast %get3A_374 : i32 to index
        %get3A_376 = arith.index_cast %add3A_362 : i32 to index
        %get3A_377 = arith.constant 16 : index
        %get3A_378 = tpu.vector_load %arg12[%get3A_375, %get3A_376, %get3A_377] {strides = array<i32>} : memref<2x128x128xf32, #tpu.memory_space<vmem>>, vector<16xf32>,
        %get3A_379 = arith.constant 0 : i32
        %get3A_380 = arith.index_cast %get3A_379 : i32 to index
        %get3A_381 = arith.index_cast %add3A_362 : i32 to index
        %get3A_382 = arith.constant 16 : index
        %get3A_383 = tpu.vector_load %arg13[%get3A_380, %get3A_381, %get3A_382] {strides = array<i32>} : memref<2x128x128xf32, #tpu.memory_space<vmem>>, vector<16xf32>,
        %mul3A_384 = arith.mulf %get3A_378, %get3A_383 : vector<16xf32>
        %add3A_385 = arith.addf %mul3A_373, %mul3A_384 : vector<16xf32>
        %get3A_386 = arith.constant 0 : i32
        %get3A_387 = arith.index_cast %get3A_386 : i32 to index
        %get3A_388 = arith.index_cast %add3A_362 : i32 to index
        %get3A_389 = arith.constant 32 : index
        %get3A_390 = tpu.vector_load %arg12[%get3A_387, %get3A_388, %get3A_389] {strides = array<i32>} : memref<2x128x128xf32, #tpu.memory_space<vmem>>, vector<16xf32>,
        %get3A_391 = arith.constant 0 : i32
        %get3A_392 = arith.index_cast %get3A_391 : i32 to index
        %get3A_393 = arith.index_cast %add3A_362 : i32 to index
        %get3A_394 = arith.constant 32 : index
        %get3A_395 = tpu.vector_load %arg13[%get3A_392, %get3A_393, %get3A_394] {strides = array<i32>} : memref<2x128x128xf32, #tpu.memory_space<vmem>>, vector<16xf32>,
        %mul3A_396 = arith.mulf %get3A_390, %get3A_395 : vector<16xf32>
        %add3A_397 = arith.addf %add3A_385, %mul3A_396 : vector<16xf32>
        %get3A_398 = arith.constant 0 : i32
        %get3A_399 = arith.index_cast %get3A_398 : i32 to index
        %get3A_400 = arith.index_cast %add3A_362 : i32 to index
        %get3A_401 = arith.constant 48 : index
        %get3A_402 = tpu.vector_load %arg12[%get3A_399, %get3A_400, %get3A_401] {strides = array<i32>} : memref<2x128x128xf32, #tpu.memory_space<vmem>>, vector<16xf32>,
        %get3A_403 = arith.constant 0 : i32
        %get3A_404 = arith.index_cast %get3A_403 : i32 to index
        %get3A_405 = arith.index_cast %add3A_362 : i32 to index
        %get3A_406 = arith.constant 48 : index
        %get3A_407 = tpu.vector_load %arg13[%get3A_404, %get3A_405, %get3A_406] {strides = array<i32>} : memref<2x128x128xf32, #tpu.memory_space<vmem>>, vector<16xf32>,
        %mul3A_408 = arith.mulf %get3A_402, %get3A_407 : vector<16xf32>
        %add3A_409 = arith.addf %add3A_397, %mul3A_408 : vector<16xf32>
        %get3A_410 = arith.constant 0 : i32
        %get3A_411 = arith.index_cast %get3A_410 : i32 to index
        %get3A_412 = arith.index_cast %add3A_362 : i32 to index
        %get3A_413 = arith.constant 64 : index
        %get3A_414 = tpu.vector_load %arg12[%get3A_411, %get3A_412, %get3A_413] {strides = array<i32>} : memref<2x128x128xf32, #tpu.memory_space<vmem>>, vector<16xf32>,
        %get3A_415 = arith.constant 0 : i32
        %get3A_416 = arith.index_cast %get3A_415 : i32 to index
        %get3A_417 = arith.index_cast %add3A_362 : i32 to index
        %get3A_418 = arith.constant 64 : index
        %get3A_419 = tpu.vector_load %arg13[%get3A_416, %get3A_417, %get3A_418] {strides = array<i32>} : memref<2x128x128xf32, #tpu.memory_space<vmem>>, vector<16xf32>,
        %mul3A_420 = arith.mulf %get3A_414, %get3A_419 : vector<16xf32>
        %add3A_421 = arith.addf %add3A_409, %mul3A_420 : vector<16xf32>
        %get3A_422 = arith.constant 0 : i32
        %get3A_423 = arith.index_cast %get3A_422 : i32 to index
        %get3A_424 = arith.index_cast %add3A_362 : i32 to index
        %get3A_425 = arith.constant 80 : index
        %get3A_426 = tpu.vector_load %arg12[%get3A_423, %get3A_424, %get3A_425] {strides = array<i32>} : memref<2x128x128xf32, #tpu.memory_space<vmem>>, vector<16xf32>,
        %get3A_427 = arith.constant 0 : i32
        %get3A_428 = arith.index_cast %get3A_427 : i32 to index
        %get3A_429 = arith.index_cast %add3A_362 : i32 to index
        %get3A_430 = arith.constant 80 : index
        %get3A_431 = tpu.vector_load %arg13[%get3A_428, %get3A_429, %get3A_430] {strides = array<i32>} : memref<2x128x128xf32, #tpu.memory_space<vmem>>, vector<16xf32>,
        %mul3A_432 = arith.mulf %get3A_426, %get3A_431 : vector<16xf32>
        %add3A_433 = arith.addf %add3A_421, %mul3A_432 : vector<16xf32>
        %get3A_434 = arith.constant 0 : i32
        %get3A_435 = arith.index_cast %get3A_434 : i32 to index
        %get3A_436 = arith.index_cast %add3A_362 : i32 to index
        %get3A_437 = arith.constant 96 : index
        %get3A_438 = tpu.vector_load %arg12[%get3A_435, %get3A_436, %get3A_437] {strides = array<i32>} : memref<2x128x128xf32, #tpu.memory_space<vmem>>, vector<16xf32>,
        %get3A_439 = arith.constant 0 : i32
        %get3A_440 = arith.index_cast %get3A_439 : i32 to index
        %get3A_441 = arith.index_cast %add3A_362 : i32 to index
        %get3A_442 = arith.constant 96 : index
        %get3A_443 = tpu.vector_load %arg13[%get3A_440, %get3A_441, %get3A_442] {strides = array<i32>} : memref<2x128x128xf32, #tpu.memory_space<vmem>>, vector<16xf32>,
        %mul3A_444 = arith.mulf %get3A_438, %get3A_443 : vector<16xf32>
        %add3A_445 = arith.addf %add3A_433, %mul3A_444 : vector<16xf32>
        %get3A_446 = arith.constant 0 : i32
        %get3A_447 = arith.index_cast %get3A_446 : i32 to index
        %get3A_448 = arith.index_cast %add3A_362 : i32 to index
        %get3A_449 = arith.constant 112 : index
        %get3A_450 = tpu.vector_load %arg12[%get3A_447, %get3A_448, %get3A_449] {strides = array<i32>} : memref<2x128x128xf32, #tpu.memory_space<vmem>>, vector<16xf32>,
        %get3A_451 = arith.constant 0 : i32
        %get3A_452 = arith.index_cast %get3A_451 : i32 to index
        %get3A_453 = arith.index_cast %add3A_362 : i32 to index
        %get3A_454 = arith.constant 112 : index
        %get3A_455 = tpu.vector_load %arg13[%get3A_452, %get3A_453, %get3A_454] {strides = array<i32>} : memref<2x128x128xf32, #tpu.memory_space<vmem>>, vector<16xf32>,
        %mul3A_456 = arith.mulf %get3A_450, %get3A_455 : vector<16xf32>
        %add3A_457 = arith.addf %add3A_445, %mul3A_456 : vector<16xf32>
        %add3A_458 = arith.constant 1 : i32
        %add3A_459 = vector.broadcast %add3A_458 : i32 to vector<16xi32>
        %add3A_460 = arith.addi %mul3A_177, %add3A_459 : vector<16xi32>
        tpu.vector_store_idx %arg17[%add3A_460], %add3A_457 : memref<256xf32, #tpu.memory_space<vmem>>[vector<16xi32>], vector<16xf32>,
        %add3A_461 = arith.constant 2 : i32
        %add3A_462 = arith.addi %mul3A_260, %add3A_461 : i32
        %get3A_463 = arith.constant 0 : i32
        %get3A_464 = arith.index_cast %get3A_463 : i32 to index
        %get3A_465 = arith.index_cast %add3A_462 : i32 to index
        %get3A_466 = arith.constant 0 : index
        %get3A_467 = tpu.vector_load %arg12[%get3A_464, %get3A_465, %get3A_466] {strides = array<i32>} : memref<2x128x128xf32, #tpu.memory_space<vmem>>, vector<16xf32>,
        %get3A_468 = arith.constant 0 : i32
        %get3A_469 = arith.index_cast %get3A_468 : i32 to index
        %get3A_470 = arith.index_cast %add3A_462 : i32 to index
        %get3A_471 = arith.constant 0 : index
        %get3A_472 = tpu.vector_load %arg13[%get3A_469, %get3A_470, %get3A_471] {strides = array<i32>} : memref<2x128x128xf32, #tpu.memory_space<vmem>>, vector<16xf32>,
        %mul3A_473 = arith.mulf %get3A_467, %get3A_472 : vector<16xf32>
        %get3A_474 = arith.constant 0 : i32
        %get3A_475 = arith.index_cast %get3A_474 : i32 to index
        %get3A_476 = arith.index_cast %add3A_462 : i32 to index
        %get3A_477 = arith.constant 16 : index
        %get3A_478 = tpu.vector_load %arg12[%get3A_475, %get3A_476, %get3A_477] {strides = array<i32>} : memref<2x128x128xf32, #tpu.memory_space<vmem>>, vector<16xf32>,
        %get3A_479 = arith.constant 0 : i32
        %get3A_480 = arith.index_cast %get3A_479 : i32 to index
        %get3A_481 = arith.index_cast %add3A_462 : i32 to index
        %get3A_482 = arith.constant 16 : index
        %get3A_483 = tpu.vector_load %arg13[%get3A_480, %get3A_481, %get3A_482] {strides = array<i32>} : memref<2x128x128xf32, #tpu.memory_space<vmem>>, vector<16xf32>,
        %mul3A_484 = arith.mulf %get3A_478, %get3A_483 : vector<16xf32>
        %add3A_485 = arith.addf %mul3A_473, %mul3A_484 : vector<16xf32>
        %get3A_486 = arith.constant 0 : i32
        %get3A_487 = arith.index_cast %get3A_486 : i32 to index
        %get3A_488 = arith.index_cast %add3A_462 : i32 to index
        %get3A_489 = arith.constant 32 : index
        %get3A_490 = tpu.vector_load %arg12[%get3A_487, %get3A_488, %get3A_489] {strides = array<i32>} : memref<2x128x128xf32, #tpu.memory_space<vmem>>, vector<16xf32>,
        %get3A_491 = arith.constant 0 : i32
        %get3A_492 = arith.index_cast %get3A_491 : i32 to index
        %get3A_493 = arith.index_cast %add3A_462 : i32 to index
        %get3A_494 = arith.constant 32 : index
        %get3A_495 = tpu.vector_load %arg13[%get3A_492, %get3A_493, %get3A_494] {strides = array<i32>} : memref<2x128x128xf32, #tpu.memory_space<vmem>>, vector<16xf32>,
        %mul3A_496 = arith.mulf %get3A_490, %get3A_495 : vector<16xf32>
        %add3A_497 = arith.addf %add3A_485, %mul3A_496 : vector<16xf32>
        %get3A_498 = arith.constant 0 : i32
        %get3A_499 = arith.index_cast %get3A_498 : i32 to index
        %get3A_500 = arith.index_cast %add3A_462 : i32 to index
        %get3A_501 = arith.constant 48 : index
        %get3A_502 = tpu.vector_load %arg12[%get3A_499, %get3A_500, %get3A_501] {strides = array<i32>} : memref<2x128x128xf32, #tpu.memory_space<vmem>>, vector<16xf32>,
        %get3A_503 = arith.constant 0 : i32
        %get3A_504 = arith.index_cast %get3A_503 : i32 to index
        %get3A_505 = arith.index_cast %add3A_462 : i32 to index
        %get3A_506 = arith.constant 48 : index
        %get3A_507 = tpu.vector_load %arg13[%get3A_504, %get3A_505, %get3A_506] {strides = array<i32>} : memref<2x128x128xf32, #tpu.memory_space<vmem>>, vector<16xf32>,
        %mul3A_508 = arith.mulf %get3A_502, %get3A_507 : vector<16xf32>
        %add3A_509 = arith.addf %add3A_497, %mul3A_508 : vector<16xf32>
        %get3A_510 = arith.constant 0 : i32
        %get3A_511 = arith.index_cast %get3A_510 : i32 to index
        %get3A_512 = arith.index_cast %add3A_462 : i32 to index
        %get3A_513 = arith.constant 64 : index
        %get3A_514 = tpu.vector_load %arg12[%get3A_511, %get3A_512, %get3A_513] {strides = array<i32>} : memref<2x128x128xf32, #tpu.memory_space<vmem>>, vector<16xf32>,
        %get3A_515 = arith.constant 0 : i32
        %get3A_516 = arith.index_cast %get3A_515 : i32 to index
        %get3A_517 = arith.index_cast %add3A_462 : i32 to index
        %get3A_518 = arith.constant 64 : index
        %get3A_519 = tpu.vector_load %arg13[%get3A_516, %get3A_517, %get3A_518] {strides = array<i32>} : memref<2x128x128xf32, #tpu.memory_space<vmem>>, vector<16xf32>,
        %mul3A_520 = arith.mulf %get3A_514, %get3A_519 : vector<16xf32>
        %add3A_521 = arith.addf %add3A_509, %mul3A_520 : vector<16xf32>
        %get3A_522 = arith.constant 0 : i32
        %get3A_523 = arith.index_cast %get3A_522 : i32 to index
        %get3A_524 = arith.index_cast %add3A_462 : i32 to index
        %get3A_525 = arith.constant 80 : index
        %get3A_526 = tpu.vector_load %arg12[%get3A_523, %get3A_524, %get3A_525] {strides = array<i32>} : memref<2x128x128xf32, #tpu.memory_space<vmem>>, vector<16xf32>,
        %get3A_527 = arith.constant 0 : i32
        %get3A_528 = arith.index_cast %get3A_527 : i32 to index
        %get3A_529 = arith.index_cast %add3A_462 : i32 to index
        %get3A_530 = arith.constant 80 : index
        %get3A_531 = tpu.vector_load %arg13[%get3A_528, %get3A_529, %get3A_530] {strides = array<i32>} : memref<2x128x128xf32, #tpu.memory_space<vmem>>, vector<16xf32>,
        %mul3A_532 = arith.mulf %get3A_526, %get3A_531 : vector<16xf32>
        %add3A_533 = arith.addf %add3A_521, %mul3A_532 : vector<16xf32>
        %get3A_534 = arith.constant 0 : i32
        %get3A_535 = arith.index_cast %get3A_534 : i32 to index
        %get3A_536 = arith.index_cast %add3A_462 : i32 to index
        %get3A_537 = arith.constant 96 : index
        %get3A_538 = tpu.vector_load %arg12[%get3A_535, %get3A_536, %get3A_537] {strides = array<i32>} : memref<2x128x128xf32, #tpu.memory_space<vmem>>, vector<16xf32>,
        %get3A_539 = arith.constant 0 : i32
        %get3A_540 = arith.index_cast %get3A_539 : i32 to index
        %get3A_541 = arith.index_cast %add3A_462 : i32 to index
        %get3A_542 = arith.constant 96 : index
        %get3A_543 = tpu.vector_load %arg13[%get3A_540, %get3A_541, %get3A_542] {strides = array<i32>} : memref<2x128x128xf32, #tpu.memory_space<vmem>>, vector<16xf32>,
        %mul3A_544 = arith.mulf %get3A_538, %get3A_543 : vector<16xf32>
        %add3A_545 = arith.addf %add3A_533, %mul3A_544 : vector<16xf32>
        %get3A_546 = arith.constant 0 : i32
        %get3A_547 = arith.index_cast %get3A_546 : i32 to index
        %get3A_548 = arith.index_cast %add3A_462 : i32 to index
        %get3A_549 = arith.constant 112 : index
        %get3A_550 = tpu.vector_load %arg12[%get3A_547, %get3A_548, %get3A_549] {strides = array<i32>} : memref<2x128x128xf32, #tpu.memory_space<vmem>>, vector<16xf32>,
        %get3A_551 = arith.constant 0 : i32
        %get3A_552 = arith.index_cast %get3A_551 : i32 to index
        %get3A_553 = arith.index_cast %add3A_462 : i32 to index
        %get3A_554 = arith.constant 112 : index
        %get3A_555 = tpu.vector_load %arg13[%get3A_552, %get3A_553, %get3A_554] {strides = array<i32>} : memref<2x128x128xf32, #tpu.memory_space<vmem>>, vector<16xf32>,
        %mul3A_556 = arith.mulf %get3A_550, %get3A_555 : vector<16xf32>
        %add3A_557 = arith.addf %add3A_545, %mul3A_556 : vector<16xf32>
        %add3A_558 = arith.constant 2 : i32
        %add3A_559 = vector.broadcast %add3A_558 : i32 to vector<16xi32>
        %add3A_560 = arith.addi %mul3A_177, %add3A_559 : vector<16xi32>
        tpu.vector_store_idx %arg17[%add3A_560], %add3A_557 : memref<256xf32, #tpu.memory_space<vmem>>[vector<16xi32>], vector<16xf32>,
        %add3A_561 = arith.constant 3 : i32
        %add3A_562 = arith.addi %mul3A_260, %add3A_561 : i32
        %get3A_563 = arith.constant 0 : i32
        %get3A_564 = arith.index_cast %get3A_563 : i32 to index
        %get3A_565 = arith.index_cast %add3A_562 : i32 to index
        %get3A_566 = arith.constant 0 : index
        %get3A_567 = tpu.vector_load %arg12[%get3A_564, %get3A_565, %get3A_566] {strides = array<i32>} : memref<2x128x128xf32, #tpu.memory_space<vmem>>, vector<16xf32>,
        %get3A_568 = arith.constant 0 : i32
        %get3A_569 = arith.index_cast %get3A_568 : i32 to index
        %get3A_570 = arith.index_cast %add3A_562 : i32 to index
        %get3A_571 = arith.constant 0 : index
        %get3A_572 = tpu.vector_load %arg13[%get3A_569, %get3A_570, %get3A_571] {strides = array<i32>} : memref<2x128x128xf32, #tpu.memory_space<vmem>>, vector<16xf32>,
        %mul3A_573 = arith.mulf %get3A_567, %get3A_572 : vector<16xf32>
        %get3A_574 = arith.constant 0 : i32
        %get3A_575 = arith.index_cast %get3A_574 : i32 to index
        %get3A_576 = arith.index_cast %add3A_562 : i32 to index
        %get3A_577 = arith.constant 16 : index
        %get3A_578 = tpu.vector_load %arg12[%get3A_575, %get3A_576, %get3A_577] {strides = array<i32>} : memref<2x128x128xf32, #tpu.memory_space<vmem>>, vector<16xf32>,
        %get3A_579 = arith.constant 0 : i32
        %get3A_580 = arith.index_cast %get3A_579 : i32 to index
        %get3A_581 = arith.index_cast %add3A_562 : i32 to index
        %get3A_582 = arith.constant 16 : index
        %get3A_583 = tpu.vector_load %arg13[%get3A_580, %get3A_581, %get3A_582] {strides = array<i32>} : memref<2x128x128xf32, #tpu.memory_space<vmem>>, vector<16xf32>,
        %mul3A_584 = arith.mulf %get3A_578, %get3A_583 : vector<16xf32>
        %add3A_585 = arith.addf %mul3A_573, %mul3A_584 : vector<16xf32>
        %get3A_586 = arith.constant 0 : i32
        %get3A_587 = arith.index_cast %get3A_586 : i32 to index
        %get3A_588 = arith.index_cast %add3A_562 : i32 to index
        %get3A_589 = arith.constant 32 : index
        %get3A_590 = tpu.vector_load %arg12[%get3A_587, %get3A_588, %get3A_589] {strides = array<i32>} : memref<2x128x128xf32, #tpu.memory_space<vmem>>, vector<16xf32>,
        %get3A_591 = arith.constant 0 : i32
        %get3A_592 = arith.index_cast %get3A_591 : i32 to index
        %get3A_593 = arith.index_cast %add3A_562 : i32 to index
        %get3A_594 = arith.constant 32 : index
        %get3A_595 = tpu.vector_load %arg13[%get3A_592, %get3A_593, %get3A_594] {strides = array<i32>} : memref<2x128x128xf32, #tpu.memory_space<vmem>>, vector<16xf32>,
        %mul3A_596 = arith.mulf %get3A_590, %get3A_595 : vector<16xf32>
        %add3A_597 = arith.addf %add3A_585, %mul3A_596 : vector<16xf32>
        %get3A_598 = arith.constant 0 : i32
        %get3A_599 = arith.index_cast %get3A_598 : i32 to index
        %get3A_600 = arith.index_cast %add3A_562 : i32 to index
        %get3A_601 = arith.constant 48 : index
        %get3A_602 = tpu.vector_load %arg12[%get3A_599, %get3A_600, %get3A_601] {strides = array<i32>} : memref<2x128x128xf32, #tpu.memory_space<vmem>>, vector<16xf32>,
        %get3A_603 = arith.constant 0 : i32
        %get3A_604 = arith.index_cast %get3A_603 : i32 to index
        %get3A_605 = arith.index_cast %add3A_562 : i32 to index
        %get3A_606 = arith.constant 48 : index
        %get3A_607 = tpu.vector_load %arg13[%get3A_604, %get3A_605, %get3A_606] {strides = array<i32>} : memref<2x128x128xf32, #tpu.memory_space<vmem>>, vector<16xf32>,
        %mul3A_608 = arith.mulf %get3A_602, %get3A_607 : vector<16xf32>
        %add3A_609 = arith.addf %add3A_597, %mul3A_608 : vector<16xf32>
        %get3A_610 = arith.constant 0 : i32
        %get3A_611 = arith.index_cast %get3A_610 : i32 to index
        %get3A_612 = arith.index_cast %add3A_562 : i32 to index
        %get3A_613 = arith.constant 64 : index
        %get3A_614 = tpu.vector_load %arg12[%get3A_611, %get3A_612, %get3A_613] {strides = array<i32>} : memref<2x128x128xf32, #tpu.memory_space<vmem>>, vector<16xf32>,
        %get3A_615 = arith.constant 0 : i32
        %get3A_616 = arith.index_cast %get3A_615 : i32 to index
        %get3A_617 = arith.index_cast %add3A_562 : i32 to index
        %get3A_618 = arith.constant 64 : index
        %get3A_619 = tpu.vector_load %arg13[%get3A_616, %get3A_617, %get3A_618] {strides = array<i32>} : memref<2x128x128xf32, #tpu.memory_space<vmem>>, vector<16xf32>,
        %mul3A_620 = arith.mulf %get3A_614, %get3A_619 : vector<16xf32>
        %add3A_621 = arith.addf %add3A_609, %mul3A_620 : vector<16xf32>
        %get3A_622 = arith.constant 0 : i32
        %get3A_623 = arith.index_cast %get3A_622 : i32 to index
        %get3A_624 = arith.index_cast %add3A_562 : i32 to index
        %get3A_625 = arith.constant 80 : index
        %get3A_626 = tpu.vector_load %arg12[%get3A_623, %get3A_624, %get3A_625] {strides = array<i32>} : memref<2x128x128xf32, #tpu.memory_space<vmem>>, vector<16xf32>,
        %get3A_627 = arith.constant 0 : i32
        %get3A_628 = arith.index_cast %get3A_627 : i32 to index
        %get3A_629 = arith.index_cast %add3A_562 : i32 to index
        %get3A_630 = arith.constant 80 : index
        %get3A_631 = tpu.vector_load %arg13[%get3A_628, %get3A_629, %get3A_630] {strides = array<i32>} : memref<2x128x128xf32, #tpu.memory_space<vmem>>, vector<16xf32>,
        %mul3A_632 = arith.mulf %get3A_626, %get3A_631 : vector<16xf32>
        %add3A_633 = arith.addf %add3A_621, %mul3A_632 : vector<16xf32>
        %get3A_634 = arith.constant 0 : i32
        %get3A_635 = arith.index_cast %get3A_634 : i32 to index
        %get3A_636 = arith.index_cast %add3A_562 : i32 to index
        %get3A_637 = arith.constant 96 : index
        %get3A_638 = tpu.vector_load %arg12[%get3A_635, %get3A_636, %get3A_637] {strides = array<i32>} : memref<2x128x128xf32, #tpu.memory_space<vmem>>, vector<16xf32>,
        %get3A_639 = arith.constant 0 : i32
        %get3A_640 = arith.index_cast %get3A_639 : i32 to index
        %get3A_641 = arith.index_cast %add3A_562 : i32 to index
        %get3A_642 = arith.constant 96 : index
        %get3A_643 = tpu.vector_load %arg13[%get3A_640, %get3A_641, %get3A_642] {strides = array<i32>} : memref<2x128x128xf32, #tpu.memory_space<vmem>>, vector<16xf32>,
        %mul3A_644 = arith.mulf %get3A_638, %get3A_643 : vector<16xf32>
        %add3A_645 = arith.addf %add3A_633, %mul3A_644 : vector<16xf32>
        %get3A_646 = arith.constant 0 : i32
        %get3A_647 = arith.index_cast %get3A_646 : i32 to index
        %get3A_648 = arith.index_cast %add3A_562 : i32 to index
        %get3A_649 = arith.constant 112 : index
        %get3A_650 = tpu.vector_load %arg12[%get3A_647, %get3A_648, %get3A_649] {strides = array<i32>} : memref<2x128x128xf32, #tpu.memory_space<vmem>>, vector<16xf32>,
        %get3A_651 = arith.constant 0 : i32
        %get3A_652 = arith.index_cast %get3A_651 : i32 to index
        %get3A_653 = arith.index_cast %add3A_562 : i32 to index
        %get3A_654 = arith.constant 112 : index
        %get3A_655 = tpu.vector_load %arg13[%get3A_652, %get3A_653, %get3A_654] {strides = array<i32>} : memref<2x128x128xf32, #tpu.memory_space<vmem>>, vector<16xf32>,
        %mul3A_656 = arith.mulf %get3A_650, %get3A_655 : vector<16xf32>
        %add3A_657 = arith.addf %add3A_645, %mul3A_656 : vector<16xf32>
        %add3A_658 = arith.constant 3 : i32
        %add3A_659 = vector.broadcast %add3A_658 : i32 to vector<16xi32>
        %add3A_660 = arith.addi %mul3A_177, %add3A_659 : vector<16xi32>
        tpu.vector_store_idx %arg17[%add3A_660], %add3A_657 : memref<256xf32, #tpu.memory_space<vmem>>[vector<16xi32>], vector<16xf32>,
        %add3A_661 = arith.constant 4 : i32
        %add3A_662 = arith.addi %mul3A_260, %add3A_661 : i32
        %get3A_663 = arith.constant 0 : i32
        %get3A_664 = arith.index_cast %get3A_663 : i32 to index
        %get3A_665 = arith.index_cast %add3A_662 : i32 to index
        %get3A_666 = arith.constant 0 : index
        %get3A_667 = tpu.vector_load %arg12[%get3A_664, %get3A_665, %get3A_666] {strides = array<i32>} : memref<2x128x128xf32, #tpu.memory_space<vmem>>, vector<16xf32>,
        %get3A_668 = arith.constant 0 : i32
        %get3A_669 = arith.index_cast %get3A_668 : i32 to index
        %get3A_670 = arith.index_cast %add3A_662 : i32 to index
        %get3A_671 = arith.constant 0 : index
        %get3A_672 = tpu.vector_load %arg13[%get3A_669, %get3A_670, %get3A_671] {strides = array<i32>} : memref<2x128x128xf32, #tpu.memory_space<vmem>>, vector<16xf32>,
        %mul3A_673 = arith.mulf %get3A_667, %get3A_672 : vector<16xf32>
        %get3A_674 = arith.constant 0 : i32
        %get3A_675 = arith.index_cast %get3A_674 : i32 to index
        %get3A_676 = arith.index_cast %add3A_662 : i32 to index
        %get3A_677 = arith.constant 16 : index
        %get3A_678 = tpu.vector_load %arg12[%get3A_675, %get3A_676, %get3A_677] {strides = array<i32>} : memref<2x128x128xf32, #tpu.memory_space<vmem>>, vector<16xf32>,
        %get3A_679 = arith.constant 0 : i32
        %get3A_680 = arith.index_cast %get3A_679 : i32 to index
        %get3A_681 = arith.index_cast %add3A_662 : i32 to index
        %get3A_682 = arith.constant 16 : index
        %get3A_683 = tpu.vector_load %arg13[%get3A_680, %get3A_681, %get3A_682] {strides = array<i32>} : memref<2x128x128xf32, #tpu.memory_space<vmem>>, vector<16xf32>,
        %mul3A_684 = arith.mulf %get3A_678, %get3A_683 : vector<16xf32>
        %add3A_685 = arith.addf %mul3A_673, %mul3A_684 : vector<16xf32>
        %get3A_686 = arith.constant 0 : i32
        %get3A_687 = arith.index_cast %get3A_686 : i32 to index
        %get3A_688 = arith.index_cast %add3A_662 : i32 to index
        %get3A_689 = arith.constant 32 : index
        %get3A_690 = tpu.vector_load %arg12[%get3A_687, %get3A_688, %get3A_689] {strides = array<i32>} : memref<2x128x128xf32, #tpu.memory_space<vmem>>, vector<16xf32>,
        %get3A_691 = arith.constant 0 : i32
        %get3A_692 = arith.index_cast %get3A_691 : i32 to index
        %get3A_693 = arith.index_cast %add3A_662 : i32 to index
        %get3A_694 = arith.constant 32 : index
        %get3A_695 = tpu.vector_load %arg13[%get3A_692, %get3A_693, %get3A_694] {strides = array<i32>} : memref<2x128x128xf32, #tpu.memory_space<vmem>>, vector<16xf32>,
        %mul3A_696 = arith.mulf %get3A_690, %get3A_695 : vector<16xf32>
        %add3A_697 = arith.addf %add3A_685, %mul3A_696 : vector<16xf32>
        %get3A_698 = arith.constant 0 : i32
        %get3A_699 = arith.index_cast %get3A_698 : i32 to index
        %get3A_700 = arith.index_cast %add3A_662 : i32 to index
        %get3A_701 = arith.constant 48 : index
        %get3A_702 = tpu.vector_load %arg12[%get3A_699, %get3A_700, %get3A_701] {strides = array<i32>} : memref<2x128x128xf32, #tpu.memory_space<vmem>>, vector<16xf32>,
        %get3A_703 = arith.constant 0 : i32
        %get3A_704 = arith.index_cast %get3A_703 : i32 to index
        %get3A_705 = arith.index_cast %add3A_662 : i32 to index
        %get3A_706 = arith.constant 48 : index
        %get3A_707 = tpu.vector_load %arg13[%get3A_704, %get3A_705, %get3A_706] {strides = array<i32>} : memref<2x128x128xf32, #tpu.memory_space<vmem>>, vector<16xf32>,
        %mul3A_708 = arith.mulf %get3A_702, %get3A_707 : vector<16xf32>
        %add3A_709 = arith.addf %add3A_697, %mul3A_708 : vector<16xf32>
        %get3A_710 = arith.constant 0 : i32
        %get3A_711 = arith.index_cast %get3A_710 : i32 to index
        %get3A_712 = arith.index_cast %add3A_662 : i32 to index
        %get3A_713 = arith.constant 64 : index
        %get3A_714 = tpu.vector_load %arg12[%get3A_711, %get3A_712, %get3A_713] {strides = array<i32>} : memref<2x128x128xf32, #tpu.memory_space<vmem>>, vector<16xf32>,
        %get3A_715 = arith.constant 0 : i32
        %get3A_716 = arith.index_cast %get3A_715 : i32 to index
        %get3A_717 = arith.index_cast %add3A_662 : i32 to index
        %get3A_718 = arith.constant 64 : index
        %get3A_719 = tpu.vector_load %arg13[%get3A_716, %get3A_717, %get3A_718] {strides = array<i32>} : memref<2x128x128xf32, #tpu.memory_space<vmem>>, vector<16xf32>,
        %mul3A_720 = arith.mulf %get3A_714, %get3A_719 : vector<16xf32>
        %add3A_721 = arith.addf %add3A_709, %mul3A_720 : vector<16xf32>
        %get3A_722 = arith.constant 0 : i32
        %get3A_723 = arith.index_cast %get3A_722 : i32 to index
        %get3A_724 = arith.index_cast %add3A_662 : i32 to index
        %get3A_725 = arith.constant 80 : index
        %get3A_726 = tpu.vector_load %arg12[%get3A_723, %get3A_724, %get3A_725] {strides = array<i32>} : memref<2x128x128xf32, #tpu.memory_space<vmem>>, vector<16xf32>,
        %get3A_727 = arith.constant 0 : i32
        %get3A_728 = arith.index_cast %get3A_727 : i32 to index
        %get3A_729 = arith.index_cast %add3A_662 : i32 to index
        %get3A_730 = arith.constant 80 : index
        %get3A_731 = tpu.vector_load %arg13[%get3A_728, %get3A_729, %get3A_730] {strides = array<i32>} : memref<2x128x128xf32, #tpu.memory_space<vmem>>, vector<16xf32>,
        %mul3A_732 = arith.mulf %get3A_726, %get3A_731 : vector<16xf32>
        %add3A_733 = arith.addf %add3A_721, %mul3A_732 : vector<16xf32>
        %get3A_734 = arith.constant 0 : i32
        %get3A_735 = arith.index_cast %get3A_734 : i32 to index
        %get3A_736 = arith.index_cast %add3A_662 : i32 to index
        %get3A_737 = arith.constant 96 : index
        %get3A_738 = tpu.vector_load %arg12[%get3A_735, %get3A_736, %get3A_737] {strides = array<i32>} : memref<2x128x128xf32, #tpu.memory_space<vmem>>, vector<16xf32>,
        %get3A_739 = arith.constant 0 : i32
        %get3A_740 = arith.index_cast %get3A_739 : i32 to index
        %get3A_741 = arith.index_cast %add3A_662 : i32 to index
        %get3A_742 = arith.constant 96 : index
        %get3A_743 = tpu.vector_load %arg13[%get3A_740, %get3A_741, %get3A_742] {strides = array<i32>} : memref<2x128x128xf32, #tpu.memory_space<vmem>>, vector<16xf32>,
        %mul3A_744 = arith.mulf %get3A_738, %get3A_743 : vector<16xf32>
        %add3A_745 = arith.addf %add3A_733, %mul3A_744 : vector<16xf32>
        %get3A_746 = arith.constant 0 : i32
        %get3A_747 = arith.index_cast %get3A_746 : i32 to index
        %get3A_748 = arith.index_cast %add3A_662 : i32 to index
        %get3A_749 = arith.constant 112 : index
        %get3A_750 = tpu.vector_load %arg12[%get3A_747, %get3A_748, %get3A_749] {strides = array<i32>} : memref<2x128x128xf32, #tpu.memory_space<vmem>>, vector<16xf32>,
        %get3A_751 = arith.constant 0 : i32
        %get3A_752 = arith.index_cast %get3A_751 : i32 to index
        %get3A_753 = arith.index_cast %add3A_662 : i32 to index
        %get3A_754 = arith.constant 112 : index
        %get3A_755 = tpu.vector_load %arg13[%get3A_752, %get3A_753, %get3A_754] {strides = array<i32>} : memref<2x128x128xf32, #tpu.memory_space<vmem>>, vector<16xf32>,
        %mul3A_756 = arith.mulf %get3A_750, %get3A_755 : vector<16xf32>
        %add3A_757 = arith.addf %add3A_745, %mul3A_756 : vector<16xf32>
        %add3A_758 = arith.constant 4 : i32
        %add3A_759 = vector.broadcast %add3A_758 : i32 to vector<16xi32>
        %add3A_760 = arith.addi %mul3A_177, %add3A_759 : vector<16xi32>
        tpu.vector_store_idx %arg17[%add3A_760], %add3A_757 : memref<256xf32, #tpu.memory_space<vmem>>[vector<16xi32>], vector<16xf32>,
        %add3A_761 = arith.constant 5 : i32
        %add3A_762 = arith.addi %mul3A_260, %add3A_761 : i32
        %get3A_763 = arith.constant 0 : i32
        %get3A_764 = arith.index_cast %get3A_763 : i32 to index
        %get3A_765 = arith.index_cast %add3A_762 : i32 to index
        %get3A_766 = arith.constant 0 : index
        %get3A_767 = tpu.vector_load %arg12[%get3A_764, %get3A_765, %get3A_766] {strides = array<i32>} : memref<2x128x128xf32, #tpu.memory_space<vmem>>, vector<16xf32>,
        %get3A_768 = arith.constant 0 : i32
        %get3A_769 = arith.index_cast %get3A_768 : i32 to index
        %get3A_770 = arith.index_cast %add3A_762 : i32 to index
        %get3A_771 = arith.constant 0 : index
        %get3A_772 = tpu.vector_load %arg13[%get3A_769, %get3A_770, %get3A_771] {strides = array<i32>} : memref<2x128x128xf32, #tpu.memory_space<vmem>>, vector<16xf32>,
        %mul3A_773 = arith.mulf %get3A_767, %get3A_772 : vector<16xf32>
        %get3A_774 = arith.constant 0 : i32
        %get3A_775 = arith.index_cast %get3A_774 : i32 to index
        %get3A_776 = arith.index_cast %add3A_762 : i32 to index
        %get3A_777 = arith.constant 16 : index
        %get3A_778 = tpu.vector_load %arg12[%get3A_775, %get3A_776, %get3A_777] {strides = array<i32>} : memref<2x128x128xf32, #tpu.memory_space<vmem>>, vector<16xf32>,
        %get3A_779 = arith.constant 0 : i32
        %get3A_780 = arith.index_cast %get3A_779 : i32 to index
        %get3A_781 = arith.index_cast %add3A_762 : i32 to index
        %get3A_782 = arith.constant 16 : index
        %get3A_783 = tpu.vector_load %arg13[%get3A_780, %get3A_781, %get3A_782] {strides = array<i32>} : memref<2x128x128xf32, #tpu.memory_space<vmem>>, vector<16xf32>,
        %mul3A_784 = arith.mulf %get3A_778, %get3A_783 : vector<16xf32>
        %add3A_785 = arith.addf %mul3A_773, %mul3A_784 : vector<16xf32>
        %get3A_786 = arith.constant 0 : i32
        %get3A_787 = arith.index_cast %get3A_786 : i32 to index
        %get3A_788 = arith.index_cast %add3A_762 : i32 to index
        %get3A_789 = arith.constant 32 : index
        %get3A_790 = tpu.vector_load %arg12[%get3A_787, %get3A_788, %get3A_789] {strides = array<i32>} : memref<2x128x128xf32, #tpu.memory_space<vmem>>, vector<16xf32>,
        %get3A_791 = arith.constant 0 : i32
        %get3A_792 = arith.index_cast %get3A_791 : i32 to index
        %get3A_793 = arith.index_cast %add3A_762 : i32 to index
        %get3A_794 = arith.constant 32 : index
        %get3A_795 = tpu.vector_load %arg13[%get3A_792, %get3A_793, %get3A_794] {strides = array<i32>} : memref<2x128x128xf32, #tpu.memory_space<vmem>>, vector<16xf32>,
        %mul3A_796 = arith.mulf %get3A_790, %get3A_795 : vector<16xf32>
        %add3A_797 = arith.addf %add3A_785, %mul3A_796 : vector<16xf32>
        %get3A_798 = arith.constant 0 : i32
        %get3A_799 = arith.index_cast %get3A_798 : i32 to index
        %get3A_800 = arith.index_cast %add3A_762 : i32 to index
        %get3A_801 = arith.constant 48 : index
        %get3A_802 = tpu.vector_load %arg12[%get3A_799, %get3A_800, %get3A_801] {strides = array<i32>} : memref<2x128x128xf32, #tpu.memory_space<vmem>>, vector<16xf32>,
        %get3A_803 = arith.constant 0 : i32
        %get3A_804 = arith.index_cast %get3A_803 : i32 to index
        %get3A_805 = arith.index_cast %add3A_762 : i32 to index
        %get3A_806 = arith.constant 48 : index
        %get3A_807 = tpu.vector_load %arg13[%get3A_804, %get3A_805, %get3A_806] {strides = array<i32>} : memref<2x128x128xf32, #tpu.memory_space<vmem>>, vector<16xf32>,
        %mul3A_808 = arith.mulf %get3A_802, %get3A_807 : vector<16xf32>
        %add3A_809 = arith.addf %add3A_797, %mul3A_808 : vector<16xf32>
        %get3A_810 = arith.constant 0 : i32
        %get3A_811 = arith.index_cast %get3A_810 : i32 to index
        %get3A_812 = arith.index_cast %add3A_762 : i32 to index
        %get3A_813 = arith.constant 64 : index
        %get3A_814 = tpu.vector_load %arg12[%get3A_811, %get3A_812, %get3A_813] {strides = array<i32>} : memref<2x128x128xf32, #tpu.memory_space<vmem>>, vector<16xf32>,
        %get3A_815 = arith.constant 0 : i32
        %get3A_816 = arith.index_cast %get3A_815 : i32 to index
        %get3A_817 = arith.index_cast %add3A_762 : i32 to index
        %get3A_818 = arith.constant 64 : index
        %get3A_819 = tpu.vector_load %arg13[%get3A_816, %get3A_817, %get3A_818] {strides = array<i32>} : memref<2x128x128xf32, #tpu.memory_space<vmem>>, vector<16xf32>,
        %mul3A_820 = arith.mulf %get3A_814, %get3A_819 : vector<16xf32>
        %add3A_821 = arith.addf %add3A_809, %mul3A_820 : vector<16xf32>
        %get3A_822 = arith.constant 0 : i32
        %get3A_823 = arith.index_cast %get3A_822 : i32 to index
        %get3A_824 = arith.index_cast %add3A_762 : i32 to index
        %get3A_825 = arith.constant 80 : index
        %get3A_826 = tpu.vector_load %arg12[%get3A_823, %get3A_824, %get3A_825] {strides = array<i32>} : memref<2x128x128xf32, #tpu.memory_space<vmem>>, vector<16xf32>,
        %get3A_827 = arith.constant 0 : i32
        %get3A_828 = arith.index_cast %get3A_827 : i32 to index
        %get3A_829 = arith.index_cast %add3A_762 : i32 to index
        %get3A_830 = arith.constant 80 : index
        %get3A_831 = tpu.vector_load %arg13[%get3A_828, %get3A_829, %get3A_830] {strides = array<i32>} : memref<2x128x128xf32, #tpu.memory_space<vmem>>, vector<16xf32>,
        %mul3A_832 = arith.mulf %get3A_826, %get3A_831 : vector<16xf32>
        %add3A_833 = arith.addf %add3A_821, %mul3A_832 : vector<16xf32>
        %get3A_834 = arith.constant 0 : i32
        %get3A_835 = arith.index_cast %get3A_834 : i32 to index
        %get3A_836 = arith.index_cast %add3A_762 : i32 to index
        %get3A_837 = arith.constant 96 : index
        %get3A_838 = tpu.vector_load %arg12[%get3A_835, %get3A_836, %get3A_837] {strides = array<i32>} : memref<2x128x128xf32, #tpu.memory_space<vmem>>, vector<16xf32>,
        %get3A_839 = arith.constant 0 : i32
        %get3A_840 = arith.index_cast %get3A_839 : i32 to index
        %get3A_841 = arith.index_cast %add3A_762 : i32 to index
        %get3A_842 = arith.constant 96 : index
        %get3A_843 = tpu.vector_load %arg13[%get3A_840, %get3A_841, %get3A_842] {strides = array<i32>} : memref<2x128x128xf32, #tpu.memory_space<vmem>>, vector<16xf32>,
        %mul3A_844 = arith.mulf %get3A_838, %get3A_843 : vector<16xf32>
        %add3A_845 = arith.addf %add3A_833, %mul3A_844 : vector<16xf32>
        %get3A_846 = arith.constant 0 : i32
        %get3A_847 = arith.index_cast %get3A_846 : i32 to index
        %get3A_848 = arith.index_cast %add3A_762 : i32 to index
        %get3A_849 = arith.constant 112 : index
        %get3A_850 = tpu.vector_load %arg12[%get3A_847, %get3A_848, %get3A_849] {strides = array<i32>} : memref<2x128x128xf32, #tpu.memory_space<vmem>>, vector<16xf32>,
        %get3A_851 = arith.constant 0 : i32
        %get3A_852 = arith.index_cast %get3A_851 : i32 to index
        %get3A_853 = arith.index_cast %add3A_762 : i32 to index
        %get3A_854 = arith.constant 112 : index
        %get3A_855 = tpu.vector_load %arg13[%get3A_852, %get3A_853, %get3A_854] {strides = array<i32>} : memref<2x128x128xf32, #tpu.memory_space<vmem>>, vector<16xf32>,
        %mul3A_856 = arith.mulf %get3A_850, %get3A_855 : vector<16xf32>
        %add3A_857 = arith.addf %add3A_845, %mul3A_856 : vector<16xf32>
        %add3A_858 = arith.constant 5 : i32
        %add3A_859 = vector.broadcast %add3A_858 : i32 to vector<16xi32>
        %add3A_860 = arith.addi %mul3A_177, %add3A_859 : vector<16xi32>
        tpu.vector_store_idx %arg17[%add3A_860], %add3A_857 : memref<256xf32, #tpu.memory_space<vmem>>[vector<16xi32>], vector<16xf32>,
        %add3A_861 = arith.constant 6 : i32
        %add3A_862 = arith.addi %mul3A_260, %add3A_861 : i32
        %get3A_863 = arith.constant 0 : i32
        %get3A_864 = arith.index_cast %get3A_863 : i32 to index
        %get3A_865 = arith.index_cast %add3A_862 : i32 to index
        %get3A_866 = arith.constant 0 : index
        %get3A_867 = tpu.vector_load %arg12[%get3A_864, %get3A_865, %get3A_866] {strides = array<i32>} : memref<2x128x128xf32, #tpu.memory_space<vmem>>, vector<16xf32>,
        %get3A_868 = arith.constant 0 : i32
        %get3A_869 = arith.index_cast %get3A_868 : i32 to index
        %get3A_870 = arith.index_cast %add3A_862 : i32 to index
        %get3A_871 = arith.constant 0 : index
        %get3A_872 = tpu.vector_load %arg13[%get3A_869, %get3A_870, %get3A_871] {strides = array<i32>} : memref<2x128x128xf32, #tpu.memory_space<vmem>>, vector<16xf32>,
        %mul3A_873 = arith.mulf %get3A_867, %get3A_872 : vector<16xf32>
        %get3A_874 = arith.constant 0 : i32
        %get3A_875 = arith.index_cast %get3A_874 : i32 to index
        %get3A_876 = arith.index_cast %add3A_862 : i32 to index
        %get3A_877 = arith.constant 16 : index
        %get3A_878 = tpu.vector_load %arg12[%get3A_875, %get3A_876, %get3A_877] {strides = array<i32>} : memref<2x128x128xf32, #tpu.memory_space<vmem>>, vector<16xf32>,
        %get3A_879 = arith.constant 0 : i32
        %get3A_880 = arith.index_cast %get3A_879 : i32 to index
        %get3A_881 = arith.index_cast %add3A_862 : i32 to index
        %get3A_882 = arith.constant 16 : index
        %get3A_883 = tpu.vector_load %arg13[%get3A_880, %get3A_881, %get3A_882] {strides = array<i32>} : memref<2x128x128xf32, #tpu.memory_space<vmem>>, vector<16xf32>,
        %mul3A_884 = arith.mulf %get3A_878, %get3A_883 : vector<16xf32>
        %add3A_885 = arith.addf %mul3A_873, %mul3A_884 : vector<16xf32>
        %get3A_886 = arith.constant 0 : i32
        %get3A_887 = arith.index_cast %get3A_886 : i32 to index
        %get3A_888 = arith.index_cast %add3A_862 : i32 to index
        %get3A_889 = arith.constant 32 : index
        %get3A_890 = tpu.vector_load %arg12[%get3A_887, %get3A_888, %get3A_889] {strides = array<i32>} : memref<2x128x128xf32, #tpu.memory_space<vmem>>, vector<16xf32>,
        %get3A_891 = arith.constant 0 : i32
        %get3A_892 = arith.index_cast %get3A_891 : i32 to index
        %get3A_893 = arith.index_cast %add3A_862 : i32 to index
        %get3A_894 = arith.constant 32 : index
        %get3A_895 = tpu.vector_load %arg13[%get3A_892, %get3A_893, %get3A_894] {strides = array<i32>} : memref<2x128x128xf32, #tpu.memory_space<vmem>>, vector<16xf32>,
        %mul3A_896 = arith.mulf %get3A_890, %get3A_895 : vector<16xf32>
        %add3A_897 = arith.addf %add3A_885, %mul3A_896 : vector<16xf32>
        %get3A_898 = arith.constant 0 : i32
        %get3A_899 = arith.index_cast %get3A_898 : i32 to index
        %get3A_900 = arith.index_cast %add3A_862 : i32 to index
        %get3A_901 = arith.constant 48 : index
        %get3A_902 = tpu.vector_load %arg12[%get3A_899, %get3A_900, %get3A_901] {strides = array<i32>} : memref<2x128x128xf32, #tpu.memory_space<vmem>>, vector<16xf32>,
        %get3A_903 = arith.constant 0 : i32
        %get3A_904 = arith.index_cast %get3A_903 : i32 to index
        %get3A_905 = arith.index_cast %add3A_862 : i32 to index
        %get3A_906 = arith.constant 48 : index
        %get3A_907 = tpu.vector_load %arg13[%get3A_904, %get3A_905, %get3A_906] {strides = array<i32>} : memref<2x128x128xf32, #tpu.memory_space<vmem>>, vector<16xf32>,
        %mul3A_908 = arith.mulf %get3A_902, %get3A_907 : vector<16xf32>
        %add3A_909 = arith.addf %add3A_897, %mul3A_908 : vector<16xf32>
        %get3A_910 = arith.constant 0 : i32
        %get3A_911 = arith.index_cast %get3A_910 : i32 to index
        %get3A_912 = arith.index_cast %add3A_862 : i32 to index
        %get3A_913 = arith.constant 64 : index
        %get3A_914 = tpu.vector_load %arg12[%get3A_911, %get3A_912, %get3A_913] {strides = array<i32>} : memref<2x128x128xf32, #tpu.memory_space<vmem>>, vector<16xf32>,
        %get3A_915 = arith.constant 0 : i32
        %get3A_916 = arith.index_cast %get3A_915 : i32 to index
        %get3A_917 = arith.index_cast %add3A_862 : i32 to index
        %get3A_918 = arith.constant 64 : index
        %get3A_919 = tpu.vector_load %arg13[%get3A_916, %get3A_917, %get3A_918] {strides = array<i32>} : memref<2x128x128xf32, #tpu.memory_space<vmem>>, vector<16xf32>,
        %mul3A_920 = arith.mulf %get3A_914, %get3A_919 : vector<16xf32>
        %add3A_921 = arith.addf %add3A_909, %mul3A_920 : vector<16xf32>
        %get3A_922 = arith.constant 0 : i32
        %get3A_923 = arith.index_cast %get3A_922 : i32 to index
        %get3A_924 = arith.index_cast %add3A_862 : i32 to index
        %get3A_925 = arith.constant 80 : index
        %get3A_926 = tpu.vector_load %arg12[%get3A_923, %get3A_924, %get3A_925] {strides = array<i32>} : memref<2x128x128xf32, #tpu.memory_space<vmem>>, vector<16xf32>,
        %get3A_927 = arith.constant 0 : i32
        %get3A_928 = arith.index_cast %get3A_927 : i32 to index
        %get3A_929 = arith.index_cast %add3A_862 : i32 to index
        %get3A_930 = arith.constant 80 : index
        %get3A_931 = tpu.vector_load %arg13[%get3A_928, %get3A_929, %get3A_930] {strides = array<i32>} : memref<2x128x128xf32, #tpu.memory_space<vmem>>, vector<16xf32>,
        %mul3A_932 = arith.mulf %get3A_926, %get3A_931 : vector<16xf32>
        %add3A_933 = arith.addf %add3A_921, %mul3A_932 : vector<16xf32>
        %get3A_934 = arith.constant 0 : i32
        %get3A_935 = arith.index_cast %get3A_934 : i32 to index
        %get3A_936 = arith.index_cast %add3A_862 : i32 to index
        %get3A_937 = arith.constant 96 : index
        %get3A_938 = tpu.vector_load %arg12[%get3A_935, %get3A_936, %get3A_937] {strides = array<i32>} : memref<2x128x128xf32, #tpu.memory_space<vmem>>, vector<16xf32>,
        %get3A_939 = arith.constant 0 : i32
        %get3A_940 = arith.index_cast %get3A_939 : i32 to index
        %get3A_941 = arith.index_cast %add3A_862 : i32 to index
        %get3A_942 = arith.constant 96 : index
        %get3A_943 = tpu.vector_load %arg13[%get3A_940, %get3A_941, %get3A_942] {strides = array<i32>} : memref<2x128x128xf32, #tpu.memory_space<vmem>>, vector<16xf32>,
        %mul3A_944 = arith.mulf %get3A_938, %get3A_943 : vector<16xf32>
        %add3A_945 = arith.addf %add3A_933, %mul3A_944 : vector<16xf32>
        %get3A_946 = arith.constant 0 : i32
        %get3A_947 = arith.index_cast %get3A_946 : i32 to index
        %get3A_948 = arith.index_cast %add3A_862 : i32 to index
        %get3A_949 = arith.constant 112 : index
        %get3A_950 = tpu.vector_load %arg12[%get3A_947, %get3A_948, %get3A_949] {strides = array<i32>} : memref<2x128x128xf32, #tpu.memory_space<vmem>>, vector<16xf32>,
        %get3A_951 = arith.constant 0 : i32
        %get3A_952 = arith.index_cast %get3A_951 : i32 to index
        %get3A_953 = arith.index_cast %add3A_862 : i32 to index
        %get3A_954 = arith.constant 112 : index
        %get3A_955 = tpu.vector_load %arg13[%get3A_952, %get3A_953, %get3A_954] {strides = array<i32>} : memref<2x128x128xf32, #tpu.memory_space<vmem>>, vector<16xf32>,
        %mul3A_956 = arith.mulf %get3A_950, %get3A_955 : vector<16xf32>
        %add3A_957 = arith.addf %add3A_945, %mul3A_956 : vector<16xf32>
        %add3A_958 = arith.constant 6 : i32
        %add3A_959 = vector.broadcast %add3A_958 : i32 to vector<16xi32>
        %add3A_960 = arith.addi %mul3A_177, %add3A_959 : vector<16xi32>
        tpu.vector_store_idx %arg17[%add3A_960], %add3A_957 : memref<256xf32, #tpu.memory_space<vmem>>[vector<16xi32>], vector<16xf32>,
        %add3A_961 = arith.constant 7 : i32
        %add3A_962 = arith.addi %mul3A_260, %add3A_961 : i32
        %get3A_963 = arith.constant 0 : i32
        %get3A_964 = arith.index_cast %get3A_963 : i32 to index
        %get3A_965 = arith.index_cast %add3A_962 : i32 to index
        %get3A_966 = arith.constant 0 : index
        %get3A_967 = tpu.vector_load %arg12[%get3A_964, %get3A_965, %get3A_966] {strides = array<i32>} : memref<2x128x128xf32, #tpu.memory_space<vmem>>, vector<16xf32>,
        %get3A_968 = arith.constant 0 : i32
        %get3A_969 = arith.index_cast %get3A_968 : i32 to index
        %get3A_970 = arith.index_cast %add3A_962 : i32 to index
        %get3A_971 = arith.constant 0 : index
        %get3A_972 = tpu.vector_load %arg13[%get3A_969, %get3A_970, %get3A_971] {strides = array<i32>} : memref<2x128x128xf32, #tpu.memory_space<vmem>>, vector<16xf32>,
        %mul3A_973 = arith.mulf %get3A_967, %get3A_972 : vector<16xf32>
        %get3A_974 = arith.constant 0 : i32
        %get3A_975 = arith.index_cast %get3A_974 : i32 to index
        %get3A_976 = arith.index_cast %add3A_962 : i32 to index
        %get3A_977 = arith.constant 16 : index
        %get3A_978 = tpu.vector_load %arg12[%get3A_975, %get3A_976, %get3A_977] {strides = array<i32>} : memref<2x128x128xf32, #tpu.memory_space<vmem>>, vector<16xf32>,
        %get3A_979 = arith.constant 0 : i32
        %get3A_980 = arith.index_cast %get3A_979 : i32 to index
        %get3A_981 = arith.index_cast %add3A_962 : i32 to index
        %get3A_982 = arith.constant 16 : index
        %get3A_983 = tpu.vector_load %arg13[%get3A_980, %get3A_981, %get3A_982] {strides = array<i32>} : memref<2x128x128xf32, #tpu.memory_space<vmem>>, vector<16xf32>,
        %mul3A_984 = arith.mulf %get3A_978, %get3A_983 : vector<16xf32>
        %add3A_985 = arith.addf %mul3A_973, %mul3A_984 : vector<16xf32>
        %get3A_986 = arith.constant 0 : i32
        %get3A_987 = arith.index_cast %get3A_986 : i32 to index
        %get3A_988 = arith.index_cast %add3A_962 : i32 to index
        %get3A_989 = arith.constant 32 : index
        %get3A_990 = tpu.vector_load %arg12[%get3A_987, %get3A_988, %get3A_989] {strides = array<i32>} : memref<2x128x128xf32, #tpu.memory_space<vmem>>, vector<16xf32>,
        %get3A_991 = arith.constant 0 : i32
        %get3A_992 = arith.index_cast %get3A_991 : i32 to index
        %get3A_993 = arith.index_cast %add3A_962 : i32 to index
        %get3A_994 = arith.constant 32 : index
        %get3A_995 = tpu.vector_load %arg13[%get3A_992, %get3A_993, %get3A_994] {strides = array<i32>} : memref<2x128x128xf32, #tpu.memory_space<vmem>>, vector<16xf32>,
        %mul3A_996 = arith.mulf %get3A_990, %get3A_995 : vector<16xf32>
        %add3A_997 = arith.addf %add3A_985, %mul3A_996 : vector<16xf32>
        %get3A_998 = arith.constant 0 : i32
        %get3A_999 = arith.index_cast %get3A_998 : i32 to index
        %get3A_1000 = arith.index_cast %add3A_962 : i32 to index
        %get3A_1001 = arith.constant 48 : index
        %get3A_1002 = tpu.vector_load %arg12[%get3A_999, %get3A_1000, %get3A_1001] {strides = array<i32>} : memref<2x128x128xf32, #tpu.memory_space<vmem>>, vector<16xf32>,
        %get3A_1003 = arith.constant 0 : i32
        %get3A_1004 = arith.index_cast %get3A_1003 : i32 to index
        %get3A_1005 = arith.index_cast %add3A_962 : i32 to index
        %get3A_1006 = arith.constant 48 : index
        %get3A_1007 = tpu.vector_load %arg13[%get3A_1004, %get3A_1005, %get3A_1006] {strides = array<i32>} : memref<2x128x128xf32, #tpu.memory_space<vmem>>, vector<16xf32>,
        %mul3A_1008 = arith.mulf %get3A_1002, %get3A_1007 : vector<16xf32>
        %add3A_1009 = arith.addf %add3A_997, %mul3A_1008 : vector<16xf32>
        %get3A_1010 = arith.constant 0 : i32
        %get3A_1011 = arith.index_cast %get3A_1010 : i32 to index
        %get3A_1012 = arith.index_cast %add3A_962 : i32 to index
        %get3A_1013 = arith.constant 64 : index
        %get3A_1014 = tpu.vector_load %arg12[%get3A_1011, %get3A_1012, %get3A_1013] {strides = array<i32>} : memref<2x128x128xf32, #tpu.memory_space<vmem>>, vector<16xf32>,
        %get3A_1015 = arith.constant 0 : i32
        %get3A_1016 = arith.index_cast %get3A_1015 : i32 to index
        %get3A_1017 = arith.index_cast %add3A_962 : i32 to index
        %get3A_1018 = arith.constant 64 : index
        %get3A_1019 = tpu.vector_load %arg13[%get3A_1016, %get3A_1017, %get3A_1018] {strides = array<i32>} : memref<2x128x128xf32, #tpu.memory_space<vmem>>, vector<16xf32>,
        %mul3A_1020 = arith.mulf %get3A_1014, %get3A_1019 : vector<16xf32>
        %add3A_1021 = arith.addf %add3A_1009, %mul3A_1020 : vector<16xf32>
        %get3A_1022 = arith.constant 0 : i32
        %get3A_1023 = arith.index_cast %get3A_1022 : i32 to index
        %get3A_1024 = arith.index_cast %add3A_962 : i32 to index
        %get3A_1025 = arith.constant 80 : index
        %get3A_1026 = tpu.vector_load %arg12[%get3A_1023, %get3A_1024, %get3A_1025] {strides = array<i32>} : memref<2x128x128xf32, #tpu.memory_space<vmem>>, vector<16xf32>,
        %get3A_1027 = arith.constant 0 : i32
        %get3A_1028 = arith.index_cast %get3A_1027 : i32 to index
        %get3A_1029 = arith.index_cast %add3A_962 : i32 to index
        %get3A_1030 = arith.constant 80 : index
        %get3A_1031 = tpu.vector_load %arg13[%get3A_1028, %get3A_1029, %get3A_1030] {strides = array<i32>} : memref<2x128x128xf32, #tpu.memory_space<vmem>>, vector<16xf32>,
        %mul3A_1032 = arith.mulf %get3A_1026, %get3A_1031 : vector<16xf32>
        %add3A_1033 = arith.addf %add3A_1021, %mul3A_1032 : vector<16xf32>
        %get3A_1034 = arith.constant 0 : i32
        %get3A_1035 = arith.index_cast %get3A_1034 : i32 to index
        %get3A_1036 = arith.index_cast %add3A_962 : i32 to index
        %get3A_1037 = arith.constant 96 : index
        %get3A_1038 = tpu.vector_load %arg12[%get3A_1035, %get3A_1036, %get3A_1037] {strides = array<i32>} : memref<2x128x128xf32, #tpu.memory_space<vmem>>, vector<16xf32>,
        %get3A_1039 = arith.constant 0 : i32
        %get3A_1040 = arith.index_cast %get3A_1039 : i32 to index
        %get3A_1041 = arith.index_cast %add3A_962 : i32 to index
        %get3A_1042 = arith.constant 96 : index
        %get3A_1043 = tpu.vector_load %arg13[%get3A_1040, %get3A_1041, %get3A_1042] {strides = array<i32>} : memref<2x128x128xf32, #tpu.memory_space<vmem>>, vector<16xf32>,
        %mul3A_1044 = arith.mulf %get3A_1038, %get3A_1043 : vector<16xf32>
        %add3A_1045 = arith.addf %add3A_1033, %mul3A_1044 : vector<16xf32>
        %get3A_1046 = arith.constant 0 : i32
        %get3A_1047 = arith.index_cast %get3A_1046 : i32 to index
        %get3A_1048 = arith.index_cast %add3A_962 : i32 to index
        %get3A_1049 = arith.constant 112 : index
        %get3A_1050 = tpu.vector_load %arg12[%get3A_1047, %get3A_1048, %get3A_1049] {strides = array<i32>} : memref<2x128x128xf32, #tpu.memory_space<vmem>>, vector<16xf32>,
        %get3A_1051 = arith.constant 0 : i32
        %get3A_1052 = arith.index_cast %get3A_1051 : i32 to index
        %get3A_1053 = arith.index_cast %add3A_962 : i32 to index
        %get3A_1054 = arith.constant 112 : index
        %get3A_1055 = tpu.vector_load %arg13[%get3A_1052, %get3A_1053, %get3A_1054] {strides = array<i32>} : memref<2x128x128xf32, #tpu.memory_space<vmem>>, vector<16xf32>,
        %mul3A_1056 = arith.mulf %get3A_1050, %get3A_1055 : vector<16xf32>
        %add3A_1057 = arith.addf %add3A_1045, %mul3A_1056 : vector<16xf32>
        %add3A_1058 = arith.constant 7 : i32
        %add3A_1059 = vector.broadcast %add3A_1058 : i32 to vector<16xi32>
        %add3A_1060 = arith.addi %mul3A_177, %add3A_1059 : vector<16xi32>
        tpu.vector_store_idx %arg17[%add3A_1060], %add3A_1057 : memref<256xf32, #tpu.memory_space<vmem>>[vector<16xi32>], vector<16xf32>,
        %add3A_1061 = arith.constant 8 : i32
        %add3A_1062 = arith.addi %mul3A_260, %add3A_1061 : i32
        %get3A_1063 = arith.constant 0 : i32
        %get3A_1064 = arith.index_cast %get3A_1063 : i32 to index
        %get3A_1065 = arith.index_cast %add3A_1062 : i32 to index
        %get3A_1066 = arith.constant 0 : index
        %get3A_1067 = tpu.vector_load %arg12[%get3A_1064, %get3A_1065, %get3A_1066] {strides = array<i32>} : memref<2x128x128xf32, #tpu.memory_space<vmem>>, vector<16xf32>,
        %get3A_1068 = arith.constant 0 : i32
        %get3A_1069 = arith.index_cast %get3A_1068 : i32 to index
        %get3A_1070 = arith.index_cast %add3A_1062 : i32 to index
        %get3A_1071 = arith.constant 0 : index
        %get3A_1072 = tpu.vector_load %arg13[%get3A_1069, %get3A_1070, %get3A_1071] {strides = array<i32>} : memref<2x128x128xf32, #tpu.memory_space<vmem>>, vector<16xf32>,
        %mul3A_1073 = arith.mulf %get3A_1067, %get3A_1072 : vector<16xf32>
        %get3A_1074 = arith.constant 0 : i32
        %get3A_1075 = arith.index_cast %get3A_1074 : i32 to index
        %get3A_1076 = arith.index_cast %add3A_1062 : i32 to index
        %get3A_1077 = arith.constant 16 : index
        %get3A_1078 = tpu.vector_load %arg12[%get3A_1075, %get3A_1076, %get3A_1077] {strides = array<i32>} : memref<2x128x128xf32, #tpu.memory_space<vmem>>, vector<16xf32>,
        %get3A_1079 = arith.constant 0 : i32
        %get3A_1080 = arith.index_cast %get3A_1079 : i32 to index
        %get3A_1081 = arith.index_cast %add3A_1062 : i32 to index
        %get3A_1082 = arith.constant 16 : index
        %get3A_1083 = tpu.vector_load %arg13[%get3A_1080, %get3A_1081, %get3A_1082] {strides = array<i32>} : memref<2x128x128xf32, #tpu.memory_space<vmem>>, vector<16xf32>,
        %mul3A_1084 = arith.mulf %get3A_1078, %get3A_1083 : vector<16xf32>
        %add3A_1085 = arith.addf %mul3A_1073, %mul3A_1084 : vector<16xf32>
        %get3A_1086 = arith.constant 0 : i32
        %get3A_1087 = arith.index_cast %get3A_1086 : i32 to index
        %get3A_1088 = arith.index_cast %add3A_1062 : i32 to index
        %get3A_1089 = arith.constant 32 : index
        %get3A_1090 = tpu.vector_load %arg12[%get3A_1087, %get3A_1088, %get3A_1089] {strides = array<i32>} : memref<2x128x128xf32, #tpu.memory_space<vmem>>, vector<16xf32>,
        %get3A_1091 = arith.constant 0 : i32
        %get3A_1092 = arith.index_cast %get3A_1091 : i32 to index
        %get3A_1093 = arith.index_cast %add3A_1062 : i32 to index
        %get3A_1094 = arith.constant 32 : index
        %get3A_1095 = tpu.vector_load %arg13[%get3A_1092, %get3A_1093, %get3A_1094] {strides = array<i32>} : memref<2x128x128xf32, #tpu.memory_space<vmem>>, vector<16xf32>,
        %mul3A_1096 = arith.mulf %get3A_1090, %get3A_1095 : vector<16xf32>
        %add3A_1097 = arith.addf %add3A_1085, %mul3A_1096 : vector<16xf32>
        %get3A_1098 = arith.constant 0 : i32
        %get3A_1099 = arith.index_cast %get3A_1098 : i32 to index
        %get3A_1100 = arith.index_cast %add3A_1062 : i32 to index
        %get3A_1101 = arith.constant 48 : index
        %get3A_1102 = tpu.vector_load %arg12[%get3A_1099, %get3A_1100, %get3A_1101] {strides = array<i32>} : memref<2x128x128xf32, #tpu.memory_space<vmem>>, vector<16xf32>,
        %get3A_1103 = arith.constant 0 : i32
        %get3A_1104 = arith.index_cast %get3A_1103 : i32 to index
        %get3A_1105 = arith.index_cast %add3A_1062 : i32 to index
        %get3A_1106 = arith.constant 48 : index
        %get3A_1107 = tpu.vector_load %arg13[%get3A_1104, %get3A_1105, %get3A_1106] {strides = array<i32>} : memref<2x128x128xf32, #tpu.memory_space<vmem>>, vector<16xf32>,
        %mul3A_1108 = arith.mulf %get3A_1102, %get3A_1107 : vector<16xf32>
        %add3A_1109 = arith.addf %add3A_1097, %mul3A_1108 : vector<16xf32>
        %get3A_1110 = arith.constant 0 : i32
        %get3A_1111 = arith.index_cast %get3A_1110 : i32 to index
        %get3A_1112 = arith.index_cast %add3A_1062 : i32 to index
        %get3A_1113 = arith.constant 64 : index
        %get3A_1114 = tpu.vector_load %arg12[%get3A_1111, %get3A_1112, %get3A_1113] {strides = array<i32>} : memref<2x128x128xf32, #tpu.memory_space<vmem>>, vector<16xf32>,
        %get3A_1115 = arith.constant 0 : i32
        %get3A_1116 = arith.index_cast %get3A_1115 : i32 to index
        %get3A_1117 = arith.index_cast %add3A_1062 : i32 to index
        %get3A_1118 = arith.constant 64 : index
        %get3A_1119 = tpu.vector_load %arg13[%get3A_1116, %get3A_1117, %get3A_1118] {strides = array<i32>} : memref<2x128x128xf32, #tpu.memory_space<vmem>>, vector<16xf32>,
        %mul3A_1120 = arith.mulf %get3A_1114, %get3A_1119 : vector<16xf32>
        %add3A_1121 = arith.addf %add3A_1109, %mul3A_1120 : vector<16xf32>
        %get3A_1122 = arith.constant 0 : i32
        %get3A_1123 = arith.index_cast %get3A_1122 : i32 to index
        %get3A_1124 = arith.index_cast %add3A_1062 : i32 to index
        %get3A_1125 = arith.constant 80 : index
        %get3A_1126 = tpu.vector_load %arg12[%get3A_1123, %get3A_1124, %get3A_1125] {strides = array<i32>} : memref<2x128x128xf32, #tpu.memory_space<vmem>>, vector<16xf32>,
        %get3A_1127 = arith.constant 0 : i32
        %get3A_1128 = arith.index_cast %get3A_1127 : i32 to index
        %get3A_1129 = arith.index_cast %add3A_1062 : i32 to index
        %get3A_1130 = arith.constant 80 : index
        %get3A_1131 = tpu.vector_load %arg13[%get3A_1128, %get3A_1129, %get3A_1130] {strides = array<i32>} : memref<2x128x128xf32, #tpu.memory_space<vmem>>, vector<16xf32>,
        %mul3A_1132 = arith.mulf %get3A_1126, %get3A_1131 : vector<16xf32>
        %add3A_1133 = arith.addf %add3A_1121, %mul3A_1132 : vector<16xf32>
        %get3A_1134 = arith.constant 0 : i32
        %get3A_1135 = arith.index_cast %get3A_1134 : i32 to index
        %get3A_1136 = arith.index_cast %add3A_1062 : i32 to index
        %get3A_1137 = arith.constant 96 : index
        %get3A_1138 = tpu.vector_load %arg12[%get3A_1135, %get3A_1136, %get3A_1137] {strides = array<i32>} : memref<2x128x128xf32, #tpu.memory_space<vmem>>, vector<16xf32>,
        %get3A_1139 = arith.constant 0 : i32
        %get3A_1140 = arith.index_cast %get3A_1139 : i32 to index
        %get3A_1141 = arith.index_cast %add3A_1062 : i32 to index
        %get3A_1142 = arith.constant 96 : index
        %get3A_1143 = tpu.vector_load %arg13[%get3A_1140, %get3A_1141, %get3A_1142] {strides = array<i32>} : memref<2x128x128xf32, #tpu.memory_space<vmem>>, vector<16xf32>,
        %mul3A_1144 = arith.mulf %get3A_1138, %get3A_1143 : vector<16xf32>
        %add3A_1145 = arith.addf %add3A_1133, %mul3A_1144 : vector<16xf32>
        %get3A_1146 = arith.constant 0 : i32
        %get3A_1147 = arith.index_cast %get3A_1146 : i32 to index
        %get3A_1148 = arith.index_cast %add3A_1062 : i32 to index
        %get3A_1149 = arith.constant 112 : index
        %get3A_1150 = tpu.vector_load %arg12[%get3A_1147, %get3A_1148, %get3A_1149] {strides = array<i32>} : memref<2x128x128xf32, #tpu.memory_space<vmem>>, vector<16xf32>,
        %get3A_1151 = arith.constant 0 : i32
        %get3A_1152 = arith.index_cast %get3A_1151 : i32 to index
        %get3A_1153 = arith.index_cast %add3A_1062 : i32 to index
        %get3A_1154 = arith.constant 112 : index
        %get3A_1155 = tpu.vector_load %arg13[%get3A_1152, %get3A_1153, %get3A_1154] {strides = array<i32>} : memref<2x128x128xf32, #tpu.memory_space<vmem>>, vector<16xf32>,
        %mul3A_1156 = arith.mulf %get3A_1150, %get3A_1155 : vector<16xf32>
        %add3A_1157 = arith.addf %add3A_1145, %mul3A_1156 : vector<16xf32>
        %add3A_1158 = arith.constant 8 : i32
        %add3A_1159 = vector.broadcast %add3A_1158 : i32 to vector<16xi32>
        %add3A_1160 = arith.addi %mul3A_177, %add3A_1159 : vector<16xi32>
        tpu.vector_store_idx %arg17[%add3A_1160], %add3A_1157 : memref<256xf32, #tpu.memory_space<vmem>>[vector<16xi32>], vector<16xf32>,
        %add3A_1161 = arith.constant 9 : i32
        %add3A_1162 = arith.addi %mul3A_260, %add3A_1161 : i32
        %get3A_1163 = arith.constant 0 : i32
        %get3A_1164 = arith.index_cast %get3A_1163 : i32 to index
        %get3A_1165 = arith.index_cast %add3A_1162 : i32 to index
        %get3A_1166 = arith.constant 0 : index
        %get3A_1167 = tpu.vector_load %arg12[%get3A_1164, %get3A_1165, %get3A_1166] {strides = array<i32>} : memref<2x128x128xf32, #tpu.memory_space<vmem>>, vector<16xf32>,
        %get3A_1168 = arith.constant 0 : i32
        %get3A_1169 = arith.index_cast %get3A_1168 : i32 to index
        %get3A_1170 = arith.index_cast %add3A_1162 : i32 to index
        %get3A_1171 = arith.constant 0 : index
        %get3A_1172 = tpu.vector_load %arg13[%get3A_1169, %get3A_1170, %get3A_1171] {strides = array<i32>} : memref<2x128x128xf32, #tpu.memory_space<vmem>>, vector<16xf32>,
        %mul3A_1173 = arith.mulf %get3A_1167, %get3A_1172 : vector<16xf32>
        %get3A_1174 = arith.constant 0 : i32
        %get3A_1175 = arith.index_cast %get3A_1174 : i32 to index
        %get3A_1176 = arith.index_cast %add3A_1162 : i32 to index
        %get3A_1177 = arith.constant 16 : index
        %get3A_1178 = tpu.vector_load %arg12[%get3A_1175, %get3A_1176, %get3A_1177] {strides = array<i32>} : memref<2x128x128xf32, #tpu.memory_space<vmem>>, vector<16xf32>,
        %get3A_1179 = arith.constant 0 : i32
        %get3A_1180 = arith.index_cast %get3A_1179 : i32 to index
        %get3A_1181 = arith.index_cast %add3A_1162 : i32 to index
        %get3A_1182 = arith.constant 16 : index
        %get3A_1183 = tpu.vector_load %arg13[%get3A_1180, %get3A_1181, %get3A_1182] {strides = array<i32>} : memref<2x128x128xf32, #tpu.memory_space<vmem>>, vector<16xf32>,
        %mul3A_1184 = arith.mulf %get3A_1178, %get3A_1183 : vector<16xf32>
        %add3A_1185 = arith.addf %mul3A_1173, %mul3A_1184 : vector<16xf32>
        %get3A_1186 = arith.constant 0 : i32
        %get3A_1187 = arith.index_cast %get3A_1186 : i32 to index
        %get3A_1188 = arith.index_cast %add3A_1162 : i32 to index
        %get3A_1189 = arith.constant 32 : index
        %get3A_1190 = tpu.vector_load %arg12[%get3A_1187, %get3A_1188, %get3A_1189] {strides = array<i32>} : memref<2x128x128xf32, #tpu.memory_space<vmem>>, vector<16xf32>,
        %get3A_1191 = arith.constant 0 : i32
        %get3A_1192 = arith.index_cast %get3A_1191 : i32 to index
        %get3A_1193 = arith.index_cast %add3A_1162 : i32 to index
        %get3A_1194 = arith.constant 32 : index
        %get3A_1195 = tpu.vector_load %arg13[%get3A_1192, %get3A_1193, %get3A_1194] {strides = array<i32>} : memref<2x128x128xf32, #tpu.memory_space<vmem>>, vector<16xf32>,
        %mul3A_1196 = arith.mulf %get3A_1190, %get3A_1195 : vector<16xf32>
        %add3A_1197 = arith.addf %add3A_1185, %mul3A_1196 : vector<16xf32>
        %get3A_1198 = arith.constant 0 : i32
        %get3A_1199 = arith.index_cast %get3A_1198 : i32 to index
        %get3A_1200 = arith.index_cast %add3A_1162 : i32 to index
        %get3A_1201 = arith.constant 48 : index
        %get3A_1202 = tpu.vector_load %arg12[%get3A_1199, %get3A_1200, %get3A_1201] {strides = array<i32>} : memref<2x128x128xf32, #tpu.memory_space<vmem>>, vector<16xf32>,
        %get3A_1203 = arith.constant 0 : i32
        %get3A_1204 = arith.index_cast %get3A_1203 : i32 to index
        %get3A_1205 = arith.index_cast %add3A_1162 : i32 to index
        %get3A_1206 = arith.constant 48 : index
        %get3A_1207 = tpu.vector_load %arg13[%get3A_1204, %get3A_1205, %get3A_1206] {strides = array<i32>} : memref<2x128x128xf32, #tpu.memory_space<vmem>>, vector<16xf32>,
        %mul3A_1208 = arith.mulf %get3A_1202, %get3A_1207 : vector<16xf32>
        %add3A_1209 = arith.addf %add3A_1197, %mul3A_1208 : vector<16xf32>
        %get3A_1210 = arith.constant 0 : i32
        %get3A_1211 = arith.index_cast %get3A_1210 : i32 to index
        %get3A_1212 = arith.index_cast %add3A_1162 : i32 to index
        %get3A_1213 = arith.constant 64 : index
        %get3A_1214 = tpu.vector_load %arg12[%get3A_1211, %get3A_1212, %get3A_1213] {strides = array<i32>} : memref<2x128x128xf32, #tpu.memory_space<vmem>>, vector<16xf32>,
        %get3A_1215 = arith.constant 0 : i32
        %get3A_1216 = arith.index_cast %get3A_1215 : i32 to index
        %get3A_1217 = arith.index_cast %add3A_1162 : i32 to index
        %get3A_1218 = arith.constant 64 : index
        %get3A_1219 = tpu.vector_load %arg13[%get3A_1216, %get3A_1217, %get3A_1218] {strides = array<i32>} : memref<2x128x128xf32, #tpu.memory_space<vmem>>, vector<16xf32>,
        %mul3A_1220 = arith.mulf %get3A_1214, %get3A_1219 : vector<16xf32>
        %add3A_1221 = arith.addf %add3A_1209, %mul3A_1220 : vector<16xf32>
        %get3A_1222 = arith.constant 0 : i32
        %get3A_1223 = arith.index_cast %get3A_1222 : i32 to index
        %get3A_1224 = arith.index_cast %add3A_1162 : i32 to index
        %get3A_1225 = arith.constant 80 : index
        %get3A_1226 = tpu.vector_load %arg12[%get3A_1223, %get3A_1224, %get3A_1225] {strides = array<i32>} : memref<2x128x128xf32, #tpu.memory_space<vmem>>, vector<16xf32>,
        %get3A_1227 = arith.constant 0 : i32
        %get3A_1228 = arith.index_cast %get3A_1227 : i32 to index
        %get3A_1229 = arith.index_cast %add3A_1162 : i32 to index
        %get3A_1230 = arith.constant 80 : index
        %get3A_1231 = tpu.vector_load %arg13[%get3A_1228, %get3A_1229, %get3A_1230] {strides = array<i32>} : memref<2x128x128xf32, #tpu.memory_space<vmem>>, vector<16xf32>,
        %mul3A_1232 = arith.mulf %get3A_1226, %get3A_1231 : vector<16xf32>
        %add3A_1233 = arith.addf %add3A_1221, %mul3A_1232 : vector<16xf32>
        %get3A_1234 = arith.constant 0 : i32
        %get3A_1235 = arith.index_cast %get3A_1234 : i32 to index
        %get3A_1236 = arith.index_cast %add3A_1162 : i32 to index
        %get3A_1237 = arith.constant 96 : index
        %get3A_1238 = tpu.vector_load %arg12[%get3A_1235, %get3A_1236, %get3A_1237] {strides = array<i32>} : memref<2x128x128xf32, #tpu.memory_space<vmem>>, vector<16xf32>,
        %get3A_1239 = arith.constant 0 : i32
        %get3A_1240 = arith.index_cast %get3A_1239 : i32 to index
        %get3A_1241 = arith.index_cast %add3A_1162 : i32 to index
        %get3A_1242 = arith.constant 96 : index
        %get3A_1243 = tpu.vector_load %arg13[%get3A_1240, %get3A_1241, %get3A_1242] {strides = array<i32>} : memref<2x128x128xf32, #tpu.memory_space<vmem>>, vector<16xf32>,
        %mul3A_1244 = arith.mulf %get3A_1238, %get3A_1243 : vector<16xf32>
        %add3A_1245 = arith.addf %add3A_1233, %mul3A_1244 : vector<16xf32>
        %get3A_1246 = arith.constant 0 : i32
        %get3A_1247 = arith.index_cast %get3A_1246 : i32 to index
        %get3A_1248 = arith.index_cast %add3A_1162 : i32 to index
        %get3A_1249 = arith.constant 112 : index
        %get3A_1250 = tpu.vector_load %arg12[%get3A_1247, %get3A_1248, %get3A_1249] {strides = array<i32>} : memref<2x128x128xf32, #tpu.memory_space<vmem>>, vector<16xf32>,
        %get3A_1251 = arith.constant 0 : i32
        %get3A_1252 = arith.index_cast %get3A_1251 : i32 to index
        %get3A_1253 = arith.index_cast %add3A_1162 : i32 to index
        %get3A_1254 = arith.constant 112 : index
        %get3A_1255 = tpu.vector_load %arg13[%get3A_1252, %get3A_1253, %get3A_1254] {strides = array<i32>} : memref<2x128x128xf32, #tpu.memory_space<vmem>>, vector<16xf32>,
        %mul3A_1256 = arith.mulf %get3A_1250, %get3A_1255 : vector<16xf32>
        %add3A_1257 = arith.addf %add3A_1245, %mul3A_1256 : vector<16xf32>
        %add3A_1258 = arith.constant 9 : i32
        %add3A_1259 = vector.broadcast %add3A_1258 : i32 to vector<16xi32>
        %add3A_1260 = arith.addi %mul3A_177, %add3A_1259 : vector<16xi32>
        tpu.vector_store_idx %arg17[%add3A_1260], %add3A_1257 : memref<256xf32, #tpu.memory_space<vmem>>[vector<16xi32>], vector<16xf32>,
        %add3A_1261 = arith.constant 10 : i32
        %add3A_1262 = arith.addi %mul3A_260, %add3A_1261 : i32
        %get3A_1263 = arith.constant 0 : i32
        %get3A_1264 = arith.index_cast %get3A_1263 : i32 to index
        %get3A_1265 = arith.index_cast %add3A_1262 : i32 to index
        %get3A_1266 = arith.constant 0 : index
        %get3A_1267 = tpu.vector_load %arg12[%get3A_1264, %get3A_1265, %get3A_1266] {strides = array<i32>} : memref<2x128x128xf32, #tpu.memory_space<vmem>>, vector<16xf32>,
        %get3A_1268 = arith.constant 0 : i32
        %get3A_1269 = arith.index_cast %get3A_1268 : i32 to index
        %get3A_1270 = arith.index_cast %add3A_1262 : i32 to index
        %get3A_1271 = arith.constant 0 : index
        %get3A_1272 = tpu.vector_load %arg13[%get3A_1269, %get3A_1270, %get3A_1271] {strides = array<i32>} : memref<2x128x128xf32, #tpu.memory_space<vmem>>, vector<16xf32>,
        %mul3A_1273 = arith.mulf %get3A_1267, %get3A_1272 : vector<16xf32>
        %get3A_1274 = arith.constant 0 : i32
        %get3A_1275 = arith.index_cast %get3A_1274 : i32 to index
        %get3A_1276 = arith.index_cast %add3A_1262 : i32 to index
        %get3A_1277 = arith.constant 16 : index
        %get3A_1278 = tpu.vector_load %arg12[%get3A_1275, %get3A_1276, %get3A_1277] {strides = array<i32>} : memref<2x128x128xf32, #tpu.memory_space<vmem>>, vector<16xf32>,
        %get3A_1279 = arith.constant 0 : i32
        %get3A_1280 = arith.index_cast %get3A_1279 : i32 to index
        %get3A_1281 = arith.index_cast %add3A_1262 : i32 to index
        %get3A_1282 = arith.constant 16 : index
        %get3A_1283 = tpu.vector_load %arg13[%get3A_1280, %get3A_1281, %get3A_1282] {strides = array<i32>} : memref<2x128x128xf32, #tpu.memory_space<vmem>>, vector<16xf32>,
        %mul3A_1284 = arith.mulf %get3A_1278, %get3A_1283 : vector<16xf32>
        %add3A_1285 = arith.addf %mul3A_1273, %mul3A_1284 : vector<16xf32>
        %get3A_1286 = arith.constant 0 : i32
        %get3A_1287 = arith.index_cast %get3A_1286 : i32 to index
        %get3A_1288 = arith.index_cast %add3A_1262 : i32 to index
        %get3A_1289 = arith.constant 32 : index
        %get3A_1290 = tpu.vector_load %arg12[%get3A_1287, %get3A_1288, %get3A_1289] {strides = array<i32>} : memref<2x128x128xf32, #tpu.memory_space<vmem>>, vector<16xf32>,
        %get3A_1291 = arith.constant 0 : i32
        %get3A_1292 = arith.index_cast %get3A_1291 : i32 to index
        %get3A_1293 = arith.index_cast %add3A_1262 : i32 to index
        %get3A_1294 = arith.constant 32 : index
        %get3A_1295 = tpu.vector_load %arg13[%get3A_1292, %get3A_1293, %get3A_1294] {strides = array<i32>} : memref<2x128x128xf32, #tpu.memory_space<vmem>>, vector<16xf32>,
        %mul3A_1296 = arith.mulf %get3A_1290, %get3A_1295 : vector<16xf32>
        %add3A_1297 = arith.addf %add3A_1285, %mul3A_1296 : vector<16xf32>
        %get3A_1298 = arith.constant 0 : i32
        %get3A_1299 = arith.index_cast %get3A_1298 : i32 to index
        %get3A_1300 = arith.index_cast %add3A_1262 : i32 to index
        %get3A_1301 = arith.constant 48 : index
        %get3A_1302 = tpu.vector_load %arg12[%get3A_1299, %get3A_1300, %get3A_1301] {strides = array<i32>} : memref<2x128x128xf32, #tpu.memory_space<vmem>>, vector<16xf32>,
        %get3A_1303 = arith.constant 0 : i32
        %get3A_1304 = arith.index_cast %get3A_1303 : i32 to index
        %get3A_1305 = arith.index_cast %add3A_1262 : i32 to index
        %get3A_1306 = arith.constant 48 : index
        %get3A_1307 = tpu.vector_load %arg13[%get3A_1304, %get3A_1305, %get3A_1306] {strides = array<i32>} : memref<2x128x128xf32, #tpu.memory_space<vmem>>, vector<16xf32>,
        %mul3A_1308 = arith.mulf %get3A_1302, %get3A_1307 : vector<16xf32>
        %add3A_1309 = arith.addf %add3A_1297, %mul3A_1308 : vector<16xf32>
        %get3A_1310 = arith.constant 0 : i32
        %get3A_1311 = arith.index_cast %get3A_1310 : i32 to index
        %get3A_1312 = arith.index_cast %add3A_1262 : i32 to index
        %get3A_1313 = arith.constant 64 : index
        %get3A_1314 = tpu.vector_load %arg12[%get3A_1311, %get3A_1312, %get3A_1313] {strides = array<i32>} : memref<2x128x128xf32, #tpu.memory_space<vmem>>, vector<16xf32>,
        %get3A_1315 = arith.constant 0 : i32
        %get3A_1316 = arith.index_cast %get3A_1315 : i32 to index
        %get3A_1317 = arith.index_cast %add3A_1262 : i32 to index
        %get3A_1318 = arith.constant 64 : index
        %get3A_1319 = tpu.vector_load %arg13[%get3A_1316, %get3A_1317, %get3A_1318] {strides = array<i32>} : memref<2x128x128xf32, #tpu.memory_space<vmem>>, vector<16xf32>,
        %mul3A_1320 = arith.mulf %get3A_1314, %get3A_1319 : vector<16xf32>
        %add3A_1321 = arith.addf %add3A_1309, %mul3A_1320 : vector<16xf32>
        %get3A_1322 = arith.constant 0 : i32
        %get3A_1323 = arith.index_cast %get3A_1322 : i32 to index
        %get3A_1324 = arith.index_cast %add3A_1262 : i32 to index
        %get3A_1325 = arith.constant 80 : index
        %get3A_1326 = tpu.vector_load %arg12[%get3A_1323, %get3A_1324, %get3A_1325] {strides = array<i32>} : memref<2x128x128xf32, #tpu.memory_space<vmem>>, vector<16xf32>,
        %get3A_1327 = arith.constant 0 : i32
        %get3A_1328 = arith.index_cast %get3A_1327 : i32 to index
        %get3A_1329 = arith.index_cast %add3A_1262 : i32 to index
        %get3A_1330 = arith.constant 80 : index
        %get3A_1331 = tpu.vector_load %arg13[%get3A_1328, %get3A_1329, %get3A_1330] {strides = array<i32>} : memref<2x128x128xf32, #tpu.memory_space<vmem>>, vector<16xf32>,
        %mul3A_1332 = arith.mulf %get3A_1326, %get3A_1331 : vector<16xf32>
        %add3A_1333 = arith.addf %add3A_1321, %mul3A_1332 : vector<16xf32>
        %get3A_1334 = arith.constant 0 : i32
        %get3A_1335 = arith.index_cast %get3A_1334 : i32 to index
        %get3A_1336 = arith.index_cast %add3A_1262 : i32 to index
        %get3A_1337 = arith.constant 96 : index
        %get3A_1338 = tpu.vector_load %arg12[%get3A_1335, %get3A_1336, %get3A_1337] {strides = array<i32>} : memref<2x128x128xf32, #tpu.memory_space<vmem>>, vector<16xf32>,
        %get3A_1339 = arith.constant 0 : i32
        %get3A_1340 = arith.index_cast %get3A_1339 : i32 to index
        %get3A_1341 = arith.index_cast %add3A_1262 : i32 to index
        %get3A_1342 = arith.constant 96 : index
        %get3A_1343 = tpu.vector_load %arg13[%get3A_1340, %get3A_1341, %get3A_1342] {strides = array<i32>} : memref<2x128x128xf32, #tpu.memory_space<vmem>>, vector<16xf32>,
        %mul3A_1344 = arith.mulf %get3A_1338, %get3A_1343 : vector<16xf32>
        %add3A_1345 = arith.addf %add3A_1333, %mul3A_1344 : vector<16xf32>
        %get3A_1346 = arith.constant 0 : i32
        %get3A_1347 = arith.index_cast %get3A_1346 : i32 to index
        %get3A_1348 = arith.index_cast %add3A_1262 : i32 to index
        %get3A_1349 = arith.constant 112 : index
        %get3A_1350 = tpu.vector_load %arg12[%get3A_1347, %get3A_1348, %get3A_1349] {strides = array<i32>} : memref<2x128x128xf32, #tpu.memory_space<vmem>>, vector<16xf32>,
        %get3A_1351 = arith.constant 0 : i32
        %get3A_1352 = arith.index_cast %get3A_1351 : i32 to index
        %get3A_1353 = arith.index_cast %add3A_1262 : i32 to index
        %get3A_1354 = arith.constant 112 : index
        %get3A_1355 = tpu.vector_load %arg13[%get3A_1352, %get3A_1353, %get3A_1354] {strides = array<i32>} : memref<2x128x128xf32, #tpu.memory_space<vmem>>, vector<16xf32>,
        %mul3A_1356 = arith.mulf %get3A_1350, %get3A_1355 : vector<16xf32>
        %add3A_1357 = arith.addf %add3A_1345, %mul3A_1356 : vector<16xf32>
        %add3A_1358 = arith.constant 10 : i32
        %add3A_1359 = vector.broadcast %add3A_1358 : i32 to vector<16xi32>
        %add3A_1360 = arith.addi %mul3A_177, %add3A_1359 : vector<16xi32>
        tpu.vector_store_idx %arg17[%add3A_1360], %add3A_1357 : memref<256xf32, #tpu.memory_space<vmem>>[vector<16xi32>], vector<16xf32>,
        %add3A_1361 = arith.constant 11 : i32
        %add3A_1362 = arith.addi %mul3A_260, %add3A_1361 : i32
        %get3A_1363 = arith.constant 0 : i32
        %get3A_1364 = arith.index_cast %get3A_1363 : i32 to index
        %get3A_1365 = arith.index_cast %add3A_1362 : i32 to index
        %get3A_1366 = arith.constant 0 : index
        %get3A_1367 = tpu.vector_load %arg12[%get3A_1364, %get3A_1365, %get3A_1366] {strides = array<i32>} : memref<2x128x128xf32, #tpu.memory_space<vmem>>, vector<16xf32>,
        %get3A_1368 = arith.constant 0 : i32
        %get3A_1369 = arith.index_cast %get3A_1368 : i32 to index
        %get3A_1370 = arith.index_cast %add3A_1362 : i32 to index
        %get3A_1371 = arith.constant 0 : index
        %get3A_1372 = tpu.vector_load %arg13[%get3A_1369, %get3A_1370, %get3A_1371] {strides = array<i32>} : memref<2x128x128xf32, #tpu.memory_space<vmem>>, vector<16xf32>,
        %mul3A_1373 = arith.mulf %get3A_1367, %get3A_1372 : vector<16xf32>
        %get3A_1374 = arith.constant 0 : i32
        %get3A_1375 = arith.index_cast %get3A_1374 : i32 to index
        %get3A_1376 = arith.index_cast %add3A_1362 : i32 to index
        %get3A_1377 = arith.constant 16 : index
        %get3A_1378 = tpu.vector_load %arg12[%get3A_1375, %get3A_1376, %get3A_1377] {strides = array<i32>} : memref<2x128x128xf32, #tpu.memory_space<vmem>>, vector<16xf32>,
        %get3A_1379 = arith.constant 0 : i32
        %get3A_1380 = arith.index_cast %get3A_1379 : i32 to index
        %get3A_1381 = arith.index_cast %add3A_1362 : i32 to index
        %get3A_1382 = arith.constant 16 : index
        %get3A_1383 = tpu.vector_load %arg13[%get3A_1380, %get3A_1381, %get3A_1382] {strides = array<i32>} : memref<2x128x128xf32, #tpu.memory_space<vmem>>, vector<16xf32>,
        %mul3A_1384 = arith.mulf %get3A_1378, %get3A_1383 : vector<16xf32>
        %add3A_1385 = arith.addf %mul3A_1373, %mul3A_1384 : vector<16xf32>
        %get3A_1386 = arith.constant 0 : i32
        %get3A_1387 = arith.index_cast %get3A_1386 : i32 to index
        %get3A_1388 = arith.index_cast %add3A_1362 : i32 to index
        %get3A_1389 = arith.constant 32 : index
        %get3A_1390 = tpu.vector_load %arg12[%get3A_1387, %get3A_1388, %get3A_1389] {strides = array<i32>} : memref<2x128x128xf32, #tpu.memory_space<vmem>>, vector<16xf32>,
        %get3A_1391 = arith.constant 0 : i32
        %get3A_1392 = arith.index_cast %get3A_1391 : i32 to index
        %get3A_1393 = arith.index_cast %add3A_1362 : i32 to index
        %get3A_1394 = arith.constant 32 : index
        %get3A_1395 = tpu.vector_load %arg13[%get3A_1392, %get3A_1393, %get3A_1394] {strides = array<i32>} : memref<2x128x128xf32, #tpu.memory_space<vmem>>, vector<16xf32>,
        %mul3A_1396 = arith.mulf %get3A_1390, %get3A_1395 : vector<16xf32>
        %add3A_1397 = arith.addf %add3A_1385, %mul3A_1396 : vector<16xf32>
        %get3A_1398 = arith.constant 0 : i32
        %get3A_1399 = arith.index_cast %get3A_1398 : i32 to index
        %get3A_1400 = arith.index_cast %add3A_1362 : i32 to index
        %get3A_1401 = arith.constant 48 : index
        %get3A_1402 = tpu.vector_load %arg12[%get3A_1399, %get3A_1400, %get3A_1401] {strides = array<i32>} : memref<2x128x128xf32, #tpu.memory_space<vmem>>, vector<16xf32>,
        %get3A_1403 = arith.constant 0 : i32
        %get3A_1404 = arith.index_cast %get3A_1403 : i32 to index
        %get3A_1405 = arith.index_cast %add3A_1362 : i32 to index
        %get3A_1406 = arith.constant 48 : index
        %get3A_1407 = tpu.vector_load %arg13[%get3A_1404, %get3A_1405, %get3A_1406] {strides = array<i32>} : memref<2x128x128xf32, #tpu.memory_space<vmem>>, vector<16xf32>,
        %mul3A_1408 = arith.mulf %get3A_1402, %get3A_1407 : vector<16xf32>
        %add3A_1409 = arith.addf %add3A_1397, %mul3A_1408 : vector<16xf32>
        %get3A_1410 = arith.constant 0 : i32
        %get3A_1411 = arith.index_cast %get3A_1410 : i32 to index
        %get3A_1412 = arith.index_cast %add3A_1362 : i32 to index
        %get3A_1413 = arith.constant 64 : index
        %get3A_1414 = tpu.vector_load %arg12[%get3A_1411, %get3A_1412, %get3A_1413] {strides = array<i32>} : memref<2x128x128xf32, #tpu.memory_space<vmem>>, vector<16xf32>,
        %get3A_1415 = arith.constant 0 : i32
        %get3A_1416 = arith.index_cast %get3A_1415 : i32 to index
        %get3A_1417 = arith.index_cast %add3A_1362 : i32 to index
        %get3A_1418 = arith.constant 64 : index
        %get3A_1419 = tpu.vector_load %arg13[%get3A_1416, %get3A_1417, %get3A_1418] {strides = array<i32>} : memref<2x128x128xf32, #tpu.memory_space<vmem>>, vector<16xf32>,
        %mul3A_1420 = arith.mulf %get3A_1414, %get3A_1419 : vector<16xf32>
        %add3A_1421 = arith.addf %add3A_1409, %mul3A_1420 : vector<16xf32>
        %get3A_1422 = arith.constant 0 : i32
        %get3A_1423 = arith.index_cast %get3A_1422 : i32 to index
        %get3A_1424 = arith.index_cast %add3A_1362 : i32 to index
        %get3A_1425 = arith.constant 80 : index
        %get3A_1426 = tpu.vector_load %arg12[%get3A_1423, %get3A_1424, %get3A_1425] {strides = array<i32>} : memref<2x128x128xf32, #tpu.memory_space<vmem>>, vector<16xf32>,
        %get3A_1427 = arith.constant 0 : i32
        %get3A_1428 = arith.index_cast %get3A_1427 : i32 to index
        %get3A_1429 = arith.index_cast %add3A_1362 : i32 to index
        %get3A_1430 = arith.constant 80 : index
        %get3A_1431 = tpu.vector_load %arg13[%get3A_1428, %get3A_1429, %get3A_1430] {strides = array<i32>} : memref<2x128x128xf32, #tpu.memory_space<vmem>>, vector<16xf32>,
        %mul3A_1432 = arith.mulf %get3A_1426, %get3A_1431 : vector<16xf32>
        %add3A_1433 = arith.addf %add3A_1421, %mul3A_1432 : vector<16xf32>
        %get3A_1434 = arith.constant 0 : i32
        %get3A_1435 = arith.index_cast %get3A_1434 : i32 to index
        %get3A_1436 = arith.index_cast %add3A_1362 : i32 to index
        %get3A_1437 = arith.constant 96 : index
        %get3A_1438 = tpu.vector_load %arg12[%get3A_1435, %get3A_1436, %get3A_1437] {strides = array<i32>} : memref<2x128x128xf32, #tpu.memory_space<vmem>>, vector<16xf32>,
        %get3A_1439 = arith.constant 0 : i32
        %get3A_1440 = arith.index_cast %get3A_1439 : i32 to index
        %get3A_1441 = arith.index_cast %add3A_1362 : i32 to index
        %get3A_1442 = arith.constant 96 : index
        %get3A_1443 = tpu.vector_load %arg13[%get3A_1440, %get3A_1441, %get3A_1442] {strides = array<i32>} : memref<2x128x128xf32, #tpu.memory_space<vmem>>, vector<16xf32>,
        %mul3A_1444 = arith.mulf %get3A_1438, %get3A_1443 : vector<16xf32>
        %add3A_1445 = arith.addf %add3A_1433, %mul3A_1444 : vector<16xf32>
        %get3A_1446 = arith.constant 0 : i32
        %get3A_1447 = arith.index_cast %get3A_1446 : i32 to index
        %get3A_1448 = arith.index_cast %add3A_1362 : i32 to index
        %get3A_1449 = arith.constant 112 : index
        %get3A_1450 = tpu.vector_load %arg12[%get3A_1447, %get3A_1448, %get3A_1449] {strides = array<i32>} : memref<2x128x128xf32, #tpu.memory_space<vmem>>, vector<16xf32>,
        %get3A_1451 = arith.constant 0 : i32
        %get3A_1452 = arith.index_cast %get3A_1451 : i32 to index
        %get3A_1453 = arith.index_cast %add3A_1362 : i32 to index
        %get3A_1454 = arith.constant 112 : index
        %get3A_1455 = tpu.vector_load %arg13[%get3A_1452, %get3A_1453, %get3A_1454] {strides = array<i32>} : memref<2x128x128xf32, #tpu.memory_space<vmem>>, vector<16xf32>,
        %mul3A_1456 = arith.mulf %get3A_1450, %get3A_1455 : vector<16xf32>
        %add3A_1457 = arith.addf %add3A_1445, %mul3A_1456 : vector<16xf32>
        %add3A_1458 = arith.constant 11 : i32
        %add3A_1459 = vector.broadcast %add3A_1458 : i32 to vector<16xi32>
        %add3A_1460 = arith.addi %mul3A_177, %add3A_1459 : vector<16xi32>
        tpu.vector_store_idx %arg17[%add3A_1460], %add3A_1457 : memref<256xf32, #tpu.memory_space<vmem>>[vector<16xi32>], vector<16xf32>,
        %add3A_1461 = arith.constant 12 : i32
        %add3A_1462 = arith.addi %mul3A_260, %add3A_1461 : i32
        %get3A_1463 = arith.constant 0 : i32
        %get3A_1464 = arith.index_cast %get3A_1463 : i32 to index
        %get3A_1465 = arith.index_cast %add3A_1462 : i32 to index
        %get3A_1466 = arith.constant 0 : index
        %get3A_1467 = tpu.vector_load %arg12[%get3A_1464, %get3A_1465, %get3A_1466] {strides = array<i32>} : memref<2x128x128xf32, #tpu.memory_space<vmem>>, vector<16xf32>,
        %get3A_1468 = arith.constant 0 : i32
        %get3A_1469 = arith.index_cast %get3A_1468 : i32 to index
        %get3A_1470 = arith.index_cast %add3A_1462 : i32 to index
        %get3A_1471 = arith.constant 0 : index
        %get3A_1472 = tpu.vector_load %arg13[%get3A_1469, %get3A_1470, %get3A_1471] {strides = array<i32>} : memref<2x128x128xf32, #tpu.memory_space<vmem>>, vector<16xf32>,
        %mul3A_1473 = arith.mulf %get3A_1467, %get3A_1472 : vector<16xf32>
        %get3A_1474 = arith.constant 0 : i32
        %get3A_1475 = arith.index_cast %get3A_1474 : i32 to index
        %get3A_1476 = arith.index_cast %add3A_1462 : i32 to index
        %get3A_1477 = arith.constant 16 : index
        %get3A_1478 = tpu.vector_load %arg12[%get3A_1475, %get3A_1476, %get3A_1477] {strides = array<i32>} : memref<2x128x128xf32, #tpu.memory_space<vmem>>, vector<16xf32>,
        %get3A_1479 = arith.constant 0 : i32
        %get3A_1480 = arith.index_cast %get3A_1479 : i32 to index
        %get3A_1481 = arith.index_cast %add3A_1462 : i32 to index
        %get3A_1482 = arith.constant 16 : index
        %get3A_1483 = tpu.vector_load %arg13[%get3A_1480, %get3A_1481, %get3A_1482] {strides = array<i32>} : memref<2x128x128xf32, #tpu.memory_space<vmem>>, vector<16xf32>,
        %mul3A_1484 = arith.mulf %get3A_1478, %get3A_1483 : vector<16xf32>
        %add3A_1485 = arith.addf %mul3A_1473, %mul3A_1484 : vector<16xf32>
        %get3A_1486 = arith.constant 0 : i32
        %get3A_1487 = arith.index_cast %get3A_1486 : i32 to index
        %get3A_1488 = arith.index_cast %add3A_1462 : i32 to index
        %get3A_1489 = arith.constant 32 : index
        %get3A_1490 = tpu.vector_load %arg12[%get3A_1487, %get3A_1488, %get3A_1489] {strides = array<i32>} : memref<2x128x128xf32, #tpu.memory_space<vmem>>, vector<16xf32>,
        %get3A_1491 = arith.constant 0 : i32
        %get3A_1492 = arith.index_cast %get3A_1491 : i32 to index
        %get3A_1493 = arith.index_cast %add3A_1462 : i32 to index
        %get3A_1494 = arith.constant 32 : index
        %get3A_1495 = tpu.vector_load %arg13[%get3A_1492, %get3A_1493, %get3A_1494] {strides = array<i32>} : memref<2x128x128xf32, #tpu.memory_space<vmem>>, vector<16xf32>,
        %mul3A_1496 = arith.mulf %get3A_1490, %get3A_1495 : vector<16xf32>
        %add3A_1497 = arith.addf %add3A_1485, %mul3A_1496 : vector<16xf32>
        %get3A_1498 = arith.constant 0 : i32
        %get3A_1499 = arith.index_cast %get3A_1498 : i32 to index
        %get3A_1500 = arith.index_cast %add3A_1462 : i32 to index
        %get3A_1501 = arith.constant 48 : index
        %get3A_1502 = tpu.vector_load %arg12[%get3A_1499, %get3A_1500, %get3A_1501] {strides = array<i32>} : memref<2x128x128xf32, #tpu.memory_space<vmem>>, vector<16xf32>,
        %get3A_1503 = arith.constant 0 : i32
        %get3A_1504 = arith.index_cast %get3A_1503 : i32 to index
        %get3A_1505 = arith.index_cast %add3A_1462 : i32 to index
        %get3A_1506 = arith.constant 48 : index
        %get3A_1507 = tpu.vector_load %arg13[%get3A_1504, %get3A_1505, %get3A_1506] {strides = array<i32>} : memref<2x128x128xf32, #tpu.memory_space<vmem>>, vector<16xf32>,
        %mul3A_1508 = arith.mulf %get3A_1502, %get3A_1507 : vector<16xf32>
        %add3A_1509 = arith.addf %add3A_1497, %mul3A_1508 : vector<16xf32>
        %get3A_1510 = arith.constant 0 : i32
        %get3A_1511 = arith.index_cast %get3A_1510 : i32 to index
        %get3A_1512 = arith.index_cast %add3A_1462 : i32 to index
        %get3A_1513 = arith.constant 64 : index
        %get3A_1514 = tpu.vector_load %arg12[%get3A_1511, %get3A_1512, %get3A_1513] {strides = array<i32>} : memref<2x128x128xf32, #tpu.memory_space<vmem>>, vector<16xf32>,
        %get3A_1515 = arith.constant 0 : i32
        %get3A_1516 = arith.index_cast %get3A_1515 : i32 to index
        %get3A_1517 = arith.index_cast %add3A_1462 : i32 to index
        %get3A_1518 = arith.constant 64 : index
        %get3A_1519 = tpu.vector_load %arg13[%get3A_1516, %get3A_1517, %get3A_1518] {strides = array<i32>} : memref<2x128x128xf32, #tpu.memory_space<vmem>>, vector<16xf32>,
        %mul3A_1520 = arith.mulf %get3A_1514, %get3A_1519 : vector<16xf32>
        %add3A_1521 = arith.addf %add3A_1509, %mul3A_1520 : vector<16xf32>
        %get3A_1522 = arith.constant 0 : i32
        %get3A_1523 = arith.index_cast %get3A_1522 : i32 to index
        %get3A_1524 = arith.index_cast %add3A_1462 : i32 to index
        %get3A_1525 = arith.constant 80 : index
        %get3A_1526 = tpu.vector_load %arg12[%get3A_1523, %get3A_1524, %get3A_1525] {strides = array<i32>} : memref<2x128x128xf32, #tpu.memory_space<vmem>>, vector<16xf32>,
        %get3A_1527 = arith.constant 0 : i32
        %get3A_1528 = arith.index_cast %get3A_1527 : i32 to index
        %get3A_1529 = arith.index_cast %add3A_1462 : i32 to index
        %get3A_1530 = arith.constant 80 : index
        %get3A_1531 = tpu.vector_load %arg13[%get3A_1528, %get3A_1529, %get3A_1530] {strides = array<i32>} : memref<2x128x128xf32, #tpu.memory_space<vmem>>, vector<16xf32>,
        %mul3A_1532 = arith.mulf %get3A_1526, %get3A_1531 : vector<16xf32>
        %add3A_1533 = arith.addf %add3A_1521, %mul3A_1532 : vector<16xf32>
        %get3A_1534 = arith.constant 0 : i32
        %get3A_1535 = arith.index_cast %get3A_1534 : i32 to index
        %get3A_1536 = arith.index_cast %add3A_1462 : i32 to index
        %get3A_1537 = arith.constant 96 : index
        %get3A_1538 = tpu.vector_load %arg12[%get3A_1535, %get3A_1536, %get3A_1537] {strides = array<i32>} : memref<2x128x128xf32, #tpu.memory_space<vmem>>, vector<16xf32>,
        %get3A_1539 = arith.constant 0 : i32
        %get3A_1540 = arith.index_cast %get3A_1539 : i32 to index
        %get3A_1541 = arith.index_cast %add3A_1462 : i32 to index
        %get3A_1542 = arith.constant 96 : index
        %get3A_1543 = tpu.vector_load %arg13[%get3A_1540, %get3A_1541, %get3A_1542] {strides = array<i32>} : memref<2x128x128xf32, #tpu.memory_space<vmem>>, vector<16xf32>,
        %mul3A_1544 = arith.mulf %get3A_1538, %get3A_1543 : vector<16xf32>
        %add3A_1545 = arith.addf %add3A_1533, %mul3A_1544 : vector<16xf32>
        %get3A_1546 = arith.constant 0 : i32
        %get3A_1547 = arith.index_cast %get3A_1546 : i32 to index
        %get3A_1548 = arith.index_cast %add3A_1462 : i32 to index
        %get3A_1549 = arith.constant 112 : index
        %get3A_1550 = tpu.vector_load %arg12[%get3A_1547, %get3A_1548, %get3A_1549] {strides = array<i32>} : memref<2x128x128xf32, #tpu.memory_space<vmem>>, vector<16xf32>,
        %get3A_1551 = arith.constant 0 : i32
        %get3A_1552 = arith.index_cast %get3A_1551 : i32 to index
        %get3A_1553 = arith.index_cast %add3A_1462 : i32 to index
        %get3A_1554 = arith.constant 112 : index
        %get3A_1555 = tpu.vector_load %arg13[%get3A_1552, %get3A_1553, %get3A_1554] {strides = array<i32>} : memref<2x128x128xf32, #tpu.memory_space<vmem>>, vector<16xf32>,
        %mul3A_1556 = arith.mulf %get3A_1550, %get3A_1555 : vector<16xf32>
        %add3A_1557 = arith.addf %add3A_1545, %mul3A_1556 : vector<16xf32>
        %add3A_1558 = arith.constant 12 : i32
        %add3A_1559 = vector.broadcast %add3A_1558 : i32 to vector<16xi32>
        %add3A_1560 = arith.addi %mul3A_177, %add3A_1559 : vector<16xi32>
        tpu.vector_store_idx %arg17[%add3A_1560], %add3A_1557 : memref<256xf32, #tpu.memory_space<vmem>>[vector<16xi32>], vector<16xf32>,
        %add3A_1561 = arith.constant 13 : i32
        %add3A_1562 = arith.addi %mul3A_260, %add3A_1561 : i32
        %get3A_1563 = arith.constant 0 : i32
        %get3A_1564 = arith.index_cast %get3A_1563 : i32 to index
        %get3A_1565 = arith.index_cast %add3A_1562 : i32 to index
        %get3A_1566 = arith.constant 0 : index
        %get3A_1567 = tpu.vector_load %arg12[%get3A_1564, %get3A_1565, %get3A_1566] {strides = array<i32>} : memref<2x128x128xf32, #tpu.memory_space<vmem>>, vector<16xf32>,
        %get3A_1568 = arith.constant 0 : i32
        %get3A_1569 = arith.index_cast %get3A_1568 : i32 to index
        %get3A_1570 = arith.index_cast %add3A_1562 : i32 to index
        %get3A_1571 = arith.constant 0 : index
        %get3A_1572 = tpu.vector_load %arg13[%get3A_1569, %get3A_1570, %get3A_1571] {strides = array<i32>} : memref<2x128x128xf32, #tpu.memory_space<vmem>>, vector<16xf32>,
        %mul3A_1573 = arith.mulf %get3A_1567, %get3A_1572 : vector<16xf32>
        %get3A_1574 = arith.constant 0 : i32
        %get3A_1575 = arith.index_cast %get3A_1574 : i32 to index
        %get3A_1576 = arith.index_cast %add3A_1562 : i32 to index
        %get3A_1577 = arith.constant 16 : index
        %get3A_1578 = tpu.vector_load %arg12[%get3A_1575, %get3A_1576, %get3A_1577] {strides = array<i32>} : memref<2x128x128xf32, #tpu.memory_space<vmem>>, vector<16xf32>,
        %get3A_1579 = arith.constant 0 : i32
        %get3A_1580 = arith.index_cast %get3A_1579 : i32 to index
        %get3A_1581 = arith.index_cast %add3A_1562 : i32 to index
        %get3A_1582 = arith.constant 16 : index
        %get3A_1583 = tpu.vector_load %arg13[%get3A_1580, %get3A_1581, %get3A_1582] {strides = array<i32>} : memref<2x128x128xf32, #tpu.memory_space<vmem>>, vector<16xf32>,
        %mul3A_1584 = arith.mulf %get3A_1578, %get3A_1583 : vector<16xf32>
        %add3A_1585 = arith.addf %mul3A_1573, %mul3A_1584 : vector<16xf32>
        %get3A_1586 = arith.constant 0 : i32
        %get3A_1587 = arith.index_cast %get3A_1586 : i32 to index
        %get3A_1588 = arith.index_cast %add3A_1562 : i32 to index
        %get3A_1589 = arith.constant 32 : index
        %get3A_1590 = tpu.vector_load %arg12[%get3A_1587, %get3A_1588, %get3A_1589] {strides = array<i32>} : memref<2x128x128xf32, #tpu.memory_space<vmem>>, vector<16xf32>,
        %get3A_1591 = arith.constant 0 : i32
        %get3A_1592 = arith.index_cast %get3A_1591 : i32 to index
        %get3A_1593 = arith.index_cast %add3A_1562 : i32 to index
        %get3A_1594 = arith.constant 32 : index
        %get3A_1595 = tpu.vector_load %arg13[%get3A_1592, %get3A_1593, %get3A_1594] {strides = array<i32>} : memref<2x128x128xf32, #tpu.memory_space<vmem>>, vector<16xf32>,
        %mul3A_1596 = arith.mulf %get3A_1590, %get3A_1595 : vector<16xf32>
        %add3A_1597 = arith.addf %add3A_1585, %mul3A_1596 : vector<16xf32>
        %get3A_1598 = arith.constant 0 : i32
        %get3A_1599 = arith.index_cast %get3A_1598 : i32 to index
        %get3A_1600 = arith.index_cast %add3A_1562 : i32 to index
        %get3A_1601 = arith.constant 48 : index
        %get3A_1602 = tpu.vector_load %arg12[%get3A_1599, %get3A_1600, %get3A_1601] {strides = array<i32>} : memref<2x128x128xf32, #tpu.memory_space<vmem>>, vector<16xf32>,
        %get3A_1603 = arith.constant 0 : i32
        %get3A_1604 = arith.index_cast %get3A_1603 : i32 to index
        %get3A_1605 = arith.index_cast %add3A_1562 : i32 to index
        %get3A_1606 = arith.constant 48 : index
        %get3A_1607 = tpu.vector_load %arg13[%get3A_1604, %get3A_1605, %get3A_1606] {strides = array<i32>} : memref<2x128x128xf32, #tpu.memory_space<vmem>>, vector<16xf32>,
        %mul3A_1608 = arith.mulf %get3A_1602, %get3A_1607 : vector<16xf32>
        %add3A_1609 = arith.addf %add3A_1597, %mul3A_1608 : vector<16xf32>
        %get3A_1610 = arith.constant 0 : i32
        %get3A_1611 = arith.index_cast %get3A_1610 : i32 to index
        %get3A_1612 = arith.index_cast %add3A_1562 : i32 to index
        %get3A_1613 = arith.constant 64 : index
        %get3A_1614 = tpu.vector_load %arg12[%get3A_1611, %get3A_1612, %get3A_1613] {strides = array<i32>} : memref<2x128x128xf32, #tpu.memory_space<vmem>>, vector<16xf32>,
        %get3A_1615 = arith.constant 0 : i32
        %get3A_1616 = arith.index_cast %get3A_1615 : i32 to index
        %get3A_1617 = arith.index_cast %add3A_1562 : i32 to index
        %get3A_1618 = arith.constant 64 : index
        %get3A_1619 = tpu.vector_load %arg13[%get3A_1616, %get3A_1617, %get3A_1618] {strides = array<i32>} : memref<2x128x128xf32, #tpu.memory_space<vmem>>, vector<16xf32>,
        %mul3A_1620 = arith.mulf %get3A_1614, %get3A_1619 : vector<16xf32>
        %add3A_1621 = arith.addf %add3A_1609, %mul3A_1620 : vector<16xf32>
        %get3A_1622 = arith.constant 0 : i32
        %get3A_1623 = arith.index_cast %get3A_1622 : i32 to index
        %get3A_1624 = arith.index_cast %add3A_1562 : i32 to index
        %get3A_1625 = arith.constant 80 : index
        %get3A_1626 = tpu.vector_load %arg12[%get3A_1623, %get3A_1624, %get3A_1625] {strides = array<i32>} : memref<2x128x128xf32, #tpu.memory_space<vmem>>, vector<16xf32>,
        %get3A_1627 = arith.constant 0 : i32
        %get3A_1628 = arith.index_cast %get3A_1627 : i32 to index
        %get3A_1629 = arith.index_cast %add3A_1562 : i32 to index
        %get3A_1630 = arith.constant 80 : index
        %get3A_1631 = tpu.vector_load %arg13[%get3A_1628, %get3A_1629, %get3A_1630] {strides = array<i32>} : memref<2x128x128xf32, #tpu.memory_space<vmem>>, vector<16xf32>,
        %mul3A_1632 = arith.mulf %get3A_1626, %get3A_1631 : vector<16xf32>
        %add3A_1633 = arith.addf %add3A_1621, %mul3A_1632 : vector<16xf32>
        %get3A_1634 = arith.constant 0 : i32
        %get3A_1635 = arith.index_cast %get3A_1634 : i32 to index
        %get3A_1636 = arith.index_cast %add3A_1562 : i32 to index
        %get3A_1637 = arith.constant 96 : index
        %get3A_1638 = tpu.vector_load %arg12[%get3A_1635, %get3A_1636, %get3A_1637] {strides = array<i32>} : memref<2x128x128xf32, #tpu.memory_space<vmem>>, vector<16xf32>,
        %get3A_1639 = arith.constant 0 : i32
        %get3A_1640 = arith.index_cast %get3A_1639 : i32 to index
        %get3A_1641 = arith.index_cast %add3A_1562 : i32 to index
        %get3A_1642 = arith.constant 96 : index
        %get3A_1643 = tpu.vector_load %arg13[%get3A_1640, %get3A_1641, %get3A_1642] {strides = array<i32>} : memref<2x128x128xf32, #tpu.memory_space<vmem>>, vector<16xf32>,
        %mul3A_1644 = arith.mulf %get3A_1638, %get3A_1643 : vector<16xf32>
        %add3A_1645 = arith.addf %add3A_1633, %mul3A_1644 : vector<16xf32>
        %get3A_1646 = arith.constant 0 : i32
        %get3A_1647 = arith.index_cast %get3A_1646 : i32 to index
        %get3A_1648 = arith.index_cast %add3A_1562 : i32 to index
        %get3A_1649 = arith.constant 112 : index
        %get3A_1650 = tpu.vector_load %arg12[%get3A_1647, %get3A_1648, %get3A_1649] {strides = array<i32>} : memref<2x128x128xf32, #tpu.memory_space<vmem>>, vector<16xf32>,
        %get3A_1651 = arith.constant 0 : i32
        %get3A_1652 = arith.index_cast %get3A_1651 : i32 to index
        %get3A_1653 = arith.index_cast %add3A_1562 : i32 to index
        %get3A_1654 = arith.constant 112 : index
        %get3A_1655 = tpu.vector_load %arg13[%get3A_1652, %get3A_1653, %get3A_1654] {strides = array<i32>} : memref<2x128x128xf32, #tpu.memory_space<vmem>>, vector<16xf32>,
        %mul3A_1656 = arith.mulf %get3A_1650, %get3A_1655 : vector<16xf32>
        %add3A_1657 = arith.addf %add3A_1645, %mul3A_1656 : vector<16xf32>
        %add3A_1658 = arith.constant 13 : i32
        %add3A_1659 = vector.broadcast %add3A_1658 : i32 to vector<16xi32>
        %add3A_1660 = arith.addi %mul3A_177, %add3A_1659 : vector<16xi32>
        tpu.vector_store_idx %arg17[%add3A_1660], %add3A_1657 : memref<256xf32, #tpu.memory_space<vmem>>[vector<16xi32>], vector<16xf32>,
        %add3A_1661 = arith.constant 14 : i32
        %add3A_1662 = arith.addi %mul3A_260, %add3A_1661 : i32
        %get3A_1663 = arith.constant 0 : i32
        %get3A_1664 = arith.index_cast %get3A_1663 : i32 to index
        %get3A_1665 = arith.index_cast %add3A_1662 : i32 to index
        %get3A_1666 = arith.constant 0 : index
        %get3A_1667 = tpu.vector_load %arg12[%get3A_1664, %get3A_1665, %get3A_1666] {strides = array<i32>} : memref<2x128x128xf32, #tpu.memory_space<vmem>>, vector<16xf32>,
        %get3A_1668 = arith.constant 0 : i32
        %get3A_1669 = arith.index_cast %get3A_1668 : i32 to index
        %get3A_1670 = arith.index_cast %add3A_1662 : i32 to index
        %get3A_1671 = arith.constant 0 : index
        %get3A_1672 = tpu.vector_load %arg13[%get3A_1669, %get3A_1670, %get3A_1671] {strides = array<i32>} : memref<2x128x128xf32, #tpu.memory_space<vmem>>, vector<16xf32>,
        %mul3A_1673 = arith.mulf %get3A_1667, %get3A_1672 : vector<16xf32>
        %get3A_1674 = arith.constant 0 : i32
        %get3A_1675 = arith.index_cast %get3A_1674 : i32 to index
        %get3A_1676 = arith.index_cast %add3A_1662 : i32 to index
        %get3A_1677 = arith.constant 16 : index
        %get3A_1678 = tpu.vector_load %arg12[%get3A_1675, %get3A_1676, %get3A_1677] {strides = array<i32>} : memref<2x128x128xf32, #tpu.memory_space<vmem>>, vector<16xf32>,
        %get3A_1679 = arith.constant 0 : i32
        %get3A_1680 = arith.index_cast %get3A_1679 : i32 to index
        %get3A_1681 = arith.index_cast %add3A_1662 : i32 to index
        %get3A_1682 = arith.constant 16 : index
        %get3A_1683 = tpu.vector_load %arg13[%get3A_1680, %get3A_1681, %get3A_1682] {strides = array<i32>} : memref<2x128x128xf32, #tpu.memory_space<vmem>>, vector<16xf32>,
        %mul3A_1684 = arith.mulf %get3A_1678, %get3A_1683 : vector<16xf32>
        %add3A_1685 = arith.addf %mul3A_1673, %mul3A_1684 : vector<16xf32>
        %get3A_1686 = arith.constant 0 : i32
        %get3A_1687 = arith.index_cast %get3A_1686 : i32 to index
        %get3A_1688 = arith.index_cast %add3A_1662 : i32 to index
        %get3A_1689 = arith.constant 32 : index
        %get3A_1690 = tpu.vector_load %arg12[%get3A_1687, %get3A_1688, %get3A_1689] {strides = array<i32>} : memref<2x128x128xf32, #tpu.memory_space<vmem>>, vector<16xf32>,
        %get3A_1691 = arith.constant 0 : i32
        %get3A_1692 = arith.index_cast %get3A_1691 : i32 to index
        %get3A_1693 = arith.index_cast %add3A_1662 : i32 to index
        %get3A_1694 = arith.constant 32 : index
        %get3A_1695 = tpu.vector_load %arg13[%get3A_1692, %get3A_1693, %get3A_1694] {strides = array<i32>} : memref<2x128x128xf32, #tpu.memory_space<vmem>>, vector<16xf32>,
        %mul3A_1696 = arith.mulf %get3A_1690, %get3A_1695 : vector<16xf32>
        %add3A_1697 = arith.addf %add3A_1685, %mul3A_1696 : vector<16xf32>
        %get3A_1698 = arith.constant 0 : i32
        %get3A_1699 = arith.index_cast %get3A_1698 : i32 to index
        %get3A_1700 = arith.index_cast %add3A_1662 : i32 to index
        %get3A_1701 = arith.constant 48 : index
        %get3A_1702 = tpu.vector_load %arg12[%get3A_1699, %get3A_1700, %get3A_1701] {strides = array<i32>} : memref<2x128x128xf32, #tpu.memory_space<vmem>>, vector<16xf32>,
        %get3A_1703 = arith.constant 0 : i32
        %get3A_1704 = arith.index_cast %get3A_1703 : i32 to index
        %get3A_1705 = arith.index_cast %add3A_1662 : i32 to index
        %get3A_1706 = arith.constant 48 : index
        %get3A_1707 = tpu.vector_load %arg13[%get3A_1704, %get3A_1705, %get3A_1706] {strides = array<i32>} : memref<2x128x128xf32, #tpu.memory_space<vmem>>, vector<16xf32>,
        %mul3A_1708 = arith.mulf %get3A_1702, %get3A_1707 : vector<16xf32>
        %add3A_1709 = arith.addf %add3A_1697, %mul3A_1708 : vector<16xf32>
        %get3A_1710 = arith.constant 0 : i32
        %get3A_1711 = arith.index_cast %get3A_1710 : i32 to index
        %get3A_1712 = arith.index_cast %add3A_1662 : i32 to index
        %get3A_1713 = arith.constant 64 : index
        %get3A_1714 = tpu.vector_load %arg12[%get3A_1711, %get3A_1712, %get3A_1713] {strides = array<i32>} : memref<2x128x128xf32, #tpu.memory_space<vmem>>, vector<16xf32>,
        %get3A_1715 = arith.constant 0 : i32
        %get3A_1716 = arith.index_cast %get3A_1715 : i32 to index
        %get3A_1717 = arith.index_cast %add3A_1662 : i32 to index
        %get3A_1718 = arith.constant 64 : index
        %get3A_1719 = tpu.vector_load %arg13[%get3A_1716, %get3A_1717, %get3A_1718] {strides = array<i32>} : memref<2x128x128xf32, #tpu.memory_space<vmem>>, vector<16xf32>,
        %mul3A_1720 = arith.mulf %get3A_1714, %get3A_1719 : vector<16xf32>
        %add3A_1721 = arith.addf %add3A_1709, %mul3A_1720 : vector<16xf32>
        %get3A_1722 = arith.constant 0 : i32
        %get3A_1723 = arith.index_cast %get3A_1722 : i32 to index
        %get3A_1724 = arith.index_cast %add3A_1662 : i32 to index
        %get3A_1725 = arith.constant 80 : index
        %get3A_1726 = tpu.vector_load %arg12[%get3A_1723, %get3A_1724, %get3A_1725] {strides = array<i32>} : memref<2x128x128xf32, #tpu.memory_space<vmem>>, vector<16xf32>,
        %get3A_1727 = arith.constant 0 : i32
        %get3A_1728 = arith.index_cast %get3A_1727 : i32 to index
        %get3A_1729 = arith.index_cast %add3A_1662 : i32 to index
        %get3A_1730 = arith.constant 80 : index
        %get3A_1731 = tpu.vector_load %arg13[%get3A_1728, %get3A_1729, %get3A_1730] {strides = array<i32>} : memref<2x128x128xf32, #tpu.memory_space<vmem>>, vector<16xf32>,
        %mul3A_1732 = arith.mulf %get3A_1726, %get3A_1731 : vector<16xf32>
        %add3A_1733 = arith.addf %add3A_1721, %mul3A_1732 : vector<16xf32>
        %get3A_1734 = arith.constant 0 : i32
        %get3A_1735 = arith.index_cast %get3A_1734 : i32 to index
        %get3A_1736 = arith.index_cast %add3A_1662 : i32 to index
        %get3A_1737 = arith.constant 96 : index
        %get3A_1738 = tpu.vector_load %arg12[%get3A_1735, %get3A_1736, %get3A_1737] {strides = array<i32>} : memref<2x128x128xf32, #tpu.memory_space<vmem>>, vector<16xf32>,
        %get3A_1739 = arith.constant 0 : i32
        %get3A_1740 = arith.index_cast %get3A_1739 : i32 to index
        %get3A_1741 = arith.index_cast %add3A_1662 : i32 to index
        %get3A_1742 = arith.constant 96 : index
        %get3A_1743 = tpu.vector_load %arg13[%get3A_1740, %get3A_1741, %get3A_1742] {strides = array<i32>} : memref<2x128x128xf32, #tpu.memory_space<vmem>>, vector<16xf32>,
        %mul3A_1744 = arith.mulf %get3A_1738, %get3A_1743 : vector<16xf32>
        %add3A_1745 = arith.addf %add3A_1733, %mul3A_1744 : vector<16xf32>
        %get3A_1746 = arith.constant 0 : i32
        %get3A_1747 = arith.index_cast %get3A_1746 : i32 to index
        %get3A_1748 = arith.index_cast %add3A_1662 : i32 to index
        %get3A_1749 = arith.constant 112 : index
        %get3A_1750 = tpu.vector_load %arg12[%get3A_1747, %get3A_1748, %get3A_1749] {strides = array<i32>} : memref<2x128x128xf32, #tpu.memory_space<vmem>>, vector<16xf32>,
        %get3A_1751 = arith.constant 0 : i32
        %get3A_1752 = arith.index_cast %get3A_1751 : i32 to index
        %get3A_1753 = arith.index_cast %add3A_1662 : i32 to index
        %get3A_1754 = arith.constant 112 : index
        %get3A_1755 = tpu.vector_load %arg13[%get3A_1752, %get3A_1753, %get3A_1754] {strides = array<i32>} : memref<2x128x128xf32, #tpu.memory_space<vmem>>, vector<16xf32>,
        %mul3A_1756 = arith.mulf %get3A_1750, %get3A_1755 : vector<16xf32>
        %add3A_1757 = arith.addf %add3A_1745, %mul3A_1756 : vector<16xf32>
        %add3A_1758 = arith.constant 14 : i32
        %add3A_1759 = vector.broadcast %add3A_1758 : i32 to vector<16xi32>
        %add3A_1760 = arith.addi %mul3A_177, %add3A_1759 : vector<16xi32>
        tpu.vector_store_idx %arg17[%add3A_1760], %add3A_1757 : memref<256xf32, #tpu.memory_space<vmem>>[vector<16xi32>], vector<16xf32>,
        %add3A_1761 = arith.constant 15 : i32
        %add3A_1762 = arith.addi %mul3A_260, %add3A_1761 : i32
        %get3A_1763 = arith.constant 0 : i32
        %get3A_1764 = arith.index_cast %get3A_1763 : i32 to index
        %get3A_1765 = arith.index_cast %add3A_1762 : i32 to index
        %get3A_1766 = arith.constant 0 : index
        %get3A_1767 = tpu.vector_load %arg12[%get3A_1764, %get3A_1765, %get3A_1766] {strides = array<i32>} : memref<2x128x128xf32, #tpu.memory_space<vmem>>, vector<16xf32>,
        %get3A_1768 = arith.constant 0 : i32
        %get3A_1769 = arith.index_cast %get3A_1768 : i32 to index
        %get3A_1770 = arith.index_cast %add3A_1762 : i32 to index
        %get3A_1771 = arith.constant 0 : index
        %get3A_1772 = tpu.vector_load %arg13[%get3A_1769, %get3A_1770, %get3A_1771] {strides = array<i32>} : memref<2x128x128xf32, #tpu.memory_space<vmem>>, vector<16xf32>,
        %mul3A_1773 = arith.mulf %get3A_1767, %get3A_1772 : vector<16xf32>
        %get3A_1774 = arith.constant 0 : i32
        %get3A_1775 = arith.index_cast %get3A_1774 : i32 to index
        %get3A_1776 = arith.index_cast %add3A_1762 : i32 to index
        %get3A_1777 = arith.constant 16 : index
        %get3A_1778 = tpu.vector_load %arg12[%get3A_1775, %get3A_1776, %get3A_1777] {strides = array<i32>} : memref<2x128x128xf32, #tpu.memory_space<vmem>>, vector<16xf32>,
        %get3A_1779 = arith.constant 0 : i32
        %get3A_1780 = arith.index_cast %get3A_1779 : i32 to index
        %get3A_1781 = arith.index_cast %add3A_1762 : i32 to index
        %get3A_1782 = arith.constant 16 : index
        %get3A_1783 = tpu.vector_load %arg13[%get3A_1780, %get3A_1781, %get3A_1782] {strides = array<i32>} : memref<2x128x128xf32, #tpu.memory_space<vmem>>, vector<16xf32>,
        %mul3A_1784 = arith.mulf %get3A_1778, %get3A_1783 : vector<16xf32>
        %add3A_1785 = arith.addf %mul3A_1773, %mul3A_1784 : vector<16xf32>
        %get3A_1786 = arith.constant 0 : i32
        %get3A_1787 = arith.index_cast %get3A_1786 : i32 to index
        %get3A_1788 = arith.index_cast %add3A_1762 : i32 to index
        %get3A_1789 = arith.constant 32 : index
        %get3A_1790 = tpu.vector_load %arg12[%get3A_1787, %get3A_1788, %get3A_1789] {strides = array<i32>} : memref<2x128x128xf32, #tpu.memory_space<vmem>>, vector<16xf32>,
        %get3A_1791 = arith.constant 0 : i32
        %get3A_1792 = arith.index_cast %get3A_1791 : i32 to index
        %get3A_1793 = arith.index_cast %add3A_1762 : i32 to index
        %get3A_1794 = arith.constant 32 : index
        %get3A_1795 = tpu.vector_load %arg13[%get3A_1792, %get3A_1793, %get3A_1794] {strides = array<i32>} : memref<2x128x128xf32, #tpu.memory_space<vmem>>, vector<16xf32>,
        %mul3A_1796 = arith.mulf %get3A_1790, %get3A_1795 : vector<16xf32>
        %add3A_1797 = arith.addf %add3A_1785, %mul3A_1796 : vector<16xf32>
        %get3A_1798 = arith.constant 0 : i32
        %get3A_1799 = arith.index_cast %get3A_1798 : i32 to index
        %get3A_1800 = arith.index_cast %add3A_1762 : i32 to index
        %get3A_1801 = arith.constant 48 : index
        %get3A_1802 = tpu.vector_load %arg12[%get3A_1799, %get3A_1800, %get3A_1801] {strides = array<i32>} : memref<2x128x128xf32, #tpu.memory_space<vmem>>, vector<16xf32>,
        %get3A_1803 = arith.constant 0 : i32
        %get3A_1804 = arith.index_cast %get3A_1803 : i32 to index
        %get3A_1805 = arith.index_cast %add3A_1762 : i32 to index
        %get3A_1806 = arith.constant 48 : index
        %get3A_1807 = tpu.vector_load %arg13[%get3A_1804, %get3A_1805, %get3A_1806] {strides = array<i32>} : memref<2x128x128xf32, #tpu.memory_space<vmem>>, vector<16xf32>,
        %mul3A_1808 = arith.mulf %get3A_1802, %get3A_1807 : vector<16xf32>
        %add3A_1809 = arith.addf %add3A_1797, %mul3A_1808 : vector<16xf32>
        %get3A_1810 = arith.constant 0 : i32
        %get3A_1811 = arith.index_cast %get3A_1810 : i32 to index
        %get3A_1812 = arith.index_cast %add3A_1762 : i32 to index
        %get3A_1813 = arith.constant 64 : index
        %get3A_1814 = tpu.vector_load %arg12[%get3A_1811, %get3A_1812, %get3A_1813] {strides = array<i32>} : memref<2x128x128xf32, #tpu.memory_space<vmem>>, vector<16xf32>,
        %get3A_1815 = arith.constant 0 : i32
        %get3A_1816 = arith.index_cast %get3A_1815 : i32 to index
        %get3A_1817 = arith.index_cast %add3A_1762 : i32 to index
        %get3A_1818 = arith.constant 64 : index
        %get3A_1819 = tpu.vector_load %arg13[%get3A_1816, %get3A_1817, %get3A_1818] {strides = array<i32>} : memref<2x128x128xf32, #tpu.memory_space<vmem>>, vector<16xf32>,
        %mul3A_1820 = arith.mulf %get3A_1814, %get3A_1819 : vector<16xf32>
        %add3A_1821 = arith.addf %add3A_1809, %mul3A_1820 : vector<16xf32>
        %get3A_1822 = arith.constant 0 : i32
        %get3A_1823 = arith.index_cast %get3A_1822 : i32 to index
        %get3A_1824 = arith.index_cast %add3A_1762 : i32 to index
        %get3A_1825 = arith.constant 80 : index
        %get3A_1826 = tpu.vector_load %arg12[%get3A_1823, %get3A_1824, %get3A_1825] {strides = array<i32>} : memref<2x128x128xf32, #tpu.memory_space<vmem>>, vector<16xf32>,
        %get3A_1827 = arith.constant 0 : i32
        %get3A_1828 = arith.index_cast %get3A_1827 : i32 to index
        %get3A_1829 = arith.index_cast %add3A_1762 : i32 to index
        %get3A_1830 = arith.constant 80 : index
        %get3A_1831 = tpu.vector_load %arg13[%get3A_1828, %get3A_1829, %get3A_1830] {strides = array<i32>} : memref<2x128x128xf32, #tpu.memory_space<vmem>>, vector<16xf32>,
        %mul3A_1832 = arith.mulf %get3A_1826, %get3A_1831 : vector<16xf32>
        %add3A_1833 = arith.addf %add3A_1821, %mul3A_1832 : vector<16xf32>
        %get3A_1834 = arith.constant 0 : i32
        %get3A_1835 = arith.index_cast %get3A_1834 : i32 to index
        %get3A_1836 = arith.index_cast %add3A_1762 : i32 to index
        %get3A_1837 = arith.constant 96 : index
        %get3A_1838 = tpu.vector_load %arg12[%get3A_1835, %get3A_1836, %get3A_1837] {strides = array<i32>} : memref<2x128x128xf32, #tpu.memory_space<vmem>>, vector<16xf32>,
        %get3A_1839 = arith.constant 0 : i32
        %get3A_1840 = arith.index_cast %get3A_1839 : i32 to index
        %get3A_1841 = arith.index_cast %add3A_1762 : i32 to index
        %get3A_1842 = arith.constant 96 : index
        %get3A_1843 = tpu.vector_load %arg13[%get3A_1840, %get3A_1841, %get3A_1842] {strides = array<i32>} : memref<2x128x128xf32, #tpu.memory_space<vmem>>, vector<16xf32>,
        %mul3A_1844 = arith.mulf %get3A_1838, %get3A_1843 : vector<16xf32>
        %add3A_1845 = arith.addf %add3A_1833, %mul3A_1844 : vector<16xf32>
        %get3A_1846 = arith.constant 0 : i32
        %get3A_1847 = arith.index_cast %get3A_1846 : i32 to index
        %get3A_1848 = arith.index_cast %add3A_1762 : i32 to index
        %get3A_1849 = arith.constant 112 : index
        %get3A_1850 = tpu.vector_load %arg12[%get3A_1847, %get3A_1848, %get3A_1849] {strides = array<i32>} : memref<2x128x128xf32, #tpu.memory_space<vmem>>, vector<16xf32>,
        %get3A_1851 = arith.constant 0 : i32
        %get3A_1852 = arith.index_cast %get3A_1851 : i32 to index
        %get3A_1853 = arith.index_cast %add3A_1762 : i32 to index
        %get3A_1854 = arith.constant 112 : index
        %get3A_1855 = tpu.vector_load %arg13[%get3A_1852, %get3A_1853, %get3A_1854] {strides = array<i32>} : memref<2x128x128xf32, #tpu.memory_space<vmem>>, vector<16xf32>,
        %mul3A_1856 = arith.mulf %get3A_1850, %get3A_1855 : vector<16xf32>
        %add3A_1857 = arith.addf %add3A_1845, %mul3A_1856 : vector<16xf32>
        %add3A_1858 = arith.constant 15 : i32
        %add3A_1859 = vector.broadcast %add3A_1858 : i32 to vector<16xi32>
        %add3A_1860 = arith.addi %mul3A_177, %add3A_1859 : vector<16xi32>
        tpu.vector_store_idx %arg17[%add3A_1860], %add3A_1857 : memref<256xf32, #tpu.memory_space<vmem>>[vector<16xi32>], vector<16xf32>,
        %get3A_1861 = arith.constant 0 : index
        %get3A_1862 = tpu.vector_load %arg17[%get3A_1861] {strides = array<i32>} : memref<256xf32, #tpu.memory_space<vmem>>, vector<16xf32>,
        %get3A_1863 = arith.constant 16 : index
        %get3A_1864 = tpu.vector_load %arg17[%get3A_1863] {strides = array<i32>} : memref<256xf32, #tpu.memory_space<vmem>>, vector<16xf32>,
        %add3A_1865 = arith.addf %get3A_1862, %get3A_1864 : vector<16xf32>
        %get3A_1866 = arith.constant 32 : index
        %get3A_1867 = tpu.vector_load %arg17[%get3A_1866] {strides = array<i32>} : memref<256xf32, #tpu.memory_space<vmem>>, vector<16xf32>,
        %add3A_1868 = arith.addf %add3A_1865, %get3A_1867 : vector<16xf32>
        %get3A_1869 = arith.constant 48 : index
        %get3A_1870 = tpu.vector_load %arg17[%get3A_1869] {strides = array<i32>} : memref<256xf32, #tpu.memory_space<vmem>>, vector<16xf32>,
        %add3A_1871 = arith.addf %add3A_1868, %get3A_1870 : vector<16xf32>
        %get3A_1872 = arith.constant 64 : index
        %get3A_1873 = tpu.vector_load %arg17[%get3A_1872] {strides = array<i32>} : memref<256xf32, #tpu.memory_space<vmem>>, vector<16xf32>,
        %add3A_1874 = arith.addf %add3A_1871, %get3A_1873 : vector<16xf32>
        %get3A_1875 = arith.constant 80 : index
        %get3A_1876 = tpu.vector_load %arg17[%get3A_1875] {strides = array<i32>} : memref<256xf32, #tpu.memory_space<vmem>>, vector<16xf32>,
        %add3A_1877 = arith.addf %add3A_1874, %get3A_1876 : vector<16xf32>
        %get3A_1878 = arith.constant 96 : index
        %get3A_1879 = tpu.vector_load %arg17[%get3A_1878] {strides = array<i32>} : memref<256xf32, #tpu.memory_space<vmem>>, vector<16xf32>,
        %add3A_1880 = arith.addf %add3A_1877, %get3A_1879 : vector<16xf32>
        %get3A_1881 = arith.constant 112 : index
        %get3A_1882 = tpu.vector_load %arg17[%get3A_1881] {strides = array<i32>} : memref<256xf32, #tpu.memory_space<vmem>>, vector<16xf32>,
        %add3A_1883 = arith.addf %add3A_1880, %get3A_1882 : vector<16xf32>
        %get3A_1884 = arith.constant 128 : index
        %get3A_1885 = tpu.vector_load %arg17[%get3A_1884] {strides = array<i32>} : memref<256xf32, #tpu.memory_space<vmem>>, vector<16xf32>,
        %add3A_1886 = arith.addf %add3A_1883, %get3A_1885 : vector<16xf32>
        %get3A_1887 = arith.constant 144 : index
        %get3A_1888 = tpu.vector_load %arg17[%get3A_1887] {strides = array<i32>} : memref<256xf32, #tpu.memory_space<vmem>>, vector<16xf32>,
        %add3A_1889 = arith.addf %add3A_1886, %get3A_1888 : vector<16xf32>
        %get3A_1890 = arith.constant 160 : index
        %get3A_1891 = tpu.vector_load %arg17[%get3A_1890] {strides = array<i32>} : memref<256xf32, #tpu.memory_space<vmem>>, vector<16xf32>,
        %add3A_1892 = arith.addf %add3A_1889, %get3A_1891 : vector<16xf32>
        %get3A_1893 = arith.constant 176 : index
        %get3A_1894 = tpu.vector_load %arg17[%get3A_1893] {strides = array<i32>} : memref<256xf32, #tpu.memory_space<vmem>>, vector<16xf32>,
        %add3A_1895 = arith.addf %add3A_1892, %get3A_1894 : vector<16xf32>
        %get3A_1896 = arith.constant 192 : index
        %get3A_1897 = tpu.vector_load %arg17[%get3A_1896] {strides = array<i32>} : memref<256xf32, #tpu.memory_space<vmem>>, vector<16xf32>,
        %add3A_1898 = arith.addf %add3A_1895, %get3A_1897 : vector<16xf32>
        %get3A_1899 = arith.constant 208 : index
        %get3A_1900 = tpu.vector_load %arg17[%get3A_1899] {strides = array<i32>} : memref<256xf32, #tpu.memory_space<vmem>>, vector<16xf32>,
        %add3A_1901 = arith.addf %add3A_1898, %get3A_1900 : vector<16xf32>
        %get3A_1902 = arith.constant 224 : index
        %get3A_1903 = tpu.vector_load %arg17[%get3A_1902] {strides = array<i32>} : memref<256xf32, #tpu.memory_space<vmem>>, vector<16xf32>,
        %add3A_1904 = arith.addf %add3A_1901, %get3A_1903 : vector<16xf32>
        %get3A_1905 = arith.constant 240 : index
        %get3A_1906 = tpu.vector_load %arg17[%get3A_1905] {strides = array<i32>} : memref<256xf32, #tpu.memory_space<vmem>>, vector<16xf32>,
        %add3A_1907 = arith.addf %add3A_1904, %get3A_1906 : vector<16xf32>
        %get3A_1908 = arith.index_cast %add3A_190 : i32 to index
        %get3A_1909 = arith.index_cast %mul3A_260 : i32 to index
        %get3A_1910 = tpu.vector_load %arg14[%get3A_1908, %get3A_1909] {strides = array<i32>} : memref<4x128xf32, #tpu.memory_space<vmem>>, vector<16xf32>,
        %get3A_1911 = arith.index_cast %add3A_190 : i32 to index
        %get3A_1912 = arith.index_cast %mul3A_260 : i32 to index
        %get3A_1913 = tpu.vector_load %arg15[%get3A_1911, %get3A_1912] {strides = array<i32>} : memref<4x128xf32, #tpu.memory_space<vmem>>, vector<16xf32>,
        %add3A_1914 = arith.addf %add3A_1907, %get3A_1910 : vector<16xf32>
        %add3A_1915 = arith.addf %add3A_1914, %get3A_1913 : vector<16xf32>
        %add3A_1916 = arith.addf %add3A_1915, %get3A_178 : vector<16xf32>
        %mul3A_1917 = arith.constant 128 : i32
        %mul3A_1918 = arith.muli %add3A_190, %mul3A_1917 : i32
        %add3A_1919 = arith.addi %mul3A_1918, %mul3A_260 : i32
        %swap3A_1920 = arith.index_cast %add3A_1919 : i32 to index
        %swap3A_1921 = tpu.vector_load %arg16[%swap3A_1920] {strides = array<i32>} : memref<512xf32, #tpu.memory_space<vmem>>, vector<16xf32>,
        tpu.vector_store %arg16[%swap3A_1920], %add3A_1916 {strides = array<i32>} : memref<512xf32, #tpu.memory_space<vmem>>, vector<16xf32>,
        %scan3A_1922 = arith.constant 0 : i32
        scf.yield %scan3A_1922 : i32
      }
      %scan3A_217 = arith.constant 8 : i32
      %eq3A = arith.constant 0 : i32
      %eq3A_218 = arith.cmpi eq, %scan3A_185, %eq3A : i32
      %convert_element_type3A = arith.extui %eq3A_218 : i1 to i32
      %cond3A = arith.constant 0 : i32
      %cond3A_219 = arith.cmpi ne, %convert_element_type3A, %cond3A : i32
      scf.if %cond3A_219 {
        %dma_start3A_257 = arith.constant 0 : i32
        %dma_start3A_258 = arith.constant 0 : i32
        %dma_start3A_259 = arith.constant 0 : i32
        %dma_start3A_260 = tpu.memref_slice %arg12[%dma_start3A_257, %dma_start3A_258, %dma_start3A_259] : memref<2x128x128xf32, #tpu.memory_space<vmem>> -> memref<1x128x128xf32, #tpu.memory_space<vmem>>
        %dma_start3A_261 = tpu.memref_squeeze %dma_start3A_260 : memref<1x128x128xf32, #tpu.memory_space<vmem>> -> memref<128x128xf32, #tpu.memory_space<vmem>>
        %dma_start3A_262 = arith.constant 256 : i32
        %dma_start3A_263 = tpu.memref_slice %arg10[%dma_start3A_262] : memref<512xi32, #tpu.memory_space<vmem>> -> memref<128xi32, #tpu.memory_space<vmem>>
        %dma_start3A_264 = arith.constant 0 : i32
        %dma_start3A_265 = arith.constant 0 : i32
        %dma_start3A_266 = tpu.memref_slice %arg4[%dma_start3A_264, %dma_start3A_265] : memref<100000x128xf32, #tpu.memory_space<hbm>> -> memref<100000x128xf32, #tpu.memory_space<hbm>>
        tpu.enqueue_indirect_dma source(%dma_start3A_266 : memref<100000x128xf32, #tpu.memory_space<hbm>>) target(%dma_start3A_261 : memref<128x128xf32, #tpu.memory_space<vmem>>) offsets(%dma_start3A_263 : memref<128xi32, #tpu.memory_space<vmem>>) semaphore(%arg20 : memref<!tpu.dma_semaphore, #tpu.memory_space<semaphore_mem>>)
        %dma_start3A_267 = arith.constant 0 : i32
        %dma_start3A_268 = arith.constant 0 : i32
        %dma_start3A_269 = arith.constant 0 : i32
        %dma_start3A_270 = tpu.memref_slice %arg13[%dma_start3A_267, %dma_start3A_268, %dma_start3A_269] : memref<2x128x128xf32, #tpu.memory_space<vmem>> -> memref<1x128x128xf32, #tpu.memory_space<vmem>>
        %dma_start3A_271 = tpu.memref_squeeze %dma_start3A_270 : memref<1x128x128xf32, #tpu.memory_space<vmem>> -> memref<128x128xf32, #tpu.memory_space<vmem>>
        %dma_start3A_272 = arith.constant 256 : i32
        %dma_start3A_273 = tpu.memref_slice %arg11[%dma_start3A_272] : memref<512xi32, #tpu.memory_space<vmem>> -> memref<128xi32, #tpu.memory_space<vmem>>
        %dma_start3A_274 = arith.constant 0 : i32
        %dma_start3A_275 = arith.constant 0 : i32
        %dma_start3A_276 = tpu.memref_slice %arg5[%dma_start3A_274, %dma_start3A_275] : memref<100000x128xf32, #tpu.memory_space<hbm>> -> memref<100000x128xf32, #tpu.memory_space<hbm>>
        tpu.enqueue_indirect_dma source(%dma_start3A_276 : memref<100000x128xf32, #tpu.memory_space<hbm>>) target(%dma_start3A_271 : memref<128x128xf32, #tpu.memory_space<vmem>>) offsets(%dma_start3A_273 : memref<128xi32, #tpu.memory_space<vmem>>) semaphore(%arg20 : memref<!tpu.dma_semaphore, #tpu.memory_space<semaphore_mem>>)
      } else {
      }
      %mul3A_220 = arith.constant 2 : i32
      %mul3A_221 = arith.muli %scan3A_185, %mul3A_220 : i32
      %add3A_222 = arith.constant 1 : i32
      %add3A_223 = arith.addi %mul3A_221, %add3A_222 : i32
      %dma_wait3A_224 = arith.constant 1 : i32
      %dma_wait3A_225 = arith.constant 0 : i32
      %dma_wait3A_226 = arith.constant 0 : i32
      %dma_wait3A_227 = tpu.memref_slice %arg12[%dma_wait3A_224, %dma_wait3A_225, %dma_wait3A_226] : memref<2x128x128xf32, #tpu.memory_space<vmem>> -> memref<1x128x128xf32, #tpu.memory_space<vmem>>
      %dma_wait3A_228 = tpu.memref_squeeze %dma_wait3A_227 : memref<1x128x128xf32, #tpu.memory_space<vmem>> -> memref<128x128xf32, #tpu.memory_space<vmem>>
      %dma_wait3A_229 = arith.constant 128 : i32
      %dma_wait3A_230 = tpu.memref_slice %arg10[%dma_wait3A_229] : memref<512xi32, #tpu.memory_space<vmem>> -> memref<128xi32, #tpu.memory_space<vmem>>
      %dma_wait3A_231 = arith.constant 0 : i32
      %dma_wait3A_232 = arith.constant 0 : i32
      %dma_wait3A_233 = tpu.memref_slice %arg4[%dma_wait3A_231, %dma_wait3A_232] : memref<100000x128xf32, #tpu.memory_space<hbm>> -> memref<100000x128xf32, #tpu.memory_space<hbm>>
      tpu.wait_indirect_dma semaphore(%arg21 : memref<!tpu.dma_semaphore, #tpu.memory_space<semaphore_mem>>) src(%dma_wait3A_233 : memref<100000x128xf32, #tpu.memory_space<hbm>>) dst(%dma_wait3A_228 : memref<128x128xf32, #tpu.memory_space<vmem>>)
      %dma_wait3A_234 = arith.constant 1 : i32
      %dma_wait3A_235 = arith.constant 0 : i32
      %dma_wait3A_236 = arith.constant 0 : i32
      %dma_wait3A_237 = tpu.memref_slice %arg13[%dma_wait3A_234, %dma_wait3A_235, %dma_wait3A_236] : memref<2x128x128xf32, #tpu.memory_space<vmem>> -> memref<1x128x128xf32, #tpu.memory_space<vmem>>
      %dma_wait3A_238 = tpu.memref_squeeze %dma_wait3A_237 : memref<1x128x128xf32, #tpu.memory_space<vmem>> -> memref<128x128xf32, #tpu.memory_space<vmem>>
      %dma_wait3A_239 = arith.constant 128 : i32
      %dma_wait3A_240 = tpu.memref_slice %arg11[%dma_wait3A_239] : memref<512xi32, #tpu.memory_space<vmem>> -> memref<128xi32, #tpu.memory_space<vmem>>
      %dma_wait3A_241 = arith.constant 0 : i32
      %dma_wait3A_242 = arith.constant 0 : i32
      %dma_wait3A_243 = tpu.memref_slice %arg5[%dma_wait3A_241, %dma_wait3A_242] : memref<100000x128xf32, #tpu.memory_space<hbm>> -> memref<100000x128xf32, #tpu.memory_space<hbm>>
      tpu.wait_indirect_dma semaphore(%arg21 : memref<!tpu.dma_semaphore, #tpu.memory_space<semaphore_mem>>) src(%dma_wait3A_243 : memref<100000x128xf32, #tpu.memory_space<hbm>>) dst(%dma_wait3A_238 : memref<128x128xf32, #tpu.memory_space<vmem>>)
      %scan3A_244 = arith.constant 0 : i32
      %scan3A_245 = arith.constant 0 : i32
      %scan3A_246 = arith.constant 8 : i32
      %scan3A_247 = arith.addi %scan3A_245, %scan3A_246 : i32
      %scan3A_248 = arith.constant 1 : i32
      %scan3A_249 = scf.for %scan3A_257 = %scan3A_245 to %scan3A_247 step %scan3A_248 iter_args(%scan3A_258 = %scan3A_244) -> (i32)  : i32 {
        %mul3A_259 = arith.constant 16 : i32
        %mul3A_260 = arith.muli %scan3A_257, %mul3A_259 : i32
        %add3A_261 = arith.constant 0 : i32
        %add3A_262 = arith.addi %mul3A_260, %add3A_261 : i32
        %get3A_263 = arith.constant 1 : i32
        %get3A_264 = arith.index_cast %get3A_263 : i32 to index
        %get3A_265 = arith.index_cast %add3A_262 : i32 to index
        %get3A_266 = arith.constant 0 : index
        %get3A_267 = tpu.vector_load %arg12[%get3A_264, %get3A_265, %get3A_266] {strides = array<i32>} : memref<2x128x128xf32, #tpu.memory_space<vmem>>, vector<16xf32>,
        %get3A_268 = arith.constant 1 : i32
        %get3A_269 = arith.index_cast %get3A_268 : i32 to index
        %get3A_270 = arith.index_cast %add3A_262 : i32 to index
        %get3A_271 = arith.constant 0 : index
        %get3A_272 = tpu.vector_load %arg13[%get3A_269, %get3A_270, %get3A_271] {strides = array<i32>} : memref<2x128x128xf32, #tpu.memory_space<vmem>>, vector<16xf32>,
        %mul3A_273 = arith.mulf %get3A_267, %get3A_272 : vector<16xf32>
        %get3A_274 = arith.constant 1 : i32
        %get3A_275 = arith.index_cast %get3A_274 : i32 to index
        %get3A_276 = arith.index_cast %add3A_262 : i32 to index
        %get3A_277 = arith.constant 16 : index
        %get3A_278 = tpu.vector_load %arg12[%get3A_275, %get3A_276, %get3A_277] {strides = array<i32>} : memref<2x128x128xf32, #tpu.memory_space<vmem>>, vector<16xf32>,
        %get3A_279 = arith.constant 1 : i32
        %get3A_280 = arith.index_cast %get3A_279 : i32 to index
        %get3A_281 = arith.index_cast %add3A_262 : i32 to index
        %get3A_282 = arith.constant 16 : index
        %get3A_283 = tpu.vector_load %arg13[%get3A_280, %get3A_281, %get3A_282] {strides = array<i32>} : memref<2x128x128xf32, #tpu.memory_space<vmem>>, vector<16xf32>,
        %mul3A_284 = arith.mulf %get3A_278, %get3A_283 : vector<16xf32>
        %add3A_285 = arith.addf %mul3A_273, %mul3A_284 : vector<16xf32>
        %get3A_286 = arith.constant 1 : i32
        %get3A_287 = arith.index_cast %get3A_286 : i32 to index
        %get3A_288 = arith.index_cast %add3A_262 : i32 to index
        %get3A_289 = arith.constant 32 : index
        %get3A_290 = tpu.vector_load %arg12[%get3A_287, %get3A_288, %get3A_289] {strides = array<i32>} : memref<2x128x128xf32, #tpu.memory_space<vmem>>, vector<16xf32>,
        %get3A_291 = arith.constant 1 : i32
        %get3A_292 = arith.index_cast %get3A_291 : i32 to index
        %get3A_293 = arith.index_cast %add3A_262 : i32 to index
        %get3A_294 = arith.constant 32 : index
        %get3A_295 = tpu.vector_load %arg13[%get3A_292, %get3A_293, %get3A_294] {strides = array<i32>} : memref<2x128x128xf32, #tpu.memory_space<vmem>>, vector<16xf32>,
        %mul3A_296 = arith.mulf %get3A_290, %get3A_295 : vector<16xf32>
        %add3A_297 = arith.addf %add3A_285, %mul3A_296 : vector<16xf32>
        %get3A_298 = arith.constant 1 : i32
        %get3A_299 = arith.index_cast %get3A_298 : i32 to index
        %get3A_300 = arith.index_cast %add3A_262 : i32 to index
        %get3A_301 = arith.constant 48 : index
        %get3A_302 = tpu.vector_load %arg12[%get3A_299, %get3A_300, %get3A_301] {strides = array<i32>} : memref<2x128x128xf32, #tpu.memory_space<vmem>>, vector<16xf32>,
        %get3A_303 = arith.constant 1 : i32
        %get3A_304 = arith.index_cast %get3A_303 : i32 to index
        %get3A_305 = arith.index_cast %add3A_262 : i32 to index
        %get3A_306 = arith.constant 48 : index
        %get3A_307 = tpu.vector_load %arg13[%get3A_304, %get3A_305, %get3A_306] {strides = array<i32>} : memref<2x128x128xf32, #tpu.memory_space<vmem>>, vector<16xf32>,
        %mul3A_308 = arith.mulf %get3A_302, %get3A_307 : vector<16xf32>
        %add3A_309 = arith.addf %add3A_297, %mul3A_308 : vector<16xf32>
        %get3A_310 = arith.constant 1 : i32
        %get3A_311 = arith.index_cast %get3A_310 : i32 to index
        %get3A_312 = arith.index_cast %add3A_262 : i32 to index
        %get3A_313 = arith.constant 64 : index
        %get3A_314 = tpu.vector_load %arg12[%get3A_311, %get3A_312, %get3A_313] {strides = array<i32>} : memref<2x128x128xf32, #tpu.memory_space<vmem>>, vector<16xf32>,
        %get3A_315 = arith.constant 1 : i32
        %get3A_316 = arith.index_cast %get3A_315 : i32 to index
        %get3A_317 = arith.index_cast %add3A_262 : i32 to index
        %get3A_318 = arith.constant 64 : index
        %get3A_319 = tpu.vector_load %arg13[%get3A_316, %get3A_317, %get3A_318] {strides = array<i32>} : memref<2x128x128xf32, #tpu.memory_space<vmem>>, vector<16xf32>,
        %mul3A_320 = arith.mulf %get3A_314, %get3A_319 : vector<16xf32>
        %add3A_321 = arith.addf %add3A_309, %mul3A_320 : vector<16xf32>
        %get3A_322 = arith.constant 1 : i32
        %get3A_323 = arith.index_cast %get3A_322 : i32 to index
        %get3A_324 = arith.index_cast %add3A_262 : i32 to index
        %get3A_325 = arith.constant 80 : index
        %get3A_326 = tpu.vector_load %arg12[%get3A_323, %get3A_324, %get3A_325] {strides = array<i32>} : memref<2x128x128xf32, #tpu.memory_space<vmem>>, vector<16xf32>,
        %get3A_327 = arith.constant 1 : i32
        %get3A_328 = arith.index_cast %get3A_327 : i32 to index
        %get3A_329 = arith.index_cast %add3A_262 : i32 to index
        %get3A_330 = arith.constant 80 : index
        %get3A_331 = tpu.vector_load %arg13[%get3A_328, %get3A_329, %get3A_330] {strides = array<i32>} : memref<2x128x128xf32, #tpu.memory_space<vmem>>, vector<16xf32>,
        %mul3A_332 = arith.mulf %get3A_326, %get3A_331 : vector<16xf32>
        %add3A_333 = arith.addf %add3A_321, %mul3A_332 : vector<16xf32>
        %get3A_334 = arith.constant 1 : i32
        %get3A_335 = arith.index_cast %get3A_334 : i32 to index
        %get3A_336 = arith.index_cast %add3A_262 : i32 to index
        %get3A_337 = arith.constant 96 : index
        %get3A_338 = tpu.vector_load %arg12[%get3A_335, %get3A_336, %get3A_337] {strides = array<i32>} : memref<2x128x128xf32, #tpu.memory_space<vmem>>, vector<16xf32>,
        %get3A_339 = arith.constant 1 : i32
        %get3A_340 = arith.index_cast %get3A_339 : i32 to index
        %get3A_341 = arith.index_cast %add3A_262 : i32 to index
        %get3A_342 = arith.constant 96 : index
        %get3A_343 = tpu.vector_load %arg13[%get3A_340, %get3A_341, %get3A_342] {strides = array<i32>} : memref<2x128x128xf32, #tpu.memory_space<vmem>>, vector<16xf32>,
        %mul3A_344 = arith.mulf %get3A_338, %get3A_343 : vector<16xf32>
        %add3A_345 = arith.addf %add3A_333, %mul3A_344 : vector<16xf32>
        %get3A_346 = arith.constant 1 : i32
        %get3A_347 = arith.index_cast %get3A_346 : i32 to index
        %get3A_348 = arith.index_cast %add3A_262 : i32 to index
        %get3A_349 = arith.constant 112 : index
        %get3A_350 = tpu.vector_load %arg12[%get3A_347, %get3A_348, %get3A_349] {strides = array<i32>} : memref<2x128x128xf32, #tpu.memory_space<vmem>>, vector<16xf32>,
        %get3A_351 = arith.constant 1 : i32
        %get3A_352 = arith.index_cast %get3A_351 : i32 to index
        %get3A_353 = arith.index_cast %add3A_262 : i32 to index
        %get3A_354 = arith.constant 112 : index
        %get3A_355 = tpu.vector_load %arg13[%get3A_352, %get3A_353, %get3A_354] {strides = array<i32>} : memref<2x128x128xf32, #tpu.memory_space<vmem>>, vector<16xf32>,
        %mul3A_356 = arith.mulf %get3A_350, %get3A_355 : vector<16xf32>
        %add3A_357 = arith.addf %add3A_345, %mul3A_356 : vector<16xf32>
        %add3A_358 = arith.constant 0 : i32
        %add3A_359 = vector.broadcast %add3A_358 : i32 to vector<16xi32>
        %add3A_360 = arith.addi %mul3A_177, %add3A_359 : vector<16xi32>
        tpu.vector_store_idx %arg17[%add3A_360], %add3A_357 : memref<256xf32, #tpu.memory_space<vmem>>[vector<16xi32>], vector<16xf32>,
        %add3A_361 = arith.constant 1 : i32
        %add3A_362 = arith.addi %mul3A_260, %add3A_361 : i32
        %get3A_363 = arith.constant 1 : i32
        %get3A_364 = arith.index_cast %get3A_363 : i32 to index
        %get3A_365 = arith.index_cast %add3A_362 : i32 to index
        %get3A_366 = arith.constant 0 : index
        %get3A_367 = tpu.vector_load %arg12[%get3A_364, %get3A_365, %get3A_366] {strides = array<i32>} : memref<2x128x128xf32, #tpu.memory_space<vmem>>, vector<16xf32>,
        %get3A_368 = arith.constant 1 : i32
        %get3A_369 = arith.index_cast %get3A_368 : i32 to index
        %get3A_370 = arith.index_cast %add3A_362 : i32 to index
        %get3A_371 = arith.constant 0 : index
        %get3A_372 = tpu.vector_load %arg13[%get3A_369, %get3A_370, %get3A_371] {strides = array<i32>} : memref<2x128x128xf32, #tpu.memory_space<vmem>>, vector<16xf32>,
        %mul3A_373 = arith.mulf %get3A_367, %get3A_372 : vector<16xf32>
        %get3A_374 = arith.constant 1 : i32
        %get3A_375 = arith.index_cast %get3A_374 : i32 to index
        %get3A_376 = arith.index_cast %add3A_362 : i32 to index
        %get3A_377 = arith.constant 16 : index
        %get3A_378 = tpu.vector_load %arg12[%get3A_375, %get3A_376, %get3A_377] {strides = array<i32>} : memref<2x128x128xf32, #tpu.memory_space<vmem>>, vector<16xf32>,
        %get3A_379 = arith.constant 1 : i32
        %get3A_380 = arith.index_cast %get3A_379 : i32 to index
        %get3A_381 = arith.index_cast %add3A_362 : i32 to index
        %get3A_382 = arith.constant 16 : index
        %get3A_383 = tpu.vector_load %arg13[%get3A_380, %get3A_381, %get3A_382] {strides = array<i32>} : memref<2x128x128xf32, #tpu.memory_space<vmem>>, vector<16xf32>,
        %mul3A_384 = arith.mulf %get3A_378, %get3A_383 : vector<16xf32>
        %add3A_385 = arith.addf %mul3A_373, %mul3A_384 : vector<16xf32>
        %get3A_386 = arith.constant 1 : i32
        %get3A_387 = arith.index_cast %get3A_386 : i32 to index
        %get3A_388 = arith.index_cast %add3A_362 : i32 to index
        %get3A_389 = arith.constant 32 : index
        %get3A_390 = tpu.vector_load %arg12[%get3A_387, %get3A_388, %get3A_389] {strides = array<i32>} : memref<2x128x128xf32, #tpu.memory_space<vmem>>, vector<16xf32>,
        %get3A_391 = arith.constant 1 : i32
        %get3A_392 = arith.index_cast %get3A_391 : i32 to index
        %get3A_393 = arith.index_cast %add3A_362 : i32 to index
        %get3A_394 = arith.constant 32 : index
        %get3A_395 = tpu.vector_load %arg13[%get3A_392, %get3A_393, %get3A_394] {strides = array<i32>} : memref<2x128x128xf32, #tpu.memory_space<vmem>>, vector<16xf32>,
        %mul3A_396 = arith.mulf %get3A_390, %get3A_395 : vector<16xf32>
        %add3A_397 = arith.addf %add3A_385, %mul3A_396 : vector<16xf32>
        %get3A_398 = arith.constant 1 : i32
        %get3A_399 = arith.index_cast %get3A_398 : i32 to index
        %get3A_400 = arith.index_cast %add3A_362 : i32 to index
        %get3A_401 = arith.constant 48 : index
        %get3A_402 = tpu.vector_load %arg12[%get3A_399, %get3A_400, %get3A_401] {strides = array<i32>} : memref<2x128x128xf32, #tpu.memory_space<vmem>>, vector<16xf32>,
        %get3A_403 = arith.constant 1 : i32
        %get3A_404 = arith.index_cast %get3A_403 : i32 to index
        %get3A_405 = arith.index_cast %add3A_362 : i32 to index
        %get3A_406 = arith.constant 48 : index
        %get3A_407 = tpu.vector_load %arg13[%get3A_404, %get3A_405, %get3A_406] {strides = array<i32>} : memref<2x128x128xf32, #tpu.memory_space<vmem>>, vector<16xf32>,
        %mul3A_408 = arith.mulf %get3A_402, %get3A_407 : vector<16xf32>
        %add3A_409 = arith.addf %add3A_397, %mul3A_408 : vector<16xf32>
        %get3A_410 = arith.constant 1 : i32
        %get3A_411 = arith.index_cast %get3A_410 : i32 to index
        %get3A_412 = arith.index_cast %add3A_362 : i32 to index
        %get3A_413 = arith.constant 64 : index
        %get3A_414 = tpu.vector_load %arg12[%get3A_411, %get3A_412, %get3A_413] {strides = array<i32>} : memref<2x128x128xf32, #tpu.memory_space<vmem>>, vector<16xf32>,
        %get3A_415 = arith.constant 1 : i32
        %get3A_416 = arith.index_cast %get3A_415 : i32 to index
        %get3A_417 = arith.index_cast %add3A_362 : i32 to index
        %get3A_418 = arith.constant 64 : index
        %get3A_419 = tpu.vector_load %arg13[%get3A_416, %get3A_417, %get3A_418] {strides = array<i32>} : memref<2x128x128xf32, #tpu.memory_space<vmem>>, vector<16xf32>,
        %mul3A_420 = arith.mulf %get3A_414, %get3A_419 : vector<16xf32>
        %add3A_421 = arith.addf %add3A_409, %mul3A_420 : vector<16xf32>
        %get3A_422 = arith.constant 1 : i32
        %get3A_423 = arith.index_cast %get3A_422 : i32 to index
        %get3A_424 = arith.index_cast %add3A_362 : i32 to index
        %get3A_425 = arith.constant 80 : index
        %get3A_426 = tpu.vector_load %arg12[%get3A_423, %get3A_424, %get3A_425] {strides = array<i32>} : memref<2x128x128xf32, #tpu.memory_space<vmem>>, vector<16xf32>,
        %get3A_427 = arith.constant 1 : i32
        %get3A_428 = arith.index_cast %get3A_427 : i32 to index
        %get3A_429 = arith.index_cast %add3A_362 : i32 to index
        %get3A_430 = arith.constant 80 : index
        %get3A_431 = tpu.vector_load %arg13[%get3A_428, %get3A_429, %get3A_430] {strides = array<i32>} : memref<2x128x128xf32, #tpu.memory_space<vmem>>, vector<16xf32>,
        %mul3A_432 = arith.mulf %get3A_426, %get3A_431 : vector<16xf32>
        %add3A_433 = arith.addf %add3A_421, %mul3A_432 : vector<16xf32>
        %get3A_434 = arith.constant 1 : i32
        %get3A_435 = arith.index_cast %get3A_434 : i32 to index
        %get3A_436 = arith.index_cast %add3A_362 : i32 to index
        %get3A_437 = arith.constant 96 : index
        %get3A_438 = tpu.vector_load %arg12[%get3A_435, %get3A_436, %get3A_437] {strides = array<i32>} : memref<2x128x128xf32, #tpu.memory_space<vmem>>, vector<16xf32>,
        %get3A_439 = arith.constant 1 : i32
        %get3A_440 = arith.index_cast %get3A_439 : i32 to index
        %get3A_441 = arith.index_cast %add3A_362 : i32 to index
        %get3A_442 = arith.constant 96 : index
        %get3A_443 = tpu.vector_load %arg13[%get3A_440, %get3A_441, %get3A_442] {strides = array<i32>} : memref<2x128x128xf32, #tpu.memory_space<vmem>>, vector<16xf32>,
        %mul3A_444 = arith.mulf %get3A_438, %get3A_443 : vector<16xf32>
        %add3A_445 = arith.addf %add3A_433, %mul3A_444 : vector<16xf32>
        %get3A_446 = arith.constant 1 : i32
        %get3A_447 = arith.index_cast %get3A_446 : i32 to index
        %get3A_448 = arith.index_cast %add3A_362 : i32 to index
        %get3A_449 = arith.constant 112 : index
        %get3A_450 = tpu.vector_load %arg12[%get3A_447, %get3A_448, %get3A_449] {strides = array<i32>} : memref<2x128x128xf32, #tpu.memory_space<vmem>>, vector<16xf32>,
        %get3A_451 = arith.constant 1 : i32
        %get3A_452 = arith.index_cast %get3A_451 : i32 to index
        %get3A_453 = arith.index_cast %add3A_362 : i32 to index
        %get3A_454 = arith.constant 112 : index
        %get3A_455 = tpu.vector_load %arg13[%get3A_452, %get3A_453, %get3A_454] {strides = array<i32>} : memref<2x128x128xf32, #tpu.memory_space<vmem>>, vector<16xf32>,
        %mul3A_456 = arith.mulf %get3A_450, %get3A_455 : vector<16xf32>
        %add3A_457 = arith.addf %add3A_445, %mul3A_456 : vector<16xf32>
        %add3A_458 = arith.constant 1 : i32
        %add3A_459 = vector.broadcast %add3A_458 : i32 to vector<16xi32>
        %add3A_460 = arith.addi %mul3A_177, %add3A_459 : vector<16xi32>
        tpu.vector_store_idx %arg17[%add3A_460], %add3A_457 : memref<256xf32, #tpu.memory_space<vmem>>[vector<16xi32>], vector<16xf32>,
        %add3A_461 = arith.constant 2 : i32
        %add3A_462 = arith.addi %mul3A_260, %add3A_461 : i32
        %get3A_463 = arith.constant 1 : i32
        %get3A_464 = arith.index_cast %get3A_463 : i32 to index
        %get3A_465 = arith.index_cast %add3A_462 : i32 to index
        %get3A_466 = arith.constant 0 : index
        %get3A_467 = tpu.vector_load %arg12[%get3A_464, %get3A_465, %get3A_466] {strides = array<i32>} : memref<2x128x128xf32, #tpu.memory_space<vmem>>, vector<16xf32>,
        %get3A_468 = arith.constant 1 : i32
        %get3A_469 = arith.index_cast %get3A_468 : i32 to index
        %get3A_470 = arith.index_cast %add3A_462 : i32 to index
        %get3A_471 = arith.constant 0 : index
        %get3A_472 = tpu.vector_load %arg13[%get3A_469, %get3A_470, %get3A_471] {strides = array<i32>} : memref<2x128x128xf32, #tpu.memory_space<vmem>>, vector<16xf32>,
        %mul3A_473 = arith.mulf %get3A_467, %get3A_472 : vector<16xf32>
        %get3A_474 = arith.constant 1 : i32
        %get3A_475 = arith.index_cast %get3A_474 : i32 to index
        %get3A_476 = arith.index_cast %add3A_462 : i32 to index
        %get3A_477 = arith.constant 16 : index
        %get3A_478 = tpu.vector_load %arg12[%get3A_475, %get3A_476, %get3A_477] {strides = array<i32>} : memref<2x128x128xf32, #tpu.memory_space<vmem>>, vector<16xf32>,
        %get3A_479 = arith.constant 1 : i32
        %get3A_480 = arith.index_cast %get3A_479 : i32 to index
        %get3A_481 = arith.index_cast %add3A_462 : i32 to index
        %get3A_482 = arith.constant 16 : index
        %get3A_483 = tpu.vector_load %arg13[%get3A_480, %get3A_481, %get3A_482] {strides = array<i32>} : memref<2x128x128xf32, #tpu.memory_space<vmem>>, vector<16xf32>,
        %mul3A_484 = arith.mulf %get3A_478, %get3A_483 : vector<16xf32>
        %add3A_485 = arith.addf %mul3A_473, %mul3A_484 : vector<16xf32>
        %get3A_486 = arith.constant 1 : i32
        %get3A_487 = arith.index_cast %get3A_486 : i32 to index
        %get3A_488 = arith.index_cast %add3A_462 : i32 to index
        %get3A_489 = arith.constant 32 : index
        %get3A_490 = tpu.vector_load %arg12[%get3A_487, %get3A_488, %get3A_489] {strides = array<i32>} : memref<2x128x128xf32, #tpu.memory_space<vmem>>, vector<16xf32>,
        %get3A_491 = arith.constant 1 : i32
        %get3A_492 = arith.index_cast %get3A_491 : i32 to index
        %get3A_493 = arith.index_cast %add3A_462 : i32 to index
        %get3A_494 = arith.constant 32 : index
        %get3A_495 = tpu.vector_load %arg13[%get3A_492, %get3A_493, %get3A_494] {strides = array<i32>} : memref<2x128x128xf32, #tpu.memory_space<vmem>>, vector<16xf32>,
        %mul3A_496 = arith.mulf %get3A_490, %get3A_495 : vector<16xf32>
        %add3A_497 = arith.addf %add3A_485, %mul3A_496 : vector<16xf32>
        %get3A_498 = arith.constant 1 : i32
        %get3A_499 = arith.index_cast %get3A_498 : i32 to index
        %get3A_500 = arith.index_cast %add3A_462 : i32 to index
        %get3A_501 = arith.constant 48 : index
        %get3A_502 = tpu.vector_load %arg12[%get3A_499, %get3A_500, %get3A_501] {strides = array<i32>} : memref<2x128x128xf32, #tpu.memory_space<vmem>>, vector<16xf32>,
        %get3A_503 = arith.constant 1 : i32
        %get3A_504 = arith.index_cast %get3A_503 : i32 to index
        %get3A_505 = arith.index_cast %add3A_462 : i32 to index
        %get3A_506 = arith.constant 48 : index
        %get3A_507 = tpu.vector_load %arg13[%get3A_504, %get3A_505, %get3A_506] {strides = array<i32>} : memref<2x128x128xf32, #tpu.memory_space<vmem>>, vector<16xf32>,
        %mul3A_508 = arith.mulf %get3A_502, %get3A_507 : vector<16xf32>
        %add3A_509 = arith.addf %add3A_497, %mul3A_508 : vector<16xf32>
        %get3A_510 = arith.constant 1 : i32
        %get3A_511 = arith.index_cast %get3A_510 : i32 to index
        %get3A_512 = arith.index_cast %add3A_462 : i32 to index
        %get3A_513 = arith.constant 64 : index
        %get3A_514 = tpu.vector_load %arg12[%get3A_511, %get3A_512, %get3A_513] {strides = array<i32>} : memref<2x128x128xf32, #tpu.memory_space<vmem>>, vector<16xf32>,
        %get3A_515 = arith.constant 1 : i32
        %get3A_516 = arith.index_cast %get3A_515 : i32 to index
        %get3A_517 = arith.index_cast %add3A_462 : i32 to index
        %get3A_518 = arith.constant 64 : index
        %get3A_519 = tpu.vector_load %arg13[%get3A_516, %get3A_517, %get3A_518] {strides = array<i32>} : memref<2x128x128xf32, #tpu.memory_space<vmem>>, vector<16xf32>,
        %mul3A_520 = arith.mulf %get3A_514, %get3A_519 : vector<16xf32>
        %add3A_521 = arith.addf %add3A_509, %mul3A_520 : vector<16xf32>
        %get3A_522 = arith.constant 1 : i32
        %get3A_523 = arith.index_cast %get3A_522 : i32 to index
        %get3A_524 = arith.index_cast %add3A_462 : i32 to index
        %get3A_525 = arith.constant 80 : index
        %get3A_526 = tpu.vector_load %arg12[%get3A_523, %get3A_524, %get3A_525] {strides = array<i32>} : memref<2x128x128xf32, #tpu.memory_space<vmem>>, vector<16xf32>,
        %get3A_527 = arith.constant 1 : i32
        %get3A_528 = arith.index_cast %get3A_527 : i32 to index
        %get3A_529 = arith.index_cast %add3A_462 : i32 to index
        %get3A_530 = arith.constant 80 : index
        %get3A_531 = tpu.vector_load %arg13[%get3A_528, %get3A_529, %get3A_530] {strides = array<i32>} : memref<2x128x128xf32, #tpu.memory_space<vmem>>, vector<16xf32>,
        %mul3A_532 = arith.mulf %get3A_526, %get3A_531 : vector<16xf32>
        %add3A_533 = arith.addf %add3A_521, %mul3A_532 : vector<16xf32>
        %get3A_534 = arith.constant 1 : i32
        %get3A_535 = arith.index_cast %get3A_534 : i32 to index
        %get3A_536 = arith.index_cast %add3A_462 : i32 to index
        %get3A_537 = arith.constant 96 : index
        %get3A_538 = tpu.vector_load %arg12[%get3A_535, %get3A_536, %get3A_537] {strides = array<i32>} : memref<2x128x128xf32, #tpu.memory_space<vmem>>, vector<16xf32>,
        %get3A_539 = arith.constant 1 : i32
        %get3A_540 = arith.index_cast %get3A_539 : i32 to index
        %get3A_541 = arith.index_cast %add3A_462 : i32 to index
        %get3A_542 = arith.constant 96 : index
        %get3A_543 = tpu.vector_load %arg13[%get3A_540, %get3A_541, %get3A_542] {strides = array<i32>} : memref<2x128x128xf32, #tpu.memory_space<vmem>>, vector<16xf32>,
        %mul3A_544 = arith.mulf %get3A_538, %get3A_543 : vector<16xf32>
        %add3A_545 = arith.addf %add3A_533, %mul3A_544 : vector<16xf32>
        %get3A_546 = arith.constant 1 : i32
        %get3A_547 = arith.index_cast %get3A_546 : i32 to index
        %get3A_548 = arith.index_cast %add3A_462 : i32 to index
        %get3A_549 = arith.constant 112 : index
        %get3A_550 = tpu.vector_load %arg12[%get3A_547, %get3A_548, %get3A_549] {strides = array<i32>} : memref<2x128x128xf32, #tpu.memory_space<vmem>>, vector<16xf32>,
        %get3A_551 = arith.constant 1 : i32
        %get3A_552 = arith.index_cast %get3A_551 : i32 to index
        %get3A_553 = arith.index_cast %add3A_462 : i32 to index
        %get3A_554 = arith.constant 112 : index
        %get3A_555 = tpu.vector_load %arg13[%get3A_552, %get3A_553, %get3A_554] {strides = array<i32>} : memref<2x128x128xf32, #tpu.memory_space<vmem>>, vector<16xf32>,
        %mul3A_556 = arith.mulf %get3A_550, %get3A_555 : vector<16xf32>
        %add3A_557 = arith.addf %add3A_545, %mul3A_556 : vector<16xf32>
        %add3A_558 = arith.constant 2 : i32
        %add3A_559 = vector.broadcast %add3A_558 : i32 to vector<16xi32>
        %add3A_560 = arith.addi %mul3A_177, %add3A_559 : vector<16xi32>
        tpu.vector_store_idx %arg17[%add3A_560], %add3A_557 : memref<256xf32, #tpu.memory_space<vmem>>[vector<16xi32>], vector<16xf32>,
        %add3A_561 = arith.constant 3 : i32
        %add3A_562 = arith.addi %mul3A_260, %add3A_561 : i32
        %get3A_563 = arith.constant 1 : i32
        %get3A_564 = arith.index_cast %get3A_563 : i32 to index
        %get3A_565 = arith.index_cast %add3A_562 : i32 to index
        %get3A_566 = arith.constant 0 : index
        %get3A_567 = tpu.vector_load %arg12[%get3A_564, %get3A_565, %get3A_566] {strides = array<i32>} : memref<2x128x128xf32, #tpu.memory_space<vmem>>, vector<16xf32>,
        %get3A_568 = arith.constant 1 : i32
        %get3A_569 = arith.index_cast %get3A_568 : i32 to index
        %get3A_570 = arith.index_cast %add3A_562 : i32 to index
        %get3A_571 = arith.constant 0 : index
        %get3A_572 = tpu.vector_load %arg13[%get3A_569, %get3A_570, %get3A_571] {strides = array<i32>} : memref<2x128x128xf32, #tpu.memory_space<vmem>>, vector<16xf32>,
        %mul3A_573 = arith.mulf %get3A_567, %get3A_572 : vector<16xf32>
        %get3A_574 = arith.constant 1 : i32
        %get3A_575 = arith.index_cast %get3A_574 : i32 to index
        %get3A_576 = arith.index_cast %add3A_562 : i32 to index
        %get3A_577 = arith.constant 16 : index
        %get3A_578 = tpu.vector_load %arg12[%get3A_575, %get3A_576, %get3A_577] {strides = array<i32>} : memref<2x128x128xf32, #tpu.memory_space<vmem>>, vector<16xf32>,
        %get3A_579 = arith.constant 1 : i32
        %get3A_580 = arith.index_cast %get3A_579 : i32 to index
        %get3A_581 = arith.index_cast %add3A_562 : i32 to index
        %get3A_582 = arith.constant 16 : index
        %get3A_583 = tpu.vector_load %arg13[%get3A_580, %get3A_581, %get3A_582] {strides = array<i32>} : memref<2x128x128xf32, #tpu.memory_space<vmem>>, vector<16xf32>,
        %mul3A_584 = arith.mulf %get3A_578, %get3A_583 : vector<16xf32>
        %add3A_585 = arith.addf %mul3A_573, %mul3A_584 : vector<16xf32>
        %get3A_586 = arith.constant 1 : i32
        %get3A_587 = arith.index_cast %get3A_586 : i32 to index
        %get3A_588 = arith.index_cast %add3A_562 : i32 to index
        %get3A_589 = arith.constant 32 : index
        %get3A_590 = tpu.vector_load %arg12[%get3A_587, %get3A_588, %get3A_589] {strides = array<i32>} : memref<2x128x128xf32, #tpu.memory_space<vmem>>, vector<16xf32>,
        %get3A_591 = arith.constant 1 : i32
        %get3A_592 = arith.index_cast %get3A_591 : i32 to index
        %get3A_593 = arith.index_cast %add3A_562 : i32 to index
        %get3A_594 = arith.constant 32 : index
        %get3A_595 = tpu.vector_load %arg13[%get3A_592, %get3A_593, %get3A_594] {strides = array<i32>} : memref<2x128x128xf32, #tpu.memory_space<vmem>>, vector<16xf32>,
        %mul3A_596 = arith.mulf %get3A_590, %get3A_595 : vector<16xf32>
        %add3A_597 = arith.addf %add3A_585, %mul3A_596 : vector<16xf32>
        %get3A_598 = arith.constant 1 : i32
        %get3A_599 = arith.index_cast %get3A_598 : i32 to index
        %get3A_600 = arith.index_cast %add3A_562 : i32 to index
        %get3A_601 = arith.constant 48 : index
        %get3A_602 = tpu.vector_load %arg12[%get3A_599, %get3A_600, %get3A_601] {strides = array<i32>} : memref<2x128x128xf32, #tpu.memory_space<vmem>>, vector<16xf32>,
        %get3A_603 = arith.constant 1 : i32
        %get3A_604 = arith.index_cast %get3A_603 : i32 to index
        %get3A_605 = arith.index_cast %add3A_562 : i32 to index
        %get3A_606 = arith.constant 48 : index
        %get3A_607 = tpu.vector_load %arg13[%get3A_604, %get3A_605, %get3A_606] {strides = array<i32>} : memref<2x128x128xf32, #tpu.memory_space<vmem>>, vector<16xf32>,
        %mul3A_608 = arith.mulf %get3A_602, %get3A_607 : vector<16xf32>
        %add3A_609 = arith.addf %add3A_597, %mul3A_608 : vector<16xf32>
        %get3A_610 = arith.constant 1 : i32
        %get3A_611 = arith.index_cast %get3A_610 : i32 to index
        %get3A_612 = arith.index_cast %add3A_562 : i32 to index
        %get3A_613 = arith.constant 64 : index
        %get3A_614 = tpu.vector_load %arg12[%get3A_611, %get3A_612, %get3A_613] {strides = array<i32>} : memref<2x128x128xf32, #tpu.memory_space<vmem>>, vector<16xf32>,
        %get3A_615 = arith.constant 1 : i32
        %get3A_616 = arith.index_cast %get3A_615 : i32 to index
        %get3A_617 = arith.index_cast %add3A_562 : i32 to index
        %get3A_618 = arith.constant 64 : index
        %get3A_619 = tpu.vector_load %arg13[%get3A_616, %get3A_617, %get3A_618] {strides = array<i32>} : memref<2x128x128xf32, #tpu.memory_space<vmem>>, vector<16xf32>,
        %mul3A_620 = arith.mulf %get3A_614, %get3A_619 : vector<16xf32>
        %add3A_621 = arith.addf %add3A_609, %mul3A_620 : vector<16xf32>
        %get3A_622 = arith.constant 1 : i32
        %get3A_623 = arith.index_cast %get3A_622 : i32 to index
        %get3A_624 = arith.index_cast %add3A_562 : i32 to index
        %get3A_625 = arith.constant 80 : index
        %get3A_626 = tpu.vector_load %arg12[%get3A_623, %get3A_624, %get3A_625] {strides = array<i32>} : memref<2x128x128xf32, #tpu.memory_space<vmem>>, vector<16xf32>,
        %get3A_627 = arith.constant 1 : i32
        %get3A_628 = arith.index_cast %get3A_627 : i32 to index
        %get3A_629 = arith.index_cast %add3A_562 : i32 to index
        %get3A_630 = arith.constant 80 : index
        %get3A_631 = tpu.vector_load %arg13[%get3A_628, %get3A_629, %get3A_630] {strides = array<i32>} : memref<2x128x128xf32, #tpu.memory_space<vmem>>, vector<16xf32>,
        %mul3A_632 = arith.mulf %get3A_626, %get3A_631 : vector<16xf32>
        %add3A_633 = arith.addf %add3A_621, %mul3A_632 : vector<16xf32>
        %get3A_634 = arith.constant 1 : i32
        %get3A_635 = arith.index_cast %get3A_634 : i32 to index
        %get3A_636 = arith.index_cast %add3A_562 : i32 to index
        %get3A_637 = arith.constant 96 : index
        %get3A_638 = tpu.vector_load %arg12[%get3A_635, %get3A_636, %get3A_637] {strides = array<i32>} : memref<2x128x128xf32, #tpu.memory_space<vmem>>, vector<16xf32>,
        %get3A_639 = arith.constant 1 : i32
        %get3A_640 = arith.index_cast %get3A_639 : i32 to index
        %get3A_641 = arith.index_cast %add3A_562 : i32 to index
        %get3A_642 = arith.constant 96 : index
        %get3A_643 = tpu.vector_load %arg13[%get3A_640, %get3A_641, %get3A_642] {strides = array<i32>} : memref<2x128x128xf32, #tpu.memory_space<vmem>>, vector<16xf32>,
        %mul3A_644 = arith.mulf %get3A_638, %get3A_643 : vector<16xf32>
        %add3A_645 = arith.addf %add3A_633, %mul3A_644 : vector<16xf32>
        %get3A_646 = arith.constant 1 : i32
        %get3A_647 = arith.index_cast %get3A_646 : i32 to index
        %get3A_648 = arith.index_cast %add3A_562 : i32 to index
        %get3A_649 = arith.constant 112 : index
        %get3A_650 = tpu.vector_load %arg12[%get3A_647, %get3A_648, %get3A_649] {strides = array<i32>} : memref<2x128x128xf32, #tpu.memory_space<vmem>>, vector<16xf32>,
        %get3A_651 = arith.constant 1 : i32
        %get3A_652 = arith.index_cast %get3A_651 : i32 to index
        %get3A_653 = arith.index_cast %add3A_562 : i32 to index
        %get3A_654 = arith.constant 112 : index
        %get3A_655 = tpu.vector_load %arg13[%get3A_652, %get3A_653, %get3A_654] {strides = array<i32>} : memref<2x128x128xf32, #tpu.memory_space<vmem>>, vector<16xf32>,
        %mul3A_656 = arith.mulf %get3A_650, %get3A_655 : vector<16xf32>
        %add3A_657 = arith.addf %add3A_645, %mul3A_656 : vector<16xf32>
        %add3A_658 = arith.constant 3 : i32
        %add3A_659 = vector.broadcast %add3A_658 : i32 to vector<16xi32>
        %add3A_660 = arith.addi %mul3A_177, %add3A_659 : vector<16xi32>
        tpu.vector_store_idx %arg17[%add3A_660], %add3A_657 : memref<256xf32, #tpu.memory_space<vmem>>[vector<16xi32>], vector<16xf32>,
        %add3A_661 = arith.constant 4 : i32
        %add3A_662 = arith.addi %mul3A_260, %add3A_661 : i32
        %get3A_663 = arith.constant 1 : i32
        %get3A_664 = arith.index_cast %get3A_663 : i32 to index
        %get3A_665 = arith.index_cast %add3A_662 : i32 to index
        %get3A_666 = arith.constant 0 : index
        %get3A_667 = tpu.vector_load %arg12[%get3A_664, %get3A_665, %get3A_666] {strides = array<i32>} : memref<2x128x128xf32, #tpu.memory_space<vmem>>, vector<16xf32>,
        %get3A_668 = arith.constant 1 : i32
        %get3A_669 = arith.index_cast %get3A_668 : i32 to index
        %get3A_670 = arith.index_cast %add3A_662 : i32 to index
        %get3A_671 = arith.constant 0 : index
        %get3A_672 = tpu.vector_load %arg13[%get3A_669, %get3A_670, %get3A_671] {strides = array<i32>} : memref<2x128x128xf32, #tpu.memory_space<vmem>>, vector<16xf32>,
        %mul3A_673 = arith.mulf %get3A_667, %get3A_672 : vector<16xf32>
        %get3A_674 = arith.constant 1 : i32
        %get3A_675 = arith.index_cast %get3A_674 : i32 to index
        %get3A_676 = arith.index_cast %add3A_662 : i32 to index
        %get3A_677 = arith.constant 16 : index
        %get3A_678 = tpu.vector_load %arg12[%get3A_675, %get3A_676, %get3A_677] {strides = array<i32>} : memref<2x128x128xf32, #tpu.memory_space<vmem>>, vector<16xf32>,
        %get3A_679 = arith.constant 1 : i32
        %get3A_680 = arith.index_cast %get3A_679 : i32 to index
        %get3A_681 = arith.index_cast %add3A_662 : i32 to index
        %get3A_682 = arith.constant 16 : index
        %get3A_683 = tpu.vector_load %arg13[%get3A_680, %get3A_681, %get3A_682] {strides = array<i32>} : memref<2x128x128xf32, #tpu.memory_space<vmem>>, vector<16xf32>,
        %mul3A_684 = arith.mulf %get3A_678, %get3A_683 : vector<16xf32>
        %add3A_685 = arith.addf %mul3A_673, %mul3A_684 : vector<16xf32>
        %get3A_686 = arith.constant 1 : i32
        %get3A_687 = arith.index_cast %get3A_686 : i32 to index
        %get3A_688 = arith.index_cast %add3A_662 : i32 to index
        %get3A_689 = arith.constant 32 : index
        %get3A_690 = tpu.vector_load %arg12[%get3A_687, %get3A_688, %get3A_689] {strides = array<i32>} : memref<2x128x128xf32, #tpu.memory_space<vmem>>, vector<16xf32>,
        %get3A_691 = arith.constant 1 : i32
        %get3A_692 = arith.index_cast %get3A_691 : i32 to index
        %get3A_693 = arith.index_cast %add3A_662 : i32 to index
        %get3A_694 = arith.constant 32 : index
        %get3A_695 = tpu.vector_load %arg13[%get3A_692, %get3A_693, %get3A_694] {strides = array<i32>} : memref<2x128x128xf32, #tpu.memory_space<vmem>>, vector<16xf32>,
        %mul3A_696 = arith.mulf %get3A_690, %get3A_695 : vector<16xf32>
        %add3A_697 = arith.addf %add3A_685, %mul3A_696 : vector<16xf32>
        %get3A_698 = arith.constant 1 : i32
        %get3A_699 = arith.index_cast %get3A_698 : i32 to index
        %get3A_700 = arith.index_cast %add3A_662 : i32 to index
        %get3A_701 = arith.constant 48 : index
        %get3A_702 = tpu.vector_load %arg12[%get3A_699, %get3A_700, %get3A_701] {strides = array<i32>} : memref<2x128x128xf32, #tpu.memory_space<vmem>>, vector<16xf32>,
        %get3A_703 = arith.constant 1 : i32
        %get3A_704 = arith.index_cast %get3A_703 : i32 to index
        %get3A_705 = arith.index_cast %add3A_662 : i32 to index
        %get3A_706 = arith.constant 48 : index
        %get3A_707 = tpu.vector_load %arg13[%get3A_704, %get3A_705, %get3A_706] {strides = array<i32>} : memref<2x128x128xf32, #tpu.memory_space<vmem>>, vector<16xf32>,
        %mul3A_708 = arith.mulf %get3A_702, %get3A_707 : vector<16xf32>
        %add3A_709 = arith.addf %add3A_697, %mul3A_708 : vector<16xf32>
        %get3A_710 = arith.constant 1 : i32
        %get3A_711 = arith.index_cast %get3A_710 : i32 to index
        %get3A_712 = arith.index_cast %add3A_662 : i32 to index
        %get3A_713 = arith.constant 64 : index
        %get3A_714 = tpu.vector_load %arg12[%get3A_711, %get3A_712, %get3A_713] {strides = array<i32>} : memref<2x128x128xf32, #tpu.memory_space<vmem>>, vector<16xf32>,
        %get3A_715 = arith.constant 1 : i32
        %get3A_716 = arith.index_cast %get3A_715 : i32 to index
        %get3A_717 = arith.index_cast %add3A_662 : i32 to index
        %get3A_718 = arith.constant 64 : index
        %get3A_719 = tpu.vector_load %arg13[%get3A_716, %get3A_717, %get3A_718] {strides = array<i32>} : memref<2x128x128xf32, #tpu.memory_space<vmem>>, vector<16xf32>,
        %mul3A_720 = arith.mulf %get3A_714, %get3A_719 : vector<16xf32>
        %add3A_721 = arith.addf %add3A_709, %mul3A_720 : vector<16xf32>
        %get3A_722 = arith.constant 1 : i32
        %get3A_723 = arith.index_cast %get3A_722 : i32 to index
        %get3A_724 = arith.index_cast %add3A_662 : i32 to index
        %get3A_725 = arith.constant 80 : index
        %get3A_726 = tpu.vector_load %arg12[%get3A_723, %get3A_724, %get3A_725] {strides = array<i32>} : memref<2x128x128xf32, #tpu.memory_space<vmem>>, vector<16xf32>,
        %get3A_727 = arith.constant 1 : i32
        %get3A_728 = arith.index_cast %get3A_727 : i32 to index
        %get3A_729 = arith.index_cast %add3A_662 : i32 to index
        %get3A_730 = arith.constant 80 : index
        %get3A_731 = tpu.vector_load %arg13[%get3A_728, %get3A_729, %get3A_730] {strides = array<i32>} : memref<2x128x128xf32, #tpu.memory_space<vmem>>, vector<16xf32>,
        %mul3A_732 = arith.mulf %get3A_726, %get3A_731 : vector<16xf32>
        %add3A_733 = arith.addf %add3A_721, %mul3A_732 : vector<16xf32>
        %get3A_734 = arith.constant 1 : i32
        %get3A_735 = arith.index_cast %get3A_734 : i32 to index
        %get3A_736 = arith.index_cast %add3A_662 : i32 to index
        %get3A_737 = arith.constant 96 : index
        %get3A_738 = tpu.vector_load %arg12[%get3A_735, %get3A_736, %get3A_737] {strides = array<i32>} : memref<2x128x128xf32, #tpu.memory_space<vmem>>, vector<16xf32>,
        %get3A_739 = arith.constant 1 : i32
        %get3A_740 = arith.index_cast %get3A_739 : i32 to index
        %get3A_741 = arith.index_cast %add3A_662 : i32 to index
        %get3A_742 = arith.constant 96 : index
        %get3A_743 = tpu.vector_load %arg13[%get3A_740, %get3A_741, %get3A_742] {strides = array<i32>} : memref<2x128x128xf32, #tpu.memory_space<vmem>>, vector<16xf32>,
        %mul3A_744 = arith.mulf %get3A_738, %get3A_743 : vector<16xf32>
        %add3A_745 = arith.addf %add3A_733, %mul3A_744 : vector<16xf32>
        %get3A_746 = arith.constant 1 : i32
        %get3A_747 = arith.index_cast %get3A_746 : i32 to index
        %get3A_748 = arith.index_cast %add3A_662 : i32 to index
        %get3A_749 = arith.constant 112 : index
        %get3A_750 = tpu.vector_load %arg12[%get3A_747, %get3A_748, %get3A_749] {strides = array<i32>} : memref<2x128x128xf32, #tpu.memory_space<vmem>>, vector<16xf32>,
        %get3A_751 = arith.constant 1 : i32
        %get3A_752 = arith.index_cast %get3A_751 : i32 to index
        %get3A_753 = arith.index_cast %add3A_662 : i32 to index
        %get3A_754 = arith.constant 112 : index
        %get3A_755 = tpu.vector_load %arg13[%get3A_752, %get3A_753, %get3A_754] {strides = array<i32>} : memref<2x128x128xf32, #tpu.memory_space<vmem>>, vector<16xf32>,
        %mul3A_756 = arith.mulf %get3A_750, %get3A_755 : vector<16xf32>
        %add3A_757 = arith.addf %add3A_745, %mul3A_756 : vector<16xf32>
        %add3A_758 = arith.constant 4 : i32
        %add3A_759 = vector.broadcast %add3A_758 : i32 to vector<16xi32>
        %add3A_760 = arith.addi %mul3A_177, %add3A_759 : vector<16xi32>
        tpu.vector_store_idx %arg17[%add3A_760], %add3A_757 : memref<256xf32, #tpu.memory_space<vmem>>[vector<16xi32>], vector<16xf32>,
        %add3A_761 = arith.constant 5 : i32
        %add3A_762 = arith.addi %mul3A_260, %add3A_761 : i32
        %get3A_763 = arith.constant 1 : i32
        %get3A_764 = arith.index_cast %get3A_763 : i32 to index
        %get3A_765 = arith.index_cast %add3A_762 : i32 to index
        %get3A_766 = arith.constant 0 : index
        %get3A_767 = tpu.vector_load %arg12[%get3A_764, %get3A_765, %get3A_766] {strides = array<i32>} : memref<2x128x128xf32, #tpu.memory_space<vmem>>, vector<16xf32>,
        %get3A_768 = arith.constant 1 : i32
        %get3A_769 = arith.index_cast %get3A_768 : i32 to index
        %get3A_770 = arith.index_cast %add3A_762 : i32 to index
        %get3A_771 = arith.constant 0 : index
        %get3A_772 = tpu.vector_load %arg13[%get3A_769, %get3A_770, %get3A_771] {strides = array<i32>} : memref<2x128x128xf32, #tpu.memory_space<vmem>>, vector<16xf32>,
        %mul3A_773 = arith.mulf %get3A_767, %get3A_772 : vector<16xf32>
        %get3A_774 = arith.constant 1 : i32
        %get3A_775 = arith.index_cast %get3A_774 : i32 to index
        %get3A_776 = arith.index_cast %add3A_762 : i32 to index
        %get3A_777 = arith.constant 16 : index
        %get3A_778 = tpu.vector_load %arg12[%get3A_775, %get3A_776, %get3A_777] {strides = array<i32>} : memref<2x128x128xf32, #tpu.memory_space<vmem>>, vector<16xf32>,
        %get3A_779 = arith.constant 1 : i32
        %get3A_780 = arith.index_cast %get3A_779 : i32 to index
        %get3A_781 = arith.index_cast %add3A_762 : i32 to index
        %get3A_782 = arith.constant 16 : index
        %get3A_783 = tpu.vector_load %arg13[%get3A_780, %get3A_781, %get3A_782] {strides = array<i32>} : memref<2x128x128xf32, #tpu.memory_space<vmem>>, vector<16xf32>,
        %mul3A_784 = arith.mulf %get3A_778, %get3A_783 : vector<16xf32>
        %add3A_785 = arith.addf %mul3A_773, %mul3A_784 : vector<16xf32>
        %get3A_786 = arith.constant 1 : i32
        %get3A_787 = arith.index_cast %get3A_786 : i32 to index
        %get3A_788 = arith.index_cast %add3A_762 : i32 to index
        %get3A_789 = arith.constant 32 : index
        %get3A_790 = tpu.vector_load %arg12[%get3A_787, %get3A_788, %get3A_789] {strides = array<i32>} : memref<2x128x128xf32, #tpu.memory_space<vmem>>, vector<16xf32>,
        %get3A_791 = arith.constant 1 : i32
        %get3A_792 = arith.index_cast %get3A_791 : i32 to index
        %get3A_793 = arith.index_cast %add3A_762 : i32 to index
        %get3A_794 = arith.constant 32 : index
        %get3A_795 = tpu.vector_load %arg13[%get3A_792, %get3A_793, %get3A_794] {strides = array<i32>} : memref<2x128x128xf32, #tpu.memory_space<vmem>>, vector<16xf32>,
        %mul3A_796 = arith.mulf %get3A_790, %get3A_795 : vector<16xf32>
        %add3A_797 = arith.addf %add3A_785, %mul3A_796 : vector<16xf32>
        %get3A_798 = arith.constant 1 : i32
        %get3A_799 = arith.index_cast %get3A_798 : i32 to index
        %get3A_800 = arith.index_cast %add3A_762 : i32 to index
        %get3A_801 = arith.constant 48 : index
        %get3A_802 = tpu.vector_load %arg12[%get3A_799, %get3A_800, %get3A_801] {strides = array<i32>} : memref<2x128x128xf32, #tpu.memory_space<vmem>>, vector<16xf32>,
        %get3A_803 = arith.constant 1 : i32
        %get3A_804 = arith.index_cast %get3A_803 : i32 to index
        %get3A_805 = arith.index_cast %add3A_762 : i32 to index
        %get3A_806 = arith.constant 48 : index
        %get3A_807 = tpu.vector_load %arg13[%get3A_804, %get3A_805, %get3A_806] {strides = array<i32>} : memref<2x128x128xf32, #tpu.memory_space<vmem>>, vector<16xf32>,
        %mul3A_808 = arith.mulf %get3A_802, %get3A_807 : vector<16xf32>
        %add3A_809 = arith.addf %add3A_797, %mul3A_808 : vector<16xf32>
        %get3A_810 = arith.constant 1 : i32
        %get3A_811 = arith.index_cast %get3A_810 : i32 to index
        %get3A_812 = arith.index_cast %add3A_762 : i32 to index
        %get3A_813 = arith.constant 64 : index
        %get3A_814 = tpu.vector_load %arg12[%get3A_811, %get3A_812, %get3A_813] {strides = array<i32>} : memref<2x128x128xf32, #tpu.memory_space<vmem>>, vector<16xf32>,
        %get3A_815 = arith.constant 1 : i32
        %get3A_816 = arith.index_cast %get3A_815 : i32 to index
        %get3A_817 = arith.index_cast %add3A_762 : i32 to index
        %get3A_818 = arith.constant 64 : index
        %get3A_819 = tpu.vector_load %arg13[%get3A_816, %get3A_817, %get3A_818] {strides = array<i32>} : memref<2x128x128xf32, #tpu.memory_space<vmem>>, vector<16xf32>,
        %mul3A_820 = arith.mulf %get3A_814, %get3A_819 : vector<16xf32>
        %add3A_821 = arith.addf %add3A_809, %mul3A_820 : vector<16xf32>
        %get3A_822 = arith.constant 1 : i32
        %get3A_823 = arith.index_cast %get3A_822 : i32 to index
        %get3A_824 = arith.index_cast %add3A_762 : i32 to index
        %get3A_825 = arith.constant 80 : index
        %get3A_826 = tpu.vector_load %arg12[%get3A_823, %get3A_824, %get3A_825] {strides = array<i32>} : memref<2x128x128xf32, #tpu.memory_space<vmem>>, vector<16xf32>,
        %get3A_827 = arith.constant 1 : i32
        %get3A_828 = arith.index_cast %get3A_827 : i32 to index
        %get3A_829 = arith.index_cast %add3A_762 : i32 to index
        %get3A_830 = arith.constant 80 : index
        %get3A_831 = tpu.vector_load %arg13[%get3A_828, %get3A_829, %get3A_830] {strides = array<i32>} : memref<2x128x128xf32, #tpu.memory_space<vmem>>, vector<16xf32>,
        %mul3A_832 = arith.mulf %get3A_826, %get3A_831 : vector<16xf32>
        %add3A_833 = arith.addf %add3A_821, %mul3A_832 : vector<16xf32>
        %get3A_834 = arith.constant 1 : i32
        %get3A_835 = arith.index_cast %get3A_834 : i32 to index
        %get3A_836 = arith.index_cast %add3A_762 : i32 to index
        %get3A_837 = arith.constant 96 : index
        %get3A_838 = tpu.vector_load %arg12[%get3A_835, %get3A_836, %get3A_837] {strides = array<i32>} : memref<2x128x128xf32, #tpu.memory_space<vmem>>, vector<16xf32>,
        %get3A_839 = arith.constant 1 : i32
        %get3A_840 = arith.index_cast %get3A_839 : i32 to index
        %get3A_841 = arith.index_cast %add3A_762 : i32 to index
        %get3A_842 = arith.constant 96 : index
        %get3A_843 = tpu.vector_load %arg13[%get3A_840, %get3A_841, %get3A_842] {strides = array<i32>} : memref<2x128x128xf32, #tpu.memory_space<vmem>>, vector<16xf32>,
        %mul3A_844 = arith.mulf %get3A_838, %get3A_843 : vector<16xf32>
        %add3A_845 = arith.addf %add3A_833, %mul3A_844 : vector<16xf32>
        %get3A_846 = arith.constant 1 : i32
        %get3A_847 = arith.index_cast %get3A_846 : i32 to index
        %get3A_848 = arith.index_cast %add3A_762 : i32 to index
        %get3A_849 = arith.constant 112 : index
        %get3A_850 = tpu.vector_load %arg12[%get3A_847, %get3A_848, %get3A_849] {strides = array<i32>} : memref<2x128x128xf32, #tpu.memory_space<vmem>>, vector<16xf32>,
        %get3A_851 = arith.constant 1 : i32
        %get3A_852 = arith.index_cast %get3A_851 : i32 to index
        %get3A_853 = arith.index_cast %add3A_762 : i32 to index
        %get3A_854 = arith.constant 112 : index
        %get3A_855 = tpu.vector_load %arg13[%get3A_852, %get3A_853, %get3A_854] {strides = array<i32>} : memref<2x128x128xf32, #tpu.memory_space<vmem>>, vector<16xf32>,
        %mul3A_856 = arith.mulf %get3A_850, %get3A_855 : vector<16xf32>
        %add3A_857 = arith.addf %add3A_845, %mul3A_856 : vector<16xf32>
        %add3A_858 = arith.constant 5 : i32
        %add3A_859 = vector.broadcast %add3A_858 : i32 to vector<16xi32>
        %add3A_860 = arith.addi %mul3A_177, %add3A_859 : vector<16xi32>
        tpu.vector_store_idx %arg17[%add3A_860], %add3A_857 : memref<256xf32, #tpu.memory_space<vmem>>[vector<16xi32>], vector<16xf32>,
        %add3A_861 = arith.constant 6 : i32
        %add3A_862 = arith.addi %mul3A_260, %add3A_861 : i32
        %get3A_863 = arith.constant 1 : i32
        %get3A_864 = arith.index_cast %get3A_863 : i32 to index
        %get3A_865 = arith.index_cast %add3A_862 : i32 to index
        %get3A_866 = arith.constant 0 : index
        %get3A_867 = tpu.vector_load %arg12[%get3A_864, %get3A_865, %get3A_866] {strides = array<i32>} : memref<2x128x128xf32, #tpu.memory_space<vmem>>, vector<16xf32>,
        %get3A_868 = arith.constant 1 : i32
        %get3A_869 = arith.index_cast %get3A_868 : i32 to index
        %get3A_870 = arith.index_cast %add3A_862 : i32 to index
        %get3A_871 = arith.constant 0 : index
        %get3A_872 = tpu.vector_load %arg13[%get3A_869, %get3A_870, %get3A_871] {strides = array<i32>} : memref<2x128x128xf32, #tpu.memory_space<vmem>>, vector<16xf32>,
        %mul3A_873 = arith.mulf %get3A_867, %get3A_872 : vector<16xf32>
        %get3A_874 = arith.constant 1 : i32
        %get3A_875 = arith.index_cast %get3A_874 : i32 to index
        %get3A_876 = arith.index_cast %add3A_862 : i32 to index
        %get3A_877 = arith.constant 16 : index
        %get3A_878 = tpu.vector_load %arg12[%get3A_875, %get3A_876, %get3A_877] {strides = array<i32>} : memref<2x128x128xf32, #tpu.memory_space<vmem>>, vector<16xf32>,
        %get3A_879 = arith.constant 1 : i32
        %get3A_880 = arith.index_cast %get3A_879 : i32 to index
        %get3A_881 = arith.index_cast %add3A_862 : i32 to index
        %get3A_882 = arith.constant 16 : index
        %get3A_883 = tpu.vector_load %arg13[%get3A_880, %get3A_881, %get3A_882] {strides = array<i32>} : memref<2x128x128xf32, #tpu.memory_space<vmem>>, vector<16xf32>,
        %mul3A_884 = arith.mulf %get3A_878, %get3A_883 : vector<16xf32>
        %add3A_885 = arith.addf %mul3A_873, %mul3A_884 : vector<16xf32>
        %get3A_886 = arith.constant 1 : i32
        %get3A_887 = arith.index_cast %get3A_886 : i32 to index
        %get3A_888 = arith.index_cast %add3A_862 : i32 to index
        %get3A_889 = arith.constant 32 : index
        %get3A_890 = tpu.vector_load %arg12[%get3A_887, %get3A_888, %get3A_889] {strides = array<i32>} : memref<2x128x128xf32, #tpu.memory_space<vmem>>, vector<16xf32>,
        %get3A_891 = arith.constant 1 : i32
        %get3A_892 = arith.index_cast %get3A_891 : i32 to index
        %get3A_893 = arith.index_cast %add3A_862 : i32 to index
        %get3A_894 = arith.constant 32 : index
        %get3A_895 = tpu.vector_load %arg13[%get3A_892, %get3A_893, %get3A_894] {strides = array<i32>} : memref<2x128x128xf32, #tpu.memory_space<vmem>>, vector<16xf32>,
        %mul3A_896 = arith.mulf %get3A_890, %get3A_895 : vector<16xf32>
        %add3A_897 = arith.addf %add3A_885, %mul3A_896 : vector<16xf32>
        %get3A_898 = arith.constant 1 : i32
        %get3A_899 = arith.index_cast %get3A_898 : i32 to index
        %get3A_900 = arith.index_cast %add3A_862 : i32 to index
        %get3A_901 = arith.constant 48 : index
        %get3A_902 = tpu.vector_load %arg12[%get3A_899, %get3A_900, %get3A_901] {strides = array<i32>} : memref<2x128x128xf32, #tpu.memory_space<vmem>>, vector<16xf32>,
        %get3A_903 = arith.constant 1 : i32
        %get3A_904 = arith.index_cast %get3A_903 : i32 to index
        %get3A_905 = arith.index_cast %add3A_862 : i32 to index
        %get3A_906 = arith.constant 48 : index
        %get3A_907 = tpu.vector_load %arg13[%get3A_904, %get3A_905, %get3A_906] {strides = array<i32>} : memref<2x128x128xf32, #tpu.memory_space<vmem>>, vector<16xf32>,
        %mul3A_908 = arith.mulf %get3A_902, %get3A_907 : vector<16xf32>
        %add3A_909 = arith.addf %add3A_897, %mul3A_908 : vector<16xf32>
        %get3A_910 = arith.constant 1 : i32
        %get3A_911 = arith.index_cast %get3A_910 : i32 to index
        %get3A_912 = arith.index_cast %add3A_862 : i32 to index
        %get3A_913 = arith.constant 64 : index
        %get3A_914 = tpu.vector_load %arg12[%get3A_911, %get3A_912, %get3A_913] {strides = array<i32>} : memref<2x128x128xf32, #tpu.memory_space<vmem>>, vector<16xf32>,
        %get3A_915 = arith.constant 1 : i32
        %get3A_916 = arith.index_cast %get3A_915 : i32 to index
        %get3A_917 = arith.index_cast %add3A_862 : i32 to index
        %get3A_918 = arith.constant 64 : index
        %get3A_919 = tpu.vector_load %arg13[%get3A_916, %get3A_917, %get3A_918] {strides = array<i32>} : memref<2x128x128xf32, #tpu.memory_space<vmem>>, vector<16xf32>,
        %mul3A_920 = arith.mulf %get3A_914, %get3A_919 : vector<16xf32>
        %add3A_921 = arith.addf %add3A_909, %mul3A_920 : vector<16xf32>
        %get3A_922 = arith.constant 1 : i32
        %get3A_923 = arith.index_cast %get3A_922 : i32 to index
        %get3A_924 = arith.index_cast %add3A_862 : i32 to index
        %get3A_925 = arith.constant 80 : index
        %get3A_926 = tpu.vector_load %arg12[%get3A_923, %get3A_924, %get3A_925] {strides = array<i32>} : memref<2x128x128xf32, #tpu.memory_space<vmem>>, vector<16xf32>,
        %get3A_927 = arith.constant 1 : i32
        %get3A_928 = arith.index_cast %get3A_927 : i32 to index
        %get3A_929 = arith.index_cast %add3A_862 : i32 to index
        %get3A_930 = arith.constant 80 : index
        %get3A_931 = tpu.vector_load %arg13[%get3A_928, %get3A_929, %get3A_930] {strides = array<i32>} : memref<2x128x128xf32, #tpu.memory_space<vmem>>, vector<16xf32>,
        %mul3A_932 = arith.mulf %get3A_926, %get3A_931 : vector<16xf32>
        %add3A_933 = arith.addf %add3A_921, %mul3A_932 : vector<16xf32>
        %get3A_934 = arith.constant 1 : i32
        %get3A_935 = arith.index_cast %get3A_934 : i32 to index
        %get3A_936 = arith.index_cast %add3A_862 : i32 to index
        %get3A_937 = arith.constant 96 : index
        %get3A_938 = tpu.vector_load %arg12[%get3A_935, %get3A_936, %get3A_937] {strides = array<i32>} : memref<2x128x128xf32, #tpu.memory_space<vmem>>, vector<16xf32>,
        %get3A_939 = arith.constant 1 : i32
        %get3A_940 = arith.index_cast %get3A_939 : i32 to index
        %get3A_941 = arith.index_cast %add3A_862 : i32 to index
        %get3A_942 = arith.constant 96 : index
        %get3A_943 = tpu.vector_load %arg13[%get3A_940, %get3A_941, %get3A_942] {strides = array<i32>} : memref<2x128x128xf32, #tpu.memory_space<vmem>>, vector<16xf32>,
        %mul3A_944 = arith.mulf %get3A_938, %get3A_943 : vector<16xf32>
        %add3A_945 = arith.addf %add3A_933, %mul3A_944 : vector<16xf32>
        %get3A_946 = arith.constant 1 : i32
        %get3A_947 = arith.index_cast %get3A_946 : i32 to index
        %get3A_948 = arith.index_cast %add3A_862 : i32 to index
        %get3A_949 = arith.constant 112 : index
        %get3A_950 = tpu.vector_load %arg12[%get3A_947, %get3A_948, %get3A_949] {strides = array<i32>} : memref<2x128x128xf32, #tpu.memory_space<vmem>>, vector<16xf32>,
        %get3A_951 = arith.constant 1 : i32
        %get3A_952 = arith.index_cast %get3A_951 : i32 to index
        %get3A_953 = arith.index_cast %add3A_862 : i32 to index
        %get3A_954 = arith.constant 112 : index
        %get3A_955 = tpu.vector_load %arg13[%get3A_952, %get3A_953, %get3A_954] {strides = array<i32>} : memref<2x128x128xf32, #tpu.memory_space<vmem>>, vector<16xf32>,
        %mul3A_956 = arith.mulf %get3A_950, %get3A_955 : vector<16xf32>
        %add3A_957 = arith.addf %add3A_945, %mul3A_956 : vector<16xf32>
        %add3A_958 = arith.constant 6 : i32
        %add3A_959 = vector.broadcast %add3A_958 : i32 to vector<16xi32>
        %add3A_960 = arith.addi %mul3A_177, %add3A_959 : vector<16xi32>
        tpu.vector_store_idx %arg17[%add3A_960], %add3A_957 : memref<256xf32, #tpu.memory_space<vmem>>[vector<16xi32>], vector<16xf32>,
        %add3A_961 = arith.constant 7 : i32
        %add3A_962 = arith.addi %mul3A_260, %add3A_961 : i32
        %get3A_963 = arith.constant 1 : i32
        %get3A_964 = arith.index_cast %get3A_963 : i32 to index
        %get3A_965 = arith.index_cast %add3A_962 : i32 to index
        %get3A_966 = arith.constant 0 : index
        %get3A_967 = tpu.vector_load %arg12[%get3A_964, %get3A_965, %get3A_966] {strides = array<i32>} : memref<2x128x128xf32, #tpu.memory_space<vmem>>, vector<16xf32>,
        %get3A_968 = arith.constant 1 : i32
        %get3A_969 = arith.index_cast %get3A_968 : i32 to index
        %get3A_970 = arith.index_cast %add3A_962 : i32 to index
        %get3A_971 = arith.constant 0 : index
        %get3A_972 = tpu.vector_load %arg13[%get3A_969, %get3A_970, %get3A_971] {strides = array<i32>} : memref<2x128x128xf32, #tpu.memory_space<vmem>>, vector<16xf32>,
        %mul3A_973 = arith.mulf %get3A_967, %get3A_972 : vector<16xf32>
        %get3A_974 = arith.constant 1 : i32
        %get3A_975 = arith.index_cast %get3A_974 : i32 to index
        %get3A_976 = arith.index_cast %add3A_962 : i32 to index
        %get3A_977 = arith.constant 16 : index
        %get3A_978 = tpu.vector_load %arg12[%get3A_975, %get3A_976, %get3A_977] {strides = array<i32>} : memref<2x128x128xf32, #tpu.memory_space<vmem>>, vector<16xf32>,
        %get3A_979 = arith.constant 1 : i32
        %get3A_980 = arith.index_cast %get3A_979 : i32 to index
        %get3A_981 = arith.index_cast %add3A_962 : i32 to index
        %get3A_982 = arith.constant 16 : index
        %get3A_983 = tpu.vector_load %arg13[%get3A_980, %get3A_981, %get3A_982] {strides = array<i32>} : memref<2x128x128xf32, #tpu.memory_space<vmem>>, vector<16xf32>,
        %mul3A_984 = arith.mulf %get3A_978, %get3A_983 : vector<16xf32>
        %add3A_985 = arith.addf %mul3A_973, %mul3A_984 : vector<16xf32>
        %get3A_986 = arith.constant 1 : i32
        %get3A_987 = arith.index_cast %get3A_986 : i32 to index
        %get3A_988 = arith.index_cast %add3A_962 : i32 to index
        %get3A_989 = arith.constant 32 : index
        %get3A_990 = tpu.vector_load %arg12[%get3A_987, %get3A_988, %get3A_989] {strides = array<i32>} : memref<2x128x128xf32, #tpu.memory_space<vmem>>, vector<16xf32>,
        %get3A_991 = arith.constant 1 : i32
        %get3A_992 = arith.index_cast %get3A_991 : i32 to index
        %get3A_993 = arith.index_cast %add3A_962 : i32 to index
        %get3A_994 = arith.constant 32 : index
        %get3A_995 = tpu.vector_load %arg13[%get3A_992, %get3A_993, %get3A_994] {strides = array<i32>} : memref<2x128x128xf32, #tpu.memory_space<vmem>>, vector<16xf32>,
        %mul3A_996 = arith.mulf %get3A_990, %get3A_995 : vector<16xf32>
        %add3A_997 = arith.addf %add3A_985, %mul3A_996 : vector<16xf32>
        %get3A_998 = arith.constant 1 : i32
        %get3A_999 = arith.index_cast %get3A_998 : i32 to index
        %get3A_1000 = arith.index_cast %add3A_962 : i32 to index
        %get3A_1001 = arith.constant 48 : index
        %get3A_1002 = tpu.vector_load %arg12[%get3A_999, %get3A_1000, %get3A_1001] {strides = array<i32>} : memref<2x128x128xf32, #tpu.memory_space<vmem>>, vector<16xf32>,
        %get3A_1003 = arith.constant 1 : i32
        %get3A_1004 = arith.index_cast %get3A_1003 : i32 to index
        %get3A_1005 = arith.index_cast %add3A_962 : i32 to index
        %get3A_1006 = arith.constant 48 : index
        %get3A_1007 = tpu.vector_load %arg13[%get3A_1004, %get3A_1005, %get3A_1006] {strides = array<i32>} : memref<2x128x128xf32, #tpu.memory_space<vmem>>, vector<16xf32>,
        %mul3A_1008 = arith.mulf %get3A_1002, %get3A_1007 : vector<16xf32>
        %add3A_1009 = arith.addf %add3A_997, %mul3A_1008 : vector<16xf32>
        %get3A_1010 = arith.constant 1 : i32
        %get3A_1011 = arith.index_cast %get3A_1010 : i32 to index
        %get3A_1012 = arith.index_cast %add3A_962 : i32 to index
        %get3A_1013 = arith.constant 64 : index
        %get3A_1014 = tpu.vector_load %arg12[%get3A_1011, %get3A_1012, %get3A_1013] {strides = array<i32>} : memref<2x128x128xf32, #tpu.memory_space<vmem>>, vector<16xf32>,
        %get3A_1015 = arith.constant 1 : i32
        %get3A_1016 = arith.index_cast %get3A_1015 : i32 to index
        %get3A_1017 = arith.index_cast %add3A_962 : i32 to index
        %get3A_1018 = arith.constant 64 : index
        %get3A_1019 = tpu.vector_load %arg13[%get3A_1016, %get3A_1017, %get3A_1018] {strides = array<i32>} : memref<2x128x128xf32, #tpu.memory_space<vmem>>, vector<16xf32>,
        %mul3A_1020 = arith.mulf %get3A_1014, %get3A_1019 : vector<16xf32>
        %add3A_1021 = arith.addf %add3A_1009, %mul3A_1020 : vector<16xf32>
        %get3A_1022 = arith.constant 1 : i32
        %get3A_1023 = arith.index_cast %get3A_1022 : i32 to index
        %get3A_1024 = arith.index_cast %add3A_962 : i32 to index
        %get3A_1025 = arith.constant 80 : index
        %get3A_1026 = tpu.vector_load %arg12[%get3A_1023, %get3A_1024, %get3A_1025] {strides = array<i32>} : memref<2x128x128xf32, #tpu.memory_space<vmem>>, vector<16xf32>,
        %get3A_1027 = arith.constant 1 : i32
        %get3A_1028 = arith.index_cast %get3A_1027 : i32 to index
        %get3A_1029 = arith.index_cast %add3A_962 : i32 to index
        %get3A_1030 = arith.constant 80 : index
        %get3A_1031 = tpu.vector_load %arg13[%get3A_1028, %get3A_1029, %get3A_1030] {strides = array<i32>} : memref<2x128x128xf32, #tpu.memory_space<vmem>>, vector<16xf32>,
        %mul3A_1032 = arith.mulf %get3A_1026, %get3A_1031 : vector<16xf32>
        %add3A_1033 = arith.addf %add3A_1021, %mul3A_1032 : vector<16xf32>
        %get3A_1034 = arith.constant 1 : i32
        %get3A_1035 = arith.index_cast %get3A_1034 : i32 to index
        %get3A_1036 = arith.index_cast %add3A_962 : i32 to index
        %get3A_1037 = arith.constant 96 : index
        %get3A_1038 = tpu.vector_load %arg12[%get3A_1035, %get3A_1036, %get3A_1037] {strides = array<i32>} : memref<2x128x128xf32, #tpu.memory_space<vmem>>, vector<16xf32>,
        %get3A_1039 = arith.constant 1 : i32
        %get3A_1040 = arith.index_cast %get3A_1039 : i32 to index
        %get3A_1041 = arith.index_cast %add3A_962 : i32 to index
        %get3A_1042 = arith.constant 96 : index
        %get3A_1043 = tpu.vector_load %arg13[%get3A_1040, %get3A_1041, %get3A_1042] {strides = array<i32>} : memref<2x128x128xf32, #tpu.memory_space<vmem>>, vector<16xf32>,
        %mul3A_1044 = arith.mulf %get3A_1038, %get3A_1043 : vector<16xf32>
        %add3A_1045 = arith.addf %add3A_1033, %mul3A_1044 : vector<16xf32>
        %get3A_1046 = arith.constant 1 : i32
        %get3A_1047 = arith.index_cast %get3A_1046 : i32 to index
        %get3A_1048 = arith.index_cast %add3A_962 : i32 to index
        %get3A_1049 = arith.constant 112 : index
        %get3A_1050 = tpu.vector_load %arg12[%get3A_1047, %get3A_1048, %get3A_1049] {strides = array<i32>} : memref<2x128x128xf32, #tpu.memory_space<vmem>>, vector<16xf32>,
        %get3A_1051 = arith.constant 1 : i32
        %get3A_1052 = arith.index_cast %get3A_1051 : i32 to index
        %get3A_1053 = arith.index_cast %add3A_962 : i32 to index
        %get3A_1054 = arith.constant 112 : index
        %get3A_1055 = tpu.vector_load %arg13[%get3A_1052, %get3A_1053, %get3A_1054] {strides = array<i32>} : memref<2x128x128xf32, #tpu.memory_space<vmem>>, vector<16xf32>,
        %mul3A_1056 = arith.mulf %get3A_1050, %get3A_1055 : vector<16xf32>
        %add3A_1057 = arith.addf %add3A_1045, %mul3A_1056 : vector<16xf32>
        %add3A_1058 = arith.constant 7 : i32
        %add3A_1059 = vector.broadcast %add3A_1058 : i32 to vector<16xi32>
        %add3A_1060 = arith.addi %mul3A_177, %add3A_1059 : vector<16xi32>
        tpu.vector_store_idx %arg17[%add3A_1060], %add3A_1057 : memref<256xf32, #tpu.memory_space<vmem>>[vector<16xi32>], vector<16xf32>,
        %add3A_1061 = arith.constant 8 : i32
        %add3A_1062 = arith.addi %mul3A_260, %add3A_1061 : i32
        %get3A_1063 = arith.constant 1 : i32
        %get3A_1064 = arith.index_cast %get3A_1063 : i32 to index
        %get3A_1065 = arith.index_cast %add3A_1062 : i32 to index
        %get3A_1066 = arith.constant 0 : index
        %get3A_1067 = tpu.vector_load %arg12[%get3A_1064, %get3A_1065, %get3A_1066] {strides = array<i32>} : memref<2x128x128xf32, #tpu.memory_space<vmem>>, vector<16xf32>,
        %get3A_1068 = arith.constant 1 : i32
        %get3A_1069 = arith.index_cast %get3A_1068 : i32 to index
        %get3A_1070 = arith.index_cast %add3A_1062 : i32 to index
        %get3A_1071 = arith.constant 0 : index
        %get3A_1072 = tpu.vector_load %arg13[%get3A_1069, %get3A_1070, %get3A_1071] {strides = array<i32>} : memref<2x128x128xf32, #tpu.memory_space<vmem>>, vector<16xf32>,
        %mul3A_1073 = arith.mulf %get3A_1067, %get3A_1072 : vector<16xf32>
        %get3A_1074 = arith.constant 1 : i32
        %get3A_1075 = arith.index_cast %get3A_1074 : i32 to index
        %get3A_1076 = arith.index_cast %add3A_1062 : i32 to index
        %get3A_1077 = arith.constant 16 : index
        %get3A_1078 = tpu.vector_load %arg12[%get3A_1075, %get3A_1076, %get3A_1077] {strides = array<i32>} : memref<2x128x128xf32, #tpu.memory_space<vmem>>, vector<16xf32>,
        %get3A_1079 = arith.constant 1 : i32
        %get3A_1080 = arith.index_cast %get3A_1079 : i32 to index
        %get3A_1081 = arith.index_cast %add3A_1062 : i32 to index
        %get3A_1082 = arith.constant 16 : index
        %get3A_1083 = tpu.vector_load %arg13[%get3A_1080, %get3A_1081, %get3A_1082] {strides = array<i32>} : memref<2x128x128xf32, #tpu.memory_space<vmem>>, vector<16xf32>,
        %mul3A_1084 = arith.mulf %get3A_1078, %get3A_1083 : vector<16xf32>
        %add3A_1085 = arith.addf %mul3A_1073, %mul3A_1084 : vector<16xf32>
        %get3A_1086 = arith.constant 1 : i32
        %get3A_1087 = arith.index_cast %get3A_1086 : i32 to index
        %get3A_1088 = arith.index_cast %add3A_1062 : i32 to index
        %get3A_1089 = arith.constant 32 : index
        %get3A_1090 = tpu.vector_load %arg12[%get3A_1087, %get3A_1088, %get3A_1089] {strides = array<i32>} : memref<2x128x128xf32, #tpu.memory_space<vmem>>, vector<16xf32>,
        %get3A_1091 = arith.constant 1 : i32
        %get3A_1092 = arith.index_cast %get3A_1091 : i32 to index
        %get3A_1093 = arith.index_cast %add3A_1062 : i32 to index
        %get3A_1094 = arith.constant 32 : index
        %get3A_1095 = tpu.vector_load %arg13[%get3A_1092, %get3A_1093, %get3A_1094] {strides = array<i32>} : memref<2x128x128xf32, #tpu.memory_space<vmem>>, vector<16xf32>,
        %mul3A_1096 = arith.mulf %get3A_1090, %get3A_1095 : vector<16xf32>
        %add3A_1097 = arith.addf %add3A_1085, %mul3A_1096 : vector<16xf32>
        %get3A_1098 = arith.constant 1 : i32
        %get3A_1099 = arith.index_cast %get3A_1098 : i32 to index
        %get3A_1100 = arith.index_cast %add3A_1062 : i32 to index
        %get3A_1101 = arith.constant 48 : index
        %get3A_1102 = tpu.vector_load %arg12[%get3A_1099, %get3A_1100, %get3A_1101] {strides = array<i32>} : memref<2x128x128xf32, #tpu.memory_space<vmem>>, vector<16xf32>,
        %get3A_1103 = arith.constant 1 : i32
        %get3A_1104 = arith.index_cast %get3A_1103 : i32 to index
        %get3A_1105 = arith.index_cast %add3A_1062 : i32 to index
        %get3A_1106 = arith.constant 48 : index
        %get3A_1107 = tpu.vector_load %arg13[%get3A_1104, %get3A_1105, %get3A_1106] {strides = array<i32>} : memref<2x128x128xf32, #tpu.memory_space<vmem>>, vector<16xf32>,
        %mul3A_1108 = arith.mulf %get3A_1102, %get3A_1107 : vector<16xf32>
        %add3A_1109 = arith.addf %add3A_1097, %mul3A_1108 : vector<16xf32>
        %get3A_1110 = arith.constant 1 : i32
        %get3A_1111 = arith.index_cast %get3A_1110 : i32 to index
        %get3A_1112 = arith.index_cast %add3A_1062 : i32 to index
        %get3A_1113 = arith.constant 64 : index
        %get3A_1114 = tpu.vector_load %arg12[%get3A_1111, %get3A_1112, %get3A_1113] {strides = array<i32>} : memref<2x128x128xf32, #tpu.memory_space<vmem>>, vector<16xf32>,
        %get3A_1115 = arith.constant 1 : i32
        %get3A_1116 = arith.index_cast %get3A_1115 : i32 to index
        %get3A_1117 = arith.index_cast %add3A_1062 : i32 to index
        %get3A_1118 = arith.constant 64 : index
        %get3A_1119 = tpu.vector_load %arg13[%get3A_1116, %get3A_1117, %get3A_1118] {strides = array<i32>} : memref<2x128x128xf32, #tpu.memory_space<vmem>>, vector<16xf32>,
        %mul3A_1120 = arith.mulf %get3A_1114, %get3A_1119 : vector<16xf32>
        %add3A_1121 = arith.addf %add3A_1109, %mul3A_1120 : vector<16xf32>
        %get3A_1122 = arith.constant 1 : i32
        %get3A_1123 = arith.index_cast %get3A_1122 : i32 to index
        %get3A_1124 = arith.index_cast %add3A_1062 : i32 to index
        %get3A_1125 = arith.constant 80 : index
        %get3A_1126 = tpu.vector_load %arg12[%get3A_1123, %get3A_1124, %get3A_1125] {strides = array<i32>} : memref<2x128x128xf32, #tpu.memory_space<vmem>>, vector<16xf32>,
        %get3A_1127 = arith.constant 1 : i32
        %get3A_1128 = arith.index_cast %get3A_1127 : i32 to index
        %get3A_1129 = arith.index_cast %add3A_1062 : i32 to index
        %get3A_1130 = arith.constant 80 : index
        %get3A_1131 = tpu.vector_load %arg13[%get3A_1128, %get3A_1129, %get3A_1130] {strides = array<i32>} : memref<2x128x128xf32, #tpu.memory_space<vmem>>, vector<16xf32>,
        %mul3A_1132 = arith.mulf %get3A_1126, %get3A_1131 : vector<16xf32>
        %add3A_1133 = arith.addf %add3A_1121, %mul3A_1132 : vector<16xf32>
        %get3A_1134 = arith.constant 1 : i32
        %get3A_1135 = arith.index_cast %get3A_1134 : i32 to index
        %get3A_1136 = arith.index_cast %add3A_1062 : i32 to index
        %get3A_1137 = arith.constant 96 : index
        %get3A_1138 = tpu.vector_load %arg12[%get3A_1135, %get3A_1136, %get3A_1137] {strides = array<i32>} : memref<2x128x128xf32, #tpu.memory_space<vmem>>, vector<16xf32>,
        %get3A_1139 = arith.constant 1 : i32
        %get3A_1140 = arith.index_cast %get3A_1139 : i32 to index
        %get3A_1141 = arith.index_cast %add3A_1062 : i32 to index
        %get3A_1142 = arith.constant 96 : index
        %get3A_1143 = tpu.vector_load %arg13[%get3A_1140, %get3A_1141, %get3A_1142] {strides = array<i32>} : memref<2x128x128xf32, #tpu.memory_space<vmem>>, vector<16xf32>,
        %mul3A_1144 = arith.mulf %get3A_1138, %get3A_1143 : vector<16xf32>
        %add3A_1145 = arith.addf %add3A_1133, %mul3A_1144 : vector<16xf32>
        %get3A_1146 = arith.constant 1 : i32
        %get3A_1147 = arith.index_cast %get3A_1146 : i32 to index
        %get3A_1148 = arith.index_cast %add3A_1062 : i32 to index
        %get3A_1149 = arith.constant 112 : index
        %get3A_1150 = tpu.vector_load %arg12[%get3A_1147, %get3A_1148, %get3A_1149] {strides = array<i32>} : memref<2x128x128xf32, #tpu.memory_space<vmem>>, vector<16xf32>,
        %get3A_1151 = arith.constant 1 : i32
        %get3A_1152 = arith.index_cast %get3A_1151 : i32 to index
        %get3A_1153 = arith.index_cast %add3A_1062 : i32 to index
        %get3A_1154 = arith.constant 112 : index
        %get3A_1155 = tpu.vector_load %arg13[%get3A_1152, %get3A_1153, %get3A_1154] {strides = array<i32>} : memref<2x128x128xf32, #tpu.memory_space<vmem>>, vector<16xf32>,
        %mul3A_1156 = arith.mulf %get3A_1150, %get3A_1155 : vector<16xf32>
        %add3A_1157 = arith.addf %add3A_1145, %mul3A_1156 : vector<16xf32>
        %add3A_1158 = arith.constant 8 : i32
        %add3A_1159 = vector.broadcast %add3A_1158 : i32 to vector<16xi32>
        %add3A_1160 = arith.addi %mul3A_177, %add3A_1159 : vector<16xi32>
        tpu.vector_store_idx %arg17[%add3A_1160], %add3A_1157 : memref<256xf32, #tpu.memory_space<vmem>>[vector<16xi32>], vector<16xf32>,
        %add3A_1161 = arith.constant 9 : i32
        %add3A_1162 = arith.addi %mul3A_260, %add3A_1161 : i32
        %get3A_1163 = arith.constant 1 : i32
        %get3A_1164 = arith.index_cast %get3A_1163 : i32 to index
        %get3A_1165 = arith.index_cast %add3A_1162 : i32 to index
        %get3A_1166 = arith.constant 0 : index
        %get3A_1167 = tpu.vector_load %arg12[%get3A_1164, %get3A_1165, %get3A_1166] {strides = array<i32>} : memref<2x128x128xf32, #tpu.memory_space<vmem>>, vector<16xf32>,
        %get3A_1168 = arith.constant 1 : i32
        %get3A_1169 = arith.index_cast %get3A_1168 : i32 to index
        %get3A_1170 = arith.index_cast %add3A_1162 : i32 to index
        %get3A_1171 = arith.constant 0 : index
        %get3A_1172 = tpu.vector_load %arg13[%get3A_1169, %get3A_1170, %get3A_1171] {strides = array<i32>} : memref<2x128x128xf32, #tpu.memory_space<vmem>>, vector<16xf32>,
        %mul3A_1173 = arith.mulf %get3A_1167, %get3A_1172 : vector<16xf32>
        %get3A_1174 = arith.constant 1 : i32
        %get3A_1175 = arith.index_cast %get3A_1174 : i32 to index
        %get3A_1176 = arith.index_cast %add3A_1162 : i32 to index
        %get3A_1177 = arith.constant 16 : index
        %get3A_1178 = tpu.vector_load %arg12[%get3A_1175, %get3A_1176, %get3A_1177] {strides = array<i32>} : memref<2x128x128xf32, #tpu.memory_space<vmem>>, vector<16xf32>,
        %get3A_1179 = arith.constant 1 : i32
        %get3A_1180 = arith.index_cast %get3A_1179 : i32 to index
        %get3A_1181 = arith.index_cast %add3A_1162 : i32 to index
        %get3A_1182 = arith.constant 16 : index
        %get3A_1183 = tpu.vector_load %arg13[%get3A_1180, %get3A_1181, %get3A_1182] {strides = array<i32>} : memref<2x128x128xf32, #tpu.memory_space<vmem>>, vector<16xf32>,
        %mul3A_1184 = arith.mulf %get3A_1178, %get3A_1183 : vector<16xf32>
        %add3A_1185 = arith.addf %mul3A_1173, %mul3A_1184 : vector<16xf32>
        %get3A_1186 = arith.constant 1 : i32
        %get3A_1187 = arith.index_cast %get3A_1186 : i32 to index
        %get3A_1188 = arith.index_cast %add3A_1162 : i32 to index
        %get3A_1189 = arith.constant 32 : index
        %get3A_1190 = tpu.vector_load %arg12[%get3A_1187, %get3A_1188, %get3A_1189] {strides = array<i32>} : memref<2x128x128xf32, #tpu.memory_space<vmem>>, vector<16xf32>,
        %get3A_1191 = arith.constant 1 : i32
        %get3A_1192 = arith.index_cast %get3A_1191 : i32 to index
        %get3A_1193 = arith.index_cast %add3A_1162 : i32 to index
        %get3A_1194 = arith.constant 32 : index
        %get3A_1195 = tpu.vector_load %arg13[%get3A_1192, %get3A_1193, %get3A_1194] {strides = array<i32>} : memref<2x128x128xf32, #tpu.memory_space<vmem>>, vector<16xf32>,
        %mul3A_1196 = arith.mulf %get3A_1190, %get3A_1195 : vector<16xf32>
        %add3A_1197 = arith.addf %add3A_1185, %mul3A_1196 : vector<16xf32>
        %get3A_1198 = arith.constant 1 : i32
        %get3A_1199 = arith.index_cast %get3A_1198 : i32 to index
        %get3A_1200 = arith.index_cast %add3A_1162 : i32 to index
        %get3A_1201 = arith.constant 48 : index
        %get3A_1202 = tpu.vector_load %arg12[%get3A_1199, %get3A_1200, %get3A_1201] {strides = array<i32>} : memref<2x128x128xf32, #tpu.memory_space<vmem>>, vector<16xf32>,
        %get3A_1203 = arith.constant 1 : i32
        %get3A_1204 = arith.index_cast %get3A_1203 : i32 to index
        %get3A_1205 = arith.index_cast %add3A_1162 : i32 to index
        %get3A_1206 = arith.constant 48 : index
        %get3A_1207 = tpu.vector_load %arg13[%get3A_1204, %get3A_1205, %get3A_1206] {strides = array<i32>} : memref<2x128x128xf32, #tpu.memory_space<vmem>>, vector<16xf32>,
        %mul3A_1208 = arith.mulf %get3A_1202, %get3A_1207 : vector<16xf32>
        %add3A_1209 = arith.addf %add3A_1197, %mul3A_1208 : vector<16xf32>
        %get3A_1210 = arith.constant 1 : i32
        %get3A_1211 = arith.index_cast %get3A_1210 : i32 to index
        %get3A_1212 = arith.index_cast %add3A_1162 : i32 to index
        %get3A_1213 = arith.constant 64 : index
        %get3A_1214 = tpu.vector_load %arg12[%get3A_1211, %get3A_1212, %get3A_1213] {strides = array<i32>} : memref<2x128x128xf32, #tpu.memory_space<vmem>>, vector<16xf32>,
        %get3A_1215 = arith.constant 1 : i32
        %get3A_1216 = arith.index_cast %get3A_1215 : i32 to index
        %get3A_1217 = arith.index_cast %add3A_1162 : i32 to index
        %get3A_1218 = arith.constant 64 : index
        %get3A_1219 = tpu.vector_load %arg13[%get3A_1216, %get3A_1217, %get3A_1218] {strides = array<i32>} : memref<2x128x128xf32, #tpu.memory_space<vmem>>, vector<16xf32>,
        %mul3A_1220 = arith.mulf %get3A_1214, %get3A_1219 : vector<16xf32>
        %add3A_1221 = arith.addf %add3A_1209, %mul3A_1220 : vector<16xf32>
        %get3A_1222 = arith.constant 1 : i32
        %get3A_1223 = arith.index_cast %get3A_1222 : i32 to index
        %get3A_1224 = arith.index_cast %add3A_1162 : i32 to index
        %get3A_1225 = arith.constant 80 : index
        %get3A_1226 = tpu.vector_load %arg12[%get3A_1223, %get3A_1224, %get3A_1225] {strides = array<i32>} : memref<2x128x128xf32, #tpu.memory_space<vmem>>, vector<16xf32>,
        %get3A_1227 = arith.constant 1 : i32
        %get3A_1228 = arith.index_cast %get3A_1227 : i32 to index
        %get3A_1229 = arith.index_cast %add3A_1162 : i32 to index
        %get3A_1230 = arith.constant 80 : index
        %get3A_1231 = tpu.vector_load %arg13[%get3A_1228, %get3A_1229, %get3A_1230] {strides = array<i32>} : memref<2x128x128xf32, #tpu.memory_space<vmem>>, vector<16xf32>,
        %mul3A_1232 = arith.mulf %get3A_1226, %get3A_1231 : vector<16xf32>
        %add3A_1233 = arith.addf %add3A_1221, %mul3A_1232 : vector<16xf32>
        %get3A_1234 = arith.constant 1 : i32
        %get3A_1235 = arith.index_cast %get3A_1234 : i32 to index
        %get3A_1236 = arith.index_cast %add3A_1162 : i32 to index
        %get3A_1237 = arith.constant 96 : index
        %get3A_1238 = tpu.vector_load %arg12[%get3A_1235, %get3A_1236, %get3A_1237] {strides = array<i32>} : memref<2x128x128xf32, #tpu.memory_space<vmem>>, vector<16xf32>,
        %get3A_1239 = arith.constant 1 : i32
        %get3A_1240 = arith.index_cast %get3A_1239 : i32 to index
        %get3A_1241 = arith.index_cast %add3A_1162 : i32 to index
        %get3A_1242 = arith.constant 96 : index
        %get3A_1243 = tpu.vector_load %arg13[%get3A_1240, %get3A_1241, %get3A_1242] {strides = array<i32>} : memref<2x128x128xf32, #tpu.memory_space<vmem>>, vector<16xf32>,
        %mul3A_1244 = arith.mulf %get3A_1238, %get3A_1243 : vector<16xf32>
        %add3A_1245 = arith.addf %add3A_1233, %mul3A_1244 : vector<16xf32>
        %get3A_1246 = arith.constant 1 : i32
        %get3A_1247 = arith.index_cast %get3A_1246 : i32 to index
        %get3A_1248 = arith.index_cast %add3A_1162 : i32 to index
        %get3A_1249 = arith.constant 112 : index
        %get3A_1250 = tpu.vector_load %arg12[%get3A_1247, %get3A_1248, %get3A_1249] {strides = array<i32>} : memref<2x128x128xf32, #tpu.memory_space<vmem>>, vector<16xf32>,
        %get3A_1251 = arith.constant 1 : i32
        %get3A_1252 = arith.index_cast %get3A_1251 : i32 to index
        %get3A_1253 = arith.index_cast %add3A_1162 : i32 to index
        %get3A_1254 = arith.constant 112 : index
        %get3A_1255 = tpu.vector_load %arg13[%get3A_1252, %get3A_1253, %get3A_1254] {strides = array<i32>} : memref<2x128x128xf32, #tpu.memory_space<vmem>>, vector<16xf32>,
        %mul3A_1256 = arith.mulf %get3A_1250, %get3A_1255 : vector<16xf32>
        %add3A_1257 = arith.addf %add3A_1245, %mul3A_1256 : vector<16xf32>
        %add3A_1258 = arith.constant 9 : i32
        %add3A_1259 = vector.broadcast %add3A_1258 : i32 to vector<16xi32>
        %add3A_1260 = arith.addi %mul3A_177, %add3A_1259 : vector<16xi32>
        tpu.vector_store_idx %arg17[%add3A_1260], %add3A_1257 : memref<256xf32, #tpu.memory_space<vmem>>[vector<16xi32>], vector<16xf32>,
        %add3A_1261 = arith.constant 10 : i32
        %add3A_1262 = arith.addi %mul3A_260, %add3A_1261 : i32
        %get3A_1263 = arith.constant 1 : i32
        %get3A_1264 = arith.index_cast %get3A_1263 : i32 to index
        %get3A_1265 = arith.index_cast %add3A_1262 : i32 to index
        %get3A_1266 = arith.constant 0 : index
        %get3A_1267 = tpu.vector_load %arg12[%get3A_1264, %get3A_1265, %get3A_1266] {strides = array<i32>} : memref<2x128x128xf32, #tpu.memory_space<vmem>>, vector<16xf32>,
        %get3A_1268 = arith.constant 1 : i32
        %get3A_1269 = arith.index_cast %get3A_1268 : i32 to index
        %get3A_1270 = arith.index_cast %add3A_1262 : i32 to index
        %get3A_1271 = arith.constant 0 : index
        %get3A_1272 = tpu.vector_load %arg13[%get3A_1269, %get3A_1270, %get3A_1271] {strides = array<i32>} : memref<2x128x128xf32, #tpu.memory_space<vmem>>, vector<16xf32>,
        %mul3A_1273 = arith.mulf %get3A_1267, %get3A_1272 : vector<16xf32>
        %get3A_1274 = arith.constant 1 : i32
        %get3A_1275 = arith.index_cast %get3A_1274 : i32 to index
        %get3A_1276 = arith.index_cast %add3A_1262 : i32 to index
        %get3A_1277 = arith.constant 16 : index
        %get3A_1278 = tpu.vector_load %arg12[%get3A_1275, %get3A_1276, %get3A_1277] {strides = array<i32>} : memref<2x128x128xf32, #tpu.memory_space<vmem>>, vector<16xf32>,
        %get3A_1279 = arith.constant 1 : i32
        %get3A_1280 = arith.index_cast %get3A_1279 : i32 to index
        %get3A_1281 = arith.index_cast %add3A_1262 : i32 to index
        %get3A_1282 = arith.constant 16 : index
        %get3A_1283 = tpu.vector_load %arg13[%get3A_1280, %get3A_1281, %get3A_1282] {strides = array<i32>} : memref<2x128x128xf32, #tpu.memory_space<vmem>>, vector<16xf32>,
        %mul3A_1284 = arith.mulf %get3A_1278, %get3A_1283 : vector<16xf32>
        %add3A_1285 = arith.addf %mul3A_1273, %mul3A_1284 : vector<16xf32>
        %get3A_1286 = arith.constant 1 : i32
        %get3A_1287 = arith.index_cast %get3A_1286 : i32 to index
        %get3A_1288 = arith.index_cast %add3A_1262 : i32 to index
        %get3A_1289 = arith.constant 32 : index
        %get3A_1290 = tpu.vector_load %arg12[%get3A_1287, %get3A_1288, %get3A_1289] {strides = array<i32>} : memref<2x128x128xf32, #tpu.memory_space<vmem>>, vector<16xf32>,
        %get3A_1291 = arith.constant 1 : i32
        %get3A_1292 = arith.index_cast %get3A_1291 : i32 to index
        %get3A_1293 = arith.index_cast %add3A_1262 : i32 to index
        %get3A_1294 = arith.constant 32 : index
        %get3A_1295 = tpu.vector_load %arg13[%get3A_1292, %get3A_1293, %get3A_1294] {strides = array<i32>} : memref<2x128x128xf32, #tpu.memory_space<vmem>>, vector<16xf32>,
        %mul3A_1296 = arith.mulf %get3A_1290, %get3A_1295 : vector<16xf32>
        %add3A_1297 = arith.addf %add3A_1285, %mul3A_1296 : vector<16xf32>
        %get3A_1298 = arith.constant 1 : i32
        %get3A_1299 = arith.index_cast %get3A_1298 : i32 to index
        %get3A_1300 = arith.index_cast %add3A_1262 : i32 to index
        %get3A_1301 = arith.constant 48 : index
        %get3A_1302 = tpu.vector_load %arg12[%get3A_1299, %get3A_1300, %get3A_1301] {strides = array<i32>} : memref<2x128x128xf32, #tpu.memory_space<vmem>>, vector<16xf32>,
        %get3A_1303 = arith.constant 1 : i32
        %get3A_1304 = arith.index_cast %get3A_1303 : i32 to index
        %get3A_1305 = arith.index_cast %add3A_1262 : i32 to index
        %get3A_1306 = arith.constant 48 : index
        %get3A_1307 = tpu.vector_load %arg13[%get3A_1304, %get3A_1305, %get3A_1306] {strides = array<i32>} : memref<2x128x128xf32, #tpu.memory_space<vmem>>, vector<16xf32>,
        %mul3A_1308 = arith.mulf %get3A_1302, %get3A_1307 : vector<16xf32>
        %add3A_1309 = arith.addf %add3A_1297, %mul3A_1308 : vector<16xf32>
        %get3A_1310 = arith.constant 1 : i32
        %get3A_1311 = arith.index_cast %get3A_1310 : i32 to index
        %get3A_1312 = arith.index_cast %add3A_1262 : i32 to index
        %get3A_1313 = arith.constant 64 : index
        %get3A_1314 = tpu.vector_load %arg12[%get3A_1311, %get3A_1312, %get3A_1313] {strides = array<i32>} : memref<2x128x128xf32, #tpu.memory_space<vmem>>, vector<16xf32>,
        %get3A_1315 = arith.constant 1 : i32
        %get3A_1316 = arith.index_cast %get3A_1315 : i32 to index
        %get3A_1317 = arith.index_cast %add3A_1262 : i32 to index
        %get3A_1318 = arith.constant 64 : index
        %get3A_1319 = tpu.vector_load %arg13[%get3A_1316, %get3A_1317, %get3A_1318] {strides = array<i32>} : memref<2x128x128xf32, #tpu.memory_space<vmem>>, vector<16xf32>,
        %mul3A_1320 = arith.mulf %get3A_1314, %get3A_1319 : vector<16xf32>
        %add3A_1321 = arith.addf %add3A_1309, %mul3A_1320 : vector<16xf32>
        %get3A_1322 = arith.constant 1 : i32
        %get3A_1323 = arith.index_cast %get3A_1322 : i32 to index
        %get3A_1324 = arith.index_cast %add3A_1262 : i32 to index
        %get3A_1325 = arith.constant 80 : index
        %get3A_1326 = tpu.vector_load %arg12[%get3A_1323, %get3A_1324, %get3A_1325] {strides = array<i32>} : memref<2x128x128xf32, #tpu.memory_space<vmem>>, vector<16xf32>,
        %get3A_1327 = arith.constant 1 : i32
        %get3A_1328 = arith.index_cast %get3A_1327 : i32 to index
        %get3A_1329 = arith.index_cast %add3A_1262 : i32 to index
        %get3A_1330 = arith.constant 80 : index
        %get3A_1331 = tpu.vector_load %arg13[%get3A_1328, %get3A_1329, %get3A_1330] {strides = array<i32>} : memref<2x128x128xf32, #tpu.memory_space<vmem>>, vector<16xf32>,
        %mul3A_1332 = arith.mulf %get3A_1326, %get3A_1331 : vector<16xf32>
        %add3A_1333 = arith.addf %add3A_1321, %mul3A_1332 : vector<16xf32>
        %get3A_1334 = arith.constant 1 : i32
        %get3A_1335 = arith.index_cast %get3A_1334 : i32 to index
        %get3A_1336 = arith.index_cast %add3A_1262 : i32 to index
        %get3A_1337 = arith.constant 96 : index
        %get3A_1338 = tpu.vector_load %arg12[%get3A_1335, %get3A_1336, %get3A_1337] {strides = array<i32>} : memref<2x128x128xf32, #tpu.memory_space<vmem>>, vector<16xf32>,
        %get3A_1339 = arith.constant 1 : i32
        %get3A_1340 = arith.index_cast %get3A_1339 : i32 to index
        %get3A_1341 = arith.index_cast %add3A_1262 : i32 to index
        %get3A_1342 = arith.constant 96 : index
        %get3A_1343 = tpu.vector_load %arg13[%get3A_1340, %get3A_1341, %get3A_1342] {strides = array<i32>} : memref<2x128x128xf32, #tpu.memory_space<vmem>>, vector<16xf32>,
        %mul3A_1344 = arith.mulf %get3A_1338, %get3A_1343 : vector<16xf32>
        %add3A_1345 = arith.addf %add3A_1333, %mul3A_1344 : vector<16xf32>
        %get3A_1346 = arith.constant 1 : i32
        %get3A_1347 = arith.index_cast %get3A_1346 : i32 to index
        %get3A_1348 = arith.index_cast %add3A_1262 : i32 to index
        %get3A_1349 = arith.constant 112 : index
        %get3A_1350 = tpu.vector_load %arg12[%get3A_1347, %get3A_1348, %get3A_1349] {strides = array<i32>} : memref<2x128x128xf32, #tpu.memory_space<vmem>>, vector<16xf32>,
        %get3A_1351 = arith.constant 1 : i32
        %get3A_1352 = arith.index_cast %get3A_1351 : i32 to index
        %get3A_1353 = arith.index_cast %add3A_1262 : i32 to index
        %get3A_1354 = arith.constant 112 : index
        %get3A_1355 = tpu.vector_load %arg13[%get3A_1352, %get3A_1353, %get3A_1354] {strides = array<i32>} : memref<2x128x128xf32, #tpu.memory_space<vmem>>, vector<16xf32>,
        %mul3A_1356 = arith.mulf %get3A_1350, %get3A_1355 : vector<16xf32>
        %add3A_1357 = arith.addf %add3A_1345, %mul3A_1356 : vector<16xf32>
        %add3A_1358 = arith.constant 10 : i32
        %add3A_1359 = vector.broadcast %add3A_1358 : i32 to vector<16xi32>
        %add3A_1360 = arith.addi %mul3A_177, %add3A_1359 : vector<16xi32>
        tpu.vector_store_idx %arg17[%add3A_1360], %add3A_1357 : memref<256xf32, #tpu.memory_space<vmem>>[vector<16xi32>], vector<16xf32>,
        %add3A_1361 = arith.constant 11 : i32
        %add3A_1362 = arith.addi %mul3A_260, %add3A_1361 : i32
        %get3A_1363 = arith.constant 1 : i32
        %get3A_1364 = arith.index_cast %get3A_1363 : i32 to index
        %get3A_1365 = arith.index_cast %add3A_1362 : i32 to index
        %get3A_1366 = arith.constant 0 : index
        %get3A_1367 = tpu.vector_load %arg12[%get3A_1364, %get3A_1365, %get3A_1366] {strides = array<i32>} : memref<2x128x128xf32, #tpu.memory_space<vmem>>, vector<16xf32>,
        %get3A_1368 = arith.constant 1 : i32
        %get3A_1369 = arith.index_cast %get3A_1368 : i32 to index
        %get3A_1370 = arith.index_cast %add3A_1362 : i32 to index
        %get3A_1371 = arith.constant 0 : index
        %get3A_1372 = tpu.vector_load %arg13[%get3A_1369, %get3A_1370, %get3A_1371] {strides = array<i32>} : memref<2x128x128xf32, #tpu.memory_space<vmem>>, vector<16xf32>,
        %mul3A_1373 = arith.mulf %get3A_1367, %get3A_1372 : vector<16xf32>
        %get3A_1374 = arith.constant 1 : i32
        %get3A_1375 = arith.index_cast %get3A_1374 : i32 to index
        %get3A_1376 = arith.index_cast %add3A_1362 : i32 to index
        %get3A_1377 = arith.constant 16 : index
        %get3A_1378 = tpu.vector_load %arg12[%get3A_1375, %get3A_1376, %get3A_1377] {strides = array<i32>} : memref<2x128x128xf32, #tpu.memory_space<vmem>>, vector<16xf32>,
        %get3A_1379 = arith.constant 1 : i32
        %get3A_1380 = arith.index_cast %get3A_1379 : i32 to index
        %get3A_1381 = arith.index_cast %add3A_1362 : i32 to index
        %get3A_1382 = arith.constant 16 : index
        %get3A_1383 = tpu.vector_load %arg13[%get3A_1380, %get3A_1381, %get3A_1382] {strides = array<i32>} : memref<2x128x128xf32, #tpu.memory_space<vmem>>, vector<16xf32>,
        %mul3A_1384 = arith.mulf %get3A_1378, %get3A_1383 : vector<16xf32>
        %add3A_1385 = arith.addf %mul3A_1373, %mul3A_1384 : vector<16xf32>
        %get3A_1386 = arith.constant 1 : i32
        %get3A_1387 = arith.index_cast %get3A_1386 : i32 to index
        %get3A_1388 = arith.index_cast %add3A_1362 : i32 to index
        %get3A_1389 = arith.constant 32 : index
        %get3A_1390 = tpu.vector_load %arg12[%get3A_1387, %get3A_1388, %get3A_1389] {strides = array<i32>} : memref<2x128x128xf32, #tpu.memory_space<vmem>>, vector<16xf32>,
        %get3A_1391 = arith.constant 1 : i32
        %get3A_1392 = arith.index_cast %get3A_1391 : i32 to index
        %get3A_1393 = arith.index_cast %add3A_1362 : i32 to index
        %get3A_1394 = arith.constant 32 : index
        %get3A_1395 = tpu.vector_load %arg13[%get3A_1392, %get3A_1393, %get3A_1394] {strides = array<i32>} : memref<2x128x128xf32, #tpu.memory_space<vmem>>, vector<16xf32>,
        %mul3A_1396 = arith.mulf %get3A_1390, %get3A_1395 : vector<16xf32>
        %add3A_1397 = arith.addf %add3A_1385, %mul3A_1396 : vector<16xf32>
        %get3A_1398 = arith.constant 1 : i32
        %get3A_1399 = arith.index_cast %get3A_1398 : i32 to index
        %get3A_1400 = arith.index_cast %add3A_1362 : i32 to index
        %get3A_1401 = arith.constant 48 : index
        %get3A_1402 = tpu.vector_load %arg12[%get3A_1399, %get3A_1400, %get3A_1401] {strides = array<i32>} : memref<2x128x128xf32, #tpu.memory_space<vmem>>, vector<16xf32>,
        %get3A_1403 = arith.constant 1 : i32
        %get3A_1404 = arith.index_cast %get3A_1403 : i32 to index
        %get3A_1405 = arith.index_cast %add3A_1362 : i32 to index
        %get3A_1406 = arith.constant 48 : index
        %get3A_1407 = tpu.vector_load %arg13[%get3A_1404, %get3A_1405, %get3A_1406] {strides = array<i32>} : memref<2x128x128xf32, #tpu.memory_space<vmem>>, vector<16xf32>,
        %mul3A_1408 = arith.mulf %get3A_1402, %get3A_1407 : vector<16xf32>
        %add3A_1409 = arith.addf %add3A_1397, %mul3A_1408 : vector<16xf32>
        %get3A_1410 = arith.constant 1 : i32
        %get3A_1411 = arith.index_cast %get3A_1410 : i32 to index
        %get3A_1412 = arith.index_cast %add3A_1362 : i32 to index
        %get3A_1413 = arith.constant 64 : index
        %get3A_1414 = tpu.vector_load %arg12[%get3A_1411, %get3A_1412, %get3A_1413] {strides = array<i32>} : memref<2x128x128xf32, #tpu.memory_space<vmem>>, vector<16xf32>,
        %get3A_1415 = arith.constant 1 : i32
        %get3A_1416 = arith.index_cast %get3A_1415 : i32 to index
        %get3A_1417 = arith.index_cast %add3A_1362 : i32 to index
        %get3A_1418 = arith.constant 64 : index
        %get3A_1419 = tpu.vector_load %arg13[%get3A_1416, %get3A_1417, %get3A_1418] {strides = array<i32>} : memref<2x128x128xf32, #tpu.memory_space<vmem>>, vector<16xf32>,
        %mul3A_1420 = arith.mulf %get3A_1414, %get3A_1419 : vector<16xf32>
        %add3A_1421 = arith.addf %add3A_1409, %mul3A_1420 : vector<16xf32>
        %get3A_1422 = arith.constant 1 : i32
        %get3A_1423 = arith.index_cast %get3A_1422 : i32 to index
        %get3A_1424 = arith.index_cast %add3A_1362 : i32 to index
        %get3A_1425 = arith.constant 80 : index
        %get3A_1426 = tpu.vector_load %arg12[%get3A_1423, %get3A_1424, %get3A_1425] {strides = array<i32>} : memref<2x128x128xf32, #tpu.memory_space<vmem>>, vector<16xf32>,
        %get3A_1427 = arith.constant 1 : i32
        %get3A_1428 = arith.index_cast %get3A_1427 : i32 to index
        %get3A_1429 = arith.index_cast %add3A_1362 : i32 to index
        %get3A_1430 = arith.constant 80 : index
        %get3A_1431 = tpu.vector_load %arg13[%get3A_1428, %get3A_1429, %get3A_1430] {strides = array<i32>} : memref<2x128x128xf32, #tpu.memory_space<vmem>>, vector<16xf32>,
        %mul3A_1432 = arith.mulf %get3A_1426, %get3A_1431 : vector<16xf32>
        %add3A_1433 = arith.addf %add3A_1421, %mul3A_1432 : vector<16xf32>
        %get3A_1434 = arith.constant 1 : i32
        %get3A_1435 = arith.index_cast %get3A_1434 : i32 to index
        %get3A_1436 = arith.index_cast %add3A_1362 : i32 to index
        %get3A_1437 = arith.constant 96 : index
        %get3A_1438 = tpu.vector_load %arg12[%get3A_1435, %get3A_1436, %get3A_1437] {strides = array<i32>} : memref<2x128x128xf32, #tpu.memory_space<vmem>>, vector<16xf32>,
        %get3A_1439 = arith.constant 1 : i32
        %get3A_1440 = arith.index_cast %get3A_1439 : i32 to index
        %get3A_1441 = arith.index_cast %add3A_1362 : i32 to index
        %get3A_1442 = arith.constant 96 : index
        %get3A_1443 = tpu.vector_load %arg13[%get3A_1440, %get3A_1441, %get3A_1442] {strides = array<i32>} : memref<2x128x128xf32, #tpu.memory_space<vmem>>, vector<16xf32>,
        %mul3A_1444 = arith.mulf %get3A_1438, %get3A_1443 : vector<16xf32>
        %add3A_1445 = arith.addf %add3A_1433, %mul3A_1444 : vector<16xf32>
        %get3A_1446 = arith.constant 1 : i32
        %get3A_1447 = arith.index_cast %get3A_1446 : i32 to index
        %get3A_1448 = arith.index_cast %add3A_1362 : i32 to index
        %get3A_1449 = arith.constant 112 : index
        %get3A_1450 = tpu.vector_load %arg12[%get3A_1447, %get3A_1448, %get3A_1449] {strides = array<i32>} : memref<2x128x128xf32, #tpu.memory_space<vmem>>, vector<16xf32>,
        %get3A_1451 = arith.constant 1 : i32
        %get3A_1452 = arith.index_cast %get3A_1451 : i32 to index
        %get3A_1453 = arith.index_cast %add3A_1362 : i32 to index
        %get3A_1454 = arith.constant 112 : index
        %get3A_1455 = tpu.vector_load %arg13[%get3A_1452, %get3A_1453, %get3A_1454] {strides = array<i32>} : memref<2x128x128xf32, #tpu.memory_space<vmem>>, vector<16xf32>,
        %mul3A_1456 = arith.mulf %get3A_1450, %get3A_1455 : vector<16xf32>
        %add3A_1457 = arith.addf %add3A_1445, %mul3A_1456 : vector<16xf32>
        %add3A_1458 = arith.constant 11 : i32
        %add3A_1459 = vector.broadcast %add3A_1458 : i32 to vector<16xi32>
        %add3A_1460 = arith.addi %mul3A_177, %add3A_1459 : vector<16xi32>
        tpu.vector_store_idx %arg17[%add3A_1460], %add3A_1457 : memref<256xf32, #tpu.memory_space<vmem>>[vector<16xi32>], vector<16xf32>,
        %add3A_1461 = arith.constant 12 : i32
        %add3A_1462 = arith.addi %mul3A_260, %add3A_1461 : i32
        %get3A_1463 = arith.constant 1 : i32
        %get3A_1464 = arith.index_cast %get3A_1463 : i32 to index
        %get3A_1465 = arith.index_cast %add3A_1462 : i32 to index
        %get3A_1466 = arith.constant 0 : index
        %get3A_1467 = tpu.vector_load %arg12[%get3A_1464, %get3A_1465, %get3A_1466] {strides = array<i32>} : memref<2x128x128xf32, #tpu.memory_space<vmem>>, vector<16xf32>,
        %get3A_1468 = arith.constant 1 : i32
        %get3A_1469 = arith.index_cast %get3A_1468 : i32 to index
        %get3A_1470 = arith.index_cast %add3A_1462 : i32 to index
        %get3A_1471 = arith.constant 0 : index
        %get3A_1472 = tpu.vector_load %arg13[%get3A_1469, %get3A_1470, %get3A_1471] {strides = array<i32>} : memref<2x128x128xf32, #tpu.memory_space<vmem>>, vector<16xf32>,
        %mul3A_1473 = arith.mulf %get3A_1467, %get3A_1472 : vector<16xf32>
        %get3A_1474 = arith.constant 1 : i32
        %get3A_1475 = arith.index_cast %get3A_1474 : i32 to index
        %get3A_1476 = arith.index_cast %add3A_1462 : i32 to index
        %get3A_1477 = arith.constant 16 : index
        %get3A_1478 = tpu.vector_load %arg12[%get3A_1475, %get3A_1476, %get3A_1477] {strides = array<i32>} : memref<2x128x128xf32, #tpu.memory_space<vmem>>, vector<16xf32>,
        %get3A_1479 = arith.constant 1 : i32
        %get3A_1480 = arith.index_cast %get3A_1479 : i32 to index
        %get3A_1481 = arith.index_cast %add3A_1462 : i32 to index
        %get3A_1482 = arith.constant 16 : index
        %get3A_1483 = tpu.vector_load %arg13[%get3A_1480, %get3A_1481, %get3A_1482] {strides = array<i32>} : memref<2x128x128xf32, #tpu.memory_space<vmem>>, vector<16xf32>,
        %mul3A_1484 = arith.mulf %get3A_1478, %get3A_1483 : vector<16xf32>
        %add3A_1485 = arith.addf %mul3A_1473, %mul3A_1484 : vector<16xf32>
        %get3A_1486 = arith.constant 1 : i32
        %get3A_1487 = arith.index_cast %get3A_1486 : i32 to index
        %get3A_1488 = arith.index_cast %add3A_1462 : i32 to index
        %get3A_1489 = arith.constant 32 : index
        %get3A_1490 = tpu.vector_load %arg12[%get3A_1487, %get3A_1488, %get3A_1489] {strides = array<i32>} : memref<2x128x128xf32, #tpu.memory_space<vmem>>, vector<16xf32>,
        %get3A_1491 = arith.constant 1 : i32
        %get3A_1492 = arith.index_cast %get3A_1491 : i32 to index
        %get3A_1493 = arith.index_cast %add3A_1462 : i32 to index
        %get3A_1494 = arith.constant 32 : index
        %get3A_1495 = tpu.vector_load %arg13[%get3A_1492, %get3A_1493, %get3A_1494] {strides = array<i32>} : memref<2x128x128xf32, #tpu.memory_space<vmem>>, vector<16xf32>,
        %mul3A_1496 = arith.mulf %get3A_1490, %get3A_1495 : vector<16xf32>
        %add3A_1497 = arith.addf %add3A_1485, %mul3A_1496 : vector<16xf32>
        %get3A_1498 = arith.constant 1 : i32
        %get3A_1499 = arith.index_cast %get3A_1498 : i32 to index
        %get3A_1500 = arith.index_cast %add3A_1462 : i32 to index
        %get3A_1501 = arith.constant 48 : index
        %get3A_1502 = tpu.vector_load %arg12[%get3A_1499, %get3A_1500, %get3A_1501] {strides = array<i32>} : memref<2x128x128xf32, #tpu.memory_space<vmem>>, vector<16xf32>,
        %get3A_1503 = arith.constant 1 : i32
        %get3A_1504 = arith.index_cast %get3A_1503 : i32 to index
        %get3A_1505 = arith.index_cast %add3A_1462 : i32 to index
        %get3A_1506 = arith.constant 48 : index
        %get3A_1507 = tpu.vector_load %arg13[%get3A_1504, %get3A_1505, %get3A_1506] {strides = array<i32>} : memref<2x128x128xf32, #tpu.memory_space<vmem>>, vector<16xf32>,
        %mul3A_1508 = arith.mulf %get3A_1502, %get3A_1507 : vector<16xf32>
        %add3A_1509 = arith.addf %add3A_1497, %mul3A_1508 : vector<16xf32>
        %get3A_1510 = arith.constant 1 : i32
        %get3A_1511 = arith.index_cast %get3A_1510 : i32 to index
        %get3A_1512 = arith.index_cast %add3A_1462 : i32 to index
        %get3A_1513 = arith.constant 64 : index
        %get3A_1514 = tpu.vector_load %arg12[%get3A_1511, %get3A_1512, %get3A_1513] {strides = array<i32>} : memref<2x128x128xf32, #tpu.memory_space<vmem>>, vector<16xf32>,
        %get3A_1515 = arith.constant 1 : i32
        %get3A_1516 = arith.index_cast %get3A_1515 : i32 to index
        %get3A_1517 = arith.index_cast %add3A_1462 : i32 to index
        %get3A_1518 = arith.constant 64 : index
        %get3A_1519 = tpu.vector_load %arg13[%get3A_1516, %get3A_1517, %get3A_1518] {strides = array<i32>} : memref<2x128x128xf32, #tpu.memory_space<vmem>>, vector<16xf32>,
        %mul3A_1520 = arith.mulf %get3A_1514, %get3A_1519 : vector<16xf32>
        %add3A_1521 = arith.addf %add3A_1509, %mul3A_1520 : vector<16xf32>
        %get3A_1522 = arith.constant 1 : i32
        %get3A_1523 = arith.index_cast %get3A_1522 : i32 to index
        %get3A_1524 = arith.index_cast %add3A_1462 : i32 to index
        %get3A_1525 = arith.constant 80 : index
        %get3A_1526 = tpu.vector_load %arg12[%get3A_1523, %get3A_1524, %get3A_1525] {strides = array<i32>} : memref<2x128x128xf32, #tpu.memory_space<vmem>>, vector<16xf32>,
        %get3A_1527 = arith.constant 1 : i32
        %get3A_1528 = arith.index_cast %get3A_1527 : i32 to index
        %get3A_1529 = arith.index_cast %add3A_1462 : i32 to index
        %get3A_1530 = arith.constant 80 : index
        %get3A_1531 = tpu.vector_load %arg13[%get3A_1528, %get3A_1529, %get3A_1530] {strides = array<i32>} : memref<2x128x128xf32, #tpu.memory_space<vmem>>, vector<16xf32>,
        %mul3A_1532 = arith.mulf %get3A_1526, %get3A_1531 : vector<16xf32>
        %add3A_1533 = arith.addf %add3A_1521, %mul3A_1532 : vector<16xf32>
        %get3A_1534 = arith.constant 1 : i32
        %get3A_1535 = arith.index_cast %get3A_1534 : i32 to index
        %get3A_1536 = arith.index_cast %add3A_1462 : i32 to index
        %get3A_1537 = arith.constant 96 : index
        %get3A_1538 = tpu.vector_load %arg12[%get3A_1535, %get3A_1536, %get3A_1537] {strides = array<i32>} : memref<2x128x128xf32, #tpu.memory_space<vmem>>, vector<16xf32>,
        %get3A_1539 = arith.constant 1 : i32
        %get3A_1540 = arith.index_cast %get3A_1539 : i32 to index
        %get3A_1541 = arith.index_cast %add3A_1462 : i32 to index
        %get3A_1542 = arith.constant 96 : index
        %get3A_1543 = tpu.vector_load %arg13[%get3A_1540, %get3A_1541, %get3A_1542] {strides = array<i32>} : memref<2x128x128xf32, #tpu.memory_space<vmem>>, vector<16xf32>,
        %mul3A_1544 = arith.mulf %get3A_1538, %get3A_1543 : vector<16xf32>
        %add3A_1545 = arith.addf %add3A_1533, %mul3A_1544 : vector<16xf32>
        %get3A_1546 = arith.constant 1 : i32
        %get3A_1547 = arith.index_cast %get3A_1546 : i32 to index
        %get3A_1548 = arith.index_cast %add3A_1462 : i32 to index
        %get3A_1549 = arith.constant 112 : index
        %get3A_1550 = tpu.vector_load %arg12[%get3A_1547, %get3A_1548, %get3A_1549] {strides = array<i32>} : memref<2x128x128xf32, #tpu.memory_space<vmem>>, vector<16xf32>,
        %get3A_1551 = arith.constant 1 : i32
        %get3A_1552 = arith.index_cast %get3A_1551 : i32 to index
        %get3A_1553 = arith.index_cast %add3A_1462 : i32 to index
        %get3A_1554 = arith.constant 112 : index
        %get3A_1555 = tpu.vector_load %arg13[%get3A_1552, %get3A_1553, %get3A_1554] {strides = array<i32>} : memref<2x128x128xf32, #tpu.memory_space<vmem>>, vector<16xf32>,
        %mul3A_1556 = arith.mulf %get3A_1550, %get3A_1555 : vector<16xf32>
        %add3A_1557 = arith.addf %add3A_1545, %mul3A_1556 : vector<16xf32>
        %add3A_1558 = arith.constant 12 : i32
        %add3A_1559 = vector.broadcast %add3A_1558 : i32 to vector<16xi32>
        %add3A_1560 = arith.addi %mul3A_177, %add3A_1559 : vector<16xi32>
        tpu.vector_store_idx %arg17[%add3A_1560], %add3A_1557 : memref<256xf32, #tpu.memory_space<vmem>>[vector<16xi32>], vector<16xf32>,
        %add3A_1561 = arith.constant 13 : i32
        %add3A_1562 = arith.addi %mul3A_260, %add3A_1561 : i32
        %get3A_1563 = arith.constant 1 : i32
        %get3A_1564 = arith.index_cast %get3A_1563 : i32 to index
        %get3A_1565 = arith.index_cast %add3A_1562 : i32 to index
        %get3A_1566 = arith.constant 0 : index
        %get3A_1567 = tpu.vector_load %arg12[%get3A_1564, %get3A_1565, %get3A_1566] {strides = array<i32>} : memref<2x128x128xf32, #tpu.memory_space<vmem>>, vector<16xf32>,
        %get3A_1568 = arith.constant 1 : i32
        %get3A_1569 = arith.index_cast %get3A_1568 : i32 to index
        %get3A_1570 = arith.index_cast %add3A_1562 : i32 to index
        %get3A_1571 = arith.constant 0 : index
        %get3A_1572 = tpu.vector_load %arg13[%get3A_1569, %get3A_1570, %get3A_1571] {strides = array<i32>} : memref<2x128x128xf32, #tpu.memory_space<vmem>>, vector<16xf32>,
        %mul3A_1573 = arith.mulf %get3A_1567, %get3A_1572 : vector<16xf32>
        %get3A_1574 = arith.constant 1 : i32
        %get3A_1575 = arith.index_cast %get3A_1574 : i32 to index
        %get3A_1576 = arith.index_cast %add3A_1562 : i32 to index
        %get3A_1577 = arith.constant 16 : index
        %get3A_1578 = tpu.vector_load %arg12[%get3A_1575, %get3A_1576, %get3A_1577] {strides = array<i32>} : memref<2x128x128xf32, #tpu.memory_space<vmem>>, vector<16xf32>,
        %get3A_1579 = arith.constant 1 : i32
        %get3A_1580 = arith.index_cast %get3A_1579 : i32 to index
        %get3A_1581 = arith.index_cast %add3A_1562 : i32 to index
        %get3A_1582 = arith.constant 16 : index
        %get3A_1583 = tpu.vector_load %arg13[%get3A_1580, %get3A_1581, %get3A_1582] {strides = array<i32>} : memref<2x128x128xf32, #tpu.memory_space<vmem>>, vector<16xf32>,
        %mul3A_1584 = arith.mulf %get3A_1578, %get3A_1583 : vector<16xf32>
        %add3A_1585 = arith.addf %mul3A_1573, %mul3A_1584 : vector<16xf32>
        %get3A_1586 = arith.constant 1 : i32
        %get3A_1587 = arith.index_cast %get3A_1586 : i32 to index
        %get3A_1588 = arith.index_cast %add3A_1562 : i32 to index
        %get3A_1589 = arith.constant 32 : index
        %get3A_1590 = tpu.vector_load %arg12[%get3A_1587, %get3A_1588, %get3A_1589] {strides = array<i32>} : memref<2x128x128xf32, #tpu.memory_space<vmem>>, vector<16xf32>,
        %get3A_1591 = arith.constant 1 : i32
        %get3A_1592 = arith.index_cast %get3A_1591 : i32 to index
        %get3A_1593 = arith.index_cast %add3A_1562 : i32 to index
        %get3A_1594 = arith.constant 32 : index
        %get3A_1595 = tpu.vector_load %arg13[%get3A_1592, %get3A_1593, %get3A_1594] {strides = array<i32>} : memref<2x128x128xf32, #tpu.memory_space<vmem>>, vector<16xf32>,
        %mul3A_1596 = arith.mulf %get3A_1590, %get3A_1595 : vector<16xf32>
        %add3A_1597 = arith.addf %add3A_1585, %mul3A_1596 : vector<16xf32>
        %get3A_1598 = arith.constant 1 : i32
        %get3A_1599 = arith.index_cast %get3A_1598 : i32 to index
        %get3A_1600 = arith.index_cast %add3A_1562 : i32 to index
        %get3A_1601 = arith.constant 48 : index
        %get3A_1602 = tpu.vector_load %arg12[%get3A_1599, %get3A_1600, %get3A_1601] {strides = array<i32>} : memref<2x128x128xf32, #tpu.memory_space<vmem>>, vector<16xf32>,
        %get3A_1603 = arith.constant 1 : i32
        %get3A_1604 = arith.index_cast %get3A_1603 : i32 to index
        %get3A_1605 = arith.index_cast %add3A_1562 : i32 to index
        %get3A_1606 = arith.constant 48 : index
        %get3A_1607 = tpu.vector_load %arg13[%get3A_1604, %get3A_1605, %get3A_1606] {strides = array<i32>} : memref<2x128x128xf32, #tpu.memory_space<vmem>>, vector<16xf32>,
        %mul3A_1608 = arith.mulf %get3A_1602, %get3A_1607 : vector<16xf32>
        %add3A_1609 = arith.addf %add3A_1597, %mul3A_1608 : vector<16xf32>
        %get3A_1610 = arith.constant 1 : i32
        %get3A_1611 = arith.index_cast %get3A_1610 : i32 to index
        %get3A_1612 = arith.index_cast %add3A_1562 : i32 to index
        %get3A_1613 = arith.constant 64 : index
        %get3A_1614 = tpu.vector_load %arg12[%get3A_1611, %get3A_1612, %get3A_1613] {strides = array<i32>} : memref<2x128x128xf32, #tpu.memory_space<vmem>>, vector<16xf32>,
        %get3A_1615 = arith.constant 1 : i32
        %get3A_1616 = arith.index_cast %get3A_1615 : i32 to index
        %get3A_1617 = arith.index_cast %add3A_1562 : i32 to index
        %get3A_1618 = arith.constant 64 : index
        %get3A_1619 = tpu.vector_load %arg13[%get3A_1616, %get3A_1617, %get3A_1618] {strides = array<i32>} : memref<2x128x128xf32, #tpu.memory_space<vmem>>, vector<16xf32>,
        %mul3A_1620 = arith.mulf %get3A_1614, %get3A_1619 : vector<16xf32>
        %add3A_1621 = arith.addf %add3A_1609, %mul3A_1620 : vector<16xf32>
        %get3A_1622 = arith.constant 1 : i32
        %get3A_1623 = arith.index_cast %get3A_1622 : i32 to index
        %get3A_1624 = arith.index_cast %add3A_1562 : i32 to index
        %get3A_1625 = arith.constant 80 : index
        %get3A_1626 = tpu.vector_load %arg12[%get3A_1623, %get3A_1624, %get3A_1625] {strides = array<i32>} : memref<2x128x128xf32, #tpu.memory_space<vmem>>, vector<16xf32>,
        %get3A_1627 = arith.constant 1 : i32
        %get3A_1628 = arith.index_cast %get3A_1627 : i32 to index
        %get3A_1629 = arith.index_cast %add3A_1562 : i32 to index
        %get3A_1630 = arith.constant 80 : index
        %get3A_1631 = tpu.vector_load %arg13[%get3A_1628, %get3A_1629, %get3A_1630] {strides = array<i32>} : memref<2x128x128xf32, #tpu.memory_space<vmem>>, vector<16xf32>,
        %mul3A_1632 = arith.mulf %get3A_1626, %get3A_1631 : vector<16xf32>
        %add3A_1633 = arith.addf %add3A_1621, %mul3A_1632 : vector<16xf32>
        %get3A_1634 = arith.constant 1 : i32
        %get3A_1635 = arith.index_cast %get3A_1634 : i32 to index
        %get3A_1636 = arith.index_cast %add3A_1562 : i32 to index
        %get3A_1637 = arith.constant 96 : index
        %get3A_1638 = tpu.vector_load %arg12[%get3A_1635, %get3A_1636, %get3A_1637] {strides = array<i32>} : memref<2x128x128xf32, #tpu.memory_space<vmem>>, vector<16xf32>,
        %get3A_1639 = arith.constant 1 : i32
        %get3A_1640 = arith.index_cast %get3A_1639 : i32 to index
        %get3A_1641 = arith.index_cast %add3A_1562 : i32 to index
        %get3A_1642 = arith.constant 96 : index
        %get3A_1643 = tpu.vector_load %arg13[%get3A_1640, %get3A_1641, %get3A_1642] {strides = array<i32>} : memref<2x128x128xf32, #tpu.memory_space<vmem>>, vector<16xf32>,
        %mul3A_1644 = arith.mulf %get3A_1638, %get3A_1643 : vector<16xf32>
        %add3A_1645 = arith.addf %add3A_1633, %mul3A_1644 : vector<16xf32>
        %get3A_1646 = arith.constant 1 : i32
        %get3A_1647 = arith.index_cast %get3A_1646 : i32 to index
        %get3A_1648 = arith.index_cast %add3A_1562 : i32 to index
        %get3A_1649 = arith.constant 112 : index
        %get3A_1650 = tpu.vector_load %arg12[%get3A_1647, %get3A_1648, %get3A_1649] {strides = array<i32>} : memref<2x128x128xf32, #tpu.memory_space<vmem>>, vector<16xf32>,
        %get3A_1651 = arith.constant 1 : i32
        %get3A_1652 = arith.index_cast %get3A_1651 : i32 to index
        %get3A_1653 = arith.index_cast %add3A_1562 : i32 to index
        %get3A_1654 = arith.constant 112 : index
        %get3A_1655 = tpu.vector_load %arg13[%get3A_1652, %get3A_1653, %get3A_1654] {strides = array<i32>} : memref<2x128x128xf32, #tpu.memory_space<vmem>>, vector<16xf32>,
        %mul3A_1656 = arith.mulf %get3A_1650, %get3A_1655 : vector<16xf32>
        %add3A_1657 = arith.addf %add3A_1645, %mul3A_1656 : vector<16xf32>
        %add3A_1658 = arith.constant 13 : i32
        %add3A_1659 = vector.broadcast %add3A_1658 : i32 to vector<16xi32>
        %add3A_1660 = arith.addi %mul3A_177, %add3A_1659 : vector<16xi32>
        tpu.vector_store_idx %arg17[%add3A_1660], %add3A_1657 : memref<256xf32, #tpu.memory_space<vmem>>[vector<16xi32>], vector<16xf32>,
        %add3A_1661 = arith.constant 14 : i32
        %add3A_1662 = arith.addi %mul3A_260, %add3A_1661 : i32
        %get3A_1663 = arith.constant 1 : i32
        %get3A_1664 = arith.index_cast %get3A_1663 : i32 to index
        %get3A_1665 = arith.index_cast %add3A_1662 : i32 to index
        %get3A_1666 = arith.constant 0 : index
        %get3A_1667 = tpu.vector_load %arg12[%get3A_1664, %get3A_1665, %get3A_1666] {strides = array<i32>} : memref<2x128x128xf32, #tpu.memory_space<vmem>>, vector<16xf32>,
        %get3A_1668 = arith.constant 1 : i32
        %get3A_1669 = arith.index_cast %get3A_1668 : i32 to index
        %get3A_1670 = arith.index_cast %add3A_1662 : i32 to index
        %get3A_1671 = arith.constant 0 : index
        %get3A_1672 = tpu.vector_load %arg13[%get3A_1669, %get3A_1670, %get3A_1671] {strides = array<i32>} : memref<2x128x128xf32, #tpu.memory_space<vmem>>, vector<16xf32>,
        %mul3A_1673 = arith.mulf %get3A_1667, %get3A_1672 : vector<16xf32>
        %get3A_1674 = arith.constant 1 : i32
        %get3A_1675 = arith.index_cast %get3A_1674 : i32 to index
        %get3A_1676 = arith.index_cast %add3A_1662 : i32 to index
        %get3A_1677 = arith.constant 16 : index
        %get3A_1678 = tpu.vector_load %arg12[%get3A_1675, %get3A_1676, %get3A_1677] {strides = array<i32>} : memref<2x128x128xf32, #tpu.memory_space<vmem>>, vector<16xf32>,
        %get3A_1679 = arith.constant 1 : i32
        %get3A_1680 = arith.index_cast %get3A_1679 : i32 to index
        %get3A_1681 = arith.index_cast %add3A_1662 : i32 to index
        %get3A_1682 = arith.constant 16 : index
        %get3A_1683 = tpu.vector_load %arg13[%get3A_1680, %get3A_1681, %get3A_1682] {strides = array<i32>} : memref<2x128x128xf32, #tpu.memory_space<vmem>>, vector<16xf32>,
        %mul3A_1684 = arith.mulf %get3A_1678, %get3A_1683 : vector<16xf32>
        %add3A_1685 = arith.addf %mul3A_1673, %mul3A_1684 : vector<16xf32>
        %get3A_1686 = arith.constant 1 : i32
        %get3A_1687 = arith.index_cast %get3A_1686 : i32 to index
        %get3A_1688 = arith.index_cast %add3A_1662 : i32 to index
        %get3A_1689 = arith.constant 32 : index
        %get3A_1690 = tpu.vector_load %arg12[%get3A_1687, %get3A_1688, %get3A_1689] {strides = array<i32>} : memref<2x128x128xf32, #tpu.memory_space<vmem>>, vector<16xf32>,
        %get3A_1691 = arith.constant 1 : i32
        %get3A_1692 = arith.index_cast %get3A_1691 : i32 to index
        %get3A_1693 = arith.index_cast %add3A_1662 : i32 to index
        %get3A_1694 = arith.constant 32 : index
        %get3A_1695 = tpu.vector_load %arg13[%get3A_1692, %get3A_1693, %get3A_1694] {strides = array<i32>} : memref<2x128x128xf32, #tpu.memory_space<vmem>>, vector<16xf32>,
        %mul3A_1696 = arith.mulf %get3A_1690, %get3A_1695 : vector<16xf32>
        %add3A_1697 = arith.addf %add3A_1685, %mul3A_1696 : vector<16xf32>
        %get3A_1698 = arith.constant 1 : i32
        %get3A_1699 = arith.index_cast %get3A_1698 : i32 to index
        %get3A_1700 = arith.index_cast %add3A_1662 : i32 to index
        %get3A_1701 = arith.constant 48 : index
        %get3A_1702 = tpu.vector_load %arg12[%get3A_1699, %get3A_1700, %get3A_1701] {strides = array<i32>} : memref<2x128x128xf32, #tpu.memory_space<vmem>>, vector<16xf32>,
        %get3A_1703 = arith.constant 1 : i32
        %get3A_1704 = arith.index_cast %get3A_1703 : i32 to index
        %get3A_1705 = arith.index_cast %add3A_1662 : i32 to index
        %get3A_1706 = arith.constant 48 : index
        %get3A_1707 = tpu.vector_load %arg13[%get3A_1704, %get3A_1705, %get3A_1706] {strides = array<i32>} : memref<2x128x128xf32, #tpu.memory_space<vmem>>, vector<16xf32>,
        %mul3A_1708 = arith.mulf %get3A_1702, %get3A_1707 : vector<16xf32>
        %add3A_1709 = arith.addf %add3A_1697, %mul3A_1708 : vector<16xf32>
        %get3A_1710 = arith.constant 1 : i32
        %get3A_1711 = arith.index_cast %get3A_1710 : i32 to index
        %get3A_1712 = arith.index_cast %add3A_1662 : i32 to index
        %get3A_1713 = arith.constant 64 : index
        %get3A_1714 = tpu.vector_load %arg12[%get3A_1711, %get3A_1712, %get3A_1713] {strides = array<i32>} : memref<2x128x128xf32, #tpu.memory_space<vmem>>, vector<16xf32>,
        %get3A_1715 = arith.constant 1 : i32
        %get3A_1716 = arith.index_cast %get3A_1715 : i32 to index
        %get3A_1717 = arith.index_cast %add3A_1662 : i32 to index
        %get3A_1718 = arith.constant 64 : index
        %get3A_1719 = tpu.vector_load %arg13[%get3A_1716, %get3A_1717, %get3A_1718] {strides = array<i32>} : memref<2x128x128xf32, #tpu.memory_space<vmem>>, vector<16xf32>,
        %mul3A_1720 = arith.mulf %get3A_1714, %get3A_1719 : vector<16xf32>
        %add3A_1721 = arith.addf %add3A_1709, %mul3A_1720 : vector<16xf32>
        %get3A_1722 = arith.constant 1 : i32
        %get3A_1723 = arith.index_cast %get3A_1722 : i32 to index
        %get3A_1724 = arith.index_cast %add3A_1662 : i32 to index
        %get3A_1725 = arith.constant 80 : index
        %get3A_1726 = tpu.vector_load %arg12[%get3A_1723, %get3A_1724, %get3A_1725] {strides = array<i32>} : memref<2x128x128xf32, #tpu.memory_space<vmem>>, vector<16xf32>,
        %get3A_1727 = arith.constant 1 : i32
        %get3A_1728 = arith.index_cast %get3A_1727 : i32 to index
        %get3A_1729 = arith.index_cast %add3A_1662 : i32 to index
        %get3A_1730 = arith.constant 80 : index
        %get3A_1731 = tpu.vector_load %arg13[%get3A_1728, %get3A_1729, %get3A_1730] {strides = array<i32>} : memref<2x128x128xf32, #tpu.memory_space<vmem>>, vector<16xf32>,
        %mul3A_1732 = arith.mulf %get3A_1726, %get3A_1731 : vector<16xf32>
        %add3A_1733 = arith.addf %add3A_1721, %mul3A_1732 : vector<16xf32>
        %get3A_1734 = arith.constant 1 : i32
        %get3A_1735 = arith.index_cast %get3A_1734 : i32 to index
        %get3A_1736 = arith.index_cast %add3A_1662 : i32 to index
        %get3A_1737 = arith.constant 96 : index
        %get3A_1738 = tpu.vector_load %arg12[%get3A_1735, %get3A_1736, %get3A_1737] {strides = array<i32>} : memref<2x128x128xf32, #tpu.memory_space<vmem>>, vector<16xf32>,
        %get3A_1739 = arith.constant 1 : i32
        %get3A_1740 = arith.index_cast %get3A_1739 : i32 to index
        %get3A_1741 = arith.index_cast %add3A_1662 : i32 to index
        %get3A_1742 = arith.constant 96 : index
        %get3A_1743 = tpu.vector_load %arg13[%get3A_1740, %get3A_1741, %get3A_1742] {strides = array<i32>} : memref<2x128x128xf32, #tpu.memory_space<vmem>>, vector<16xf32>,
        %mul3A_1744 = arith.mulf %get3A_1738, %get3A_1743 : vector<16xf32>
        %add3A_1745 = arith.addf %add3A_1733, %mul3A_1744 : vector<16xf32>
        %get3A_1746 = arith.constant 1 : i32
        %get3A_1747 = arith.index_cast %get3A_1746 : i32 to index
        %get3A_1748 = arith.index_cast %add3A_1662 : i32 to index
        %get3A_1749 = arith.constant 112 : index
        %get3A_1750 = tpu.vector_load %arg12[%get3A_1747, %get3A_1748, %get3A_1749] {strides = array<i32>} : memref<2x128x128xf32, #tpu.memory_space<vmem>>, vector<16xf32>,
        %get3A_1751 = arith.constant 1 : i32
        %get3A_1752 = arith.index_cast %get3A_1751 : i32 to index
        %get3A_1753 = arith.index_cast %add3A_1662 : i32 to index
        %get3A_1754 = arith.constant 112 : index
        %get3A_1755 = tpu.vector_load %arg13[%get3A_1752, %get3A_1753, %get3A_1754] {strides = array<i32>} : memref<2x128x128xf32, #tpu.memory_space<vmem>>, vector<16xf32>,
        %mul3A_1756 = arith.mulf %get3A_1750, %get3A_1755 : vector<16xf32>
        %add3A_1757 = arith.addf %add3A_1745, %mul3A_1756 : vector<16xf32>
        %add3A_1758 = arith.constant 14 : i32
        %add3A_1759 = vector.broadcast %add3A_1758 : i32 to vector<16xi32>
        %add3A_1760 = arith.addi %mul3A_177, %add3A_1759 : vector<16xi32>
        tpu.vector_store_idx %arg17[%add3A_1760], %add3A_1757 : memref<256xf32, #tpu.memory_space<vmem>>[vector<16xi32>], vector<16xf32>,
        %add3A_1761 = arith.constant 15 : i32
        %add3A_1762 = arith.addi %mul3A_260, %add3A_1761 : i32
        %get3A_1763 = arith.constant 1 : i32
        %get3A_1764 = arith.index_cast %get3A_1763 : i32 to index
        %get3A_1765 = arith.index_cast %add3A_1762 : i32 to index
        %get3A_1766 = arith.constant 0 : index
        %get3A_1767 = tpu.vector_load %arg12[%get3A_1764, %get3A_1765, %get3A_1766] {strides = array<i32>} : memref<2x128x128xf32, #tpu.memory_space<vmem>>, vector<16xf32>,
        %get3A_1768 = arith.constant 1 : i32
        %get3A_1769 = arith.index_cast %get3A_1768 : i32 to index
        %get3A_1770 = arith.index_cast %add3A_1762 : i32 to index
        %get3A_1771 = arith.constant 0 : index
        %get3A_1772 = tpu.vector_load %arg13[%get3A_1769, %get3A_1770, %get3A_1771] {strides = array<i32>} : memref<2x128x128xf32, #tpu.memory_space<vmem>>, vector<16xf32>,
        %mul3A_1773 = arith.mulf %get3A_1767, %get3A_1772 : vector<16xf32>
        %get3A_1774 = arith.constant 1 : i32
        %get3A_1775 = arith.index_cast %get3A_1774 : i32 to index
        %get3A_1776 = arith.index_cast %add3A_1762 : i32 to index
        %get3A_1777 = arith.constant 16 : index
        %get3A_1778 = tpu.vector_load %arg12[%get3A_1775, %get3A_1776, %get3A_1777] {strides = array<i32>} : memref<2x128x128xf32, #tpu.memory_space<vmem>>, vector<16xf32>,
        %get3A_1779 = arith.constant 1 : i32
        %get3A_1780 = arith.index_cast %get3A_1779 : i32 to index
        %get3A_1781 = arith.index_cast %add3A_1762 : i32 to index
        %get3A_1782 = arith.constant 16 : index
        %get3A_1783 = tpu.vector_load %arg13[%get3A_1780, %get3A_1781, %get3A_1782] {strides = array<i32>} : memref<2x128x128xf32, #tpu.memory_space<vmem>>, vector<16xf32>,
        %mul3A_1784 = arith.mulf %get3A_1778, %get3A_1783 : vector<16xf32>
        %add3A_1785 = arith.addf %mul3A_1773, %mul3A_1784 : vector<16xf32>
        %get3A_1786 = arith.constant 1 : i32
        %get3A_1787 = arith.index_cast %get3A_1786 : i32 to index
        %get3A_1788 = arith.index_cast %add3A_1762 : i32 to index
        %get3A_1789 = arith.constant 32 : index
        %get3A_1790 = tpu.vector_load %arg12[%get3A_1787, %get3A_1788, %get3A_1789] {strides = array<i32>} : memref<2x128x128xf32, #tpu.memory_space<vmem>>, vector<16xf32>,
        %get3A_1791 = arith.constant 1 : i32
        %get3A_1792 = arith.index_cast %get3A_1791 : i32 to index
        %get3A_1793 = arith.index_cast %add3A_1762 : i32 to index
        %get3A_1794 = arith.constant 32 : index
        %get3A_1795 = tpu.vector_load %arg13[%get3A_1792, %get3A_1793, %get3A_1794] {strides = array<i32>} : memref<2x128x128xf32, #tpu.memory_space<vmem>>, vector<16xf32>,
        %mul3A_1796 = arith.mulf %get3A_1790, %get3A_1795 : vector<16xf32>
        %add3A_1797 = arith.addf %add3A_1785, %mul3A_1796 : vector<16xf32>
        %get3A_1798 = arith.constant 1 : i32
        %get3A_1799 = arith.index_cast %get3A_1798 : i32 to index
        %get3A_1800 = arith.index_cast %add3A_1762 : i32 to index
        %get3A_1801 = arith.constant 48 : index
        %get3A_1802 = tpu.vector_load %arg12[%get3A_1799, %get3A_1800, %get3A_1801] {strides = array<i32>} : memref<2x128x128xf32, #tpu.memory_space<vmem>>, vector<16xf32>,
        %get3A_1803 = arith.constant 1 : i32
        %get3A_1804 = arith.index_cast %get3A_1803 : i32 to index
        %get3A_1805 = arith.index_cast %add3A_1762 : i32 to index
        %get3A_1806 = arith.constant 48 : index
        %get3A_1807 = tpu.vector_load %arg13[%get3A_1804, %get3A_1805, %get3A_1806] {strides = array<i32>} : memref<2x128x128xf32, #tpu.memory_space<vmem>>, vector<16xf32>,
        %mul3A_1808 = arith.mulf %get3A_1802, %get3A_1807 : vector<16xf32>
        %add3A_1809 = arith.addf %add3A_1797, %mul3A_1808 : vector<16xf32>
        %get3A_1810 = arith.constant 1 : i32
        %get3A_1811 = arith.index_cast %get3A_1810 : i32 to index
        %get3A_1812 = arith.index_cast %add3A_1762 : i32 to index
        %get3A_1813 = arith.constant 64 : index
        %get3A_1814 = tpu.vector_load %arg12[%get3A_1811, %get3A_1812, %get3A_1813] {strides = array<i32>} : memref<2x128x128xf32, #tpu.memory_space<vmem>>, vector<16xf32>,
        %get3A_1815 = arith.constant 1 : i32
        %get3A_1816 = arith.index_cast %get3A_1815 : i32 to index
        %get3A_1817 = arith.index_cast %add3A_1762 : i32 to index
        %get3A_1818 = arith.constant 64 : index
        %get3A_1819 = tpu.vector_load %arg13[%get3A_1816, %get3A_1817, %get3A_1818] {strides = array<i32>} : memref<2x128x128xf32, #tpu.memory_space<vmem>>, vector<16xf32>,
        %mul3A_1820 = arith.mulf %get3A_1814, %get3A_1819 : vector<16xf32>
        %add3A_1821 = arith.addf %add3A_1809, %mul3A_1820 : vector<16xf32>
        %get3A_1822 = arith.constant 1 : i32
        %get3A_1823 = arith.index_cast %get3A_1822 : i32 to index
        %get3A_1824 = arith.index_cast %add3A_1762 : i32 to index
        %get3A_1825 = arith.constant 80 : index
        %get3A_1826 = tpu.vector_load %arg12[%get3A_1823, %get3A_1824, %get3A_1825] {strides = array<i32>} : memref<2x128x128xf32, #tpu.memory_space<vmem>>, vector<16xf32>,
        %get3A_1827 = arith.constant 1 : i32
        %get3A_1828 = arith.index_cast %get3A_1827 : i32 to index
        %get3A_1829 = arith.index_cast %add3A_1762 : i32 to index
        %get3A_1830 = arith.constant 80 : index
        %get3A_1831 = tpu.vector_load %arg13[%get3A_1828, %get3A_1829, %get3A_1830] {strides = array<i32>} : memref<2x128x128xf32, #tpu.memory_space<vmem>>, vector<16xf32>,
        %mul3A_1832 = arith.mulf %get3A_1826, %get3A_1831 : vector<16xf32>
        %add3A_1833 = arith.addf %add3A_1821, %mul3A_1832 : vector<16xf32>
        %get3A_1834 = arith.constant 1 : i32
        %get3A_1835 = arith.index_cast %get3A_1834 : i32 to index
        %get3A_1836 = arith.index_cast %add3A_1762 : i32 to index
        %get3A_1837 = arith.constant 96 : index
        %get3A_1838 = tpu.vector_load %arg12[%get3A_1835, %get3A_1836, %get3A_1837] {strides = array<i32>} : memref<2x128x128xf32, #tpu.memory_space<vmem>>, vector<16xf32>,
        %get3A_1839 = arith.constant 1 : i32
        %get3A_1840 = arith.index_cast %get3A_1839 : i32 to index
        %get3A_1841 = arith.index_cast %add3A_1762 : i32 to index
        %get3A_1842 = arith.constant 96 : index
        %get3A_1843 = tpu.vector_load %arg13[%get3A_1840, %get3A_1841, %get3A_1842] {strides = array<i32>} : memref<2x128x128xf32, #tpu.memory_space<vmem>>, vector<16xf32>,
        %mul3A_1844 = arith.mulf %get3A_1838, %get3A_1843 : vector<16xf32>
        %add3A_1845 = arith.addf %add3A_1833, %mul3A_1844 : vector<16xf32>
        %get3A_1846 = arith.constant 1 : i32
        %get3A_1847 = arith.index_cast %get3A_1846 : i32 to index
        %get3A_1848 = arith.index_cast %add3A_1762 : i32 to index
        %get3A_1849 = arith.constant 112 : index
        %get3A_1850 = tpu.vector_load %arg12[%get3A_1847, %get3A_1848, %get3A_1849] {strides = array<i32>} : memref<2x128x128xf32, #tpu.memory_space<vmem>>, vector<16xf32>,
        %get3A_1851 = arith.constant 1 : i32
        %get3A_1852 = arith.index_cast %get3A_1851 : i32 to index
        %get3A_1853 = arith.index_cast %add3A_1762 : i32 to index
        %get3A_1854 = arith.constant 112 : index
        %get3A_1855 = tpu.vector_load %arg13[%get3A_1852, %get3A_1853, %get3A_1854] {strides = array<i32>} : memref<2x128x128xf32, #tpu.memory_space<vmem>>, vector<16xf32>,
        %mul3A_1856 = arith.mulf %get3A_1850, %get3A_1855 : vector<16xf32>
        %add3A_1857 = arith.addf %add3A_1845, %mul3A_1856 : vector<16xf32>
        %add3A_1858 = arith.constant 15 : i32
        %add3A_1859 = vector.broadcast %add3A_1858 : i32 to vector<16xi32>
        %add3A_1860 = arith.addi %mul3A_177, %add3A_1859 : vector<16xi32>
        tpu.vector_store_idx %arg17[%add3A_1860], %add3A_1857 : memref<256xf32, #tpu.memory_space<vmem>>[vector<16xi32>], vector<16xf32>,
        %get3A_1861 = arith.constant 0 : index
        %get3A_1862 = tpu.vector_load %arg17[%get3A_1861] {strides = array<i32>} : memref<256xf32, #tpu.memory_space<vmem>>, vector<16xf32>,
        %get3A_1863 = arith.constant 16 : index
        %get3A_1864 = tpu.vector_load %arg17[%get3A_1863] {strides = array<i32>} : memref<256xf32, #tpu.memory_space<vmem>>, vector<16xf32>,
        %add3A_1865 = arith.addf %get3A_1862, %get3A_1864 : vector<16xf32>
        %get3A_1866 = arith.constant 32 : index
        %get3A_1867 = tpu.vector_load %arg17[%get3A_1866] {strides = array<i32>} : memref<256xf32, #tpu.memory_space<vmem>>, vector<16xf32>,
        %add3A_1868 = arith.addf %add3A_1865, %get3A_1867 : vector<16xf32>
        %get3A_1869 = arith.constant 48 : index
        %get3A_1870 = tpu.vector_load %arg17[%get3A_1869] {strides = array<i32>} : memref<256xf32, #tpu.memory_space<vmem>>, vector<16xf32>,
        %add3A_1871 = arith.addf %add3A_1868, %get3A_1870 : vector<16xf32>
        %get3A_1872 = arith.constant 64 : index
        %get3A_1873 = tpu.vector_load %arg17[%get3A_1872] {strides = array<i32>} : memref<256xf32, #tpu.memory_space<vmem>>, vector<16xf32>,
        %add3A_1874 = arith.addf %add3A_1871, %get3A_1873 : vector<16xf32>
        %get3A_1875 = arith.constant 80 : index
        %get3A_1876 = tpu.vector_load %arg17[%get3A_1875] {strides = array<i32>} : memref<256xf32, #tpu.memory_space<vmem>>, vector<16xf32>,
        %add3A_1877 = arith.addf %add3A_1874, %get3A_1876 : vector<16xf32>
        %get3A_1878 = arith.constant 96 : index
        %get3A_1879 = tpu.vector_load %arg17[%get3A_1878] {strides = array<i32>} : memref<256xf32, #tpu.memory_space<vmem>>, vector<16xf32>,
        %add3A_1880 = arith.addf %add3A_1877, %get3A_1879 : vector<16xf32>
        %get3A_1881 = arith.constant 112 : index
        %get3A_1882 = tpu.vector_load %arg17[%get3A_1881] {strides = array<i32>} : memref<256xf32, #tpu.memory_space<vmem>>, vector<16xf32>,
        %add3A_1883 = arith.addf %add3A_1880, %get3A_1882 : vector<16xf32>
        %get3A_1884 = arith.constant 128 : index
        %get3A_1885 = tpu.vector_load %arg17[%get3A_1884] {strides = array<i32>} : memref<256xf32, #tpu.memory_space<vmem>>, vector<16xf32>,
        %add3A_1886 = arith.addf %add3A_1883, %get3A_1885 : vector<16xf32>
        %get3A_1887 = arith.constant 144 : index
        %get3A_1888 = tpu.vector_load %arg17[%get3A_1887] {strides = array<i32>} : memref<256xf32, #tpu.memory_space<vmem>>, vector<16xf32>,
        %add3A_1889 = arith.addf %add3A_1886, %get3A_1888 : vector<16xf32>
        %get3A_1890 = arith.constant 160 : index
        %get3A_1891 = tpu.vector_load %arg17[%get3A_1890] {strides = array<i32>} : memref<256xf32, #tpu.memory_space<vmem>>, vector<16xf32>,
        %add3A_1892 = arith.addf %add3A_1889, %get3A_1891 : vector<16xf32>
        %get3A_1893 = arith.constant 176 : index
        %get3A_1894 = tpu.vector_load %arg17[%get3A_1893] {strides = array<i32>} : memref<256xf32, #tpu.memory_space<vmem>>, vector<16xf32>,
        %add3A_1895 = arith.addf %add3A_1892, %get3A_1894 : vector<16xf32>
        %get3A_1896 = arith.constant 192 : index
        %get3A_1897 = tpu.vector_load %arg17[%get3A_1896] {strides = array<i32>} : memref<256xf32, #tpu.memory_space<vmem>>, vector<16xf32>,
        %add3A_1898 = arith.addf %add3A_1895, %get3A_1897 : vector<16xf32>
        %get3A_1899 = arith.constant 208 : index
        %get3A_1900 = tpu.vector_load %arg17[%get3A_1899] {strides = array<i32>} : memref<256xf32, #tpu.memory_space<vmem>>, vector<16xf32>,
        %add3A_1901 = arith.addf %add3A_1898, %get3A_1900 : vector<16xf32>
        %get3A_1902 = arith.constant 224 : index
        %get3A_1903 = tpu.vector_load %arg17[%get3A_1902] {strides = array<i32>} : memref<256xf32, #tpu.memory_space<vmem>>, vector<16xf32>,
        %add3A_1904 = arith.addf %add3A_1901, %get3A_1903 : vector<16xf32>
        %get3A_1905 = arith.constant 240 : index
        %get3A_1906 = tpu.vector_load %arg17[%get3A_1905] {strides = array<i32>} : memref<256xf32, #tpu.memory_space<vmem>>, vector<16xf32>,
        %add3A_1907 = arith.addf %add3A_1904, %get3A_1906 : vector<16xf32>
        %get3A_1908 = arith.index_cast %add3A_223 : i32 to index
        %get3A_1909 = arith.index_cast %mul3A_260 : i32 to index
        %get3A_1910 = tpu.vector_load %arg14[%get3A_1908, %get3A_1909] {strides = array<i32>} : memref<4x128xf32, #tpu.memory_space<vmem>>, vector<16xf32>,
        %get3A_1911 = arith.index_cast %add3A_223 : i32 to index
        %get3A_1912 = arith.index_cast %mul3A_260 : i32 to index
        %get3A_1913 = tpu.vector_load %arg15[%get3A_1911, %get3A_1912] {strides = array<i32>} : memref<4x128xf32, #tpu.memory_space<vmem>>, vector<16xf32>,
        %add3A_1914 = arith.addf %add3A_1907, %get3A_1910 : vector<16xf32>
        %add3A_1915 = arith.addf %add3A_1914, %get3A_1913 : vector<16xf32>
        %add3A_1916 = arith.addf %add3A_1915, %get3A_178 : vector<16xf32>
        %mul3A_1917 = arith.constant 128 : i32
        %mul3A_1918 = arith.muli %add3A_223, %mul3A_1917 : i32
        %add3A_1919 = arith.addi %mul3A_1918, %mul3A_260 : i32
        %swap3A_1920 = arith.index_cast %add3A_1919 : i32 to index
        %swap3A_1921 = tpu.vector_load %arg16[%swap3A_1920] {strides = array<i32>} : memref<512xf32, #tpu.memory_space<vmem>>, vector<16xf32>,
        tpu.vector_store %arg16[%swap3A_1920], %add3A_1916 {strides = array<i32>} : memref<512xf32, #tpu.memory_space<vmem>>, vector<16xf32>,
        %scan3A_1922 = arith.constant 0 : i32
        scf.yield %scan3A_1922 : i32
      }
      %scan3A_250 = arith.constant 8 : i32
      %eq3A_251 = arith.constant 0 : i32
      %eq3A_252 = arith.cmpi eq, %scan3A_185, %eq3A_251 : i32
      %convert_element_type3A_253 = arith.extui %eq3A_252 : i1 to i32
      %cond3A_254 = arith.constant 0 : i32
      %cond3A_255 = arith.cmpi ne, %convert_element_type3A_253, %cond3A_254 : i32
      scf.if %cond3A_255 {
        %dma_start3A_257 = arith.constant 1 : i32
        %dma_start3A_258 = arith.constant 0 : i32
        %dma_start3A_259 = arith.constant 0 : i32
        %dma_start3A_260 = tpu.memref_slice %arg12[%dma_start3A_257, %dma_start3A_258, %dma_start3A_259] : memref<2x128x128xf32, #tpu.memory_space<vmem>> -> memref<1x128x128xf32, #tpu.memory_space<vmem>>
        %dma_start3A_261 = tpu.memref_squeeze %dma_start3A_260 : memref<1x128x128xf32, #tpu.memory_space<vmem>> -> memref<128x128xf32, #tpu.memory_space<vmem>>
        %dma_start3A_262 = arith.constant 384 : i32
        %dma_start3A_263 = tpu.memref_slice %arg10[%dma_start3A_262] : memref<512xi32, #tpu.memory_space<vmem>> -> memref<128xi32, #tpu.memory_space<vmem>>
        %dma_start3A_264 = arith.constant 0 : i32
        %dma_start3A_265 = arith.constant 0 : i32
        %dma_start3A_266 = tpu.memref_slice %arg4[%dma_start3A_264, %dma_start3A_265] : memref<100000x128xf32, #tpu.memory_space<hbm>> -> memref<100000x128xf32, #tpu.memory_space<hbm>>
        tpu.enqueue_indirect_dma source(%dma_start3A_266 : memref<100000x128xf32, #tpu.memory_space<hbm>>) target(%dma_start3A_261 : memref<128x128xf32, #tpu.memory_space<vmem>>) offsets(%dma_start3A_263 : memref<128xi32, #tpu.memory_space<vmem>>) semaphore(%arg21 : memref<!tpu.dma_semaphore, #tpu.memory_space<semaphore_mem>>)
        %dma_start3A_267 = arith.constant 1 : i32
        %dma_start3A_268 = arith.constant 0 : i32
        %dma_start3A_269 = arith.constant 0 : i32
        %dma_start3A_270 = tpu.memref_slice %arg13[%dma_start3A_267, %dma_start3A_268, %dma_start3A_269] : memref<2x128x128xf32, #tpu.memory_space<vmem>> -> memref<1x128x128xf32, #tpu.memory_space<vmem>>
        %dma_start3A_271 = tpu.memref_squeeze %dma_start3A_270 : memref<1x128x128xf32, #tpu.memory_space<vmem>> -> memref<128x128xf32, #tpu.memory_space<vmem>>
        %dma_start3A_272 = arith.constant 384 : i32
        %dma_start3A_273 = tpu.memref_slice %arg11[%dma_start3A_272] : memref<512xi32, #tpu.memory_space<vmem>> -> memref<128xi32, #tpu.memory_space<vmem>>
        %dma_start3A_274 = arith.constant 0 : i32
        %dma_start3A_275 = arith.constant 0 : i32
        %dma_start3A_276 = tpu.memref_slice %arg5[%dma_start3A_274, %dma_start3A_275] : memref<100000x128xf32, #tpu.memory_space<hbm>> -> memref<100000x128xf32, #tpu.memory_space<hbm>>
        tpu.enqueue_indirect_dma source(%dma_start3A_276 : memref<100000x128xf32, #tpu.memory_space<hbm>>) target(%dma_start3A_271 : memref<128x128xf32, #tpu.memory_space<vmem>>) offsets(%dma_start3A_273 : memref<128xi32, #tpu.memory_space<vmem>>) semaphore(%arg21 : memref<!tpu.dma_semaphore, #tpu.memory_space<semaphore_mem>>)
      } else {
      }
      %scan3A_256 = arith.constant 0 : i32
      scf.yield %scan3A_256 : i32
    }
    %scan3A_184 = arith.constant 2 : i32
    "tpu.region"() ({
      %run_scoped3A = tpu.sem_alloc : memref<!tpu.dma_semaphore, #tpu.memory_space<semaphore_mem>>
      %dma_start3A_185 = tpu.memref_slice %arg9[%mul3A_2] : memref<16384xf32, #tpu.memory_space<hbm>> -> memref<512xf32, #tpu.memory_space<hbm>>
      %dma_start3A_186 = tpu.memref_slice %arg9[%mul3A_2] : memref<16384xf32, #tpu.memory_space<hbm>> -> memref<512xf32, #tpu.memory_space<hbm>>
      tpu.enqueue_dma source(%arg16 : memref<512xf32, #tpu.memory_space<vmem>>) target(%dma_start3A_186 : memref<512xf32, #tpu.memory_space<hbm>>) target_semaphore(%run_scoped3A : memref<!tpu.dma_semaphore, #tpu.memory_space<semaphore_mem>>)
      %dma_wait3A_187 = tpu.memref_slice %arg9[%mul3A_2] : memref<16384xf32, #tpu.memory_space<hbm>> -> memref<512xf32, #tpu.memory_space<hbm>>
      %dma_wait3A_188 = tpu.memref_slice %arg9[%mul3A_2] : memref<16384xf32, #tpu.memory_space<hbm>> -> memref<512xf32, #tpu.memory_space<hbm>>
      tpu.wait_dma2 semaphore(%run_scoped3A : memref<!tpu.dma_semaphore, #tpu.memory_space<semaphore_mem>>) src(%arg16 : memref<512xf32, #tpu.memory_space<vmem>>) dst(%dma_wait3A_188 : memref<512xf32, #tpu.memory_space<hbm>>)
      tpu.yield
    }) : () -> ()
    return
  }
}

</mosaic_0001>

<sc_bundles>
// kernel: kernel.3.cloned.1.call-start
scs
__scs_entry_jumppad:
0x0: {  	(pc) =	sbr.rel $0x88, $3  }
0x1: {  	(tag) =	ssettag $0x0;
	lr =	simm.s32 $0x1  }
0x2: {  	[smem:$0x3F9A] =	sst lr;
	_ =	strace $0xD0000000  }
0x3: {  	_ = 	snop  }
0x4: {  	_ = 	snop  }
0x5: {  	_ = 	snop  }
0x6: {  	_ = 	snop  }
0x7: {  	_ = 	snop  }
__scs_overlays_trampoline_lowered:
0x8: {  	[smem:$0x3FA9] =	sst s0  }
0x9: {  	[smem:$0x3FAA] =	sst s1  }
0xa: {  	[smem:$0x3FAB] =	sst s2  }
0xb: {  	[smem:$0x3FAC] =	sst s3  }
0xc: {  	[smem:$0x3FAD] =	sst s4  }
0xd: {  	[smem:$0x3FAE] =	sst s5  }
0xe: {  	[smem:$0x3FAF] =	sst s6  }
0xf: {  	[smem:$0x3FB0] =	sst s7  }
0x10: {  	[smem:$0x3FB1] =	sst s8  }
0x11: {  	[smem:$0x3FB2] =	sst s9;
	s0 =	simm.s32 @!p0 $0x0  }
0x12: {  	s1 =	sld [smem:$0x3F98];
	s0 =	simm.s32 @p0 $0x1  }
0x13: {  	[smem:$0x3FB3] =	sst s0;
	s0 =	simm.s32 @!p1 $0x0  }
0x14: {  	s2 =	sld [smem:$0x3F97];
	s0 =	simm.s32 @p1 $0x1  }
0x15: {  	[smem:$0x3FB4] =	sst s0;
	s0 =	simm.s32 @!p2 $0x0  }
0x16: {  	s3 =	sld [smem:$0x3FDB];
	s0 =	simm.s32 @p2 $0x1  }
0x17: {  	s4 =	simm.s32 $0x1BF5;
	[smem:$0x3FB6] =	sst s0  }
0x18: {  	s0 =	sld [smem:$0x3F99];
	_ =	swait.ge [sflag:s4], $0x0  }
0x19: {  	s7 =	sld [smem:$0x3F9A]  }
0x1a: {  	s8 =	sadd.s32 $0xFFFFE003, lr  }
0x1b: {  	s9 =	sadd.s32 $0xFFFFFEF7, lr;
	s5 =	simm.s32 $0xFFFFFFFF;
	p2 =	slt.u32 s8, $0xFFFFF086  }
0x1c: {  	p1 =	slt.u32 s9, $0xF7A;
	s5 =	simm.s32 @!p2 $0x0  }
0x1d: {  	s5 =	simm.s32 @p1 $0x1;
	p0 =	seq.s32 s7, s2  }
0x1e: {  	s7 =	smul.u32 @!p0 $0xF7A, s2;
	p2 =	seq.s32 @!p0 s5, $0x0  }
0x1f: {  	s9 =	smul.u32 $0xF7A, s1;
	s8 =	simm.s32 @!p0 $0x1BF5;
	p2 =	por !p2, p0  }
0x20: {  	[sflag:s8] =	ssyncset.s32 @!p0 $0xFFFFF086;
	s6 =	sadd.s32 @!p0 s3, s7;
	s7 =	simm.s32 @!p0 $0x108  }
0x21: {  	s3 =	sadd.s32 s3, s9;
	s6 =	sadd.s32 @!p0 $0x88, s6;
	s7 =	simm.s32 @p2 $0x1082  }
0x22: {  	[simem:s7], [sflag:s8] =	dma.local @!p0 [hbm:s6], $0xF7A  }
0x23: {  	s9 =	sor.u32 $0xD0000000, s2;
	s6 =	simm.s32 $0x108;
	_ =	swait.ge @!p0 [sflag:s8], $0x0  }
0x24: {  	s3 =	sadd.s32 $0x88, s3;
	s6 =	simm.s32 @!p1 $0x1082;
	[sflag:s4] =	ssyncset.s32 $0xFFFFF086  }
0x25: {  	[simem:s6], [sflag:s4] =	dma.local [hbm:s3], $0xF7A  }
0x26: {  	[smem:$0x3F9A] =	sst s1;
	(tag) =	ssettag s2;
	_ =	strace s9  }
0x27: {  	s1 =	sld [smem:$0x3FAA]  }
0x28: {  	s2 =	sld [smem:$0x3FAB]  }
0x29: {  	s4 =	sld [smem:$0x3FAD]  }
0x2a: {  	p0 =	seq.s32 s5, $0x0;
	s5 =	sld [smem:$0x3FAE]  }
0x2b: {  	s6 =	sld [smem:$0x3FAF]  }
0x2c: {  	s7 =	sld [smem:$0x3FB0]  }
0x2d: {  	s3 =	simm.s32 $0x108;
	s8 =	sld [smem:$0x3FB1]  }
0x2e: {  	s3 =	simm.s32 @!p0 $0x1082;
	s9 =	sld [smem:$0x3FB2]  }
0x2f: {  	lr =	sadd.s32 s0, s3;
	s0 =	sld [smem:$0x3FA9]  }
0x30: {  	s3 =	sld [smem:$0x3FAC]  }
0x31: {  	[smem:$0x3FB5] =	sst s10  }
0x32: {  	s10 =	sld [smem:$0x3FB3];
	_ =	sdelay $0x3  }
0x33: {  	p0 =	seq.s32 s10, $0x1;
	s10 =	sld [smem:$0x3FB5];
	_ =	sdelay $0x3  }
0x34: {  	[smem:$0x3FB5] =	sst s10  }
0x35: {  	s10 =	sld [smem:$0x3FB4];
	_ =	sdelay $0x3  }
0x36: {  	p1 =	seq.s32 s10, $0x1;
	s10 =	sld [smem:$0x3FB5];
	_ =	sdelay $0x3  }
0x37: {  	[smem:$0x3FB5] =	sst s10  }
0x38: {  	s10 =	sld [smem:$0x3FB6]  }
0x39: {  	_ = 	snop;
	(pc) =	sbr.ind lr, $3  }
0x3a: {  	_ = 	snop  }
0x3b: {  	_ = 	snop  }
0x3c: {  	p2 =	seq.s32 s10, $0x1;
	s10 =	sld [smem:$0x3FB5]  }
0x3d: {  	_ =	shalt  }
0x3e: {  	_ =	shalt  }
0x3f: {  	_ =	shalt  }
0x40: {  	_ =	shalt  }
0x41: {  	_ =	shalt  }
0x42: {  	_ =	shalt  }
0x43: {  	_ =	shalt  }
0x44: {  	_ =	shalt  }
0x45: {  	_ =	shalt  }
0x46: {  	_ =	shalt  }
0x47: {  	_ =	shalt  }
0x48: {  	_ =	shalt  }
0x49: {  	_ =	shalt  }
0x4a: {  	_ =	shalt  }
0x4b: {  	_ =	shalt  }
0x4c: {  	_ =	shalt  }
0x4d: {  	_ =	shalt  }
0x4e: {  	_ =	shalt  }
0x4f: {  	_ =	shalt  }
0x50: {  	_ =	shalt  }
0x51: {  	_ =	shalt  }
0x52: {  	_ =	shalt  }
0x53: {  	_ =	shalt  }
0x54: {  	_ =	shalt  }
0x55: {  	_ =	shalt  }
0x56: {  	_ =	shalt  }
0x57: {  	_ =	shalt  }
0x58: {  	_ =	shalt  }
0x59: {  	_ =	shalt  }
0x5a: {  	_ =	shalt  }
0x5b: {  	_ =	shalt  }
0x5c: {  	_ =	shalt  }
0x5d: {  	_ =	shalt  }
0x5e: {  	_ =	shalt  }
0x5f: {  	_ =	shalt  }
0x60: {  	_ =	shalt  }
0x61: {  	_ =	shalt  }
0x62: {  	_ =	shalt  }
0x63: {  	_ =	shalt  }
0x64: {  	_ =	shalt  }
0x65: {  	_ =	shalt  }
0x66: {  	_ =	shalt  }
0x67: {  	_ =	shalt  }
0x68: {  	_ =	shalt  }
0x69: {  	_ =	shalt  }
0x6a: {  	_ =	shalt  }
0x6b: {  	_ =	shalt  }
0x6c: {  	_ =	shalt  }
0x6d: {  	_ =	shalt  }
0x6e: {  	_ =	shalt  }
0x6f: {  	_ =	shalt  }
0x70: {  	_ =	shalt  }
0x71: {  	_ =	shalt  }
0x72: {  	_ =	shalt  }
0x73: {  	_ =	shalt  }
0x74: {  	_ =	shalt  }
0x75: {  	_ =	shalt  }
0x76: {  	_ =	shalt  }
0x77: {  	_ =	shalt  }
0x78: {  	_ =	shalt  }
0x79: {  	_ =	shalt  }
0x7a: {  	_ =	shalt  }
0x7b: {  	_ =	shalt  }
0x7c: {  	_ =	shalt  }
0x7d: {  	_ =	shalt  }
0x7e: {  	_ =	shalt  }
0x7f: {  	_ =	shalt  }
0x80: {  	_ =	shalt  }
0x81: {  	_ =	shalt  }
0x82: {  	_ =	shalt  }
0x83: {  	_ =	shalt  }
0x84: {  	_ =	shalt  }
0x85: {  	_ =	shalt  }
0x86: {  	_ =	shalt  }
0x87: {  	_ =	shalt  }
.Lfunc_end0:
.L_simem_size_0:
called_computation_lowered:
.L_overlay_start_0:
0x88: {  	s2 =	sld [smem:$0x3FD9]  }
0x89: {  	s3 =	sld [smem:$0x3FFE];
	_ =	sdelay $0x1  }
0x8a: {  	s1 =	srdreg.scid  }
0x8b: {  	s0 =	sand.u32 $0x1, s1  }
0x8c: {  	s17 =	sshll.u32 s0, $0xA;
	s2 =	sadd.s32 s3, s2  }
0x8d: {  	s2 =	sadd.s32 s2, s17  }
0x8e: {  	[smem:$0x3FC1] =	sst s2  }
0x8f: {  	_ = 	snop  }
0x90: {  	s2 =	sld [smem:$0x3FC9]  }
0x91: {  	s18 =	sld [smem:$0x3FC8]  }
0x92: {  	s4 =	sld [smem:$0x3FC7]  }
0x93: {  	s5 =	sld [smem:$0x3FC6]  }
0x94: {  	s6 =	sld [smem:$0x3FC3]  }
0x95: {  	s7 =	sld [smem:$0x3FD0];
	(tm) =	ssettm $0x1  }
0x96: {  	s8 =	sld [smem:$0x3FFB];
	_ =	sdelay $0x3  }
0x97: {  	_ =	strace s8  }
0x98: {  	s8 =	sld [smem:$0x3FFC];
	_ =	sdelay $0x3  }
0x99: {  	_ =	strace s8  }
0x9a: {  	s8 =	sld [smem:$0x3FFD];
	_ =	sdelay $0x3  }
0x9b: {  	_ =	strace s8  }
0x9c: {  	_ =	strace $0x8FFFFFFF  }
0x9d: {  	s19 =	sld [smem:$0x3FDB];
	_ =	sdelay $0x1  }
0x9e: {  	s9 =	simm.s32 $_scs_section_size  }
0x9f: {  	s10 =	simm.s32 $_size__tile_overlayer_lowered;
	s11 =	simm.s32 $_tile_overlayer_lowered  }
0xa0: {  	s22 =	simm.s32 $0x1BFF;
	s21 =	sshll.u32 s11, $0x1;
	s8 =	sadd.s32 s9, s19  }
0xa1: {  	s12 =	simm.s32 $0x0;
	s20 =	sshll.u32 s10, $0x1;
	s10 =	sadd.s32 s21, s8  }
0xa2: {  	[timem:s12], [sflag:s22] =	dma.local [hbm:s10], s20  }
0xa3: {  	_ =	swait.ge [sflag:s22], s20  }
0xa4: {  	s9 =	ssub.s32 $0x0, s20;
	[sflag:s22] =	ssyncset.done $0x0  }
0xa5: {  	[sflag:s22] =	ssyncadd.s32 s9;
	_ =	sdelay $0x1  }
0xa6: {  	s23 =	simm.s32 $0x1B8B  }
0xa7: {  	_ =	swait.ge [sflag:s23], $0x1  }
0xa8: {  	[sflag:s23] =	ssyncset.done $0x0  }
0xa9: {  	s25 =	simm.s32 $0x1B8E;
	s24 =	sld [smem:$0x3FFE];
	[sflag:s23] =	ssyncadd.s32 $0xFFFFFFFF  }
0xaa: {  	s26 =	simm.s32 $execute0_lowered;
	[smem:$0x3FD2] =	sst s25  }
0xab: {  	s10 =	sshll.u32 s26, $0x1;
	_ =	strace $0x80000046;
	[dreg:$0x1] =	wrdreg $0xFFFFFFFF  }
0xac: {  	s28 =	simm.s32 $_size_execute0_lowered;
	s8 =	sadd.s32 s8, s10;
	[dreg:$0x0] =	wrdreg $0x0  }
0xad: {  	s10 =	sshll.u32 s28, $0x1;
	[dreg:$0x2] =	wrdreg s8  }
0xae: {  	[dreg:$0x3] =	wrdreg s10  }
0xaf: {  	[dreg:$0x4] =	wrdreg $0xC0  }
0xb0: {  	_ =	task [dreg:s12], $0x5FFFF  }
0xb1: {  	[dreg:$0x1] =	wrdreg $0xFFFFFFFF  }
0xb2: {  	[dreg:$0x0] =	wrdreg $0x60  }
0xb3: {  	[dreg:$0x2] =	wrdreg s2  }
0xb4: {  	[dreg:$0x3] =	wrdreg s18  }
0xb5: {  	[dreg:$0x4] =	wrdreg s4  }
0xb6: {  	[dreg:$0x5] =	wrdreg s5  }
0xb7: {  	[dreg:$0x6] =	wrdreg s24  }
0xb8: {  	[dreg:$0x7] =	wrdreg s6  }
0xb9: {  	[dreg:$0x8] =	wrdreg s7  }
0xba: {  	[dreg:$0x9] =	wrdreg $0x9  }
0xbb: {  	_ =	task.clear_ibuf [dreg:s12], $0xAFFFF;
	_ =	strace $0x90000046  }
0xbc: {  	s29 =	simm.s32 $0x9;
	_ =	strace $0x80000048  }
0xbd: {  	_ =	swait.ge [sflag:s29], $0x1  }
0xbe: {  	[sflag:s29] =	ssyncadd.s32 $0xFFFFFFFF  }
0xbf: {  	_ =	strace $0x90000048  }
0xc0: {  	_ =	sfence  }
0xc1: {  	s30 =	sld [smem:$0x0];
	_ =	sdelay $0x2  }
0xc2: {  	s31 =	sshll.u32 s1, $0xD;
	s1 =	sshrl.u32 s1, $0x2  }
0xc3: {  	s3 =	sand.u32 $0x4000, s31;
	s1 =	sadd.s32 s1, s30  }
0xc4: {  	s0 =	sor.u32 s3, s0;
	s1 =	sshll.u32 s1, $0x11  }
0xc5: {  	s0 =	sor.u32 s1, s0  }
0xc6: {  	s0 =	sadd.s32 $0x8F2B, s0  }
0xc7: {  	[sflag:s0] =	ssyncadd.remote.s32 $0x1  }
0xc8: {  	_ =	sfence.sel $0xFFFF  }
0xc9: {  	[dreg:$0x0] =	wrdreg $0xFFFFFFFF;
	(pc) =	sbr.abs _section_cstart, $3  }
0xca: {  	[dreg:$0x1] =	wrdreg $0xFFFFFFFF  }
0xcb: {  	_ =	task.clear_ibuf [dreg:s12], $0x2FFFF;
	_ =	strace $0x9FFFFFFF  }
0xcc: {  	(tm) =	ssettm $0x7FFFFFFF  }
0xcd: {  	_ =	shalt  }
tec
execute0_lowered:
.L_overlay_start_1:
0x0: {  	(tag) =	ssettag $0x1  }
0x1: {  	s0 =	rddreg [dreg:$0x0]  }
0x2: {  	s4 =	rddreg [dreg:$0x1]  }
0x3: {  	s1 =	rddreg [dreg:$0x2]  }
0x4: {  	s2 =	rddreg [dreg:$0x3]  }
0x5: {  	s3 =	rddreg [dreg:$0x4]  }
0x6: {  	s6 =	rddreg [dreg:$0x6]  }
0x7: {  	s5 =	simm.s32 $0x0;
	s7 =	srdreg.scid;
	s10 =	stileid.u32  }
0x8: {  	s13 =	simm.s32 $0x200;
	s14 =	simm.s32 $0x80;
	s17 =	simm.s32 $0x4400  }
0x9: {  	s18 =	simm.s32 $0x280;
	s19 =	simm.s32 $0xC400;
	s30 =	simm.s32 $0x300  }
0xa: {  	s31 =	simm.s32 $0x10700;
	s15 =	simm.s32 $0x10780;
	s16 =	simm.s32 $0x3  }
0xb: {  	v0 =	vlaneseq.u32;
	s20 =	simm.s32 $0x1;
	s21 =	simm.s32 $0x10A00;
	s22 =	simm.s32 $0x2  }
0xc: {  	s23 =	simm.s32 $0x10800;
	s24 =	simm.s32 $0x0;
	[smem:$0x7FF] =	sst s5;
	v0 =	vmul.u32 $0x10, v0  }
0xd: {  	v1 =	vimm.s32 $0x0;
	s7 =	sand.u32 $0x1, s7;
	s10 =	sshll.u32 s10, $0x7;
	_ =	strace $0x80000047  }
.Ltmp0:
0xe: {  	s8 =	ssub.s32 $0x2, s7;
	s11 =	sshll.u32 s7, $0x6;
	v2 =	vor.u32 $0x1, v0;
	v3 =	vor.u32 $0x2, v0;
	v4 =	vor.u32 $0x3, v0;
	(pc) =	sbr.rel .LBB2_1-.Ltmp0, $4  }
0xf: {  	s7 =	sadd.s32 $0x3200, s3;
	s9 =	sshrl.u32 s8, $0x1;
	s10 =	sor.u32 s11, s10;
	v5 =	vor.u32 $0x4, v0;
	v6 =	vor.u32 $0x5, v0;
	v7 =	vor.u32 $0x6, v0  }
0x10: {  	v8 =	vor.u32 $0x7, v0;
	v9 =	vor.u32 $0x8, v0;
	v10 =	vor.u32 $0x9, v0;
	s12 =	ssub.s32 s8, s9;
	s8 =	sadd.s32 s0, s10;
	s9 =	sadd.s32 s4, s10  }
0x11: {  	v11 =	vor.u32 $0xA, v0;
	v12 =	vor.u32 $0xB, v0;
	v13 =	vor.u32 $0xC, v0;
	s10 =	sadd.s32 s6, s10;
	s0 =	simm.s32 $0x180;
	s6 =	simm.s32 $0x10580  }
0x12: {  	v14 =	vor.u32 $0xD, v0;
	v15 =	vor.u32 $0xE, v0;
	v16 =	vor.u32 $0xF, v0;
	s4 =	simm.s32 $0x380;
	s11 =	smax.u32 s12, $0x1;
	s12 =	simm.s32 $0x4  }
.LBB2_8:
0x13: {  	s24 =	sadd.s32 $0x1, s24  }
0x14: {  	p0 =	sne.s32 s24, s11  }
.Ltmp1:
0x15: {  	_ = 	snop;
	(pc) =	sbr.rel @!p0 .LBB2_9-.Ltmp1, $4  }
0x16: {  	[hbm4b:s10+s5] =	stream.linear.scatter [tilespmem:s23], [sflag:$0x4], $0x200, $0x38;
	[tilespmem:$0x10C00] =	vst v63  }
0x17: {  	_ =	swait.ge [sflag:s12], $0x200  }
0x18: {  	[sflag:s12] =	ssyncset.done $0x0  }
0x19: {  	[sflag:s12] =	ssyncadd.s32 $0xFFFFFE00  }
.LBB2_1:
0x1a: {  	[tilespmem:s5], [sflag:$0x4] =	stream.linear.gather [hbm4b:s8+s5], $0x200, $0x38;
	[tilespmem:$0x10C00] =	vst v63  }
0x1b: {  	_ =	swait.ge [sflag:s12], $0x200  }
0x1c: {  	[sflag:s12] =	ssyncset.done $0x0  }
0x1d: {  	[sflag:s12] =	ssyncadd.s32 $0xFFFFFE00  }
0x1e: {  	[tilespmem:s13], [sflag:$0x4] =	stream.linear.gather [hbm4b:s9+s5], $0x200, $0x38;
	[tilespmem:$0x10C00] =	vst v63  }
0x1f: {  	_ =	swait.ge [sflag:s12], $0x200  }
0x20: {  	[sflag:s12] =	ssyncset.done $0x0  }
0x21: {  	s25 =	simm.s32 $0x400;
	[sflag:s12] =	ssyncadd.s32 $0xFFFFFE00  }
0x22: {  	[tilespmem:s25], [sflag:$0x1] =	stream.indirect.gather [hbm4b:s1+s14], $0x80, s5, s14, $0xb8;
	[tilespmem:$0x10C00] =	vst v63  }
0x23: {  	s29 =	simm.s32 $0x8400  }
0x24: {  	[tilespmem:s29], [sflag:$0x1] =	stream.indirect.gather [hbm4b:s2+s14], $0x80, s13, s14, $0xb8;
	[tilespmem:$0x10C00] =	vst v63  }
0x25: {  	_ = 	snop  }
0x26: {  	[tilespmem:s17], [sflag:$0x2] =	stream.indirect.gather [hbm4b:s1+s14], $0x80, s14, s14, $0xb8;
	[tilespmem:$0x10C00] =	vst v63  }
0x27: {  	s26 =	simm.s32 $0x10  }
0x28: {  	[tilespmem:s19], [sflag:$0x2] =	stream.indirect.gather [hbm4b:s2+s14], $0x80, s18, s14, $0xb8;
	[tilespmem:$0x10C00] =	vst v63  }
0x29: {  	s28 =	simm.s32 $0x10B80;
	s25 =	rddreg [dreg:$0x5];
	s29 =	simm.s32 $0x10B00;
	[tilespmem:$0x10B80] =	vst v1  }
0x2a: {  	[tilespmem:s29], [sflag:$0x3] =	stream.indirect.gather [hbm4b:s25+s26], $0x1, s28, s26, $0xb8;
	[tilespmem:$0x10C00] =	vst v63  }
0x2b: {  	s26 =	simm.s32 $0x10400  }
0x2c: {  	[tilespmem:s26], [sflag:$0x3] =	stream.indirect.gather [hbm4b:s3+s14], $0x1, s5, s14, $0xb8;
	[tilespmem:$0x10C00] =	vst v63  }
0x2d: {  	s28 =	simm.s32 $0x10600  }
0x2e: {  	[tilespmem:s28], [sflag:$0x3] =	stream.indirect.gather [hbm4b:s7+s14], $0x1, s13, s14, $0xb8;
	[tilespmem:$0x10C00] =	vst v63  }
0x2f: {  	s29 =	simm.s32 $0x10480  }
0x30: {  	[tilespmem:s29], [sflag:$0x3] =	stream.indirect.gather [hbm4b:s3+s14], $0x1, s14, s14, $0xb8;
	[tilespmem:$0x10C00] =	vst v63  }
0x31: {  	s26 =	simm.s32 $0x10680  }
0x32: {  	[tilespmem:s26], [sflag:$0x3] =	stream.indirect.gather [hbm4b:s7+s14], $0x1, s18, s14, $0xb8;
	[tilespmem:$0x10C00] =	vst v63  }
0x33: {  	s28 =	simm.s32 $0x100;
	s29 =	simm.s32 $0x10500  }
0x34: {  	[tilespmem:s29], [sflag:$0x3] =	stream.indirect.gather [hbm4b:s3+s14], $0x1, s28, s14, $0xb8;
	[tilespmem:$0x10C00] =	vst v63  }
0x35: {  	_ = 	snop  }
0x36: {  	[tilespmem:s31], [sflag:$0x3] =	stream.indirect.gather [hbm4b:s7+s14], $0x1, s30, s14, $0xb8;
	[tilespmem:$0x10C00] =	vst v63  }
0x37: {  	_ = 	snop  }
0x38: {  	[tilespmem:s6], [sflag:$0x3] =	stream.indirect.gather [hbm4b:s3+s14], $0x1, s0, s14, $0xb8;
	[tilespmem:$0x10C00] =	vst v63  }
0x39: {  	_ = 	snop  }
0x3a: {  	[tilespmem:s15], [sflag:$0x3] =	stream.indirect.gather [hbm4b:s7+s14], $0x1, s4, s14, $0xb8;
	[tilespmem:$0x10C00] =	vst v63  }
0x3b: {  	_ =	swait.ge [sflag:s16], $0x10  }
0x3c: {  	[sflag:s16] =	ssyncset.done $0x0  }
0x3d: {  	[sflag:s16] =	ssyncadd.s32 $0xFFFFFFF0  }
0x3e: {  	_ =	swait.ge [sflag:s16], $0x80  }
0x3f: {  	[sflag:s16] =	ssyncset.done $0x0  }
0x40: {  	[sflag:s16] =	ssyncadd.s32 $0xFFFFFF80  }
0x41: {  	_ =	swait.ge [sflag:s16], $0x80  }
0x42: {  	[sflag:s16] =	ssyncset.done $0x0  }
0x43: {  	[sflag:s16] =	ssyncadd.s32 $0xFFFFFF80  }
0x44: {  	_ =	swait.ge [sflag:s16], $0x80  }
0x45: {  	[sflag:s16] =	ssyncset.done $0x0  }
0x46: {  	[sflag:s16] =	ssyncadd.s32 $0xFFFFFF80  }
0x47: {  	_ =	swait.ge [sflag:s16], $0x80  }
0x48: {  	[sflag:s16] =	ssyncset.done $0x0  }
0x49: {  	[sflag:s16] =	ssyncadd.s32 $0xFFFFFF80  }
0x4a: {  	_ =	swait.ge [sflag:s16], $0x80  }
0x4b: {  	[sflag:s16] =	ssyncset.done $0x0  }
0x4c: {  	[sflag:s16] =	ssyncadd.s32 $0xFFFFFF80  }
0x4d: {  	_ =	swait.ge [sflag:s16], $0x80  }
0x4e: {  	[sflag:s16] =	ssyncset.done $0x0  }
0x4f: {  	[sflag:s16] =	ssyncadd.s32 $0xFFFFFF80  }
0x50: {  	_ =	swait.ge [sflag:s16], $0x80  }
0x51: {  	[sflag:s16] =	ssyncset.done $0x0  }
0x52: {  	[sflag:s16] =	ssyncadd.s32 $0xFFFFFF80  }
0x53: {  	_ =	swait.ge [sflag:s16], $0x80  }
0x54: {  	[sflag:s16] =	ssyncset.done $0x0  }
0x55: {  	[sflag:s16] =	ssyncadd.s32 $0xFFFFFF80  }
0x56: {  	p0 =	por $0x1, $0x1;
	s25 =	simm.s32 $0x0;
	v17 =	vld [tilespmem:$0x10B00]  }
.LBB2_2:
0x57: {  	_ =	swait.ge [sflag:s20], $0x4000  }
0x58: {  	[sflag:s20] =	ssyncset.done $0x0  }
0x59: {  	s25 =	sshll.u32 s25, $0x8;
	[sflag:s20] =	ssyncadd.s32 $0xFFFFC000  }
0x5a: {  	s26 =	sand.u32 $0x3FFFFF00, s25;
	_ =	swait.ge [sflag:s20], $0x4000  }
0x5b: {  	s28 =	sadd.s32 $0x10800, s26;
	[sflag:s20] =	ssyncset.done $0x0  }
0x5c: {  	v18 =	vmov s25;
	s26 =	simm.s32 $0x0;
	v19 =	vmov s28;
	[sflag:s20] =	ssyncadd.s32 $0xFFFFC000  }
.LBB2_3:
0x5d: {  	s28 =	sshll.u32 s26, $0xB  }
0x5e: {  	v20 =	vld [tilespmem:s28+$0x400]  }
0x5f: {  	v21 =	vld [tilespmem:s28+$0x8400]  }
0x60: {  	v22 =	vld [tilespmem:s28+$0x410]  }
0x61: {  	v23 =	vld [tilespmem:s28+$0x8410]  }
0x62: {  	v24 =	vld [tilespmem:s28+$0x420]  }
0x63: {  	v25 =	vld [tilespmem:s28+$0x8420]  }
0x64: {  	v26 =	vld [tilespmem:s28+$0x430]  }
0x65: {  	v27 =	vld [tilespmem:s28+$0x8430]  }
0x66: {  	v46 =	vld [tilespmem:s28+$0x440];
	v20 =	vmul.f32 v21, v20;
	v45 =	vmul.f32 v23, v22  }
0x67: {  	v47 =	vld [tilespmem:s28+$0x8440]  }
0x68: {  	v49 =	vld [tilespmem:s28+$0x450];
	v48 =	vmul.f32 v25, v24;
	v20 =	vadd.f32 v45, v20  }
0x69: {  	v50 =	vld [tilespmem:s28+$0x8450]  }
0x6a: {  	v52 =	vld [tilespmem:s28+$0x460];
	v51 =	vmul.f32 v27, v26;
	v20 =	vadd.f32 v48, v20  }
0x6b: {  	v53 =	vld [tilespmem:s28+$0x8460]  }
0x6c: {  	v55 =	vld [tilespmem:s28+$0x470];
	v54 =	vmul.f32 v47, v46;
	v20 =	vadd.f32 v51, v20  }
0x6d: {  	v56 =	vld [tilespmem:s28+$0x8470]  }
0x6e: {  	v57 =	vmul.f32 v50, v49;
	v20 =	vadd.f32 v54, v20;
	_ =	sdelay $0x1  }
0x6f: {  	v58 =	vmul.f32 v53, v52;
	v20 =	vadd.f32 v57, v20;
	_ =	sdelay $0x1  }
0x70: {  	v59 =	vmul.f32 v56, v55;
	v20 =	vadd.f32 v58, v20;
	_ =	sdelay $0x1  }
0x71: {  	v20 =	vadd.f32 v59, v20;
	_ =	sdelay $0x1  }
0x72: {  	[tilespmem:v0+s21+$0x0] =	vst.idx.msk $0xffff, v20  }
0x73: {  	v20 =	vld [tilespmem:s28+$0x480]  }
0x74: {  	v60 =	vld [tilespmem:s28+$0x8480]  }
0x75: {  	v61 =	vld [tilespmem:s28+$0x490]  }
0x76: {  	v62 =	vld [tilespmem:s28+$0x8490]  }
0x77: {  	v63 =	vld [tilespmem:s28+$0x4A0]  }
0x78: {  	v30 =	vld [tilespmem:s28+$0x84A0]  }
0x79: {  	v31 =	vld [tilespmem:s28+$0x4B0]  }
0x7a: {  	v32 =	vld [tilespmem:s28+$0x84B0]  }
0x7b: {  	v34 =	vld [tilespmem:s28+$0x4C0];
	v20 =	vmul.f32 v60, v20;
	v33 =	vmul.f32 v62, v61  }
0x7c: {  	v35 =	vld [tilespmem:s28+$0x84C0]  }
0x7d: {  	v37 =	vld [tilespmem:s28+$0x4D0];
	v36 =	vmul.f32 v30, v63;
	v20 =	vadd.f32 v33, v20  }
0x7e: {  	v38 =	vld [tilespmem:s28+$0x84D0]  }
0x7f: {  	v40 =	vld [tilespmem:s28+$0x4E0];
	v39 =	vmul.f32 v32, v31;
	v20 =	vadd.f32 v36, v20  }
0x80: {  	v41 =	vld [tilespmem:s28+$0x84E0]  }
0x81: {  	v43 =	vld [tilespmem:s28+$0x4F0];
	v42 =	vmul.f32 v35, v34;
	v20 =	vadd.f32 v39, v20  }
0x82: {  	v44 =	vld [tilespmem:s28+$0x84F0]  }
0x83: {  	v45 =	vmul.f32 v38, v37;
	v20 =	vadd.f32 v42, v20;
	_ =	sdelay $0x1  }
0x84: {  	v46 =	vmul.f32 v41, v40;
	v20 =	vadd.f32 v45, v20;
	_ =	sdelay $0x1  }
0x85: {  	v47 =	vmul.f32 v44, v43;
	v20 =	vadd.f32 v46, v20;
	_ =	sdelay $0x1  }
0x86: {  	v20 =	vadd.f32 v47, v20;
	_ =	sdelay $0x1  }
0x87: {  	[tilespmem:v2+s21+$0x0] =	vst.idx.msk $0xffff, v20  }
0x88: {  	v20 =	vld [tilespmem:s28+$0x500]  }
0x89: {  	v48 =	vld [tilespmem:s28+$0x8500]  }
0x8a: {  	v49 =	vld [tilespmem:s28+$0x510]  }
0x8b: {  	v50 =	vld [tilespmem:s28+$0x8510]  }
0x8c: {  	v51 =	vld [tilespmem:s28+$0x520]  }
0x8d: {  	v52 =	vld [tilespmem:s28+$0x8520]  }
0x8e: {  	v53 =	vld [tilespmem:s28+$0x530]  }
0x8f: {  	v54 =	vld [tilespmem:s28+$0x8530]  }
0x90: {  	v56 =	vld [tilespmem:s28+$0x540];
	v20 =	vmul.f32 v48, v20;
	v55 =	vmul.f32 v50, v49  }
0x91: {  	v57 =	vld [tilespmem:s28+$0x8540]  }
0x92: {  	v59 =	vld [tilespmem:s28+$0x550];
	v58 =	vmul.f32 v52, v51;
	v20 =	vadd.f32 v55, v20  }
0x93: {  	v60 =	vld [tilespmem:s28+$0x8550]  }
0x94: {  	v62 =	vld [tilespmem:s28+$0x560];
	v61 =	vmul.f32 v54, v53;
	v20 =	vadd.f32 v58, v20  }
0x95: {  	v63 =	vld [tilespmem:s28+$0x8560]  }
0x96: {  	v31 =	vld [tilespmem:s28+$0x570];
	v30 =	vmul.f32 v57, v56;
	v20 =	vadd.f32 v61, v20  }
0x97: {  	v32 =	vld [tilespmem:s28+$0x8570]  }
0x98: {  	v33 =	vmul.f32 v60, v59;
	v20 =	vadd.f32 v30, v20;
	_ =	sdelay $0x1  }
0x99: {  	v34 =	vmul.f32 v63, v62;
	v20 =	vadd.f32 v33, v20;
	_ =	sdelay $0x1  }
0x9a: {  	v35 =	vmul.f32 v32, v31;
	v20 =	vadd.f32 v34, v20;
	_ =	sdelay $0x1  }
0x9b: {  	v20 =	vadd.f32 v35, v20;
	_ =	sdelay $0x1  }
0x9c: {  	[tilespmem:v3+s21+$0x0] =	vst.idx.msk $0xffff, v20  }
0x9d: {  	v20 =	vld [tilespmem:s28+$0x580]  }
0x9e: {  	v36 =	vld [tilespmem:s28+$0x8580]  }
0x9f: {  	v37 =	vld [tilespmem:s28+$0x590]  }
0xa0: {  	v38 =	vld [tilespmem:s28+$0x8590]  }
0xa1: {  	v39 =	vld [tilespmem:s28+$0x5A0]  }
0xa2: {  	v40 =	vld [tilespmem:s28+$0x85A0]  }
0xa3: {  	v41 =	vld [tilespmem:s28+$0x5B0]  }
0xa4: {  	v42 =	vld [tilespmem:s28+$0x85B0]  }
0xa5: {  	v44 =	vld [tilespmem:s28+$0x5C0];
	v20 =	vmul.f32 v36, v20;
	v43 =	vmul.f32 v38, v37  }
0xa6: {  	v45 =	vld [tilespmem:s28+$0x85C0]  }
0xa7: {  	v47 =	vld [tilespmem:s28+$0x5D0];
	v46 =	vmul.f32 v40, v39;
	v20 =	vadd.f32 v43, v20  }
0xa8: {  	v48 =	vld [tilespmem:s28+$0x85D0]  }
0xa9: {  	v50 =	vld [tilespmem:s28+$0x5E0];
	v49 =	vmul.f32 v42, v41;
	v20 =	vadd.f32 v46, v20  }
0xaa: {  	v51 =	vld [tilespmem:s28+$0x85E0]  }
0xab: {  	v53 =	vld [tilespmem:s28+$0x5F0];
	v52 =	vmul.f32 v45, v44;
	v20 =	vadd.f32 v49, v20  }
0xac: {  	v54 =	vld [tilespmem:s28+$0x85F0]  }
0xad: {  	v55 =	vmul.f32 v48, v47;
	v20 =	vadd.f32 v52, v20;
	_ =	sdelay $0x1  }
0xae: {  	v56 =	vmul.f32 v51, v50;
	v20 =	vadd.f32 v55, v20;
	_ =	sdelay $0x1  }
0xaf: {  	v57 =	vmul.f32 v54, v53;
	v20 =	vadd.f32 v56, v20;
	_ =	sdelay $0x1  }
0xb0: {  	v20 =	vadd.f32 v57, v20;
	_ =	sdelay $0x1  }
0xb1: {  	[tilespmem:v4+s21+$0x0] =	vst.idx.msk $0xffff, v20  }
0xb2: {  	v20 =	vld [tilespmem:s28+$0x600]  }
0xb3: {  	v58 =	vld [tilespmem:s28+$0x8600]  }
0xb4: {  	v59 =	vld [tilespmem:s28+$0x610]  }
0xb5: {  	v60 =	vld [tilespmem:s28+$0x8610]  }
0xb6: {  	v61 =	vld [tilespmem:s28+$0x620]  }
0xb7: {  	v62 =	vld [tilespmem:s28+$0x8620]  }
0xb8: {  	v63 =	vld [tilespmem:s28+$0x630]  }
0xb9: {  	v30 =	vld [tilespmem:s28+$0x8630]  }
0xba: {  	v32 =	vld [tilespmem:s28+$0x640];
	v20 =	vmul.f32 v58, v20;
	v31 =	vmul.f32 v60, v59  }
0xbb: {  	v33 =	vld [tilespmem:s28+$0x8640]  }
0xbc: {  	v35 =	vld [tilespmem:s28+$0x650];
	v34 =	vmul.f32 v62, v61;
	v20 =	vadd.f32 v31, v20  }
0xbd: {  	v36 =	vld [tilespmem:s28+$0x8650]  }
0xbe: {  	v38 =	vld [tilespmem:s28+$0x660];
	v37 =	vmul.f32 v30, v63;
	v20 =	vadd.f32 v34, v20  }
0xbf: {  	v39 =	vld [tilespmem:s28+$0x8660]  }
0xc0: {  	v41 =	vld [tilespmem:s28+$0x670];
	v40 =	vmul.f32 v33, v32;
	v20 =	vadd.f32 v37, v20  }
0xc1: {  	v42 =	vld [tilespmem:s28+$0x8670]  }
0xc2: {  	v43 =	vmul.f32 v36, v35;
	v20 =	vadd.f32 v40, v20;
	_ =	sdelay $0x1  }
0xc3: {  	v44 =	vmul.f32 v39, v38;
	v20 =	vadd.f32 v43, v20;
	_ =	sdelay $0x1  }
0xc4: {  	v45 =	vmul.f32 v42, v41;
	v20 =	vadd.f32 v44, v20;
	_ =	sdelay $0x1  }
0xc5: {  	v20 =	vadd.f32 v45, v20;
	_ =	sdelay $0x1  }
0xc6: {  	[tilespmem:v5+s21+$0x0] =	vst.idx.msk $0xffff, v20  }
0xc7: {  	v20 =	vld [tilespmem:s28+$0x680]  }
0xc8: {  	v46 =	vld [tilespmem:s28+$0x8680]  }
0xc9: {  	v47 =	vld [tilespmem:s28+$0x690]  }
0xca: {  	v48 =	vld [tilespmem:s28+$0x8690]  }
0xcb: {  	v49 =	vld [tilespmem:s28+$0x6A0]  }
0xcc: {  	v50 =	vld [tilespmem:s28+$0x86A0]  }
0xcd: {  	v51 =	vld [tilespmem:s28+$0x6B0]  }
0xce: {  	v52 =	vld [tilespmem:s28+$0x86B0]  }
0xcf: {  	v54 =	vld [tilespmem:s28+$0x6C0];
	v20 =	vmul.f32 v46, v20;
	v53 =	vmul.f32 v48, v47  }
0xd0: {  	v55 =	vld [tilespmem:s28+$0x86C0]  }
0xd1: {  	v57 =	vld [tilespmem:s28+$0x6D0];
	v56 =	vmul.f32 v50, v49;
	v20 =	vadd.f32 v53, v20  }
0xd2: {  	v58 =	vld [tilespmem:s28+$0x86D0]  }
0xd3: {  	v60 =	vld [tilespmem:s28+$0x6E0];
	v59 =	vmul.f32 v52, v51;
	v20 =	vadd.f32 v56, v20  }
0xd4: {  	v61 =	vld [tilespmem:s28+$0x86E0]  }
0xd5: {  	v63 =	vld [tilespmem:s28+$0x6F0];
	v62 =	vmul.f32 v55, v54;
	v20 =	vadd.f32 v59, v20  }
0xd6: {  	v28 =	vld [tilespmem:s28+$0x86F0]  }
0xd7: {  	v29 =	vmul.f32 v58, v57;
	v20 =	vadd.f32 v62, v20;
	_ =	sdelay $0x1  }
0xd8: {  	v30 =	vmul.f32 v61, v60;
	v20 =	vadd.f32 v29, v20;
	_ =	sdelay $0x1  }
0xd9: {  	v31 =	vmul.f32 v28, v63;
	v20 =	vadd.f32 v30, v20;
	_ =	sdelay $0x1  }
0xda: {  	v20 =	vadd.f32 v31, v20;
	_ =	sdelay $0x1  }
0xdb: {  	[tilespmem:v6+s21+$0x0] =	vst.idx.msk $0xffff, v20  }
0xdc: {  	v20 =	vld [tilespmem:s28+$0x700]  }
0xdd: {  	v32 =	vld [tilespmem:s28+$0x8700]  }
0xde: {  	v33 =	vld [tilespmem:s28+$0x710]  }
0xdf: {  	v34 =	vld [tilespmem:s28+$0x8710]  }
0xe0: {  	v35 =	vld [tilespmem:s28+$0x720]  }
0xe1: {  	v36 =	vld [tilespmem:s28+$0x8720]  }
0xe2: {  	v37 =	vld [tilespmem:s28+$0x730]  }
0xe3: {  	v38 =	vld [tilespmem:s28+$0x8730]  }
0xe4: {  	v40 =	vld [tilespmem:s28+$0x740];
	v20 =	vmul.f32 v32, v20;
	v39 =	vmul.f32 v34, v33  }
0xe5: {  	v41 =	vld [tilespmem:s28+$0x8740]  }
0xe6: {  	v43 =	vld [tilespmem:s28+$0x750];
	v42 =	vmul.f32 v36, v35;
	v20 =	vadd.f32 v39, v20  }
0xe7: {  	v44 =	vld [tilespmem:s28+$0x8750]  }
0xe8: {  	v46 =	vld [tilespmem:s28+$0x760];
	v45 =	vmul.f32 v38, v37;
	v20 =	vadd.f32 v42, v20  }
0xe9: {  	v47 =	vld [tilespmem:s28+$0x8760]  }
0xea: {  	v49 =	vld [tilespmem:s28+$0x770];
	v48 =	vmul.f32 v41, v40;
	v20 =	vadd.f32 v45, v20  }
0xeb: {  	v50 =	vld [tilespmem:s28+$0x8770]  }
0xec: {  	v51 =	vmul.f32 v44, v43;
	v20 =	vadd.f32 v48, v20;
	_ =	sdelay $0x1  }
0xed: {  	v52 =	vmul.f32 v47, v46;
	v20 =	vadd.f32 v51, v20;
	_ =	sdelay $0x1  }
0xee: {  	v53 =	vmul.f32 v50, v49;
	v20 =	vadd.f32 v52, v20;
	_ =	sdelay $0x1  }
0xef: {  	v20 =	vadd.f32 v53, v20;
	_ =	sdelay $0x1  }
0xf0: {  	[tilespmem:v7+s21+$0x0] =	vst.idx.msk $0xffff, v20  }
0xf1: {  	v20 =	vld [tilespmem:s28+$0x780]  }
0xf2: {  	v54 =	vld [tilespmem:s28+$0x8780]  }
0xf3: {  	v55 =	vld [tilespmem:s28+$0x790]  }
0xf4: {  	v56 =	vld [tilespmem:s28+$0x8790]  }
0xf5: {  	v57 =	vld [tilespmem:s28+$0x7A0]  }
0xf6: {  	v58 =	vld [tilespmem:s28+$0x87A0]  }
0xf7: {  	v59 =	vld [tilespmem:s28+$0x7B0]  }
0xf8: {  	v60 =	vld [tilespmem:s28+$0x87B0]  }
0xf9: {  	v62 =	vld [tilespmem:s28+$0x7C0];
	v20 =	vmul.f32 v54, v20;
	v61 =	vmul.f32 v56, v55  }
0xfa: {  	v63 =	vld [tilespmem:s28+$0x87C0]  }
0xfb: {  	v30 =	vld [tilespmem:s28+$0x7D0];
	v29 =	vmul.f32 v58, v57;
	v20 =	vadd.f32 v61, v20  }
0xfc: {  	v31 =	vld [tilespmem:s28+$0x87D0]  }
0xfd: {  	v33 =	vld [tilespmem:s28+$0x7E0];
	v32 =	vmul.f32 v60, v59;
	v20 =	vadd.f32 v29, v20  }
0xfe: {  	v34 =	vld [tilespmem:s28+$0x87E0]  }
0xff: {  	v36 =	vld [tilespmem:s28+$0x7F0];
	v35 =	vmul.f32 v63, v62;
	v20 =	vadd.f32 v32, v20  }
0x100: {  	v37 =	vld [tilespmem:s28+$0x87F0]  }
0x101: {  	v38 =	vmul.f32 v31, v30;
	v20 =	vadd.f32 v35, v20;
	_ =	sdelay $0x1  }
0x102: {  	v39 =	vmul.f32 v34, v33;
	v20 =	vadd.f32 v38, v20;
	_ =	sdelay $0x1  }
0x103: {  	v40 =	vmul.f32 v37, v36;
	v20 =	vadd.f32 v39, v20;
	_ =	sdelay $0x1  }
0x104: {  	v20 =	vadd.f32 v40, v20;
	_ =	sdelay $0x1  }
0x105: {  	[tilespmem:v8+s21+$0x0] =	vst.idx.msk $0xffff, v20  }
0x106: {  	v20 =	vld [tilespmem:s28+$0x800]  }
0x107: {  	v41 =	vld [tilespmem:s28+$0x8800]  }
0x108: {  	v42 =	vld [tilespmem:s28+$0x810]  }
0x109: {  	v43 =	vld [tilespmem:s28+$0x8810]  }
0x10a: {  	v44 =	vld [tilespmem:s28+$0x820]  }
0x10b: {  	v45 =	vld [tilespmem:s28+$0x8820]  }
0x10c: {  	v46 =	vld [tilespmem:s28+$0x830]  }
0x10d: {  	v47 =	vld [tilespmem:s28+$0x8830]  }
0x10e: {  	v49 =	vld [tilespmem:s28+$0x840];
	v20 =	vmul.f32 v41, v20;
	v48 =	vmul.f32 v43, v42  }
0x10f: {  	v50 =	vld [tilespmem:s28+$0x8840]  }
0x110: {  	v52 =	vld [tilespmem:s28+$0x850];
	v51 =	vmul.f32 v45, v44;
	v20 =	vadd.f32 v48, v20  }
0x111: {  	v53 =	vld [tilespmem:s28+$0x8850]  }
0x112: {  	v55 =	vld [tilespmem:s28+$0x860];
	v54 =	vmul.f32 v47, v46;
	v20 =	vadd.f32 v51, v20  }
0x113: {  	v56 =	vld [tilespmem:s28+$0x8860]  }
0x114: {  	v58 =	vld [tilespmem:s28+$0x870];
	v57 =	vmul.f32 v50, v49;
	v20 =	vadd.f32 v54, v20  }
0x115: {  	v59 =	vld [tilespmem:s28+$0x8870]  }
0x116: {  	v60 =	vmul.f32 v53, v52;
	v20 =	vadd.f32 v57, v20;
	_ =	sdelay $0x1  }
0x117: {  	v61 =	vmul.f32 v56, v55;
	v20 =	vadd.f32 v60, v20;
	_ =	sdelay $0x1  }
0x118: {  	v62 =	vmul.f32 v59, v58;
	v20 =	vadd.f32 v61, v20;
	_ =	sdelay $0x1  }
0x119: {  	v20 =	vadd.f32 v62, v20;
	_ =	sdelay $0x1  }
0x11a: {  	[tilespmem:v9+s21+$0x0] =	vst.idx.msk $0xffff, v20  }
0x11b: {  	v20 =	vld [tilespmem:s28+$0x880]  }
0x11c: {  	v63 =	vld [tilespmem:s28+$0x8880]  }
0x11d: {  	v30 =	vld [tilespmem:s28+$0x890]  }
0x11e: {  	v31 =	vld [tilespmem:s28+$0x8890]  }
0x11f: {  	v32 =	vld [tilespmem:s28+$0x8A0]  }
0x120: {  	v33 =	vld [tilespmem:s28+$0x88A0]  }
0x121: {  	v34 =	vld [tilespmem:s28+$0x8B0]  }
0x122: {  	v35 =	vld [tilespmem:s28+$0x88B0]  }
0x123: {  	v37 =	vld [tilespmem:s28+$0x8C0];
	v20 =	vmul.f32 v63, v20;
	v36 =	vmul.f32 v31, v30  }
0x124: {  	v38 =	vld [tilespmem:s28+$0x88C0]  }
0x125: {  	v40 =	vld [tilespmem:s28+$0x8D0];
	v39 =	vmul.f32 v33, v32;
	v20 =	vadd.f32 v36, v20  }
0x126: {  	v41 =	vld [tilespmem:s28+$0x88D0]  }
0x127: {  	v43 =	vld [tilespmem:s28+$0x8E0];
	v42 =	vmul.f32 v35, v34;
	v20 =	vadd.f32 v39, v20  }
0x128: {  	v44 =	vld [tilespmem:s28+$0x88E0]  }
0x129: {  	v46 =	vld [tilespmem:s28+$0x8F0];
	v45 =	vmul.f32 v38, v37;
	v20 =	vadd.f32 v42, v20  }
0x12a: {  	v47 =	vld [tilespmem:s28+$0x88F0]  }
0x12b: {  	v48 =	vmul.f32 v41, v40;
	v20 =	vadd.f32 v45, v20;
	_ =	sdelay $0x1  }
0x12c: {  	v49 =	vmul.f32 v44, v43;
	v20 =	vadd.f32 v48, v20;
	_ =	sdelay $0x1  }
0x12d: {  	v50 =	vmul.f32 v47, v46;
	v20 =	vadd.f32 v49, v20;
	_ =	sdelay $0x1  }
0x12e: {  	v20 =	vadd.f32 v50, v20;
	_ =	sdelay $0x1  }
0x12f: {  	[tilespmem:v10+s21+$0x0] =	vst.idx.msk $0xffff, v20  }
0x130: {  	v20 =	vld [tilespmem:s28+$0x900]  }
0x131: {  	v51 =	vld [tilespmem:s28+$0x8900]  }
0x132: {  	v52 =	vld [tilespmem:s28+$0x910]  }
0x133: {  	v53 =	vld [tilespmem:s28+$0x8910]  }
0x134: {  	v54 =	vld [tilespmem:s28+$0x920]  }
0x135: {  	v55 =	vld [tilespmem:s28+$0x8920]  }
0x136: {  	v56 =	vld [tilespmem:s28+$0x930]  }
0x137: {  	v57 =	vld [tilespmem:s28+$0x8930]  }
0x138: {  	v59 =	vld [tilespmem:s28+$0x940];
	v20 =	vmul.f32 v51, v20;
	v58 =	vmul.f32 v53, v52  }
0x139: {  	v60 =	vld [tilespmem:s28+$0x8940]  }
0x13a: {  	v62 =	vld [tilespmem:s28+$0x950];
	v61 =	vmul.f32 v55, v54;
	v20 =	vadd.f32 v58, v20  }
0x13b: {  	v63 =	vld [tilespmem:s28+$0x8950]  }
0x13c: {  	v31 =	vld [tilespmem:s28+$0x960];
	v30 =	vmul.f32 v57, v56;
	v20 =	vadd.f32 v61, v20  }
0x13d: {  	v32 =	vld [tilespmem:s28+$0x8960]  }
0x13e: {  	v34 =	vld [tilespmem:s28+$0x970];
	v33 =	vmul.f32 v60, v59;
	v20 =	vadd.f32 v30, v20  }
0x13f: {  	v35 =	vld [tilespmem:s28+$0x8970]  }
0x140: {  	v36 =	vmul.f32 v63, v62;
	v20 =	vadd.f32 v33, v20;
	_ =	sdelay $0x1  }
0x141: {  	v37 =	vmul.f32 v32, v31;
	v20 =	vadd.f32 v36, v20;
	_ =	sdelay $0x1  }
0x142: {  	v38 =	vmul.f32 v35, v34;
	v20 =	vadd.f32 v37, v20;
	_ =	sdelay $0x1  }
0x143: {  	v20 =	vadd.f32 v38, v20;
	_ =	sdelay $0x1  }
0x144: {  	[tilespmem:v11+s21+$0x0] =	vst.idx.msk $0xffff, v20  }
0x145: {  	v20 =	vld [tilespmem:s28+$0x980]  }
0x146: {  	v39 =	vld [tilespmem:s28+$0x8980]  }
0x147: {  	v40 =	vld [tilespmem:s28+$0x990]  }
0x148: {  	v41 =	vld [tilespmem:s28+$0x8990]  }
0x149: {  	v42 =	vld [tilespmem:s28+$0x9A0]  }
0x14a: {  	v43 =	vld [tilespmem:s28+$0x89A0]  }
0x14b: {  	v44 =	vld [tilespmem:s28+$0x9B0]  }
0x14c: {  	v45 =	vld [tilespmem:s28+$0x89B0]  }
0x14d: {  	v47 =	vld [tilespmem:s28+$0x9C0];
	v20 =	vmul.f32 v39, v20;
	v46 =	vmul.f32 v41, v40  }
0x14e: {  	v48 =	vld [tilespmem:s28+$0x89C0]  }
0x14f: {  	v50 =	vld [tilespmem:s28+$0x9D0];
	v49 =	vmul.f32 v43, v42;
	v20 =	vadd.f32 v46, v20  }
0x150: {  	v51 =	vld [tilespmem:s28+$0x89D0]  }
0x151: {  	v53 =	vld [tilespmem:s28+$0x9E0];
	v52 =	vmul.f32 v45, v44;
	v20 =	vadd.f32 v49, v20  }
0x152: {  	v54 =	vld [tilespmem:s28+$0x89E0]  }
0x153: {  	v56 =	vld [tilespmem:s28+$0x9F0];
	v55 =	vmul.f32 v48, v47;
	v20 =	vadd.f32 v52, v20  }
0x154: {  	v57 =	vld [tilespmem:s28+$0x89F0]  }
0x155: {  	v58 =	vmul.f32 v51, v50;
	v20 =	vadd.f32 v55, v20;
	_ =	sdelay $0x1  }
0x156: {  	v59 =	vmul.f32 v54, v53;
	v20 =	vadd.f32 v58, v20;
	_ =	sdelay $0x1  }
0x157: {  	v60 =	vmul.f32 v57, v56;
	v20 =	vadd.f32 v59, v20;
	_ =	sdelay $0x1  }
0x158: {  	v20 =	vadd.f32 v60, v20;
	_ =	sdelay $0x1  }
0x159: {  	[tilespmem:v12+s21+$0x0] =	vst.idx.msk $0xffff, v20  }
0x15a: {  	v20 =	vld [tilespmem:s28+$0xA00]  }
0x15b: {  	v61 =	vld [tilespmem:s28+$0x8A00]  }
0x15c: {  	v62 =	vld [tilespmem:s28+$0xA10]  }
0x15d: {  	v63 =	vld [tilespmem:s28+$0x8A10]  }
0x15e: {  	v30 =	vld [tilespmem:s28+$0xA20]  }
0x15f: {  	v31 =	vld [tilespmem:s28+$0x8A20]  }
0x160: {  	v32 =	vld [tilespmem:s28+$0xA30]  }
0x161: {  	v33 =	vld [tilespmem:s28+$0x8A30]  }
0x162: {  	v35 =	vld [tilespmem:s28+$0xA40];
	v20 =	vmul.f32 v61, v20;
	v34 =	vmul.f32 v63, v62  }
0x163: {  	v36 =	vld [tilespmem:s28+$0x8A40]  }
0x164: {  	v38 =	vld [tilespmem:s28+$0xA50];
	v37 =	vmul.f32 v31, v30;
	v20 =	vadd.f32 v34, v20  }
0x165: {  	v39 =	vld [tilespmem:s28+$0x8A50]  }
0x166: {  	v41 =	vld [tilespmem:s28+$0xA60];
	v40 =	vmul.f32 v33, v32;
	v20 =	vadd.f32 v37, v20  }
0x167: {  	v42 =	vld [tilespmem:s28+$0x8A60]  }
0x168: {  	v44 =	vld [tilespmem:s28+$0xA70];
	v43 =	vmul.f32 v36, v35;
	v20 =	vadd.f32 v40, v20  }
0x169: {  	v45 =	vld [tilespmem:s28+$0x8A70]  }
0x16a: {  	v46 =	vmul.f32 v39, v38;
	v20 =	vadd.f32 v43, v20;
	_ =	sdelay $0x1  }
0x16b: {  	v47 =	vmul.f32 v42, v41;
	v20 =	vadd.f32 v46, v20;
	_ =	sdelay $0x1  }
0x16c: {  	v48 =	vmul.f32 v45, v44;
	v20 =	vadd.f32 v47, v20;
	_ =	sdelay $0x1  }
0x16d: {  	v20 =	vadd.f32 v48, v20;
	_ =	sdelay $0x1  }
0x16e: {  	[tilespmem:v13+s21+$0x0] =	vst.idx.msk $0xffff, v20  }
0x16f: {  	v20 =	vld [tilespmem:s28+$0xA80]  }
0x170: {  	v49 =	vld [tilespmem:s28+$0x8A80]  }
0x171: {  	v50 =	vld [tilespmem:s28+$0xA90]  }
0x172: {  	v51 =	vld [tilespmem:s28+$0x8A90]  }
0x173: {  	v52 =	vld [tilespmem:s28+$0xAA0]  }
0x174: {  	v53 =	vld [tilespmem:s28+$0x8AA0]  }
0x175: {  	v54 =	vld [tilespmem:s28+$0xAB0]  }
0x176: {  	v55 =	vld [tilespmem:s28+$0x8AB0]  }
0x177: {  	v57 =	vld [tilespmem:s28+$0xAC0];
	v20 =	vmul.f32 v49, v20;
	v56 =	vmul.f32 v51, v50  }
0x178: {  	v58 =	vld [tilespmem:s28+$0x8AC0]  }
0x179: {  	v60 =	vld [tilespmem:s28+$0xAD0];
	v59 =	vmul.f32 v53, v52;
	v20 =	vadd.f32 v56, v20  }
0x17a: {  	v61 =	vld [tilespmem:s28+$0x8AD0]  }
0x17b: {  	v63 =	vld [tilespmem:s28+$0xAE0];
	v62 =	vmul.f32 v55, v54;
	v20 =	vadd.f32 v59, v20  }
0x17c: {  	v30 =	vld [tilespmem:s28+$0x8AE0]  }
0x17d: {  	v32 =	vld [tilespmem:s28+$0xAF0];
	v31 =	vmul.f32 v58, v57;
	v20 =	vadd.f32 v62, v20  }
0x17e: {  	v33 =	vld [tilespmem:s28+$0x8AF0]  }
0x17f: {  	v34 =	vmul.f32 v61, v60;
	v20 =	vadd.f32 v31, v20;
	_ =	sdelay $0x1  }
0x180: {  	v35 =	vmul.f32 v30, v63;
	v20 =	vadd.f32 v34, v20;
	_ =	sdelay $0x1  }
0x181: {  	v36 =	vmul.f32 v33, v32;
	v20 =	vadd.f32 v35, v20;
	_ =	sdelay $0x1  }
0x182: {  	v20 =	vadd.f32 v36, v20;
	_ =	sdelay $0x1  }
0x183: {  	[tilespmem:v14+s21+$0x0] =	vst.idx.msk $0xffff, v20  }
0x184: {  	v20 =	vld [tilespmem:s28+$0xB00]  }
0x185: {  	v37 =	vld [tilespmem:s28+$0x8B00]  }
0x186: {  	v38 =	vld [tilespmem:s28+$0xB10]  }
0x187: {  	v39 =	vld [tilespmem:s28+$0x8B10]  }
0x188: {  	v40 =	vld [tilespmem:s28+$0xB20]  }
0x189: {  	v41 =	vld [tilespmem:s28+$0x8B20]  }
0x18a: {  	v42 =	vld [tilespmem:s28+$0xB30]  }
0x18b: {  	v43 =	vld [tilespmem:s28+$0x8B30]  }
0x18c: {  	v45 =	vld [tilespmem:s28+$0xB40];
	v20 =	vmul.f32 v37, v20;
	v44 =	vmul.f32 v39, v38  }
0x18d: {  	v46 =	vld [tilespmem:s28+$0x8B40]  }
0x18e: {  	v48 =	vld [tilespmem:s28+$0xB50];
	v47 =	vmul.f32 v41, v40;
	v20 =	vadd.f32 v44, v20  }
0x18f: {  	v49 =	vld [tilespmem:s28+$0x8B50]  }
0x190: {  	v51 =	vld [tilespmem:s28+$0xB60];
	v50 =	vmul.f32 v43, v42;
	v20 =	vadd.f32 v47, v20  }
0x191: {  	v52 =	vld [tilespmem:s28+$0x8B60]  }
0x192: {  	v54 =	vld [tilespmem:s28+$0xB70];
	v53 =	vmul.f32 v46, v45;
	v20 =	vadd.f32 v50, v20  }
0x193: {  	v55 =	vld [tilespmem:s28+$0x8B70]  }
0x194: {  	v56 =	vmul.f32 v49, v48;
	v20 =	vadd.f32 v53, v20;
	_ =	sdelay $0x1  }
0x195: {  	v57 =	vmul.f32 v52, v51;
	v20 =	vadd.f32 v56, v20;
	_ =	sdelay $0x1  }
0x196: {  	v58 =	vmul.f32 v55, v54;
	v20 =	vadd.f32 v57, v20;
	_ =	sdelay $0x1  }
0x197: {  	v20 =	vadd.f32 v58, v20;
	_ =	sdelay $0x1  }
0x198: {  	[tilespmem:v15+s21+$0x0] =	vst.idx.msk $0xffff, v20  }
0x199: {  	v20 =	vld [tilespmem:s28+$0xB80]  }
0x19a: {  	v59 =	vld [tilespmem:s28+$0x8B80]  }
0x19b: {  	v60 =	vld [tilespmem:s28+$0xB90]  }
0x19c: {  	v61 =	vld [tilespmem:s28+$0x8B90]  }
0x19d: {  	v62 =	vld [tilespmem:s28+$0xBA0]  }
0x19e: {  	v63 =	vld [tilespmem:s28+$0x8BA0]  }
0x19f: {  	v30 =	vld [tilespmem:s28+$0xBB0]  }
0x1a0: {  	v31 =	vld [tilespmem:s28+$0x8BB0]  }
0x1a1: {  	v33 =	vld [tilespmem:s28+$0xBC0];
	v20 =	vmul.f32 v59, v20;
	v32 =	vmul.f32 v61, v60  }
0x1a2: {  	v34 =	vld [tilespmem:s28+$0x8BC0]  }
0x1a3: {  	v36 =	vld [tilespmem:s28+$0xBD0];
	v35 =	vmul.f32 v63, v62;
	v20 =	vadd.f32 v32, v20  }
0x1a4: {  	v37 =	vld [tilespmem:s28+$0x8BD0]  }
0x1a5: {  	v39 =	vld [tilespmem:s28+$0xBE0];
	v38 =	vmul.f32 v31, v30;
	v20 =	vadd.f32 v35, v20  }
0x1a6: {  	v40 =	vld [tilespmem:s28+$0x8BE0]  }
0x1a7: {  	v42 =	vld [tilespmem:s28+$0xBF0];
	v41 =	vmul.f32 v34, v33;
	v20 =	vadd.f32 v38, v20  }
0x1a8: {  	v43 =	vld [tilespmem:s28+$0x8BF0]  }
0x1a9: {  	v44 =	vmul.f32 v37, v36;
	v20 =	vadd.f32 v41, v20;
	_ =	sdelay $0x1  }
0x1aa: {  	v45 =	vmul.f32 v40, v39;
	v20 =	vadd.f32 v44, v20;
	_ =	sdelay $0x1  }
0x1ab: {  	v46 =	vmul.f32 v43, v42;
	v20 =	vadd.f32 v45, v20;
	_ =	sdelay $0x1  }
0x1ac: {  	v20 =	vadd.f32 v46, v20;
	_ =	sdelay $0x1  }
0x1ad: {  	[tilespmem:v16+s21+$0x0] =	vst.idx.msk $0xffff, v20  }
0x1ae: {  	v20 =	vld [tilespmem:$0x10A00]  }
0x1af: {  	v47 =	vld [tilespmem:$0x10A10];
	_ =	sdelay $0x1  }
0x1b0: {  	v48 =	vld [tilespmem:$0x10A20];
	_ =	sdelay $0x1  }
0x1b1: {  	v49 =	vld [tilespmem:$0x10A30]  }
0x1b2: {  	v20 =	vadd.f32 v47, v20  }
0x1b3: {  	v50 =	vld [tilespmem:$0x10A40]  }
0x1b4: {  	v20 =	vadd.f32 v48, v20  }
0x1b5: {  	v51 =	vld [tilespmem:$0x10A50]  }
0x1b6: {  	v20 =	vadd.f32 v49, v20  }
0x1b7: {  	v52 =	vld [tilespmem:$0x10A60]  }
0x1b8: {  	v20 =	vadd.f32 v50, v20  }
0x1b9: {  	v53 =	vld [tilespmem:$0x10A70]  }
0x1ba: {  	v20 =	vadd.f32 v51, v20  }
0x1bb: {  	v54 =	vld [tilespmem:$0x10A80]  }
0x1bc: {  	v20 =	vadd.f32 v52, v20  }
0x1bd: {  	v55 =	vld [tilespmem:$0x10A90]  }
0x1be: {  	v20 =	vadd.f32 v53, v20  }
0x1bf: {  	v56 =	vld [tilespmem:$0x10AA0]  }
0x1c0: {  	v20 =	vadd.f32 v54, v20  }
0x1c1: {  	v57 =	vld [tilespmem:$0x10AB0]  }
0x1c2: {  	v20 =	vadd.f32 v55, v20  }
0x1c3: {  	v58 =	vld [tilespmem:$0x10AC0]  }
0x1c4: {  	v20 =	vadd.f32 v56, v20  }
0x1c5: {  	v59 =	vld [tilespmem:$0x10AD0]  }
0x1c6: {  	v20 =	vadd.f32 v57, v20  }
0x1c7: {  	v60 =	vld [tilespmem:$0x10AE0]  }
0x1c8: {  	v20 =	vadd.f32 v58, v20  }
0x1c9: {  	v61 =	vld [tilespmem:$0x10AF0]  }
0x1ca: {  	s29 =	sshll.u32 s26, $0x4;
	v20 =	vadd.f32 v59, v20  }
0x1cb: {  	v62 =	vld.idx.msk [tilespmem:v18+s29+$0x10400 ss:$0x1], $0xffff  }
0x1cc: {  	v20 =	vadd.f32 v60, v20  }
0x1cd: {  	v63 =	vld.idx.msk [tilespmem:v18+s29+$0x10600 ss:$0x1], $0xffff  }
0x1ce: {  	v20 =	vadd.f32 v61, v20;
	_ =	sdelay $0x1  }
0x1cf: {  	v20 =	vadd.f32 v62, v20  }
0x1d0: {  	p1 =	sne.s32 s26, $0x7  }
.Ltmp2:
0x1d1: {  	v20 =	vadd.f32 v63, v20;
	(pc) =	sbr.rel @p1 .LBB2_3-.Ltmp2, $3  }
0x1d2: {  	_ = 	snop  }
0x1d3: {  	v20 =	vadd.f32 v20, v17;
	_ =	sdelay $0x1  }
0x1d4: {  	s26 =	sadd.s32 $0x1, s26;
	[tilespmem:v19+s29+$0x0 ss:$0x1] =	vst.idx.msk $0xffff, v20  }
0x1d5: {  	s26 =	simm.s32 @p0 $0x80;
	s28 =	simm.s32 @p0 $0x100;
	s29 =	simm.s32 @p0 $0x400  }
0x1d6: {  	[tilespmem:s29], [sflag:$0x1] =	stream.indirect.gather @p0 [hbm4b:s1+s26], $0x80, s28, s26, $0xb8;
	[tilespmem:$0x10C00] =	vst v63  }
0x1d7: {  	s28 =	simm.s32 @p0 $0x300;
	s29 =	simm.s32 @p0 $0x8400  }
0x1d8: {  	[tilespmem:s29], [sflag:$0x1] =	stream.indirect.gather @p0 [hbm4b:s2+s26], $0x80, s28, s26, $0xb8;
	[tilespmem:$0x10C00] =	vst v63  }
0x1d9: {  	_ =	swait.ge [sflag:s22], $0x4000  }
0x1da: {  	[sflag:s22] =	ssyncset.done $0x0  }
0x1db: {  	[sflag:s22] =	ssyncadd.s32 $0xFFFFC000  }
0x1dc: {  	_ =	swait.ge [sflag:s22], $0x4000  }
0x1dd: {  	s26 =	sor.u32 $0x80, s25;
	s29 =	sadd.s32 $0x10880, s25;
	[sflag:s22] =	ssyncset.done $0x0  }
0x1de: {  	s25 =	simm.s32 $0x0;
	v18 =	vmov s29;
	[dreg:$0x8] =	wrdreg s26;
	[sflag:s22] =	ssyncadd.s32 $0xFFFFC000  }
.LBB2_5:
0x1df: {  	s26 =	sshll.u32 s25, $0xB  }
0x1e0: {  	v20 =	vld [tilespmem:s26+$0xC400]  }
0x1e1: {  	s28 =	sor.u32 $0x4400, s26;
	v22 =	vld [tilespmem:s26+$0xC410]  }
0x1e2: {  	s29 =	sor.u32 $0x4410, s26;
	v19 =	vld [tilespmem:s28+$0x0]  }
0x1e3: {  	v21 =	vld [tilespmem:s29+$0x0]  }
0x1e4: {  	v24 =	vld [tilespmem:s26+$0xC420];
	s29 =	sor.u32 $0x4420, s26  }
0x1e5: {  	v23 =	vld [tilespmem:s29+$0x0]  }
0x1e6: {  	v26 =	vld [tilespmem:s26+$0xC430];
	s29 =	sor.u32 $0x4430, s26  }
0x1e7: {  	v25 =	vld [tilespmem:s29+$0x0]  }
0x1e8: {  	v53 =	vld [tilespmem:s26+$0xC440];
	s29 =	sor.u32 $0x4440, s26;
	v19 =	vmul.f32 v20, v19;
	v20 =	vmul.f32 v22, v21  }
0x1e9: {  	v52 =	vld [tilespmem:s29+$0x0]  }
0x1ea: {  	v55 =	vld [tilespmem:s26+$0xC450];
	s29 =	sor.u32 $0x4450, s26;
	v19 =	vadd.f32 v20, v19;
	v20 =	vmul.f32 v24, v23  }
0x1eb: {  	v54 =	vld [tilespmem:s29+$0x0]  }
0x1ec: {  	v57 =	vld [tilespmem:s26+$0xC460];
	s29 =	sor.u32 $0x4460, s26;
	v19 =	vadd.f32 v20, v19;
	v20 =	vmul.f32 v26, v25  }
0x1ed: {  	v56 =	vld [tilespmem:s29+$0x0]  }
0x1ee: {  	v59 =	vld [tilespmem:s26+$0xC470];
	s29 =	sor.u32 $0x4470, s26;
	v19 =	vadd.f32 v20, v19;
	v20 =	vmul.f32 v53, v52  }
0x1ef: {  	v58 =	vld [tilespmem:s29+$0x0]  }
0x1f0: {  	v19 =	vadd.f32 v20, v19;
	v20 =	vmul.f32 v55, v54;
	_ =	sdelay $0x1  }
0x1f1: {  	v19 =	vadd.f32 v20, v19;
	v20 =	vmul.f32 v57, v56;
	_ =	sdelay $0x1  }
0x1f2: {  	v19 =	vadd.f32 v20, v19;
	v20 =	vmul.f32 v59, v58;
	_ =	sdelay $0x1  }
0x1f3: {  	v19 =	vadd.f32 v20, v19;
	_ =	sdelay $0x1  }
0x1f4: {  	s29 =	sor.u32 $0x4480, s26;
	[tilespmem:v0+s21+$0x0] =	vst.idx.msk $0xffff, v19  }
0x1f5: {  	v19 =	vld [tilespmem:s29+$0x0]  }
0x1f6: {  	v20 =	vld [tilespmem:s26+$0xC480]  }
0x1f7: {  	s29 =	sor.u32 $0x4490, s26;
	v61 =	vld [tilespmem:s26+$0xC490]  }
0x1f8: {  	v60 =	vld [tilespmem:s29+$0x0]  }
0x1f9: {  	v63 =	vld [tilespmem:s26+$0xC4A0];
	s29 =	sor.u32 $0x44A0, s26  }
0x1fa: {  	v62 =	vld [tilespmem:s29+$0x0]  }
0x1fb: {  	v29 =	vld [tilespmem:s26+$0xC4B0];
	s29 =	sor.u32 $0x44B0, s26  }
0x1fc: {  	v28 =	vld [tilespmem:s29+$0x0]  }
0x1fd: {  	v31 =	vld [tilespmem:s26+$0xC4C0];
	s29 =	sor.u32 $0x44C0, s26;
	v19 =	vmul.f32 v20, v19;
	v20 =	vmul.f32 v61, v60  }
0x1fe: {  	v30 =	vld [tilespmem:s29+$0x0]  }
0x1ff: {  	v33 =	vld [tilespmem:s26+$0xC4D0];
	s29 =	sor.u32 $0x44D0, s26;
	v19 =	vadd.f32 v20, v19;
	v20 =	vmul.f32 v63, v62  }
0x200: {  	v32 =	vld [tilespmem:s29+$0x0]  }
0x201: {  	v35 =	vld [tilespmem:s26+$0xC4E0];
	s29 =	sor.u32 $0x44E0, s26;
	v19 =	vadd.f32 v20, v19;
	v20 =	vmul.f32 v29, v28  }
0x202: {  	v34 =	vld [tilespmem:s29+$0x0]  }
0x203: {  	v37 =	vld [tilespmem:s26+$0xC4F0];
	s29 =	sor.u32 $0x44F0, s26;
	v19 =	vadd.f32 v20, v19;
	v20 =	vmul.f32 v31, v30  }
0x204: {  	v36 =	vld [tilespmem:s29+$0x0]  }
0x205: {  	v19 =	vadd.f32 v20, v19;
	v20 =	vmul.f32 v33, v32;
	_ =	sdelay $0x1  }
0x206: {  	v19 =	vadd.f32 v20, v19;
	v20 =	vmul.f32 v35, v34;
	_ =	sdelay $0x1  }
0x207: {  	v19 =	vadd.f32 v20, v19;
	v20 =	vmul.f32 v37, v36;
	_ =	sdelay $0x1  }
0x208: {  	v19 =	vadd.f32 v20, v19;
	_ =	sdelay $0x1  }
0x209: {  	s29 =	sor.u32 $0x4500, s26;
	[tilespmem:v2+s21+$0x0] =	vst.idx.msk $0xffff, v19  }
0x20a: {  	v19 =	vld [tilespmem:s29+$0x0]  }
0x20b: {  	v20 =	vld [tilespmem:s26+$0xC500]  }
0x20c: {  	s29 =	sor.u32 $0x4510, s26;
	v39 =	vld [tilespmem:s26+$0xC510]  }
0x20d: {  	v38 =	vld [tilespmem:s29+$0x0]  }
0x20e: {  	v41 =	vld [tilespmem:s26+$0xC520];
	s29 =	sor.u32 $0x4520, s26  }
0x20f: {  	v40 =	vld [tilespmem:s29+$0x0]  }
0x210: {  	v43 =	vld [tilespmem:s26+$0xC530];
	s29 =	sor.u32 $0x4530, s26  }
0x211: {  	v42 =	vld [tilespmem:s29+$0x0]  }
0x212: {  	v45 =	vld [tilespmem:s26+$0xC540];
	s29 =	sor.u32 $0x4540, s26;
	v19 =	vmul.f32 v20, v19;
	v20 =	vmul.f32 v39, v38  }
0x213: {  	v44 =	vld [tilespmem:s29+$0x0]  }
0x214: {  	v47 =	vld [tilespmem:s26+$0xC550];
	s29 =	sor.u32 $0x4550, s26;
	v19 =	vadd.f32 v20, v19;
	v20 =	vmul.f32 v41, v40  }
0x215: {  	v46 =	vld [tilespmem:s29+$0x0]  }
0x216: {  	v49 =	vld [tilespmem:s26+$0xC560];
	s29 =	sor.u32 $0x4560, s26;
	v19 =	vadd.f32 v20, v19;
	v20 =	vmul.f32 v43, v42  }
0x217: {  	v48 =	vld [tilespmem:s29+$0x0]  }
0x218: {  	v51 =	vld [tilespmem:s26+$0xC570];
	s29 =	sor.u32 $0x4570, s26;
	v19 =	vadd.f32 v20, v19;
	v20 =	vmul.f32 v45, v44  }
0x219: {  	v50 =	vld [tilespmem:s29+$0x0]  }
0x21a: {  	v19 =	vadd.f32 v20, v19;
	v20 =	vmul.f32 v47, v46;
	_ =	sdelay $0x1  }
0x21b: {  	v19 =	vadd.f32 v20, v19;
	v20 =	vmul.f32 v49, v48;
	_ =	sdelay $0x1  }
0x21c: {  	v19 =	vadd.f32 v20, v19;
	v20 =	vmul.f32 v51, v50;
	_ =	sdelay $0x1  }
0x21d: {  	v19 =	vadd.f32 v20, v19;
	_ =	sdelay $0x1  }
0x21e: {  	s29 =	sor.u32 $0x4580, s26;
	[tilespmem:v3+s21+$0x0] =	vst.idx.msk $0xffff, v19  }
0x21f: {  	v19 =	vld [tilespmem:s29+$0x0]  }
0x220: {  	v20 =	vld [tilespmem:s26+$0xC580]  }
0x221: {  	s29 =	sor.u32 $0x4590, s26;
	v53 =	vld [tilespmem:s26+$0xC590]  }
0x222: {  	v52 =	vld [tilespmem:s29+$0x0]  }
0x223: {  	v55 =	vld [tilespmem:s26+$0xC5A0];
	s29 =	sor.u32 $0x45A0, s26  }
0x224: {  	v54 =	vld [tilespmem:s29+$0x0]  }
0x225: {  	v57 =	vld [tilespmem:s26+$0xC5B0];
	s29 =	sor.u32 $0x45B0, s26  }
0x226: {  	v56 =	vld [tilespmem:s29+$0x0]  }
0x227: {  	v59 =	vld [tilespmem:s26+$0xC5C0];
	s29 =	sor.u32 $0x45C0, s26;
	v19 =	vmul.f32 v20, v19;
	v20 =	vmul.f32 v53, v52  }
0x228: {  	v58 =	vld [tilespmem:s29+$0x0]  }
0x229: {  	v61 =	vld [tilespmem:s26+$0xC5D0];
	s29 =	sor.u32 $0x45D0, s26;
	v19 =	vadd.f32 v20, v19;
	v20 =	vmul.f32 v55, v54  }
0x22a: {  	v60 =	vld [tilespmem:s29+$0x0]  }
0x22b: {  	v63 =	vld [tilespmem:s26+$0xC5E0];
	s29 =	sor.u32 $0x45E0, s26;
	v19 =	vadd.f32 v20, v19;
	v20 =	vmul.f32 v57, v56  }
0x22c: {  	v62 =	vld [tilespmem:s29+$0x0]  }
0x22d: {  	v28 =	vld [tilespmem:s26+$0xC5F0];
	s29 =	sor.u32 $0x45F0, s26;
	v19 =	vadd.f32 v20, v19;
	v20 =	vmul.f32 v59, v58  }
0x22e: {  	v27 =	vld [tilespmem:s29+$0x0]  }
0x22f: {  	v19 =	vadd.f32 v20, v19;
	v20 =	vmul.f32 v61, v60;
	_ =	sdelay $0x1  }
0x230: {  	v19 =	vadd.f32 v20, v19;
	v20 =	vmul.f32 v63, v62;
	_ =	sdelay $0x1  }
0x231: {  	v19 =	vadd.f32 v20, v19;
	v20 =	vmul.f32 v28, v27;
	_ =	sdelay $0x1  }
0x232: {  	v19 =	vadd.f32 v20, v19;
	_ =	sdelay $0x1  }
0x233: {  	s29 =	sor.u32 $0x4600, s26;
	[tilespmem:v4+s21+$0x0] =	vst.idx.msk $0xffff, v19  }
0x234: {  	v19 =	vld [tilespmem:s29+$0x0]  }
0x235: {  	v20 =	vld [tilespmem:s26+$0xC600]  }
0x236: {  	s29 =	sor.u32 $0x4610, s26;
	v30 =	vld [tilespmem:s26+$0xC610]  }
0x237: {  	v29 =	vld [tilespmem:s29+$0x0]  }
0x238: {  	v32 =	vld [tilespmem:s26+$0xC620];
	s29 =	sor.u32 $0x4620, s26  }
0x239: {  	v31 =	vld [tilespmem:s29+$0x0]  }
0x23a: {  	v34 =	vld [tilespmem:s26+$0xC630];
	s29 =	sor.u32 $0x4630, s26  }
0x23b: {  	v33 =	vld [tilespmem:s29+$0x0]  }
0x23c: {  	v36 =	vld [tilespmem:s26+$0xC640];
	s29 =	sor.u32 $0x4640, s26;
	v19 =	vmul.f32 v20, v19;
	v20 =	vmul.f32 v30, v29  }
0x23d: {  	v35 =	vld [tilespmem:s29+$0x0]  }
0x23e: {  	v38 =	vld [tilespmem:s26+$0xC650];
	s29 =	sor.u32 $0x4650, s26;
	v19 =	vadd.f32 v20, v19;
	v20 =	vmul.f32 v32, v31  }
0x23f: {  	v37 =	vld [tilespmem:s29+$0x0]  }
0x240: {  	v40 =	vld [tilespmem:s26+$0xC660];
	s29 =	sor.u32 $0x4660, s26;
	v19 =	vadd.f32 v20, v19;
	v20 =	vmul.f32 v34, v33  }
0x241: {  	v39 =	vld [tilespmem:s29+$0x0]  }
0x242: {  	v42 =	vld [tilespmem:s26+$0xC670];
	s29 =	sor.u32 $0x4670, s26;
	v19 =	vadd.f32 v20, v19;
	v20 =	vmul.f32 v36, v35  }
0x243: {  	v41 =	vld [tilespmem:s29+$0x0]  }
0x244: {  	v19 =	vadd.f32 v20, v19;
	v20 =	vmul.f32 v38, v37;
	_ =	sdelay $0x1  }
0x245: {  	v19 =	vadd.f32 v20, v19;
	v20 =	vmul.f32 v40, v39;
	_ =	sdelay $0x1  }
0x246: {  	v19 =	vadd.f32 v20, v19;
	v20 =	vmul.f32 v42, v41;
	_ =	sdelay $0x1  }
0x247: {  	v19 =	vadd.f32 v20, v19;
	_ =	sdelay $0x1  }
0x248: {  	s29 =	sor.u32 $0x4680, s26;
	[tilespmem:v5+s21+$0x0] =	vst.idx.msk $0xffff, v19  }
0x249: {  	v19 =	vld [tilespmem:s29+$0x0]  }
0x24a: {  	v20 =	vld [tilespmem:s26+$0xC680]  }
0x24b: {  	s29 =	sor.u32 $0x4690, s26;
	v44 =	vld [tilespmem:s26+$0xC690]  }
0x24c: {  	v43 =	vld [tilespmem:s29+$0x0]  }
0x24d: {  	v46 =	vld [tilespmem:s26+$0xC6A0];
	s29 =	sor.u32 $0x46A0, s26  }
0x24e: {  	v45 =	vld [tilespmem:s29+$0x0]  }
0x24f: {  	v48 =	vld [tilespmem:s26+$0xC6B0];
	s29 =	sor.u32 $0x46B0, s26  }
0x250: {  	v47 =	vld [tilespmem:s29+$0x0]  }
0x251: {  	v50 =	vld [tilespmem:s26+$0xC6C0];
	s29 =	sor.u32 $0x46C0, s26;
	v19 =	vmul.f32 v20, v19;
	v20 =	vmul.f32 v44, v43  }
0x252: {  	v49 =	vld [tilespmem:s29+$0x0]  }
0x253: {  	v52 =	vld [tilespmem:s26+$0xC6D0];
	s29 =	sor.u32 $0x46D0, s26;
	v19 =	vadd.f32 v20, v19;
	v20 =	vmul.f32 v46, v45  }
0x254: {  	v51 =	vld [tilespmem:s29+$0x0]  }
0x255: {  	v54 =	vld [tilespmem:s26+$0xC6E0];
	s29 =	sor.u32 $0x46E0, s26;
	v19 =	vadd.f32 v20, v19;
	v20 =	vmul.f32 v48, v47  }
0x256: {  	v53 =	vld [tilespmem:s29+$0x0]  }
0x257: {  	v56 =	vld [tilespmem:s26+$0xC6F0];
	s29 =	sor.u32 $0x46F0, s26;
	v19 =	vadd.f32 v20, v19;
	v20 =	vmul.f32 v50, v49  }
0x258: {  	v55 =	vld [tilespmem:s29+$0x0]  }
0x259: {  	v19 =	vadd.f32 v20, v19;
	v20 =	vmul.f32 v52, v51;
	_ =	sdelay $0x1  }
0x25a: {  	v19 =	vadd.f32 v20, v19;
	v20 =	vmul.f32 v54, v53;
	_ =	sdelay $0x1  }
0x25b: {  	v19 =	vadd.f32 v20, v19;
	v20 =	vmul.f32 v56, v55;
	_ =	sdelay $0x1  }
0x25c: {  	v19 =	vadd.f32 v20, v19;
	_ =	sdelay $0x1  }
0x25d: {  	s29 =	sor.u32 $0x4700, s26;
	[tilespmem:v6+s21+$0x0] =	vst.idx.msk $0xffff, v19  }
0x25e: {  	v19 =	vld [tilespmem:s29+$0x0]  }
0x25f: {  	v20 =	vld [tilespmem:s26+$0xC700]  }
0x260: {  	s29 =	sor.u32 $0x4710, s26;
	v58 =	vld [tilespmem:s26+$0xC710]  }
0x261: {  	v57 =	vld [tilespmem:s29+$0x0]  }
0x262: {  	v60 =	vld [tilespmem:s26+$0xC720];
	s29 =	sor.u32 $0x4720, s26  }
0x263: {  	v59 =	vld [tilespmem:s29+$0x0]  }
0x264: {  	v62 =	vld [tilespmem:s26+$0xC730];
	s29 =	sor.u32 $0x4730, s26  }
0x265: {  	v61 =	vld [tilespmem:s29+$0x0]  }
0x266: {  	v28 =	vld [tilespmem:s26+$0xC740];
	s29 =	sor.u32 $0x4740, s26;
	v19 =	vmul.f32 v20, v19;
	v20 =	vmul.f32 v58, v57  }
0x267: {  	v63 =	vld [tilespmem:s29+$0x0]  }
0x268: {  	v30 =	vld [tilespmem:s26+$0xC750];
	s29 =	sor.u32 $0x4750, s26;
	v19 =	vadd.f32 v20, v19;
	v20 =	vmul.f32 v60, v59  }
0x269: {  	v29 =	vld [tilespmem:s29+$0x0]  }
0x26a: {  	v32 =	vld [tilespmem:s26+$0xC760];
	s29 =	sor.u32 $0x4760, s26;
	v19 =	vadd.f32 v20, v19;
	v20 =	vmul.f32 v62, v61  }
0x26b: {  	v31 =	vld [tilespmem:s29+$0x0]  }
0x26c: {  	v34 =	vld [tilespmem:s26+$0xC770];
	s29 =	sor.u32 $0x4770, s26;
	v19 =	vadd.f32 v20, v19;
	v20 =	vmul.f32 v28, v63  }
0x26d: {  	v33 =	vld [tilespmem:s29+$0x0]  }
0x26e: {  	v19 =	vadd.f32 v20, v19;
	v20 =	vmul.f32 v30, v29;
	_ =	sdelay $0x1  }
0x26f: {  	v19 =	vadd.f32 v20, v19;
	v20 =	vmul.f32 v32, v31;
	_ =	sdelay $0x1  }
0x270: {  	v19 =	vadd.f32 v20, v19;
	v20 =	vmul.f32 v34, v33;
	_ =	sdelay $0x1  }
0x271: {  	v19 =	vadd.f32 v20, v19;
	_ =	sdelay $0x1  }
0x272: {  	s29 =	sor.u32 $0x4780, s26;
	[tilespmem:v7+s21+$0x0] =	vst.idx.msk $0xffff, v19  }
0x273: {  	v19 =	vld [tilespmem:s29+$0x0]  }
0x274: {  	v20 =	vld [tilespmem:s26+$0xC780]  }
0x275: {  	s29 =	sor.u32 $0x4790, s26;
	v36 =	vld [tilespmem:s26+$0xC790]  }
0x276: {  	v35 =	vld [tilespmem:s29+$0x0]  }
0x277: {  	v38 =	vld [tilespmem:s26+$0xC7A0];
	s29 =	sor.u32 $0x47A0, s26  }
0x278: {  	v37 =	vld [tilespmem:s29+$0x0]  }
0x279: {  	v40 =	vld [tilespmem:s26+$0xC7B0];
	s29 =	sor.u32 $0x47B0, s26  }
0x27a: {  	v39 =	vld [tilespmem:s29+$0x0]  }
0x27b: {  	v42 =	vld [tilespmem:s26+$0xC7C0];
	s29 =	sor.u32 $0x47C0, s26;
	v19 =	vmul.f32 v20, v19;
	v20 =	vmul.f32 v36, v35  }
0x27c: {  	v41 =	vld [tilespmem:s29+$0x0]  }
0x27d: {  	v44 =	vld [tilespmem:s26+$0xC7D0];
	s29 =	sor.u32 $0x47D0, s26;
	v19 =	vadd.f32 v20, v19;
	v20 =	vmul.f32 v38, v37  }
0x27e: {  	v43 =	vld [tilespmem:s29+$0x0]  }
0x27f: {  	v46 =	vld [tilespmem:s26+$0xC7E0];
	s29 =	sor.u32 $0x47E0, s26;
	v19 =	vadd.f32 v20, v19;
	v20 =	vmul.f32 v40, v39  }
0x280: {  	v45 =	vld [tilespmem:s29+$0x0]  }
0x281: {  	v48 =	vld [tilespmem:s26+$0xC7F0];
	s29 =	sor.u32 $0x47F0, s26;
	v19 =	vadd.f32 v20, v19;
	v20 =	vmul.f32 v42, v41  }
0x282: {  	v47 =	vld [tilespmem:s29+$0x0]  }
0x283: {  	v19 =	vadd.f32 v20, v19;
	v20 =	vmul.f32 v44, v43;
	_ =	sdelay $0x1  }
0x284: {  	v19 =	vadd.f32 v20, v19;
	v20 =	vmul.f32 v46, v45;
	_ =	sdelay $0x1  }
0x285: {  	v19 =	vadd.f32 v20, v19;
	v20 =	vmul.f32 v48, v47;
	_ =	sdelay $0x1  }
0x286: {  	v19 =	vadd.f32 v20, v19;
	_ =	sdelay $0x1  }
0x287: {  	[tilespmem:v8+s21+$0x0] =	vst.idx.msk $0xffff, v19  }
0x288: {  	v19 =	vld [tilespmem:s26+$0x4800]  }
0x289: {  	v20 =	vld [tilespmem:s26+$0xC800]  }
0x28a: {  	v49 =	vld [tilespmem:s26+$0x4810]  }
0x28b: {  	v50 =	vld [tilespmem:s26+$0xC810]  }
0x28c: {  	v51 =	vld [tilespmem:s26+$0x4820]  }
0x28d: {  	v52 =	vld [tilespmem:s26+$0xC820]  }
0x28e: {  	v53 =	vld [tilespmem:s26+$0x4830]  }
0x28f: {  	v54 =	vld [tilespmem:s26+$0xC830]  }
0x290: {  	v55 =	vld [tilespmem:s26+$0x4840];
	v19 =	vmul.f32 v20, v19;
	v20 =	vmul.f32 v50, v49  }
0x291: {  	v56 =	vld [tilespmem:s26+$0xC840]  }
0x292: {  	v57 =	vld [tilespmem:s26+$0x4850];
	v19 =	vadd.f32 v20, v19;
	v20 =	vmul.f32 v52, v51  }
0x293: {  	v58 =	vld [tilespmem:s26+$0xC850]  }
0x294: {  	v59 =	vld [tilespmem:s26+$0x4860];
	v19 =	vadd.f32 v20, v19;
	v20 =	vmul.f32 v54, v53  }
0x295: {  	v60 =	vld [tilespmem:s26+$0xC860]  }
0x296: {  	v61 =	vld [tilespmem:s26+$0x4870];
	v19 =	vadd.f32 v20, v19;
	v20 =	vmul.f32 v56, v55  }
0x297: {  	v62 =	vld [tilespmem:s26+$0xC870]  }
0x298: {  	v19 =	vadd.f32 v20, v19;
	v20 =	vmul.f32 v58, v57;
	_ =	sdelay $0x1  }
0x299: {  	v19 =	vadd.f32 v20, v19;
	v20 =	vmul.f32 v60, v59;
	_ =	sdelay $0x1  }
0x29a: {  	v19 =	vadd.f32 v20, v19;
	v20 =	vmul.f32 v62, v61;
	_ =	sdelay $0x1  }
0x29b: {  	v19 =	vadd.f32 v20, v19;
	_ =	sdelay $0x1  }
0x29c: {  	[tilespmem:v9+s21+$0x0] =	vst.idx.msk $0xffff, v19  }
0x29d: {  	v19 =	vld [tilespmem:s26+$0x4880]  }
0x29e: {  	v20 =	vld [tilespmem:s26+$0xC880]  }
0x29f: {  	v63 =	vld [tilespmem:s26+$0x4890]  }
0x2a0: {  	v28 =	vld [tilespmem:s26+$0xC890]  }
0x2a1: {  	v29 =	vld [tilespmem:s26+$0x48A0]  }
0x2a2: {  	v30 =	vld [tilespmem:s26+$0xC8A0]  }
0x2a3: {  	v31 =	vld [tilespmem:s26+$0x48B0]  }
0x2a4: {  	v32 =	vld [tilespmem:s26+$0xC8B0]  }
0x2a5: {  	v33 =	vld [tilespmem:s26+$0x48C0];
	v19 =	vmul.f32 v20, v19;
	v20 =	vmul.f32 v28, v63  }
0x2a6: {  	v34 =	vld [tilespmem:s26+$0xC8C0]  }
0x2a7: {  	v35 =	vld [tilespmem:s26+$0x48D0];
	v19 =	vadd.f32 v20, v19;
	v20 =	vmul.f32 v30, v29  }
0x2a8: {  	v36 =	vld [tilespmem:s26+$0xC8D0]  }
0x2a9: {  	v37 =	vld [tilespmem:s26+$0x48E0];
	v19 =	vadd.f32 v20, v19;
	v20 =	vmul.f32 v32, v31  }
0x2aa: {  	v38 =	vld [tilespmem:s26+$0xC8E0]  }
0x2ab: {  	v39 =	vld [tilespmem:s26+$0x48F0];
	v19 =	vadd.f32 v20, v19;
	v20 =	vmul.f32 v34, v33  }
0x2ac: {  	v40 =	vld [tilespmem:s26+$0xC8F0]  }
0x2ad: {  	v19 =	vadd.f32 v20, v19;
	v20 =	vmul.f32 v36, v35;
	_ =	sdelay $0x1  }
0x2ae: {  	v19 =	vadd.f32 v20, v19;
	v20 =	vmul.f32 v38, v37;
	_ =	sdelay $0x1  }
0x2af: {  	v19 =	vadd.f32 v20, v19;
	v20 =	vmul.f32 v40, v39;
	_ =	sdelay $0x1  }
0x2b0: {  	v19 =	vadd.f32 v20, v19;
	_ =	sdelay $0x1  }
0x2b1: {  	[tilespmem:v10+s21+$0x0] =	vst.idx.msk $0xffff, v19  }
0x2b2: {  	v19 =	vld [tilespmem:s26+$0x4900]  }
0x2b3: {  	v20 =	vld [tilespmem:s26+$0xC900]  }
0x2b4: {  	v41 =	vld [tilespmem:s26+$0x4910]  }
0x2b5: {  	v42 =	vld [tilespmem:s26+$0xC910]  }
0x2b6: {  	v43 =	vld [tilespmem:s26+$0x4920]  }
0x2b7: {  	v44 =	vld [tilespmem:s26+$0xC920]  }
0x2b8: {  	v45 =	vld [tilespmem:s26+$0x4930]  }
0x2b9: {  	v46 =	vld [tilespmem:s26+$0xC930]  }
0x2ba: {  	v47 =	vld [tilespmem:s26+$0x4940];
	v19 =	vmul.f32 v20, v19;
	v20 =	vmul.f32 v42, v41  }
0x2bb: {  	v48 =	vld [tilespmem:s26+$0xC940]  }
0x2bc: {  	v49 =	vld [tilespmem:s26+$0x4950];
	v19 =	vadd.f32 v20, v19;
	v20 =	vmul.f32 v44, v43  }
0x2bd: {  	v50 =	vld [tilespmem:s26+$0xC950]  }
0x2be: {  	v51 =	vld [tilespmem:s26+$0x4960];
	v19 =	vadd.f32 v20, v19;
	v20 =	vmul.f32 v46, v45  }
0x2bf: {  	v52 =	vld [tilespmem:s26+$0xC960]  }
0x2c0: {  	v53 =	vld [tilespmem:s26+$0x4970];
	v19 =	vadd.f32 v20, v19;
	v20 =	vmul.f32 v48, v47  }
0x2c1: {  	v54 =	vld [tilespmem:s26+$0xC970]  }
0x2c2: {  	v19 =	vadd.f32 v20, v19;
	v20 =	vmul.f32 v50, v49;
	_ =	sdelay $0x1  }
0x2c3: {  	v19 =	vadd.f32 v20, v19;
	v20 =	vmul.f32 v52, v51;
	_ =	sdelay $0x1  }
0x2c4: {  	v19 =	vadd.f32 v20, v19;
	v20 =	vmul.f32 v54, v53;
	_ =	sdelay $0x1  }
0x2c5: {  	v19 =	vadd.f32 v20, v19;
	_ =	sdelay $0x1  }
0x2c6: {  	[tilespmem:v11+s21+$0x0] =	vst.idx.msk $0xffff, v19  }
0x2c7: {  	v19 =	vld [tilespmem:s26+$0x4980]  }
0x2c8: {  	v20 =	vld [tilespmem:s26+$0xC980]  }
0x2c9: {  	v55 =	vld [tilespmem:s26+$0x4990]  }
0x2ca: {  	v56 =	vld [tilespmem:s26+$0xC990]  }
0x2cb: {  	v57 =	vld [tilespmem:s26+$0x49A0]  }
0x2cc: {  	v58 =	vld [tilespmem:s26+$0xC9A0]  }
0x2cd: {  	v59 =	vld [tilespmem:s26+$0x49B0]  }
0x2ce: {  	v60 =	vld [tilespmem:s26+$0xC9B0]  }
0x2cf: {  	v61 =	vld [tilespmem:s26+$0x49C0];
	v19 =	vmul.f32 v20, v19;
	v20 =	vmul.f32 v56, v55  }
0x2d0: {  	v62 =	vld [tilespmem:s26+$0xC9C0]  }
0x2d1: {  	v63 =	vld [tilespmem:s26+$0x49D0];
	v19 =	vadd.f32 v20, v19;
	v20 =	vmul.f32 v58, v57  }
0x2d2: {  	v28 =	vld [tilespmem:s26+$0xC9D0]  }
0x2d3: {  	v29 =	vld [tilespmem:s26+$0x49E0];
	v19 =	vadd.f32 v20, v19;
	v20 =	vmul.f32 v60, v59  }
0x2d4: {  	v30 =	vld [tilespmem:s26+$0xC9E0]  }
0x2d5: {  	v31 =	vld [tilespmem:s26+$0x49F0];
	v19 =	vadd.f32 v20, v19;
	v20 =	vmul.f32 v62, v61  }
0x2d6: {  	v32 =	vld [tilespmem:s26+$0xC9F0]  }
0x2d7: {  	v19 =	vadd.f32 v20, v19;
	v20 =	vmul.f32 v28, v63;
	_ =	sdelay $0x1  }
0x2d8: {  	v19 =	vadd.f32 v20, v19;
	v20 =	vmul.f32 v30, v29;
	_ =	sdelay $0x1  }
0x2d9: {  	v19 =	vadd.f32 v20, v19;
	v20 =	vmul.f32 v32, v31;
	_ =	sdelay $0x1  }
0x2da: {  	v19 =	vadd.f32 v20, v19;
	_ =	sdelay $0x1  }
0x2db: {  	[tilespmem:v12+s21+$0x0] =	vst.idx.msk $0xffff, v19  }
0x2dc: {  	v19 =	vld [tilespmem:s26+$0x4A00]  }
0x2dd: {  	v20 =	vld [tilespmem:s26+$0xCA00]  }
0x2de: {  	v33 =	vld [tilespmem:s26+$0x4A10]  }
0x2df: {  	v34 =	vld [tilespmem:s26+$0xCA10]  }
0x2e0: {  	v35 =	vld [tilespmem:s26+$0x4A20]  }
0x2e1: {  	v36 =	vld [tilespmem:s26+$0xCA20]  }
0x2e2: {  	v37 =	vld [tilespmem:s26+$0x4A30]  }
0x2e3: {  	v38 =	vld [tilespmem:s26+$0xCA30]  }
0x2e4: {  	v39 =	vld [tilespmem:s26+$0x4A40];
	v19 =	vmul.f32 v20, v19;
	v20 =	vmul.f32 v34, v33  }
0x2e5: {  	v40 =	vld [tilespmem:s26+$0xCA40]  }
0x2e6: {  	v41 =	vld [tilespmem:s26+$0x4A50];
	v19 =	vadd.f32 v20, v19;
	v20 =	vmul.f32 v36, v35  }
0x2e7: {  	v42 =	vld [tilespmem:s26+$0xCA50]  }
0x2e8: {  	v43 =	vld [tilespmem:s26+$0x4A60];
	v19 =	vadd.f32 v20, v19;
	v20 =	vmul.f32 v38, v37  }
0x2e9: {  	v44 =	vld [tilespmem:s26+$0xCA60]  }
0x2ea: {  	v45 =	vld [tilespmem:s26+$0x4A70];
	v19 =	vadd.f32 v20, v19;
	v20 =	vmul.f32 v40, v39  }
0x2eb: {  	v46 =	vld [tilespmem:s26+$0xCA70]  }
0x2ec: {  	v19 =	vadd.f32 v20, v19;
	v20 =	vmul.f32 v42, v41;
	_ =	sdelay $0x1  }
0x2ed: {  	v19 =	vadd.f32 v20, v19;
	v20 =	vmul.f32 v44, v43;
	_ =	sdelay $0x1  }
0x2ee: {  	v19 =	vadd.f32 v20, v19;
	v20 =	vmul.f32 v46, v45;
	_ =	sdelay $0x1  }
0x2ef: {  	v19 =	vadd.f32 v20, v19;
	_ =	sdelay $0x1  }
0x2f0: {  	[tilespmem:v13+s21+$0x0] =	vst.idx.msk $0xffff, v19  }
0x2f1: {  	v19 =	vld [tilespmem:s26+$0x4A80]  }
0x2f2: {  	v20 =	vld [tilespmem:s26+$0xCA80]  }
0x2f3: {  	v47 =	vld [tilespmem:s26+$0x4A90]  }
0x2f4: {  	v48 =	vld [tilespmem:s26+$0xCA90]  }
0x2f5: {  	v49 =	vld [tilespmem:s26+$0x4AA0]  }
0x2f6: {  	v50 =	vld [tilespmem:s26+$0xCAA0]  }
0x2f7: {  	v51 =	vld [tilespmem:s26+$0x4AB0]  }
0x2f8: {  	v52 =	vld [tilespmem:s26+$0xCAB0]  }
0x2f9: {  	v53 =	vld [tilespmem:s26+$0x4AC0];
	v19 =	vmul.f32 v20, v19;
	v20 =	vmul.f32 v48, v47  }
0x2fa: {  	v54 =	vld [tilespmem:s26+$0xCAC0]  }
0x2fb: {  	v55 =	vld [tilespmem:s26+$0x4AD0];
	v19 =	vadd.f32 v20, v19;
	v20 =	vmul.f32 v50, v49  }
0x2fc: {  	v56 =	vld [tilespmem:s26+$0xCAD0]  }
0x2fd: {  	v57 =	vld [tilespmem:s26+$0x4AE0];
	v19 =	vadd.f32 v20, v19;
	v20 =	vmul.f32 v52, v51  }
0x2fe: {  	v58 =	vld [tilespmem:s26+$0xCAE0]  }
0x2ff: {  	v59 =	vld [tilespmem:s26+$0x4AF0];
	v19 =	vadd.f32 v20, v19;
	v20 =	vmul.f32 v54, v53  }
0x300: {  	v60 =	vld [tilespmem:s26+$0xCAF0]  }
0x301: {  	v19 =	vadd.f32 v20, v19;
	v20 =	vmul.f32 v56, v55;
	_ =	sdelay $0x1  }
0x302: {  	v19 =	vadd.f32 v20, v19;
	v20 =	vmul.f32 v58, v57;
	_ =	sdelay $0x1  }
0x303: {  	v19 =	vadd.f32 v20, v19;
	v20 =	vmul.f32 v60, v59;
	_ =	sdelay $0x1  }
0x304: {  	v19 =	vadd.f32 v20, v19;
	_ =	sdelay $0x1  }
0x305: {  	[tilespmem:v14+s21+$0x0] =	vst.idx.msk $0xffff, v19  }
0x306: {  	v19 =	vld [tilespmem:s26+$0x4B00]  }
0x307: {  	v20 =	vld [tilespmem:s26+$0xCB00]  }
0x308: {  	v61 =	vld [tilespmem:s26+$0x4B10]  }
0x309: {  	v62 =	vld [tilespmem:s26+$0xCB10]  }
0x30a: {  	v63 =	vld [tilespmem:s26+$0x4B20]  }
0x30b: {  	v28 =	vld [tilespmem:s26+$0xCB20]  }
0x30c: {  	v29 =	vld [tilespmem:s26+$0x4B30]  }
0x30d: {  	v30 =	vld [tilespmem:s26+$0xCB30]  }
0x30e: {  	v31 =	vld [tilespmem:s26+$0x4B40];
	v19 =	vmul.f32 v20, v19;
	v20 =	vmul.f32 v62, v61  }
0x30f: {  	v32 =	vld [tilespmem:s26+$0xCB40]  }
0x310: {  	v33 =	vld [tilespmem:s26+$0x4B50];
	v19 =	vadd.f32 v20, v19;
	v20 =	vmul.f32 v28, v63  }
0x311: {  	v34 =	vld [tilespmem:s26+$0xCB50]  }
0x312: {  	v35 =	vld [tilespmem:s26+$0x4B60];
	v19 =	vadd.f32 v20, v19;
	v20 =	vmul.f32 v30, v29  }
0x313: {  	v36 =	vld [tilespmem:s26+$0xCB60]  }
0x314: {  	v37 =	vld [tilespmem:s26+$0x4B70];
	v19 =	vadd.f32 v20, v19;
	v20 =	vmul.f32 v32, v31  }
0x315: {  	v38 =	vld [tilespmem:s26+$0xCB70]  }
0x316: {  	v19 =	vadd.f32 v20, v19;
	v20 =	vmul.f32 v34, v33;
	_ =	sdelay $0x1  }
0x317: {  	v19 =	vadd.f32 v20, v19;
	v20 =	vmul.f32 v36, v35;
	_ =	sdelay $0x1  }
0x318: {  	v19 =	vadd.f32 v20, v19;
	v20 =	vmul.f32 v38, v37;
	_ =	sdelay $0x1  }
0x319: {  	v19 =	vadd.f32 v20, v19;
	_ =	sdelay $0x1  }
0x31a: {  	[tilespmem:v15+s21+$0x0] =	vst.idx.msk $0xffff, v19  }
0x31b: {  	v19 =	vld [tilespmem:s26+$0x4B80]  }
0x31c: {  	v20 =	vld [tilespmem:s26+$0xCB80]  }
0x31d: {  	v39 =	vld [tilespmem:s26+$0x4B90]  }
0x31e: {  	v40 =	vld [tilespmem:s26+$0xCB90]  }
0x31f: {  	v41 =	vld [tilespmem:s26+$0x4BA0]  }
0x320: {  	v42 =	vld [tilespmem:s26+$0xCBA0]  }
0x321: {  	v43 =	vld [tilespmem:s26+$0x4BB0]  }
0x322: {  	v44 =	vld [tilespmem:s26+$0xCBB0]  }
0x323: {  	v45 =	vld [tilespmem:s26+$0x4BC0];
	v19 =	vmul.f32 v20, v19;
	v20 =	vmul.f32 v40, v39  }
0x324: {  	v46 =	vld [tilespmem:s26+$0xCBC0]  }
0x325: {  	v47 =	vld [tilespmem:s26+$0x4BD0];
	v19 =	vadd.f32 v20, v19;
	v20 =	vmul.f32 v42, v41  }
0x326: {  	v48 =	vld [tilespmem:s26+$0xCBD0]  }
0x327: {  	v49 =	vld [tilespmem:s26+$0x4BE0];
	v19 =	vadd.f32 v20, v19;
	v20 =	vmul.f32 v44, v43  }
0x328: {  	v50 =	vld [tilespmem:s26+$0xCBE0]  }
0x329: {  	v51 =	vld [tilespmem:s26+$0x4BF0];
	v19 =	vadd.f32 v20, v19;
	v20 =	vmul.f32 v46, v45  }
0x32a: {  	v52 =	vld [tilespmem:s26+$0xCBF0]  }
0x32b: {  	v19 =	vadd.f32 v20, v19;
	v20 =	vmul.f32 v48, v47;
	_ =	sdelay $0x1  }
0x32c: {  	v19 =	vadd.f32 v20, v19;
	v20 =	vmul.f32 v50, v49;
	_ =	sdelay $0x1  }
0x32d: {  	v19 =	vadd.f32 v20, v19;
	v20 =	vmul.f32 v52, v51;
	_ =	sdelay $0x1  }
0x32e: {  	v19 =	vadd.f32 v20, v19;
	_ =	sdelay $0x1  }
0x32f: {  	[tilespmem:v16+s21+$0x0] =	vst.idx.msk $0xffff, v19  }
0x330: {  	v19 =	vld [tilespmem:$0x10A00]  }
0x331: {  	v20 =	vld [tilespmem:$0x10A10];
	_ =	sdelay $0x1  }
0x332: {  	v53 =	vld [tilespmem:$0x10A20];
	_ =	sdelay $0x1  }
0x333: {  	v54 =	vld [tilespmem:$0x10A30]  }
0x334: {  	v19 =	vadd.f32 v20, v19  }
0x335: {  	v20 =	vld [tilespmem:$0x10A40]  }
0x336: {  	v19 =	vadd.f32 v53, v19  }
0x337: {  	v55 =	vld [tilespmem:$0x10A50]  }
0x338: {  	v19 =	vadd.f32 v54, v19  }
0x339: {  	v56 =	vld [tilespmem:$0x10A60]  }
0x33a: {  	v19 =	vadd.f32 v20, v19  }
0x33b: {  	v20 =	vld [tilespmem:$0x10A70]  }
0x33c: {  	v19 =	vadd.f32 v55, v19  }
0x33d: {  	v57 =	vld [tilespmem:$0x10A80]  }
0x33e: {  	v19 =	vadd.f32 v56, v19  }
0x33f: {  	v58 =	vld [tilespmem:$0x10A90]  }
0x340: {  	v19 =	vadd.f32 v20, v19  }
0x341: {  	v20 =	vld [tilespmem:$0x10AA0]  }
0x342: {  	v19 =	vadd.f32 v57, v19  }
0x343: {  	v59 =	vld [tilespmem:$0x10AB0]  }
0x344: {  	v19 =	vadd.f32 v58, v19  }
0x345: {  	v60 =	vld [tilespmem:$0x10AC0]  }
0x346: {  	v19 =	vadd.f32 v20, v19  }
0x347: {  	v20 =	vld [tilespmem:$0x10AD0]  }
0x348: {  	v19 =	vadd.f32 v59, v19  }
0x349: {  	v61 =	vld [tilespmem:$0x10AE0]  }
0x34a: {  	v19 =	vadd.f32 v60, v19  }
0x34b: {  	s29 =	sshll.u32 s25, $0x4;
	s26 =	rddreg [dreg:$0x8];
	v62 =	vld [tilespmem:$0x10AF0]  }
0x34c: {  	s26 =	sor.u32 s26, s29;
	v19 =	vadd.f32 v20, v19  }
0x34d: {  	v20 =	vld [tilespmem:s26+$0x10400]  }
0x34e: {  	v19 =	vadd.f32 v61, v19  }
0x34f: {  	v63 =	vld [tilespmem:s26+$0x10600]  }
0x350: {  	v19 =	vadd.f32 v62, v19;
	_ =	sdelay $0x1  }
0x351: {  	v19 =	vadd.f32 v20, v19  }
0x352: {  	p1 =	sne.s32 s25, $0x7  }
.Ltmp3:
0x353: {  	v19 =	vadd.f32 v63, v19;
	(pc) =	sbr.rel @p1 .LBB2_5-.Ltmp3, $3  }
0x354: {  	_ = 	snop  }
0x355: {  	v19 =	vadd.f32 v19, v17;
	_ =	sdelay $0x1  }
0x356: {  	s25 =	sadd.s32 $0x1, s25;
	[tilespmem:v18+s29+$0x0 ss:$0x1] =	vst.idx.msk $0xffff, v19  }
.Ltmp4:
0x357: {  	(pc) =	sbr.rel @!p0 .LBB2_8-.Ltmp4, $1  }
0x358: {  	_ =	sdelay $0x3  }
.Ltmp5:
0x359: {  	(pc) =	sbr.rel .LBB2_2-.Ltmp5, $4  }
0x35a: {  	_ = 	snop  }
0x35b: {  	[tilespmem:s17], [sflag:$0x2] =	stream.indirect.gather [hbm4b:s1+s14], $0x80, s0, s14, $0xb8;
	[tilespmem:$0x10C00] =	vst v63  }
0x35c: {  	s25 =	simm.s32 $0x1;
	p0 =	por $0x0, $0x0  }
0x35d: {  	[tilespmem:s19], [sflag:$0x2] =	stream.indirect.gather [hbm4b:s2+s14], $0x80, s4, s14, $0xb8;
	[tilespmem:$0x10C00] =	vst v63  }
.LBB2_9:
0x35e: {  	_ =	sfence.sel $0x180000  }
0x35f: {  	[bflag:$0x0] =	sbarrier.arrive $0xFFFF  }
0x360: {  	_ =	strace $0x90000047  }
0x361: {  	s0 =	stileid.u32;
	[bflag:$0x2] =	sbarrier.arrive $0xFFFF  }
0x362: {  	p0 =	sne.s32 s0, $0x0;
	s0 =	rddreg [dreg:$0x7]  }
0x363: {  	s0 =	sadd.s32 @!p0 $0x100000, s0  }
0x364: {  	[sflag:s0] =	ssyncadd.tile.s32 @!p0 $0x1;
	_ =	shalt  }
.Lfunc_end2:
_tile_overlayer_lowered:
.L_overlay_start_2:
0x365: {  	(tag) =	ssettag $0x2  }
0x366: {  	s0 =	rddreg [dreg:$0x0];
	s2 =	stileid.u32  }
0x367: {  	s1 =	rddreg [dreg:$0x1];
	p0 =	sne.s32 s2, $0x0  }
0x368: {  	s3 =	rddreg [dreg:$0x2];
	[bflag:$0x3] =	sbarrier.arrive $0xFFFF;
	s2 =	simm.s32 @!p0 $0x1C04  }
0x369: {  	[timem:s3], [sflag:s2] =	dma.local @!p0 [hbm:s0], s1  }
0x36a: {  	s0 =	simm.s32 @!p0 $0x4  }
0x36b: {  	_ =	swait.ge @!p0 [sflag:s0], s1  }
0x36c: {  	s1 =	ssub.s32 @!p0 $0x0, s1;
	[sflag:s0] =	ssyncset.done @!p0 $0x0  }
0x36d: {  	[sflag:s0] =	ssyncadd.s32 @!p0 s1  }
0x36e: {  	[bflag:$0x3] =	sbarrier.arrive $0xFFFF  }
0x36f: {  	_ =	shalt  }

</sc_bundles>
